<compile_context>
chip_gen: v7x
topology: tpu7x:2x2x1
jax: 0.10.2.dev20260603
libtpu: 0.0.44.dev20260713+nightly
codegen_flags: <defaults>
</compile_context>

<pallas_src>
import functools
import math

import jax
import jax.numpy as jnp
from jax import lax
from jax.experimental import pallas as pl
from jax.experimental.pallas import tpu as pltpu
from jax.experimental.pallas import tpu_sc as plsc

NV = 10000; NCON = 10000; NE = 160000; D = 128; B = 64
NEXP = 16; KS = 2; TOPK = 4; TEMP = 0.6
H = 4 * D

NWORK = 32
EC = 128
EPW = 5120
NEP = NWORK * EPW
NCHUNK = EPW // EC

TB = 256
NTB = math.ceil(NV / TB)
NVP = NTB * TB
AGG_ROWS = NVP
ZCH = NVP // 16


def _k0_body(cf_ref, wc_ref, bc_ref, be_ref, out_ref):
    out_ref[...] = (
        jnp.maximum(jnp.dot(cf_ref[...], wc_ref[...],
                            preferred_element_type=jnp.float32)
                    + bc_ref[...], 0.0)
        + be_ref[...]
    )


def _k0(cf8, wc8, bc2, be2):
    return pl.pallas_call(
        _k0_body,
        out_shape=jax.ShapeDtypeStruct((NCON, D), jnp.float32),
    )(cf8, wc8, bc2, be2)


def _k1_body(c2_hbm, src_hbm, dst_hbm, attr_hbm, we_hbm, zer_hbm, out_hbm,
             idx2_v, dst2_v, attr2_v, rows2_v, we_v, agg_sh, sem0, sem1):
    c = lax.axis_index("c")
    s = lax.axis_index("s")
    wid = s * 2 + c
    sems = (sem0, sem1)

    pltpu.sync_copy(zer_hbm.at[pl.ds(0, ZCH)], agg_sh.at[pl.ds(s * ZCH, ZCH)])
    pltpu.sync_copy(we_hbm.at[0], we_v)
    plsc.subcore_barrier()

    we_regs = [we_v[pl.ds(16 * j, 16)] for j in range(8)]

    def prefetch(ch, b):
        row = wid * NCHUNK + ch
        pltpu.sync_copy(src_hbm.at[row], idx2_v.at[b])
        pltpu.sync_copy(dst_hbm.at[row], dst2_v.at[b])
        pltpu.sync_copy(attr_hbm.at[row], attr2_v.at[b])
        pltpu.async_copy(c2_hbm.at[idx2_v.at[b]], rows2_v.at[b], sems[b])

    def process(ch, b):
        @pl.when(ch + 1 < NCHUNK)
        def _():
            prefetch(ch + 1, 1 - b)

        pltpu.make_async_copy(c2_hbm.at[idx2_v.at[b]], rows2_v.at[b],
                              sems[b]).wait()

        def edge_body(i, _):
            a = plsc.load_gather(
                attr2_v, [jnp.full((16,), b, jnp.int32),
                          jnp.full((16,), i, jnp.int32)])
            for j in range(8):
                r = rows2_v[b, i, pl.ds(16 * j, 16)]
                rows2_v[b, i, pl.ds(16 * j, 16)] = jnp.maximum(
                    r + a * we_regs[j], 0.0)
            return 0

        lax.fori_loop(0, EC, edge_body, 0, unroll=4)
        pltpu.sync_copy(rows2_v.at[b], agg_sh.at[dst2_v.at[b]], add=True)

    prefetch(0, 0)

    def pair_body(pr, _):
        process(2 * pr, 0)
        process(2 * pr + 1, 1)
        return 0

    lax.fori_loop(0, NCHUNK // 2, pair_body, 0)
    plsc.subcore_barrier()

    pltpu.sync_copy(agg_sh.at[pl.ds(s * ZCH, ZCH)],
                    out_hbm.at[c, pl.ds(s * ZCH, ZCH)])


def _k1(c2, src2, dst2, attr2, we_row, zeros_rows):
    mesh = plsc.VectorSubcoreMesh(core_axis_name="c", subcore_axis_name="s",
                                  num_cores=2, num_subcores=16)
    f = pl.kernel(
        _k1_body,
        out_type=jax.ShapeDtypeStruct((2, NVP, D), jnp.float32),
        mesh=mesh,
        compiler_params=pltpu.CompilerParams(needs_layout_passes=False),
        scratch_types=[
            pltpu.VMEM((2, EC), jnp.int32),
            pltpu.VMEM((2, EC), jnp.int32),
            pltpu.VMEM((2, EC), jnp.float32),
            pltpu.VMEM((2, EC, D), jnp.float32),
            pltpu.VMEM((D,), jnp.float32),
            pltpu.VMEM_SHARED((AGG_ROWS, D), jnp.float32),
            pltpu.SemaphoreType.DMA,
            pltpu.SemaphoreType.DMA,
        ],
    )
    return f(c2, src2, dst2, attr2, we_row, zeros_rows)


def _k2_body(vf_ref, wv_ref, bv_ref, a0_ref, a1_ref, wup_ref, bup_ref,
             bidx_ref, ve_ref, gp_ref, sums_scr, cnt_scr):
    t = pl.program_id(0)

    vh = jnp.maximum(jnp.dot(vf_ref[...], wv_ref[...],
                             preferred_element_type=jnp.float32)
                     + bv_ref[...], 0.0)
    agg = a0_ref[0] + a1_ref[0]
    ve = jnp.maximum(vh + jnp.dot(agg, wup_ref[...],
                                  preferred_element_type=jnp.float32)
                     + bup_ref[...], 0.0)
    ve_ref[...] = ve

    bidx = bidx_ref[:, :B]
    P = (bidx == lax.broadcasted_iota(jnp.int32, (TB, B), 1)).astype(jnp.float32)

    @pl.when(t == 0)
    def _():
        sums_scr[...] = jnp.zeros_like(sums_scr)
        cnt_scr[...] = jnp.zeros_like(cnt_scr)

    sums_scr[...] += lax.dot_general(P, ve, (((0,), (0,)), ((), ())),
                                     preferred_element_type=jnp.float32)
    cnt_scr[...] += lax.dot_general(P, jnp.ones((TB, D), jnp.float32),
                                    (((0,), (0,)), ((), ())),
                                    preferred_element_type=jnp.float32)

    @pl.when(t == pl.num_programs(0) - 1)
    def _():
        gp_ref[0] = sums_scr[...]
        gp_ref[1] = cnt_scr[...]


def _k2(vf8, wv8, bv2, aggp, wup, bup2, bidx_bc):
    grid = (NTB,)
    return pl.pallas_call(
        _k2_body,
        grid=grid,
        in_specs=[
            pl.BlockSpec((TB, 8), lambda t: (t, 0)),
            pl.BlockSpec((8, D), lambda t: (0, 0)),
            pl.BlockSpec((1, D), lambda t: (0, 0)),
            pl.BlockSpec((1, TB, D), lambda t: (0, t, 0)),
            pl.BlockSpec((1, TB, D), lambda t: (0, t, 0)),
            pl.BlockSpec((D, D), lambda t: (0, 0)),
            pl.BlockSpec((1, D), lambda t: (0, 0)),
            pl.BlockSpec((TB, D), lambda t: (t, 0)),
        ],
        out_specs=[
            pl.BlockSpec((TB, D), lambda t: (t, 0)),
            pl.BlockSpec((2, B, D), lambda t: (0, 0, 0)),
        ],
        out_shape=[
            jax.ShapeDtypeStruct((NVP, D), jnp.float32),
            jax.ShapeDtypeStruct((2, B, D), jnp.float32),
        ],
        scratch_shapes=[
            pltpu.VMEM((B, D), jnp.float32),
            pltpu.VMEM((B, D), jnp.float32),
        ],
    )(vf8, wv8, bv2, aggp[0:1], aggp[1:2], wup, bup2, bidx_bc)


def _erf(x):
    t = 1.0 / (1.0 + 0.3275911 * jnp.abs(x))
    y = 1.0 - (((((1.061405429 * t - 1.453152027) * t) + 1.421413741) * t
                - 0.284496736) * t + 0.254829592) * t * jnp.exp(-x * x)
    return jnp.sign(x) * y


def _gelu2(x):
    return x * (1.0 + lax.erf(x * (1.0 / math.sqrt(2.0))))


def _ln_rows(o, g, b):
    m = jnp.mean(o, axis=-1, keepdims=True)
    v = jnp.mean((o - m) ** 2, axis=-1, keepdims=True)
    return (o - m) * lax.rsqrt(v + 1e-5) * g + b


def _k3_body(ve_ref, gp_ref, bidx_ref,
             wg1_ref, bg1_ref, wg2_ref, bg2_ref,
             ws1_ref, bs1_ref, ws2_ref, bs2_ref, gs_ref, bsn_ref,
             wd1_ref, bd1_ref, wd2_ref, bd2_ref, gd_ref, bdn_ref,
             wh1_ref, bh1_ref, wh2t_ref, bh2_ref,
             out_ref, route_scr, acc_scr):
    t = pl.program_id(0)

    @pl.when(t == 0)
    def _():
        g_emb = gp_ref[0] / jnp.maximum(gp_ref[1], 1.0)
        h = jnp.dot(g_emb, wg1_ref[...], preferred_element_type=jnp.float32) \
            + bg1_ref[...]
        h = jnp.where(h >= 0, h, 0.2 * h)
        logits = jnp.dot(h, wg2_ref[...], preferred_element_type=jnp.float32) \
            + bg2_ref[...]
        iota = lax.broadcasted_iota(jnp.int32, (B, NEXP), 1)
        cur = logits
        mask = jnp.zeros((B, NEXP), jnp.float32)
        for _ in range(TOPK):
            m = jnp.max(cur, axis=1, keepdims=True)
            is_m = cur == m
            first = jnp.min(jnp.where(is_m, iota, NEXP), axis=1, keepdims=True)
            sel = iota == first
            mask = jnp.where(sel, 1.0, mask)
            cur = jnp.where(sel, -jnp.inf, cur)
        z = jnp.exp(logits - jnp.max(logits, axis=1, keepdims=True))
        sm = z / jnp.sum(z, axis=1, keepdims=True)
        w = sm * mask
        route_scr[...] = w / (jnp.sum(w, axis=1, keepdims=True) + 1e-12)

    x = ve_ref[...]
    bidx = bidx_ref[:, :B]
    P = (bidx == lax.broadcasted_iota(jnp.int32, (TB, B), 1)).astype(jnp.float32)
    bw = jnp.dot(P, route_scr[...], preferred_element_type=jnp.float32)

    acc = x
    for k in range(KS):
        h = jnp.dot(x, ws1_ref[k], preferred_element_type=jnp.float32) \
            + bs1_ref[k:k + 1, :]
        h = _gelu2(h)
        o = jnp.dot(h, ws2_ref[k], preferred_element_type=jnp.float32) \
            + bs2_ref[k:k + 1, :]
        acc = acc + (1.0 / KS) * _ln_rows(o, gs_ref[k:k + 1, :], bsn_ref[k:k + 1, :])
    acc_scr[...] = acc

    for e in range(NEXP):
        w_col = bw[:, e:e + 1]

        @pl.when(jnp.max(w_col) > 0.0)
        def _(e=e, w_col=w_col):
            h = jnp.dot(x, wd1_ref[e], preferred_element_type=jnp.float32) \
                + bd1_ref[e:e + 1, :]
            h = _gelu2(h)
            o = jnp.dot(h, wd2_ref[e], preferred_element_type=jnp.float32) \
                + bd2_ref[e:e + 1, :]
            acc_scr[...] += w_col * _ln_rows(o, gd_ref[e:e + 1, :],
                                             bdn_ref[e:e + 1, :])

    y = acc_scr[...]
    r = jnp.maximum(jnp.dot(y, wh1_ref[...], preferred_element_type=jnp.float32)
                    + bh1_ref[...], 0.0)
    lt = lax.dot_general(wh2t_ref[...], r, (((1,), (1,)), ((), ())),
                         preferred_element_type=jnp.float32) + bh2_ref[...]
    out_ref[...] = lt.reshape(1, 1, TB)


def _k3(ve, gpool, bidx_bc, p2):
    full = lambda shape: pl.BlockSpec(shape, lambda t: tuple(0 for _ in shape))
    grid = (NTB,)
    return pl.pallas_call(
        _k3_body,
        grid=grid,
        in_specs=[
            pl.BlockSpec((TB, D), lambda t: (t, 0)),
            full((2, B, D)),
            pl.BlockSpec((TB, D), lambda t: (t, 0)),
            full((D, D // 2)), full((1, D // 2)), full((D // 2, NEXP)), full((1, NEXP)),
            full((KS, D, H)), full((KS, H)), full((KS, H, D)), full((KS, D)),
            full((KS, D)), full((KS, D)),
            full((NEXP, D, H)), full((NEXP, H)), full((NEXP, H, D)), full((NEXP, D)),
            full((NEXP, D)), full((NEXP, D)),
            full((D, D)), full((1, D)), full((1, D)), full((1, TB)),
        ],
        out_specs=pl.BlockSpec((1, 1, TB), lambda t: (t, 0, 0)),
        out_shape=jax.ShapeDtypeStruct((NTB, 1, TB), jnp.float32),
        scratch_shapes=[
            pltpu.VMEM((B, NEXP), jnp.float32),
            pltpu.VMEM((TB, D), jnp.float32),
        ],
    )(ve, gpool, bidx_bc,
      p2['Wg1'], p2['bg1'], p2['Wg2s'], p2['bg2s'],
      p2['Ws1'], p2['bs1'], p2['Ws2'], p2['bs2'], p2['gs'], p2['bs'],
      p2['Wd1'], p2['bd1'], p2['Wd2'], p2['bd2'], p2['gd'], p2['bd'],
      p2['Wh1'], p2['bh1'], p2['Wh2t'], p2['bh2'])


def kernel(c_feat, edge_idx, edge_attr, v_feat, batch_idx, params):
    p = params
    f32 = jnp.float32

    cf8 = jnp.pad(c_feat.astype(f32), ((0, 0), (0, 4)))
    wc8 = jnp.pad(p['Wc'].astype(f32), ((0, 4), (0, 0)))
    vf8 = jnp.pad(v_feat.astype(f32), ((0, NVP - NV), (0, 2)))
    wv8 = jnp.pad(p['Wv'].astype(f32), ((0, 2), (0, 0)))

    npad = NEP - NE
    ar = jnp.arange(npad, dtype=jnp.int32)
    src_p = jnp.concatenate([edge_idx[0].astype(jnp.int32), (ar * 97) % NCON])
    dst_p = jnp.concatenate([edge_idx[1].astype(jnp.int32), NV + (ar % 16)])
    attr_p = jnp.concatenate([edge_attr[:, 0].astype(f32),
                              jnp.zeros((npad,), f32)])
    src2 = src_p.reshape(NEP // EC, EC)
    dst2 = dst_p.reshape(NEP // EC, EC)
    attr2 = attr_p.reshape(NEP // EC, EC)
    we_row = p['We'].astype(f32).reshape(1, D)
    zeros_rows = jnp.zeros((ZCH, D), f32)

    bidx_bc = jnp.broadcast_to(
        jnp.pad(batch_idx.astype(jnp.int32), (0, NVP - NV),
                constant_values=B)[:, None], (NVP, D))

    scale = (p['alpha'].astype(f32) / TEMP)
    p2 = {
        'Wg1': p['Wg1'].astype(f32), 'bg1': p['bg1'].astype(f32).reshape(1, -1),
        'Wg2s': p['Wg2'].astype(f32) * scale,
        'bg2s': (p['bg2'].astype(f32) * scale
                 + p['ebias'].astype(f32)).reshape(1, -1),
        'Ws1': p['Ws1'].astype(f32), 'bs1': p['bs1'].astype(f32),
        'Ws2': p['Ws2'].astype(f32) * 0.5, 'bs2': p['bs2'].astype(f32),
        'gs': p['gs'].astype(f32), 'bs': p['bs'].astype(f32),
        'Wd1': p['Wd1'].astype(f32), 'bd1': p['bd1'].astype(f32),
        'Wd2': p['Wd2'].astype(f32) * 0.5, 'bd2': p['bd2'].astype(f32),
        'gd': p['gd'].astype(f32), 'bd': p['bd'].astype(f32),
        'Wh1': p['Wh1'].astype(f32), 'bh1': p['bh1'].astype(f32).reshape(1, -1),
        'Wh2t': p['Wh2'].astype(f32).reshape(1, D),
        'bh2': jnp.broadcast_to(p['bh2'].astype(f32).reshape(1, 1), (1, TB)),
    }

    c2 = _k0(cf8, wc8, p['bc'].astype(f32).reshape(1, D),
             p['be'].astype(f32).reshape(1, D))
    aggp = _k1(c2, src2, dst2, attr2, we_row, zeros_rows)
    ve, gpool = _k2(vf8, wv8, p['bv'].astype(f32).reshape(1, D), aggp,
                    p['Wup'].astype(f32),
                    p['bup'].astype(f32).reshape(1, D), bidx_bc)
    out3 = _k3(ve, gpool, bidx_bc, p2)
    return out3.reshape(NVP)[:NV]

# --- scband reference (transcript-rebuilt; emitter-appended) ---
"""Pipeline reference for scband-mo-epolicy-78709570667040 (READ-ONLY COPY).

The authoritative reference and input builder live on the scoring server;
editing this copy changes nothing except your own understanding.
"""

import jax, jax.numpy as jnp
import numpy as np

NV = 10000; NC = 10000; NE = 160000; D = 128; B = 64; NEXP = 16; KS = 2; TOPK = 4; TEMP = 0.6


def _ln(x, g, b, eps=1e-5):
    m = jnp.mean(x, axis=-1, keepdims=True)
    v = jnp.var(x, axis=-1, keepdims=True)
    return (x - m) / jnp.sqrt(v + eps) * g + b


def _experts(x, W1, b1, W2, b2, g, beta):
    # x: (N, D); W1: (E, D, 4D); returns (E, N, D)
    h = jnp.einsum('nd,edh->enh', x, W1) + b1[:, None, :]
    h = jax.nn.gelu(h, approximate=False)
    o = jnp.einsum('enh,ehd->end', h, W2) + b2[:, None, :]
    return _ln(o, g[:, None, :], beta[:, None, :])


def _forward(c_feat, edge_attr, v_feat, params, edge_idx, batch_idx):
    p = params
    # GNNEncoder (bipartite constraint->variable message passing)
    c_h = jax.nn.relu(c_feat @ p['Wc'] + p['bc'])
    v_h = jax.nn.relu(v_feat @ p['Wv'] + p['bv'])
    e_h = edge_attr @ p['We'] + p['be']
    src = edge_idx[0]
    dst = edge_idx[1]
    msg = jax.nn.relu(c_h[src] + e_h)
    agg = jax.ops.segment_sum(msg, dst, num_segments=NV)
    v_emb = jax.nn.relu(v_h + agg @ p['Wup'] + p['bup'])
    # global_mean_pool
    sums = jax.ops.segment_sum(v_emb, batch_idx, num_segments=B)
    cnt = jax.ops.segment_sum(jnp.ones((NV,), jnp.float32), batch_idx, num_segments=B)
    g_emb = sums / jnp.maximum(cnt, 1.0)[:, None]
    # GatingNetwork
    h = g_emb @ p['Wg1'] + p['bg1']
    h = jnp.where(h >= 0, h, 0.2 * h)
    logits_g = (h @ p['Wg2'] + p['bg2']) * p['alpha'] / TEMP + p['ebias'][None, :]
    _, idx = jax.lax.top_k(logits_g, TOPK)
    mask = jnp.zeros_like(logits_g).at[jnp.arange(B)[:, None], idx].set(1.0)
    w = jax.nn.softmax(logits_g, axis=-1) * mask
    route = w / (jnp.sum(w, axis=-1, keepdims=True) + 1e-12)
    # dedicated experts (dense over all tokens, weighted fuse)
    ded = _experts(v_emb, p['Wd1'], p['bd1'], p['Wd2'], p['bd2'], p['gd'], p['bd'])
    bw = route[batch_idx]
    dedicate_fused = jnp.einsum('ne,end->nd', bw, ded)
    # shared experts (mean)
    sh = _experts(v_emb, p['Ws1'], p['bs1'], p['Ws2'], p['bs2'], p['gs'], p['bs'])
    shared_fused = jnp.mean(sh, axis=0)
    combined = v_emb + shared_fused + dedicate_fused
    # GNNDecoder head -> per-node logit
    out = jax.nn.relu(combined @ p['Wh1'] + p['bh1']) @ p['Wh2'] + p['bh2']
    return out.squeeze(-1)


def setup_inputs(seed: int = 0):
    key = jax.random.key(seed)
    ks = [jax.random.fold_in(key, i) for i in range(20)]
    s = 0.02
    params = {
        'Wc': jax.random.normal(ks[0], (4, D)) * s, 'bc': jnp.zeros((D,)),
        'Wv': jax.random.normal(ks[1], (6, D)) * s, 'bv': jnp.zeros((D,)),
        'We': jax.random.normal(ks[2], (1, D)) * s, 'be': jnp.zeros((D,)),
        'Wup': jax.random.normal(ks[3], (D, D)) * s, 'bup': jnp.zeros((D,)),
        'Wg1': jax.random.normal(ks[4], (D, D // 2)) * s, 'bg1': jnp.zeros((D // 2,)),
        'Wg2': jax.random.normal(ks[5], (D // 2, NEXP)) * s, 'bg2': jnp.zeros((NEXP,)),
        'alpha': jnp.asarray(1.0), 'ebias': jnp.zeros((NEXP,)),
        'Ws1': jax.random.normal(ks[6], (KS, D, 4 * D)) * s, 'bs1': jnp.zeros((KS, 4 * D)),
        'Ws2': jax.random.normal(ks[7], (KS, 4 * D, D)) * s, 'bs2': jnp.zeros((KS, D)),
        'gs': jnp.ones((KS, D)), 'bs': jnp.zeros((KS, D)),
        'Wd1': jax.random.normal(ks[8], (NEXP, D, 4 * D)) * s, 'bd1': jnp.zeros((NEXP, 4 * D)),
        'Wd2': jax.random.normal(ks[9], (NEXP, 4 * D, D)) * s, 'bd2': jnp.zeros((NEXP, D)),
        'gd': jnp.ones((NEXP, D)), 'bd': jnp.zeros((NEXP, D)),
        'Wh1': jax.random.normal(ks[10], (D, D)) * s, 'bh1': jnp.zeros((D,)),
        'Wh2': jax.random.normal(ks[11], (D, 1)) * s, 'bh2': jnp.zeros((1,)),
    }
    c_feat = jax.random.normal(ks[12], (NC, 4))
    v_feat = jax.random.normal(ks[13], (NV, 6))
    edge_attr = jax.random.normal(ks[14], (NE, 1))
    edge_idx = jnp.stack([jax.random.randint(ks[15], (NE,), 0, NC),
                          jax.random.randint(ks[16], (NE,), 0, NV)])
    batch_idx = jnp.sort(jax.random.randint(ks[17], (NV,), 0, B))
    return {'c_feat': c_feat, 'edge_idx': edge_idx, 'edge_attr': edge_attr,
            'v_feat': v_feat, 'batch_idx': batch_idx, 'params': params}


def reference(c_feat, edge_idx, edge_attr, v_feat, batch_idx, params):
    return _forward(c_feat, edge_attr, v_feat, params, edge_idx, batch_idx)

if __name__ == "__main__":
    import jax
    _d = setup_inputs()
    print(jax.jit(kernel)(*tuple(_d.values())))

</pallas_src>

<mosaic_0001>
#map = affine_map<(d0, d1) -> (0, 0)>
#map1 = affine_map<(d0, d1) -> (0, 0, 0)>
module attributes {stable_mosaic.version = 14 : i64} {
  func.func @_k1_body(%arg0: i32, %arg1: i32, %arg2: memref<10000x128xf32, #tpu.memory_space<hbm>>, %arg3: memref<1280x128xi32, #tpu.memory_space<hbm>>, %arg4: memref<1280x128xi32, #tpu.memory_space<hbm>>, %arg5: memref<1280x128xf32, #tpu.memory_space<hbm>>, %arg6: memref<1x128xf32, #tpu.memory_space<hbm>>, %arg7: memref<640x128xf32, #tpu.memory_space<hbm>>, %arg8: memref<2x10240x128xf32, #tpu.memory_space<hbm>>, %arg9: memref<2x128xi32, #tpu.memory_space<vmem>>, %arg10: memref<2x128xi32, #tpu.memory_space<vmem>>, %arg11: memref<2x128xf32, #tpu.memory_space<vmem>>, %arg12: memref<2x128x128xf32, #tpu.memory_space<vmem>>, %arg13: memref<128xf32, #tpu.memory_space<vmem>>, %arg14: memref<10240x128xf32, #tpu.memory_space<vmem_shared>>, %arg15: memref<!tpu.dma_semaphore, #tpu.memory_space<semaphore_mem>>, %arg16: memref<!tpu.dma_semaphore, #tpu.memory_space<semaphore_mem>>) attributes {dimension_semantics = [#tpu.dimension_semantics<core_parallel>, #tpu.dimension_semantics<subcore_parallel>], iteration_bounds = array<i64: 2, 16>, scalar_prefetch = 0 : i64, scratch_operands = 8 : i64, tpu.core_type = #tpu.core_type<sc_vector_subcore>, window_params = [{transform_indices = #map}, {transform_indices = #map}, {transform_indices = #map}, {transform_indices = #map}, {transform_indices = #map}, {transform_indices = #map}, {transform_indices = #map1}]} {
    %mul3A = arith.constant 2 : i32
    %mul3A_0 = arith.muli %arg1, %mul3A : i32
    %add3A = arith.addi %mul3A_0, %arg0 : i32
    %mul3A_1 = arith.constant 640 : i32
    %mul3A_2 = arith.muli %arg1, %mul3A_1 : i32
    "tpu.region"() ({
      %run_scoped3A_47 = tpu.sem_alloc : memref<!tpu.dma_semaphore, #tpu.memory_space<semaphore_mem>>
      %dma_start3A_48 = arith.constant 0 : i32
      %dma_start3A_49 = tpu.memref_slice %arg14[%mul3A_2, %dma_start3A_48] : memref<10240x128xf32, #tpu.memory_space<vmem_shared>> -> memref<640x128xf32, #tpu.memory_space<vmem_shared>>
      %dma_start3A_50 = arith.constant 0 : i32
      %dma_start3A_51 = arith.constant 0 : i32
      %dma_start3A_52 = tpu.memref_slice %arg7[%dma_start3A_50, %dma_start3A_51] : memref<640x128xf32, #tpu.memory_space<hbm>> -> memref<640x128xf32, #tpu.memory_space<hbm>>
      tpu.enqueue_dma source(%dma_start3A_52 : memref<640x128xf32, #tpu.memory_space<hbm>>) target(%dma_start3A_49 : memref<640x128xf32, #tpu.memory_space<vmem_shared>>) target_semaphore(%run_scoped3A_47 : memref<!tpu.dma_semaphore, #tpu.memory_space<semaphore_mem>>)
      %dma_wait3A = arith.constant 0 : i32
      %dma_wait3A_53 = tpu.memref_slice %arg14[%mul3A_2, %dma_wait3A] : memref<10240x128xf32, #tpu.memory_space<vmem_shared>> -> memref<640x128xf32, #tpu.memory_space<vmem_shared>>
      %dma_wait3A_54 = arith.constant 0 : i32
      %dma_wait3A_55 = arith.constant 0 : i32
      %dma_wait3A_56 = tpu.memref_slice %arg7[%dma_wait3A_54, %dma_wait3A_55] : memref<640x128xf32, #tpu.memory_space<hbm>> -> memref<640x128xf32, #tpu.memory_space<hbm>>
      tpu.wait_dma2 semaphore(%run_scoped3A_47 : memref<!tpu.dma_semaphore, #tpu.memory_space<semaphore_mem>>) src(%dma_wait3A_56 : memref<640x128xf32, #tpu.memory_space<hbm>>) dst(%dma_wait3A_53 : memref<640x128xf32, #tpu.memory_space<vmem_shared>>)
      tpu.yield
    }) : () -> ()
    %run_scoped3A = arith.constant 0 : i32
    "tpu.region"() ({
      %run_scoped3A_47 = tpu.sem_alloc : memref<!tpu.dma_semaphore, #tpu.memory_space<semaphore_mem>>
      %dma_start3A_48 = arith.constant 0 : i32
      %dma_start3A_49 = tpu.memref_slice %arg6[%run_scoped3A, %dma_start3A_48] : memref<1x128xf32, #tpu.memory_space<hbm>> -> memref<1x128xf32, #tpu.memory_space<hbm>>
      %dma_start3A_50 = tpu.memref_squeeze %dma_start3A_49 : memref<1x128xf32, #tpu.memory_space<hbm>> -> memref<128xf32, #tpu.memory_space<hbm>>
      %dma_start3A_51 = arith.constant 0 : i32
      %dma_start3A_52 = tpu.memref_slice %arg6[%run_scoped3A, %dma_start3A_51] : memref<1x128xf32, #tpu.memory_space<hbm>> -> memref<1x128xf32, #tpu.memory_space<hbm>>
      %dma_start3A_53 = tpu.memref_squeeze %dma_start3A_52 : memref<1x128xf32, #tpu.memory_space<hbm>> -> memref<128xf32, #tpu.memory_space<hbm>>
      tpu.enqueue_dma source(%dma_start3A_53 : memref<128xf32, #tpu.memory_space<hbm>>) target(%arg13 : memref<128xf32, #tpu.memory_space<vmem>>) target_semaphore(%run_scoped3A_47 : memref<!tpu.dma_semaphore, #tpu.memory_space<semaphore_mem>>)
      %dma_wait3A = arith.constant 0 : i32
      %dma_wait3A_54 = tpu.memref_slice %arg6[%run_scoped3A, %dma_wait3A] : memref<1x128xf32, #tpu.memory_space<hbm>> -> memref<1x128xf32, #tpu.memory_space<hbm>>
      %dma_wait3A_55 = tpu.memref_squeeze %dma_wait3A_54 : memref<1x128xf32, #tpu.memory_space<hbm>> -> memref<128xf32, #tpu.memory_space<hbm>>
      %dma_wait3A_56 = arith.constant 0 : i32
      %dma_wait3A_57 = tpu.memref_slice %arg6[%run_scoped3A, %dma_wait3A_56] : memref<1x128xf32, #tpu.memory_space<hbm>> -> memref<1x128xf32, #tpu.memory_space<hbm>>
      %dma_wait3A_58 = tpu.memref_squeeze %dma_wait3A_57 : memref<1x128xf32, #tpu.memory_space<hbm>> -> memref<128xf32, #tpu.memory_space<hbm>>
      tpu.wait_dma2 semaphore(%run_scoped3A_47 : memref<!tpu.dma_semaphore, #tpu.memory_space<semaphore_mem>>) src(%dma_wait3A_58 : memref<128xf32, #tpu.memory_space<hbm>>) dst(%arg13 : memref<128xf32, #tpu.memory_space<vmem>>)
      tpu.yield
    }) : () -> ()
    %barrier3A = arith.constant 0 : index
    tpu.barrier barrier_id(%barrier3A)
    %get3A = arith.constant 0 : index
    %get3A_3 = tpu.vector_load %arg13[%get3A] {strides = array<i32>} : memref<128xf32, #tpu.memory_space<vmem>>, vector<16xf32>,
    %get3A_4 = arith.constant 16 : index
    %get3A_5 = tpu.vector_load %arg13[%get3A_4] {strides = array<i32>} : memref<128xf32, #tpu.memory_space<vmem>>, vector<16xf32>,
    %get3A_6 = arith.constant 32 : index
    %get3A_7 = tpu.vector_load %arg13[%get3A_6] {strides = array<i32>} : memref<128xf32, #tpu.memory_space<vmem>>, vector<16xf32>,
    %get3A_8 = arith.constant 48 : index
    %get3A_9 = tpu.vector_load %arg13[%get3A_8] {strides = array<i32>} : memref<128xf32, #tpu.memory_space<vmem>>, vector<16xf32>,
    %get3A_10 = arith.constant 64 : index
    %get3A_11 = tpu.vector_load %arg13[%get3A_10] {strides = array<i32>} : memref<128xf32, #tpu.memory_space<vmem>>, vector<16xf32>,
    %get3A_12 = arith.constant 80 : index
    %get3A_13 = tpu.vector_load %arg13[%get3A_12] {strides = array<i32>} : memref<128xf32, #tpu.memory_space<vmem>>, vector<16xf32>,
    %get3A_14 = arith.constant 96 : index
    %get3A_15 = tpu.vector_load %arg13[%get3A_14] {strides = array<i32>} : memref<128xf32, #tpu.memory_space<vmem>>, vector<16xf32>,
    %get3A_16 = arith.constant 112 : index
    %get3A_17 = tpu.vector_load %arg13[%get3A_16] {strides = array<i32>} : memref<128xf32, #tpu.memory_space<vmem>>, vector<16xf32>,
    %mul3A_18 = arith.constant 40 : i32
    %mul3A_19 = arith.muli %add3A, %mul3A_18 : i32
    %add3A_20 = arith.constant 0 : i32
    %add3A_21 = arith.addi %mul3A_19, %add3A_20 : i32
    %run_scoped3A_22 = arith.constant 0 : i32
    "tpu.region"() ({
      %run_scoped3A_47 = tpu.sem_alloc : memref<!tpu.dma_semaphore, #tpu.memory_space<semaphore_mem>>
      %dma_start3A_48 = arith.constant 0 : i32
      %dma_start3A_49 = tpu.memref_slice %arg9[%run_scoped3A_22, %dma_start3A_48] : memref<2x128xi32, #tpu.memory_space<vmem>> -> memref<1x128xi32, #tpu.memory_space<vmem>>
      %dma_start3A_50 = tpu.memref_squeeze %dma_start3A_49 : memref<1x128xi32, #tpu.memory_space<vmem>> -> memref<128xi32, #tpu.memory_space<vmem>>
      %dma_start3A_51 = arith.constant 0 : i32
      %dma_start3A_52 = tpu.memref_slice %arg3[%add3A_21, %dma_start3A_51] : memref<1280x128xi32, #tpu.memory_space<hbm>> -> memref<1x128xi32, #tpu.memory_space<hbm>>
      %dma_start3A_53 = tpu.memref_squeeze %dma_start3A_52 : memref<1x128xi32, #tpu.memory_space<hbm>> -> memref<128xi32, #tpu.memory_space<hbm>>
      %dma_start3A_54 = arith.constant 0 : i32
      %dma_start3A_55 = tpu.memref_slice %arg9[%run_scoped3A_22, %dma_start3A_54] : memref<2x128xi32, #tpu.memory_space<vmem>> -> memref<1x128xi32, #tpu.memory_space<vmem>>
      %dma_start3A_56 = tpu.memref_squeeze %dma_start3A_55 : memref<1x128xi32, #tpu.memory_space<vmem>> -> memref<128xi32, #tpu.memory_space<vmem>>
      %dma_start3A_57 = arith.constant 0 : i32
      %dma_start3A_58 = tpu.memref_slice %arg3[%add3A_21, %dma_start3A_57] : memref<1280x128xi32, #tpu.memory_space<hbm>> -> memref<1x128xi32, #tpu.memory_space<hbm>>
      %dma_start3A_59 = tpu.memref_squeeze %dma_start3A_58 : memref<1x128xi32, #tpu.memory_space<hbm>> -> memref<128xi32, #tpu.memory_space<hbm>>
      tpu.enqueue_dma source(%dma_start3A_59 : memref<128xi32, #tpu.memory_space<hbm>>) target(%dma_start3A_56 : memref<128xi32, #tpu.memory_space<vmem>>) target_semaphore(%run_scoped3A_47 : memref<!tpu.dma_semaphore, #tpu.memory_space<semaphore_mem>>)
      %dma_wait3A = arith.constant 0 : i32
      %dma_wait3A_60 = tpu.memref_slice %arg9[%run_scoped3A_22, %dma_wait3A] : memref<2x128xi32, #tpu.memory_space<vmem>> -> memref<1x128xi32, #tpu.memory_space<vmem>>
      %dma_wait3A_61 = tpu.memref_squeeze %dma_wait3A_60 : memref<1x128xi32, #tpu.memory_space<vmem>> -> memref<128xi32, #tpu.memory_space<vmem>>
      %dma_wait3A_62 = arith.constant 0 : i32
      %dma_wait3A_63 = tpu.memref_slice %arg3[%add3A_21, %dma_wait3A_62] : memref<1280x128xi32, #tpu.memory_space<hbm>> -> memref<1x128xi32, #tpu.memory_space<hbm>>
      %dma_wait3A_64 = tpu.memref_squeeze %dma_wait3A_63 : memref<1x128xi32, #tpu.memory_space<hbm>> -> memref<128xi32, #tpu.memory_space<hbm>>
      %dma_wait3A_65 = arith.constant 0 : i32
      %dma_wait3A_66 = tpu.memref_slice %arg9[%run_scoped3A_22, %dma_wait3A_65] : memref<2x128xi32, #tpu.memory_space<vmem>> -> memref<1x128xi32, #tpu.memory_space<vmem>>
      %dma_wait3A_67 = tpu.memref_squeeze %dma_wait3A_66 : memref<1x128xi32, #tpu.memory_space<vmem>> -> memref<128xi32, #tpu.memory_space<vmem>>
      %dma_wait3A_68 = arith.constant 0 : i32
      %dma_wait3A_69 = tpu.memref_slice %arg3[%add3A_21, %dma_wait3A_68] : memref<1280x128xi32, #tpu.memory_space<hbm>> -> memref<1x128xi32, #tpu.memory_space<hbm>>
      %dma_wait3A_70 = tpu.memref_squeeze %dma_wait3A_69 : memref<1x128xi32, #tpu.memory_space<hbm>> -> memref<128xi32, #tpu.memory_space<hbm>>
      tpu.wait_dma2 semaphore(%run_scoped3A_47 : memref<!tpu.dma_semaphore, #tpu.memory_space<semaphore_mem>>) src(%dma_wait3A_70 : memref<128xi32, #tpu.memory_space<hbm>>) dst(%dma_wait3A_67 : memref<128xi32, #tpu.memory_space<vmem>>)
      tpu.yield
    }) : () -> ()
    %run_scoped3A_23 = arith.constant 0 : i32
    "tpu.region"() ({
      %run_scoped3A_47 = tpu.sem_alloc : memref<!tpu.dma_semaphore, #tpu.memory_space<semaphore_mem>>
      %dma_start3A_48 = arith.constant 0 : i32
      %dma_start3A_49 = tpu.memref_slice %arg10[%run_scoped3A_23, %dma_start3A_48] : memref<2x128xi32, #tpu.memory_space<vmem>> -> memref<1x128xi32, #tpu.memory_space<vmem>>
      %dma_start3A_50 = tpu.memref_squeeze %dma_start3A_49 : memref<1x128xi32, #tpu.memory_space<vmem>> -> memref<128xi32, #tpu.memory_space<vmem>>
      %dma_start3A_51 = arith.constant 0 : i32
      %dma_start3A_52 = tpu.memref_slice %arg4[%add3A_21, %dma_start3A_51] : memref<1280x128xi32, #tpu.memory_space<hbm>> -> memref<1x128xi32, #tpu.memory_space<hbm>>
      %dma_start3A_53 = tpu.memref_squeeze %dma_start3A_52 : memref<1x128xi32, #tpu.memory_space<hbm>> -> memref<128xi32, #tpu.memory_space<hbm>>
      %dma_start3A_54 = arith.constant 0 : i32
      %dma_start3A_55 = tpu.memref_slice %arg10[%run_scoped3A_23, %dma_start3A_54] : memref<2x128xi32, #tpu.memory_space<vmem>> -> memref<1x128xi32, #tpu.memory_space<vmem>>
      %dma_start3A_56 = tpu.memref_squeeze %dma_start3A_55 : memref<1x128xi32, #tpu.memory_space<vmem>> -> memref<128xi32, #tpu.memory_space<vmem>>
      %dma_start3A_57 = arith.constant 0 : i32
      %dma_start3A_58 = tpu.memref_slice %arg4[%add3A_21, %dma_start3A_57] : memref<1280x128xi32, #tpu.memory_space<hbm>> -> memref<1x128xi32, #tpu.memory_space<hbm>>
      %dma_start3A_59 = tpu.memref_squeeze %dma_start3A_58 : memref<1x128xi32, #tpu.memory_space<hbm>> -> memref<128xi32, #tpu.memory_space<hbm>>
      tpu.enqueue_dma source(%dma_start3A_59 : memref<128xi32, #tpu.memory_space<hbm>>) target(%dma_start3A_56 : memref<128xi32, #tpu.memory_space<vmem>>) target_semaphore(%run_scoped3A_47 : memref<!tpu.dma_semaphore, #tpu.memory_space<semaphore_mem>>)
      %dma_wait3A = arith.constant 0 : i32
      %dma_wait3A_60 = tpu.memref_slice %arg10[%run_scoped3A_23, %dma_wait3A] : memref<2x128xi32, #tpu.memory_space<vmem>> -> memref<1x128xi32, #tpu.memory_space<vmem>>
      %dma_wait3A_61 = tpu.memref_squeeze %dma_wait3A_60 : memref<1x128xi32, #tpu.memory_space<vmem>> -> memref<128xi32, #tpu.memory_space<vmem>>
      %dma_wait3A_62 = arith.constant 0 : i32
      %dma_wait3A_63 = tpu.memref_slice %arg4[%add3A_21, %dma_wait3A_62] : memref<1280x128xi32, #tpu.memory_space<hbm>> -> memref<1x128xi32, #tpu.memory_space<hbm>>
      %dma_wait3A_64 = tpu.memref_squeeze %dma_wait3A_63 : memref<1x128xi32, #tpu.memory_space<hbm>> -> memref<128xi32, #tpu.memory_space<hbm>>
      %dma_wait3A_65 = arith.constant 0 : i32
      %dma_wait3A_66 = tpu.memref_slice %arg10[%run_scoped3A_23, %dma_wait3A_65] : memref<2x128xi32, #tpu.memory_space<vmem>> -> memref<1x128xi32, #tpu.memory_space<vmem>>
      %dma_wait3A_67 = tpu.memref_squeeze %dma_wait3A_66 : memref<1x128xi32, #tpu.memory_space<vmem>> -> memref<128xi32, #tpu.memory_space<vmem>>
      %dma_wait3A_68 = arith.constant 0 : i32
      %dma_wait3A_69 = tpu.memref_slice %arg4[%add3A_21, %dma_wait3A_68] : memref<1280x128xi32, #tpu.memory_space<hbm>> -> memref<1x128xi32, #tpu.memory_space<hbm>>
      %dma_wait3A_70 = tpu.memref_squeeze %dma_wait3A_69 : memref<1x128xi32, #tpu.memory_space<hbm>> -> memref<128xi32, #tpu.memory_space<hbm>>
      tpu.wait_dma2 semaphore(%run_scoped3A_47 : memref<!tpu.dma_semaphore, #tpu.memory_space<semaphore_mem>>) src(%dma_wait3A_70 : memref<128xi32, #tpu.memory_space<hbm>>) dst(%dma_wait3A_67 : memref<128xi32, #tpu.memory_space<vmem>>)
      tpu.yield
    }) : () -> ()
    %run_scoped3A_24 = arith.constant 0 : i32
    "tpu.region"() ({
      %run_scoped3A_47 = tpu.sem_alloc : memref<!tpu.dma_semaphore, #tpu.memory_space<semaphore_mem>>
      %dma_start3A_48 = arith.constant 0 : i32
      %dma_start3A_49 = tpu.memref_slice %arg11[%run_scoped3A_24, %dma_start3A_48] : memref<2x128xf32, #tpu.memory_space<vmem>> -> memref<1x128xf32, #tpu.memory_space<vmem>>
      %dma_start3A_50 = tpu.memref_squeeze %dma_start3A_49 : memref<1x128xf32, #tpu.memory_space<vmem>> -> memref<128xf32, #tpu.memory_space<vmem>>
      %dma_start3A_51 = arith.constant 0 : i32
      %dma_start3A_52 = tpu.memref_slice %arg5[%add3A_21, %dma_start3A_51] : memref<1280x128xf32, #tpu.memory_space<hbm>> -> memref<1x128xf32, #tpu.memory_space<hbm>>
      %dma_start3A_53 = tpu.memref_squeeze %dma_start3A_52 : memref<1x128xf32, #tpu.memory_space<hbm>> -> memref<128xf32, #tpu.memory_space<hbm>>
      %dma_start3A_54 = arith.constant 0 : i32
      %dma_start3A_55 = tpu.memref_slice %arg11[%run_scoped3A_24, %dma_start3A_54] : memref<2x128xf32, #tpu.memory_space<vmem>> -> memref<1x128xf32, #tpu.memory_space<vmem>>
      %dma_start3A_56 = tpu.memref_squeeze %dma_start3A_55 : memref<1x128xf32, #tpu.memory_space<vmem>> -> memref<128xf32, #tpu.memory_space<vmem>>
      %dma_start3A_57 = arith.constant 0 : i32
      %dma_start3A_58 = tpu.memref_slice %arg5[%add3A_21, %dma_start3A_57] : memref<1280x128xf32, #tpu.memory_space<hbm>> -> memref<1x128xf32, #tpu.memory_space<hbm>>
      %dma_start3A_59 = tpu.memref_squeeze %dma_start3A_58 : memref<1x128xf32, #tpu.memory_space<hbm>> -> memref<128xf32, #tpu.memory_space<hbm>>
      tpu.enqueue_dma source(%dma_start3A_59 : memref<128xf32, #tpu.memory_space<hbm>>) target(%dma_start3A_56 : memref<128xf32, #tpu.memory_space<vmem>>) target_semaphore(%run_scoped3A_47 : memref<!tpu.dma_semaphore, #tpu.memory_space<semaphore_mem>>)
      %dma_wait3A = arith.constant 0 : i32
      %dma_wait3A_60 = tpu.memref_slice %arg11[%run_scoped3A_24, %dma_wait3A] : memref<2x128xf32, #tpu.memory_space<vmem>> -> memref<1x128xf32, #tpu.memory_space<vmem>>
      %dma_wait3A_61 = tpu.memref_squeeze %dma_wait3A_60 : memref<1x128xf32, #tpu.memory_space<vmem>> -> memref<128xf32, #tpu.memory_space<vmem>>
      %dma_wait3A_62 = arith.constant 0 : i32
      %dma_wait3A_63 = tpu.memref_slice %arg5[%add3A_21, %dma_wait3A_62] : memref<1280x128xf32, #tpu.memory_space<hbm>> -> memref<1x128xf32, #tpu.memory_space<hbm>>
      %dma_wait3A_64 = tpu.memref_squeeze %dma_wait3A_63 : memref<1x128xf32, #tpu.memory_space<hbm>> -> memref<128xf32, #tpu.memory_space<hbm>>
      %dma_wait3A_65 = arith.constant 0 : i32
      %dma_wait3A_66 = tpu.memref_slice %arg11[%run_scoped3A_24, %dma_wait3A_65] : memref<2x128xf32, #tpu.memory_space<vmem>> -> memref<1x128xf32, #tpu.memory_space<vmem>>
      %dma_wait3A_67 = tpu.memref_squeeze %dma_wait3A_66 : memref<1x128xf32, #tpu.memory_space<vmem>> -> memref<128xf32, #tpu.memory_space<vmem>>
      %dma_wait3A_68 = arith.constant 0 : i32
      %dma_wait3A_69 = tpu.memref_slice %arg5[%add3A_21, %dma_wait3A_68] : memref<1280x128xf32, #tpu.memory_space<hbm>> -> memref<1x128xf32, #tpu.memory_space<hbm>>
      %dma_wait3A_70 = tpu.memref_squeeze %dma_wait3A_69 : memref<1x128xf32, #tpu.memory_space<hbm>> -> memref<128xf32, #tpu.memory_space<hbm>>
      tpu.wait_dma2 semaphore(%run_scoped3A_47 : memref<!tpu.dma_semaphore, #tpu.memory_space<semaphore_mem>>) src(%dma_wait3A_70 : memref<128xf32, #tpu.memory_space<hbm>>) dst(%dma_wait3A_67 : memref<128xf32, #tpu.memory_space<vmem>>)
      tpu.yield
    }) : () -> ()
    %dma_start3A = arith.constant 0 : i32
    %dma_start3A_25 = arith.constant 0 : i32
    %dma_start3A_26 = arith.constant 0 : i32
    %dma_start3A_27 = arith.constant 0 : i32
    %dma_start3A_28 = tpu.memref_slice %arg12[%dma_start3A_25, %dma_start3A_26, %dma_start3A_27] : memref<2x128x128xf32, #tpu.memory_space<vmem>> -> memref<1x128x128xf32, #tpu.memory_space<vmem>>
    %dma_start3A_29 = tpu.memref_squeeze %dma_start3A_28 : memref<1x128x128xf32, #tpu.memory_space<vmem>> -> memref<128x128xf32, #tpu.memory_space<vmem>>
    %dma_start3A_30 = arith.constant 0 : i32
    %dma_start3A_31 = tpu.memref_slice %arg9[%dma_start3A, %dma_start3A_30] : memref<2x128xi32, #tpu.memory_space<vmem>> -> memref<1x128xi32, #tpu.memory_space<vmem>>
    %dma_start3A_32 = tpu.memref_squeeze %dma_start3A_31 : memref<1x128xi32, #tpu.memory_space<vmem>> -> memref<128xi32, #tpu.memory_space<vmem>>
    %dma_start3A_33 = arith.constant 0 : i32
    %dma_start3A_34 = arith.constant 0 : i32
    %dma_start3A_35 = tpu.memref_slice %arg2[%dma_start3A_33, %dma_start3A_34] : memref<10000x128xf32, #tpu.memory_space<hbm>> -> memref<10000x128xf32, #tpu.memory_space<hbm>>
    tpu.enqueue_indirect_dma source(%dma_start3A_35 : memref<10000x128xf32, #tpu.memory_space<hbm>>) target(%dma_start3A_29 : memref<128x128xf32, #tpu.memory_space<vmem>>) offsets(%dma_start3A_32 : memref<128xi32, #tpu.memory_space<vmem>>) semaphore(%arg15 : memref<!tpu.dma_semaphore, #tpu.memory_space<semaphore_mem>>)
    %scan3A = arith.constant 0 : i32
    %scan3A_36 = arith.constant 0 : i32
    %scan3A_37 = arith.constant 20 : i32
    %scan3A_38 = arith.addi %scan3A_36, %scan3A_37 : i32
    %scan3A_39 = arith.constant 1 : i32
    %scan3A_40 = scf.for %scan3A_47 = %scan3A_36 to %scan3A_38 step %scan3A_39 iter_args(%scan3A_48 = %scan3A) -> (i32)  : i32 {
      %mul3A_49 = arith.constant 2 : i32
      %mul3A_50 = arith.muli %mul3A_49, %scan3A_47 : i32
      %add3A_51 = arith.constant 1 : i32
      %add3A_52 = arith.addi %mul3A_50, %add3A_51 : i32
      %lt3A = arith.constant 40 : i32
      %lt3A_53 = arith.cmpi slt, %add3A_52, %lt3A : i32
      %convert_element_type3A = arith.extui %lt3A_53 : i1 to i32
      %cond3A = arith.constant 0 : i32
      %cond3A_54 = arith.cmpi ne, %convert_element_type3A, %cond3A : i32
      scf.if %cond3A_54 {
        %add3A_108 = arith.constant 1 : i32
        %add3A_109 = arith.addi %mul3A_50, %add3A_108 : i32
        %mul3A_110 = arith.constant 40 : i32
        %mul3A_111 = arith.muli %add3A, %mul3A_110 : i32
        %add3A_112 = arith.addi %mul3A_111, %add3A_109 : i32
        %run_scoped3A_113 = arith.constant 1 : i32
        "tpu.region"() ({
          %run_scoped3A_128 = tpu.sem_alloc : memref<!tpu.dma_semaphore, #tpu.memory_space<semaphore_mem>>
          %dma_start3A_129 = arith.constant 0 : i32
          %dma_start3A_130 = tpu.memref_slice %arg9[%run_scoped3A_113, %dma_start3A_129] : memref<2x128xi32, #tpu.memory_space<vmem>> -> memref<1x128xi32, #tpu.memory_space<vmem>>
          %dma_start3A_131 = tpu.memref_squeeze %dma_start3A_130 : memref<1x128xi32, #tpu.memory_space<vmem>> -> memref<128xi32, #tpu.memory_space<vmem>>
          %dma_start3A_132 = arith.constant 0 : i32
          %dma_start3A_133 = tpu.memref_slice %arg3[%add3A_112, %dma_start3A_132] : memref<1280x128xi32, #tpu.memory_space<hbm>> -> memref<1x128xi32, #tpu.memory_space<hbm>>
          %dma_start3A_134 = tpu.memref_squeeze %dma_start3A_133 : memref<1x128xi32, #tpu.memory_space<hbm>> -> memref<128xi32, #tpu.memory_space<hbm>>
          %dma_start3A_135 = arith.constant 0 : i32
          %dma_start3A_136 = tpu.memref_slice %arg9[%run_scoped3A_113, %dma_start3A_135] : memref<2x128xi32, #tpu.memory_space<vmem>> -> memref<1x128xi32, #tpu.memory_space<vmem>>
          %dma_start3A_137 = tpu.memref_squeeze %dma_start3A_136 : memref<1x128xi32, #tpu.memory_space<vmem>> -> memref<128xi32, #tpu.memory_space<vmem>>
          %dma_start3A_138 = arith.constant 0 : i32
          %dma_start3A_139 = tpu.memref_slice %arg3[%add3A_112, %dma_start3A_138] : memref<1280x128xi32, #tpu.memory_space<hbm>> -> memref<1x128xi32, #tpu.memory_space<hbm>>
          %dma_start3A_140 = tpu.memref_squeeze %dma_start3A_139 : memref<1x128xi32, #tpu.memory_space<hbm>> -> memref<128xi32, #tpu.memory_space<hbm>>
          tpu.enqueue_dma source(%dma_start3A_140 : memref<128xi32, #tpu.memory_space<hbm>>) target(%dma_start3A_137 : memref<128xi32, #tpu.memory_space<vmem>>) target_semaphore(%run_scoped3A_128 : memref<!tpu.dma_semaphore, #tpu.memory_space<semaphore_mem>>)
          %dma_wait3A_141 = arith.constant 0 : i32
          %dma_wait3A_142 = tpu.memref_slice %arg9[%run_scoped3A_113, %dma_wait3A_141] : memref<2x128xi32, #tpu.memory_space<vmem>> -> memref<1x128xi32, #tpu.memory_space<vmem>>
          %dma_wait3A_143 = tpu.memref_squeeze %dma_wait3A_142 : memref<1x128xi32, #tpu.memory_space<vmem>> -> memref<128xi32, #tpu.memory_space<vmem>>
          %dma_wait3A_144 = arith.constant 0 : i32
          %dma_wait3A_145 = tpu.memref_slice %arg3[%add3A_112, %dma_wait3A_144] : memref<1280x128xi32, #tpu.memory_space<hbm>> -> memref<1x128xi32, #tpu.memory_space<hbm>>
          %dma_wait3A_146 = tpu.memref_squeeze %dma_wait3A_145 : memref<1x128xi32, #tpu.memory_space<hbm>> -> memref<128xi32, #tpu.memory_space<hbm>>
          %dma_wait3A_147 = arith.constant 0 : i32
          %dma_wait3A_148 = tpu.memref_slice %arg9[%run_scoped3A_113, %dma_wait3A_147] : memref<2x128xi32, #tpu.memory_space<vmem>> -> memref<1x128xi32, #tpu.memory_space<vmem>>
          %dma_wait3A_149 = tpu.memref_squeeze %dma_wait3A_148 : memref<1x128xi32, #tpu.memory_space<vmem>> -> memref<128xi32, #tpu.memory_space<vmem>>
          %dma_wait3A_150 = arith.constant 0 : i32
          %dma_wait3A_151 = tpu.memref_slice %arg3[%add3A_112, %dma_wait3A_150] : memref<1280x128xi32, #tpu.memory_space<hbm>> -> memref<1x128xi32, #tpu.memory_space<hbm>>
          %dma_wait3A_152 = tpu.memref_squeeze %dma_wait3A_151 : memref<1x128xi32, #tpu.memory_space<hbm>> -> memref<128xi32, #tpu.memory_space<hbm>>
          tpu.wait_dma2 semaphore(%run_scoped3A_128 : memref<!tpu.dma_semaphore, #tpu.memory_space<semaphore_mem>>) src(%dma_wait3A_152 : memref<128xi32, #tpu.memory_space<hbm>>) dst(%dma_wait3A_149 : memref<128xi32, #tpu.memory_space<vmem>>)
          tpu.yield
        }) : () -> ()
        %run_scoped3A_114 = arith.constant 1 : i32
        "tpu.region"() ({
          %run_scoped3A_128 = tpu.sem_alloc : memref<!tpu.dma_semaphore, #tpu.memory_space<semaphore_mem>>
          %dma_start3A_129 = arith.constant 0 : i32
          %dma_start3A_130 = tpu.memref_slice %arg10[%run_scoped3A_114, %dma_start3A_129] : memref<2x128xi32, #tpu.memory_space<vmem>> -> memref<1x128xi32, #tpu.memory_space<vmem>>
          %dma_start3A_131 = tpu.memref_squeeze %dma_start3A_130 : memref<1x128xi32, #tpu.memory_space<vmem>> -> memref<128xi32, #tpu.memory_space<vmem>>
          %dma_start3A_132 = arith.constant 0 : i32
          %dma_start3A_133 = tpu.memref_slice %arg4[%add3A_112, %dma_start3A_132] : memref<1280x128xi32, #tpu.memory_space<hbm>> -> memref<1x128xi32, #tpu.memory_space<hbm>>
          %dma_start3A_134 = tpu.memref_squeeze %dma_start3A_133 : memref<1x128xi32, #tpu.memory_space<hbm>> -> memref<128xi32, #tpu.memory_space<hbm>>
          %dma_start3A_135 = arith.constant 0 : i32
          %dma_start3A_136 = tpu.memref_slice %arg10[%run_scoped3A_114, %dma_start3A_135] : memref<2x128xi32, #tpu.memory_space<vmem>> -> memref<1x128xi32, #tpu.memory_space<vmem>>
          %dma_start3A_137 = tpu.memref_squeeze %dma_start3A_136 : memref<1x128xi32, #tpu.memory_space<vmem>> -> memref<128xi32, #tpu.memory_space<vmem>>
          %dma_start3A_138 = arith.constant 0 : i32
          %dma_start3A_139 = tpu.memref_slice %arg4[%add3A_112, %dma_start3A_138] : memref<1280x128xi32, #tpu.memory_space<hbm>> -> memref<1x128xi32, #tpu.memory_space<hbm>>
          %dma_start3A_140 = tpu.memref_squeeze %dma_start3A_139 : memref<1x128xi32, #tpu.memory_space<hbm>> -> memref<128xi32, #tpu.memory_space<hbm>>
          tpu.enqueue_dma source(%dma_start3A_140 : memref<128xi32, #tpu.memory_space<hbm>>) target(%dma_start3A_137 : memref<128xi32, #tpu.memory_space<vmem>>) target_semaphore(%run_scoped3A_128 : memref<!tpu.dma_semaphore, #tpu.memory_space<semaphore_mem>>)
          %dma_wait3A_141 = arith.constant 0 : i32
          %dma_wait3A_142 = tpu.memref_slice %arg10[%run_scoped3A_114, %dma_wait3A_141] : memref<2x128xi32, #tpu.memory_space<vmem>> -> memref<1x128xi32, #tpu.memory_space<vmem>>
          %dma_wait3A_143 = tpu.memref_squeeze %dma_wait3A_142 : memref<1x128xi32, #tpu.memory_space<vmem>> -> memref<128xi32, #tpu.memory_space<vmem>>
          %dma_wait3A_144 = arith.constant 0 : i32
          %dma_wait3A_145 = tpu.memref_slice %arg4[%add3A_112, %dma_wait3A_144] : memref<1280x128xi32, #tpu.memory_space<hbm>> -> memref<1x128xi32, #tpu.memory_space<hbm>>
          %dma_wait3A_146 = tpu.memref_squeeze %dma_wait3A_145 : memref<1x128xi32, #tpu.memory_space<hbm>> -> memref<128xi32, #tpu.memory_space<hbm>>
          %dma_wait3A_147 = arith.constant 0 : i32
          %dma_wait3A_148 = tpu.memref_slice %arg10[%run_scoped3A_114, %dma_wait3A_147] : memref<2x128xi32, #tpu.memory_space<vmem>> -> memref<1x128xi32, #tpu.memory_space<vmem>>
          %dma_wait3A_149 = tpu.memref_squeeze %dma_wait3A_148 : memref<1x128xi32, #tpu.memory_space<vmem>> -> memref<128xi32, #tpu.memory_space<vmem>>
          %dma_wait3A_150 = arith.constant 0 : i32
          %dma_wait3A_151 = tpu.memref_slice %arg4[%add3A_112, %dma_wait3A_150] : memref<1280x128xi32, #tpu.memory_space<hbm>> -> memref<1x128xi32, #tpu.memory_space<hbm>>
          %dma_wait3A_152 = tpu.memref_squeeze %dma_wait3A_151 : memref<1x128xi32, #tpu.memory_space<hbm>> -> memref<128xi32, #tpu.memory_space<hbm>>
          tpu.wait_dma2 semaphore(%run_scoped3A_128 : memref<!tpu.dma_semaphore, #tpu.memory_space<semaphore_mem>>) src(%dma_wait3A_152 : memref<128xi32, #tpu.memory_space<hbm>>) dst(%dma_wait3A_149 : memref<128xi32, #tpu.memory_space<vmem>>)
          tpu.yield
        }) : () -> ()
        %run_scoped3A_115 = arith.constant 1 : i32
        "tpu.region"() ({
          %run_scoped3A_128 = tpu.sem_alloc : memref<!tpu.dma_semaphore, #tpu.memory_space<semaphore_mem>>
          %dma_start3A_129 = arith.constant 0 : i32
          %dma_start3A_130 = tpu.memref_slice %arg11[%run_scoped3A_115, %dma_start3A_129] : memref<2x128xf32, #tpu.memory_space<vmem>> -> memref<1x128xf32, #tpu.memory_space<vmem>>
          %dma_start3A_131 = tpu.memref_squeeze %dma_start3A_130 : memref<1x128xf32, #tpu.memory_space<vmem>> -> memref<128xf32, #tpu.memory_space<vmem>>
          %dma_start3A_132 = arith.constant 0 : i32
          %dma_start3A_133 = tpu.memref_slice %arg5[%add3A_112, %dma_start3A_132] : memref<1280x128xf32, #tpu.memory_space<hbm>> -> memref<1x128xf32, #tpu.memory_space<hbm>>
          %dma_start3A_134 = tpu.memref_squeeze %dma_start3A_133 : memref<1x128xf32, #tpu.memory_space<hbm>> -> memref<128xf32, #tpu.memory_space<hbm>>
          %dma_start3A_135 = arith.constant 0 : i32
          %dma_start3A_136 = tpu.memref_slice %arg11[%run_scoped3A_115, %dma_start3A_135] : memref<2x128xf32, #tpu.memory_space<vmem>> -> memref<1x128xf32, #tpu.memory_space<vmem>>
          %dma_start3A_137 = tpu.memref_squeeze %dma_start3A_136 : memref<1x128xf32, #tpu.memory_space<vmem>> -> memref<128xf32, #tpu.memory_space<vmem>>
          %dma_start3A_138 = arith.constant 0 : i32
          %dma_start3A_139 = tpu.memref_slice %arg5[%add3A_112, %dma_start3A_138] : memref<1280x128xf32, #tpu.memory_space<hbm>> -> memref<1x128xf32, #tpu.memory_space<hbm>>
          %dma_start3A_140 = tpu.memref_squeeze %dma_start3A_139 : memref<1x128xf32, #tpu.memory_space<hbm>> -> memref<128xf32, #tpu.memory_space<hbm>>
          tpu.enqueue_dma source(%dma_start3A_140 : memref<128xf32, #tpu.memory_space<hbm>>) target(%dma_start3A_137 : memref<128xf32, #tpu.memory_space<vmem>>) target_semaphore(%run_scoped3A_128 : memref<!tpu.dma_semaphore, #tpu.memory_space<semaphore_mem>>)
          %dma_wait3A_141 = arith.constant 0 : i32
          %dma_wait3A_142 = tpu.memref_slice %arg11[%run_scoped3A_115, %dma_wait3A_141] : memref<2x128xf32, #tpu.memory_space<vmem>> -> memref<1x128xf32, #tpu.memory_space<vmem>>
          %dma_wait3A_143 = tpu.memref_squeeze %dma_wait3A_142 : memref<1x128xf32, #tpu.memory_space<vmem>> -> memref<128xf32, #tpu.memory_space<vmem>>
          %dma_wait3A_144 = arith.constant 0 : i32
          %dma_wait3A_145 = tpu.memref_slice %arg5[%add3A_112, %dma_wait3A_144] : memref<1280x128xf32, #tpu.memory_space<hbm>> -> memref<1x128xf32, #tpu.memory_space<hbm>>
          %dma_wait3A_146 = tpu.memref_squeeze %dma_wait3A_145 : memref<1x128xf32, #tpu.memory_space<hbm>> -> memref<128xf32, #tpu.memory_space<hbm>>
          %dma_wait3A_147 = arith.constant 0 : i32
          %dma_wait3A_148 = tpu.memref_slice %arg11[%run_scoped3A_115, %dma_wait3A_147] : memref<2x128xf32, #tpu.memory_space<vmem>> -> memref<1x128xf32, #tpu.memory_space<vmem>>
          %dma_wait3A_149 = tpu.memref_squeeze %dma_wait3A_148 : memref<1x128xf32, #tpu.memory_space<vmem>> -> memref<128xf32, #tpu.memory_space<vmem>>
          %dma_wait3A_150 = arith.constant 0 : i32
          %dma_wait3A_151 = tpu.memref_slice %arg5[%add3A_112, %dma_wait3A_150] : memref<1280x128xf32, #tpu.memory_space<hbm>> -> memref<1x128xf32, #tpu.memory_space<hbm>>
          %dma_wait3A_152 = tpu.memref_squeeze %dma_wait3A_151 : memref<1x128xf32, #tpu.memory_space<hbm>> -> memref<128xf32, #tpu.memory_space<hbm>>
          tpu.wait_dma2 semaphore(%run_scoped3A_128 : memref<!tpu.dma_semaphore, #tpu.memory_space<semaphore_mem>>) src(%dma_wait3A_152 : memref<128xf32, #tpu.memory_space<hbm>>) dst(%dma_wait3A_149 : memref<128xf32, #tpu.memory_space<vmem>>)
          tpu.yield
        }) : () -> ()
        %dma_start3A_116 = arith.constant 1 : i32
        %dma_start3A_117 = arith.constant 1 : i32
        %dma_start3A_118 = arith.constant 0 : i32
        %dma_start3A_119 = arith.constant 0 : i32
        %dma_start3A_120 = tpu.memref_slice %arg12[%dma_start3A_117, %dma_start3A_118, %dma_start3A_119] : memref<2x128x128xf32, #tpu.memory_space<vmem>> -> memref<1x128x128xf32, #tpu.memory_space<vmem>>
        %dma_start3A_121 = tpu.memref_squeeze %dma_start3A_120 : memref<1x128x128xf32, #tpu.memory_space<vmem>> -> memref<128x128xf32, #tpu.memory_space<vmem>>
        %dma_start3A_122 = arith.constant 0 : i32
        %dma_start3A_123 = tpu.memref_slice %arg9[%dma_start3A_116, %dma_start3A_122] : memref<2x128xi32, #tpu.memory_space<vmem>> -> memref<1x128xi32, #tpu.memory_space<vmem>>
        %dma_start3A_124 = tpu.memref_squeeze %dma_start3A_123 : memref<1x128xi32, #tpu.memory_space<vmem>> -> memref<128xi32, #tpu.memory_space<vmem>>
        %dma_start3A_125 = arith.constant 0 : i32
        %dma_start3A_126 = arith.constant 0 : i32
        %dma_start3A_127 = tpu.memref_slice %arg2[%dma_start3A_125, %dma_start3A_126] : memref<10000x128xf32, #tpu.memory_space<hbm>> -> memref<10000x128xf32, #tpu.memory_space<hbm>>
        tpu.enqueue_indirect_dma source(%dma_start3A_127 : memref<10000x128xf32, #tpu.memory_space<hbm>>) target(%dma_start3A_121 : memref<128x128xf32, #tpu.memory_space<vmem>>) offsets(%dma_start3A_124 : memref<128xi32, #tpu.memory_space<vmem>>) semaphore(%arg16 : memref<!tpu.dma_semaphore, #tpu.memory_space<semaphore_mem>>)
      } else {
      }
      %dma_wait3A = arith.constant 0 : i32
      %dma_wait3A_55 = arith.constant 0 : i32
      %dma_wait3A_56 = arith.constant 0 : i32
      %dma_wait3A_57 = arith.constant 0 : i32
      %dma_wait3A_58 = tpu.memref_slice %arg12[%dma_wait3A_55, %dma_wait3A_56, %dma_wait3A_57] : memref<2x128x128xf32, #tpu.memory_space<vmem>> -> memref<1x128x128xf32, #tpu.memory_space<vmem>>
      %dma_wait3A_59 = tpu.memref_squeeze %dma_wait3A_58 : memref<1x128x128xf32, #tpu.memory_space<vmem>> -> memref<128x128xf32, #tpu.memory_space<vmem>>
      %dma_wait3A_60 = arith.constant 0 : i32
      %dma_wait3A_61 = tpu.memref_slice %arg9[%dma_wait3A, %dma_wait3A_60] : memref<2x128xi32, #tpu.memory_space<vmem>> -> memref<1x128xi32, #tpu.memory_space<vmem>>
      %dma_wait3A_62 = tpu.memref_squeeze %dma_wait3A_61 : memref<1x128xi32, #tpu.memory_space<vmem>> -> memref<128xi32, #tpu.memory_space<vmem>>
      %dma_wait3A_63 = arith.constant 0 : i32
      %dma_wait3A_64 = arith.constant 0 : i32
      %dma_wait3A_65 = tpu.memref_slice %arg2[%dma_wait3A_63, %dma_wait3A_64] : memref<10000x128xf32, #tpu.memory_space<hbm>> -> memref<10000x128xf32, #tpu.memory_space<hbm>>
      tpu.wait_indirect_dma semaphore(%arg15 : memref<!tpu.dma_semaphore, #tpu.memory_space<semaphore_mem>>) src(%dma_wait3A_65 : memref<10000x128xf32, #tpu.memory_space<hbm>>) dst(%dma_wait3A_59 : memref<128x128xf32, #tpu.memory_space<vmem>>)
      %scan3A_66 = arith.constant 0 : i32
      %scan3A_67 = arith.constant 0 : i32
      %scan3A_68 = arith.constant 128 : i32
      %scan3A_69 = arith.addi %scan3A_67, %scan3A_68 : i32
      %scan3A_70 = arith.constant 4 : i32
      %scan3A_71 = scf.for %scan3A_108 = %scan3A_67 to %scan3A_69 step %scan3A_70 iter_args(%scan3A_109 = %scan3A_66) -> (i32)  : i32 {
        %broadcast_in_dim3A = arith.constant 0 : i32
        %broadcast_in_dim3A_110 = vector.broadcast %broadcast_in_dim3A : i32 to vector<16xi32>
        %broadcast_in_dim3A_111 = vector.broadcast %scan3A_108 : i32 to vector<16xi32>
        %gather3A = tpu.vector_load_idx %arg11[%broadcast_in_dim3A_110, %broadcast_in_dim3A_111] : memref<2x128xf32, #tpu.memory_space<vmem>>[vector<16xi32>, vector<16xi32>], vector<16xf32>,
        %get3A_112 = arith.constant 0 : i32
        %get3A_113 = arith.index_cast %get3A_112 : i32 to index
        %get3A_114 = arith.index_cast %scan3A_108 : i32 to index
        %get3A_115 = arith.constant 0 : index
        %get3A_116 = tpu.vector_load %arg12[%get3A_113, %get3A_114, %get3A_115] {strides = array<i32>} : memref<2x128x128xf32, #tpu.memory_space<vmem>>, vector<16xf32>,
        %mul3A_117 = arith.mulf %gather3A, %get3A_3 : vector<16xf32>
        %add3A_118 = arith.addf %get3A_116, %mul3A_117 : vector<16xf32>
        %max3A = arith.constant 0.000000e+00 : f32
        %max3A_119 = vector.broadcast %max3A : f32 to vector<16xf32>
        %max3A_120 = arith.maximumf %add3A_118, %max3A_119 : vector<16xf32>
        %swap3A = arith.constant 0 : i32
        %swap3A_121 = arith.index_cast %swap3A : i32 to index
        %swap3A_122 = arith.index_cast %scan3A_108 : i32 to index
        %swap3A_123 = arith.constant 0 : index
        %swap3A_124 = tpu.vector_load %arg12[%swap3A_121, %swap3A_122, %swap3A_123] {strides = array<i32>} : memref<2x128x128xf32, #tpu.memory_space<vmem>>, vector<16xf32>,
        tpu.vector_store %arg12[%swap3A_121, %swap3A_122, %swap3A_123], %max3A_120 {strides = array<i32>} : memref<2x128x128xf32, #tpu.memory_space<vmem>>, vector<16xf32>,
        %get3A_125 = arith.constant 0 : i32
        %get3A_126 = arith.index_cast %get3A_125 : i32 to index
        %get3A_127 = arith.index_cast %scan3A_108 : i32 to index
        %get3A_128 = arith.constant 16 : index
        %get3A_129 = tpu.vector_load %arg12[%get3A_126, %get3A_127, %get3A_128] {strides = array<i32>} : memref<2x128x128xf32, #tpu.memory_space<vmem>>, vector<16xf32>,
        %mul3A_130 = arith.mulf %gather3A, %get3A_5 : vector<16xf32>
        %add3A_131 = arith.addf %get3A_129, %mul3A_130 : vector<16xf32>
        %max3A_132 = arith.constant 0.000000e+00 : f32
        %max3A_133 = vector.broadcast %max3A_132 : f32 to vector<16xf32>
        %max3A_134 = arith.maximumf %add3A_131, %max3A_133 : vector<16xf32>
        %swap3A_135 = arith.constant 0 : i32
        %swap3A_136 = arith.index_cast %swap3A_135 : i32 to index
        %swap3A_137 = arith.index_cast %scan3A_108 : i32 to index
        %swap3A_138 = arith.constant 16 : index
        %swap3A_139 = tpu.vector_load %arg12[%swap3A_136, %swap3A_137, %swap3A_138] {strides = array<i32>} : memref<2x128x128xf32, #tpu.memory_space<vmem>>, vector<16xf32>,
        tpu.vector_store %arg12[%swap3A_136, %swap3A_137, %swap3A_138], %max3A_134 {strides = array<i32>} : memref<2x128x128xf32, #tpu.memory_space<vmem>>, vector<16xf32>,
        %get3A_140 = arith.constant 0 : i32
        %get3A_141 = arith.index_cast %get3A_140 : i32 to index
        %get3A_142 = arith.index_cast %scan3A_108 : i32 to index
        %get3A_143 = arith.constant 32 : index
        %get3A_144 = tpu.vector_load %arg12[%get3A_141, %get3A_142, %get3A_143] {strides = array<i32>} : memref<2x128x128xf32, #tpu.memory_space<vmem>>, vector<16xf32>,
        %mul3A_145 = arith.mulf %gather3A, %get3A_7 : vector<16xf32>
        %add3A_146 = arith.addf %get3A_144, %mul3A_145 : vector<16xf32>
        %max3A_147 = arith.constant 0.000000e+00 : f32
        %max3A_148 = vector.broadcast %max3A_147 : f32 to vector<16xf32>
        %max3A_149 = arith.maximumf %add3A_146, %max3A_148 : vector<16xf32>
        %swap3A_150 = arith.constant 0 : i32
        %swap3A_151 = arith.index_cast %swap3A_150 : i32 to index
        %swap3A_152 = arith.index_cast %scan3A_108 : i32 to index
        %swap3A_153 = arith.constant 32 : index
        %swap3A_154 = tpu.vector_load %arg12[%swap3A_151, %swap3A_152, %swap3A_153] {strides = array<i32>} : memref<2x128x128xf32, #tpu.memory_space<vmem>>, vector<16xf32>,
        tpu.vector_store %arg12[%swap3A_151, %swap3A_152, %swap3A_153], %max3A_149 {strides = array<i32>} : memref<2x128x128xf32, #tpu.memory_space<vmem>>, vector<16xf32>,
        %get3A_155 = arith.constant 0 : i32
        %get3A_156 = arith.index_cast %get3A_155 : i32 to index
        %get3A_157 = arith.index_cast %scan3A_108 : i32 to index
        %get3A_158 = arith.constant 48 : index
        %get3A_159 = tpu.vector_load %arg12[%get3A_156, %get3A_157, %get3A_158] {strides = array<i32>} : memref<2x128x128xf32, #tpu.memory_space<vmem>>, vector<16xf32>,
        %mul3A_160 = arith.mulf %gather3A, %get3A_9 : vector<16xf32>
        %add3A_161 = arith.addf %get3A_159, %mul3A_160 : vector<16xf32>
        %max3A_162 = arith.constant 0.000000e+00 : f32
        %max3A_163 = vector.broadcast %max3A_162 : f32 to vector<16xf32>
        %max3A_164 = arith.maximumf %add3A_161, %max3A_163 : vector<16xf32>
        %swap3A_165 = arith.constant 0 : i32
        %swap3A_166 = arith.index_cast %swap3A_165 : i32 to index
        %swap3A_167 = arith.index_cast %scan3A_108 : i32 to index
        %swap3A_168 = arith.constant 48 : index
        %swap3A_169 = tpu.vector_load %arg12[%swap3A_166, %swap3A_167, %swap3A_168] {strides = array<i32>} : memref<2x128x128xf32, #tpu.memory_space<vmem>>, vector<16xf32>,
        tpu.vector_store %arg12[%swap3A_166, %swap3A_167, %swap3A_168], %max3A_164 {strides = array<i32>} : memref<2x128x128xf32, #tpu.memory_space<vmem>>, vector<16xf32>,
        %get3A_170 = arith.constant 0 : i32
        %get3A_171 = arith.index_cast %get3A_170 : i32 to index
        %get3A_172 = arith.index_cast %scan3A_108 : i32 to index
        %get3A_173 = arith.constant 64 : index
        %get3A_174 = tpu.vector_load %arg12[%get3A_171, %get3A_172, %get3A_173] {strides = array<i32>} : memref<2x128x128xf32, #tpu.memory_space<vmem>>, vector<16xf32>,
        %mul3A_175 = arith.mulf %gather3A, %get3A_11 : vector<16xf32>
        %add3A_176 = arith.addf %get3A_174, %mul3A_175 : vector<16xf32>
        %max3A_177 = arith.constant 0.000000e+00 : f32
        %max3A_178 = vector.broadcast %max3A_177 : f32 to vector<16xf32>
        %max3A_179 = arith.maximumf %add3A_176, %max3A_178 : vector<16xf32>
        %swap3A_180 = arith.constant 0 : i32
        %swap3A_181 = arith.index_cast %swap3A_180 : i32 to index
        %swap3A_182 = arith.index_cast %scan3A_108 : i32 to index
        %swap3A_183 = arith.constant 64 : index
        %swap3A_184 = tpu.vector_load %arg12[%swap3A_181, %swap3A_182, %swap3A_183] {strides = array<i32>} : memref<2x128x128xf32, #tpu.memory_space<vmem>>, vector<16xf32>,
        tpu.vector_store %arg12[%swap3A_181, %swap3A_182, %swap3A_183], %max3A_179 {strides = array<i32>} : memref<2x128x128xf32, #tpu.memory_space<vmem>>, vector<16xf32>,
        %get3A_185 = arith.constant 0 : i32
        %get3A_186 = arith.index_cast %get3A_185 : i32 to index
        %get3A_187 = arith.index_cast %scan3A_108 : i32 to index
        %get3A_188 = arith.constant 80 : index
        %get3A_189 = tpu.vector_load %arg12[%get3A_186, %get3A_187, %get3A_188] {strides = array<i32>} : memref<2x128x128xf32, #tpu.memory_space<vmem>>, vector<16xf32>,
        %mul3A_190 = arith.mulf %gather3A, %get3A_13 : vector<16xf32>
        %add3A_191 = arith.addf %get3A_189, %mul3A_190 : vector<16xf32>
        %max3A_192 = arith.constant 0.000000e+00 : f32
        %max3A_193 = vector.broadcast %max3A_192 : f32 to vector<16xf32>
        %max3A_194 = arith.maximumf %add3A_191, %max3A_193 : vector<16xf32>
        %swap3A_195 = arith.constant 0 : i32
        %swap3A_196 = arith.index_cast %swap3A_195 : i32 to index
        %swap3A_197 = arith.index_cast %scan3A_108 : i32 to index
        %swap3A_198 = arith.constant 80 : index
        %swap3A_199 = tpu.vector_load %arg12[%swap3A_196, %swap3A_197, %swap3A_198] {strides = array<i32>} : memref<2x128x128xf32, #tpu.memory_space<vmem>>, vector<16xf32>,
        tpu.vector_store %arg12[%swap3A_196, %swap3A_197, %swap3A_198], %max3A_194 {strides = array<i32>} : memref<2x128x128xf32, #tpu.memory_space<vmem>>, vector<16xf32>,
        %get3A_200 = arith.constant 0 : i32
        %get3A_201 = arith.index_cast %get3A_200 : i32 to index
        %get3A_202 = arith.index_cast %scan3A_108 : i32 to index
        %get3A_203 = arith.constant 96 : index
        %get3A_204 = tpu.vector_load %arg12[%get3A_201, %get3A_202, %get3A_203] {strides = array<i32>} : memref<2x128x128xf32, #tpu.memory_space<vmem>>, vector<16xf32>,
        %mul3A_205 = arith.mulf %gather3A, %get3A_15 : vector<16xf32>
        %add3A_206 = arith.addf %get3A_204, %mul3A_205 : vector<16xf32>
        %max3A_207 = arith.constant 0.000000e+00 : f32
        %max3A_208 = vector.broadcast %max3A_207 : f32 to vector<16xf32>
        %max3A_209 = arith.maximumf %add3A_206, %max3A_208 : vector<16xf32>
        %swap3A_210 = arith.constant 0 : i32
        %swap3A_211 = arith.index_cast %swap3A_210 : i32 to index
        %swap3A_212 = arith.index_cast %scan3A_108 : i32 to index
        %swap3A_213 = arith.constant 96 : index
        %swap3A_214 = tpu.vector_load %arg12[%swap3A_211, %swap3A_212, %swap3A_213] {strides = array<i32>} : memref<2x128x128xf32, #tpu.memory_space<vmem>>, vector<16xf32>,
        tpu.vector_store %arg12[%swap3A_211, %swap3A_212, %swap3A_213], %max3A_209 {strides = array<i32>} : memref<2x128x128xf32, #tpu.memory_space<vmem>>, vector<16xf32>,
        %get3A_215 = arith.constant 0 : i32
        %get3A_216 = arith.index_cast %get3A_215 : i32 to index
        %get3A_217 = arith.index_cast %scan3A_108 : i32 to index
        %get3A_218 = arith.constant 112 : index
        %get3A_219 = tpu.vector_load %arg12[%get3A_216, %get3A_217, %get3A_218] {strides = array<i32>} : memref<2x128x128xf32, #tpu.memory_space<vmem>>, vector<16xf32>,
        %mul3A_220 = arith.mulf %gather3A, %get3A_17 : vector<16xf32>
        %add3A_221 = arith.addf %get3A_219, %mul3A_220 : vector<16xf32>
        %max3A_222 = arith.constant 0.000000e+00 : f32
        %max3A_223 = vector.broadcast %max3A_222 : f32 to vector<16xf32>
        %max3A_224 = arith.maximumf %add3A_221, %max3A_223 : vector<16xf32>
        %swap3A_225 = arith.constant 0 : i32
        %swap3A_226 = arith.index_cast %swap3A_225 : i32 to index
        %swap3A_227 = arith.index_cast %scan3A_108 : i32 to index
        %swap3A_228 = arith.constant 112 : index
        %swap3A_229 = tpu.vector_load %arg12[%swap3A_226, %swap3A_227, %swap3A_228] {strides = array<i32>} : memref<2x128x128xf32, #tpu.memory_space<vmem>>, vector<16xf32>,
        tpu.vector_store %arg12[%swap3A_226, %swap3A_227, %swap3A_228], %max3A_224 {strides = array<i32>} : memref<2x128x128xf32, #tpu.memory_space<vmem>>, vector<16xf32>,
        %scan3A_230 = arith.constant 0 : i32
        %scan3A_231 = arith.constant 1 : i32
        %scan3A_232 = arith.addi %scan3A_108, %scan3A_231 : i32
        %broadcast_in_dim3A_233 = arith.constant 0 : i32
        %broadcast_in_dim3A_234 = vector.broadcast %broadcast_in_dim3A_233 : i32 to vector<16xi32>
        %broadcast_in_dim3A_235 = vector.broadcast %scan3A_232 : i32 to vector<16xi32>
        %gather3A_236 = tpu.vector_load_idx %arg11[%broadcast_in_dim3A_234, %broadcast_in_dim3A_235] : memref<2x128xf32, #tpu.memory_space<vmem>>[vector<16xi32>, vector<16xi32>], vector<16xf32>,
        %get3A_237 = arith.constant 0 : i32
        %get3A_238 = arith.index_cast %get3A_237 : i32 to index
        %get3A_239 = arith.index_cast %scan3A_232 : i32 to index
        %get3A_240 = arith.constant 0 : index
        %get3A_241 = tpu.vector_load %arg12[%get3A_238, %get3A_239, %get3A_240] {strides = array<i32>} : memref<2x128x128xf32, #tpu.memory_space<vmem>>, vector<16xf32>,
        %mul3A_242 = arith.mulf %gather3A_236, %get3A_3 : vector<16xf32>
        %add3A_243 = arith.addf %get3A_241, %mul3A_242 : vector<16xf32>
        %max3A_244 = arith.constant 0.000000e+00 : f32
        %max3A_245 = vector.broadcast %max3A_244 : f32 to vector<16xf32>
        %max3A_246 = arith.maximumf %add3A_243, %max3A_245 : vector<16xf32>
        %swap3A_247 = arith.constant 0 : i32
        %swap3A_248 = arith.index_cast %swap3A_247 : i32 to index
        %swap3A_249 = arith.index_cast %scan3A_232 : i32 to index
        %swap3A_250 = arith.constant 0 : index
        %swap3A_251 = tpu.vector_load %arg12[%swap3A_248, %swap3A_249, %swap3A_250] {strides = array<i32>} : memref<2x128x128xf32, #tpu.memory_space<vmem>>, vector<16xf32>,
        tpu.vector_store %arg12[%swap3A_248, %swap3A_249, %swap3A_250], %max3A_246 {strides = array<i32>} : memref<2x128x128xf32, #tpu.memory_space<vmem>>, vector<16xf32>,
        %get3A_252 = arith.constant 0 : i32
        %get3A_253 = arith.index_cast %get3A_252 : i32 to index
        %get3A_254 = arith.index_cast %scan3A_232 : i32 to index
        %get3A_255 = arith.constant 16 : index
        %get3A_256 = tpu.vector_load %arg12[%get3A_253, %get3A_254, %get3A_255] {strides = array<i32>} : memref<2x128x128xf32, #tpu.memory_space<vmem>>, vector<16xf32>,
        %mul3A_257 = arith.mulf %gather3A_236, %get3A_5 : vector<16xf32>
        %add3A_258 = arith.addf %get3A_256, %mul3A_257 : vector<16xf32>
        %max3A_259 = arith.constant 0.000000e+00 : f32
        %max3A_260 = vector.broadcast %max3A_259 : f32 to vector<16xf32>
        %max3A_261 = arith.maximumf %add3A_258, %max3A_260 : vector<16xf32>
        %swap3A_262 = arith.constant 0 : i32
        %swap3A_263 = arith.index_cast %swap3A_262 : i32 to index
        %swap3A_264 = arith.index_cast %scan3A_232 : i32 to index
        %swap3A_265 = arith.constant 16 : index
        %swap3A_266 = tpu.vector_load %arg12[%swap3A_263, %swap3A_264, %swap3A_265] {strides = array<i32>} : memref<2x128x128xf32, #tpu.memory_space<vmem>>, vector<16xf32>,
        tpu.vector_store %arg12[%swap3A_263, %swap3A_264, %swap3A_265], %max3A_261 {strides = array<i32>} : memref<2x128x128xf32, #tpu.memory_space<vmem>>, vector<16xf32>,
        %get3A_267 = arith.constant 0 : i32
        %get3A_268 = arith.index_cast %get3A_267 : i32 to index
        %get3A_269 = arith.index_cast %scan3A_232 : i32 to index
        %get3A_270 = arith.constant 32 : index
        %get3A_271 = tpu.vector_load %arg12[%get3A_268, %get3A_269, %get3A_270] {strides = array<i32>} : memref<2x128x128xf32, #tpu.memory_space<vmem>>, vector<16xf32>,
        %mul3A_272 = arith.mulf %gather3A_236, %get3A_7 : vector<16xf32>
        %add3A_273 = arith.addf %get3A_271, %mul3A_272 : vector<16xf32>
        %max3A_274 = arith.constant 0.000000e+00 : f32
        %max3A_275 = vector.broadcast %max3A_274 : f32 to vector<16xf32>
        %max3A_276 = arith.maximumf %add3A_273, %max3A_275 : vector<16xf32>
        %swap3A_277 = arith.constant 0 : i32
        %swap3A_278 = arith.index_cast %swap3A_277 : i32 to index
        %swap3A_279 = arith.index_cast %scan3A_232 : i32 to index
        %swap3A_280 = arith.constant 32 : index
        %swap3A_281 = tpu.vector_load %arg12[%swap3A_278, %swap3A_279, %swap3A_280] {strides = array<i32>} : memref<2x128x128xf32, #tpu.memory_space<vmem>>, vector<16xf32>,
        tpu.vector_store %arg12[%swap3A_278, %swap3A_279, %swap3A_280], %max3A_276 {strides = array<i32>} : memref<2x128x128xf32, #tpu.memory_space<vmem>>, vector<16xf32>,
        %get3A_282 = arith.constant 0 : i32
        %get3A_283 = arith.index_cast %get3A_282 : i32 to index
        %get3A_284 = arith.index_cast %scan3A_232 : i32 to index
        %get3A_285 = arith.constant 48 : index
        %get3A_286 = tpu.vector_load %arg12[%get3A_283, %get3A_284, %get3A_285] {strides = array<i32>} : memref<2x128x128xf32, #tpu.memory_space<vmem>>, vector<16xf32>,
        %mul3A_287 = arith.mulf %gather3A_236, %get3A_9 : vector<16xf32>
        %add3A_288 = arith.addf %get3A_286, %mul3A_287 : vector<16xf32>
        %max3A_289 = arith.constant 0.000000e+00 : f32
        %max3A_290 = vector.broadcast %max3A_289 : f32 to vector<16xf32>
        %max3A_291 = arith.maximumf %add3A_288, %max3A_290 : vector<16xf32>
        %swap3A_292 = arith.constant 0 : i32
        %swap3A_293 = arith.index_cast %swap3A_292 : i32 to index
        %swap3A_294 = arith.index_cast %scan3A_232 : i32 to index
        %swap3A_295 = arith.constant 48 : index
        %swap3A_296 = tpu.vector_load %arg12[%swap3A_293, %swap3A_294, %swap3A_295] {strides = array<i32>} : memref<2x128x128xf32, #tpu.memory_space<vmem>>, vector<16xf32>,
        tpu.vector_store %arg12[%swap3A_293, %swap3A_294, %swap3A_295], %max3A_291 {strides = array<i32>} : memref<2x128x128xf32, #tpu.memory_space<vmem>>, vector<16xf32>,
        %get3A_297 = arith.constant 0 : i32
        %get3A_298 = arith.index_cast %get3A_297 : i32 to index
        %get3A_299 = arith.index_cast %scan3A_232 : i32 to index
        %get3A_300 = arith.constant 64 : index
        %get3A_301 = tpu.vector_load %arg12[%get3A_298, %get3A_299, %get3A_300] {strides = array<i32>} : memref<2x128x128xf32, #tpu.memory_space<vmem>>, vector<16xf32>,
        %mul3A_302 = arith.mulf %gather3A_236, %get3A_11 : vector<16xf32>
        %add3A_303 = arith.addf %get3A_301, %mul3A_302 : vector<16xf32>
        %max3A_304 = arith.constant 0.000000e+00 : f32
        %max3A_305 = vector.broadcast %max3A_304 : f32 to vector<16xf32>
        %max3A_306 = arith.maximumf %add3A_303, %max3A_305 : vector<16xf32>
        %swap3A_307 = arith.constant 0 : i32
        %swap3A_308 = arith.index_cast %swap3A_307 : i32 to index
        %swap3A_309 = arith.index_cast %scan3A_232 : i32 to index
        %swap3A_310 = arith.constant 64 : index
        %swap3A_311 = tpu.vector_load %arg12[%swap3A_308, %swap3A_309, %swap3A_310] {strides = array<i32>} : memref<2x128x128xf32, #tpu.memory_space<vmem>>, vector<16xf32>,
        tpu.vector_store %arg12[%swap3A_308, %swap3A_309, %swap3A_310], %max3A_306 {strides = array<i32>} : memref<2x128x128xf32, #tpu.memory_space<vmem>>, vector<16xf32>,
        %get3A_312 = arith.constant 0 : i32
        %get3A_313 = arith.index_cast %get3A_312 : i32 to index
        %get3A_314 = arith.index_cast %scan3A_232 : i32 to index
        %get3A_315 = arith.constant 80 : index
        %get3A_316 = tpu.vector_load %arg12[%get3A_313, %get3A_314, %get3A_315] {strides = array<i32>} : memref<2x128x128xf32, #tpu.memory_space<vmem>>, vector<16xf32>,
        %mul3A_317 = arith.mulf %gather3A_236, %get3A_13 : vector<16xf32>
        %add3A_318 = arith.addf %get3A_316, %mul3A_317 : vector<16xf32>
        %max3A_319 = arith.constant 0.000000e+00 : f32
        %max3A_320 = vector.broadcast %max3A_319 : f32 to vector<16xf32>
        %max3A_321 = arith.maximumf %add3A_318, %max3A_320 : vector<16xf32>
        %swap3A_322 = arith.constant 0 : i32
        %swap3A_323 = arith.index_cast %swap3A_322 : i32 to index
        %swap3A_324 = arith.index_cast %scan3A_232 : i32 to index
        %swap3A_325 = arith.constant 80 : index
        %swap3A_326 = tpu.vector_load %arg12[%swap3A_323, %swap3A_324, %swap3A_325] {strides = array<i32>} : memref<2x128x128xf32, #tpu.memory_space<vmem>>, vector<16xf32>,
        tpu.vector_store %arg12[%swap3A_323, %swap3A_324, %swap3A_325], %max3A_321 {strides = array<i32>} : memref<2x128x128xf32, #tpu.memory_space<vmem>>, vector<16xf32>,
        %get3A_327 = arith.constant 0 : i32
        %get3A_328 = arith.index_cast %get3A_327 : i32 to index
        %get3A_329 = arith.index_cast %scan3A_232 : i32 to index
        %get3A_330 = arith.constant 96 : index
        %get3A_331 = tpu.vector_load %arg12[%get3A_328, %get3A_329, %get3A_330] {strides = array<i32>} : memref<2x128x128xf32, #tpu.memory_space<vmem>>, vector<16xf32>,
        %mul3A_332 = arith.mulf %gather3A_236, %get3A_15 : vector<16xf32>
        %add3A_333 = arith.addf %get3A_331, %mul3A_332 : vector<16xf32>
        %max3A_334 = arith.constant 0.000000e+00 : f32
        %max3A_335 = vector.broadcast %max3A_334 : f32 to vector<16xf32>
        %max3A_336 = arith.maximumf %add3A_333, %max3A_335 : vector<16xf32>
        %swap3A_337 = arith.constant 0 : i32
        %swap3A_338 = arith.index_cast %swap3A_337 : i32 to index
        %swap3A_339 = arith.index_cast %scan3A_232 : i32 to index
        %swap3A_340 = arith.constant 96 : index
        %swap3A_341 = tpu.vector_load %arg12[%swap3A_338, %swap3A_339, %swap3A_340] {strides = array<i32>} : memref<2x128x128xf32, #tpu.memory_space<vmem>>, vector<16xf32>,
        tpu.vector_store %arg12[%swap3A_338, %swap3A_339, %swap3A_340], %max3A_336 {strides = array<i32>} : memref<2x128x128xf32, #tpu.memory_space<vmem>>, vector<16xf32>,
        %get3A_342 = arith.constant 0 : i32
        %get3A_343 = arith.index_cast %get3A_342 : i32 to index
        %get3A_344 = arith.index_cast %scan3A_232 : i32 to index
        %get3A_345 = arith.constant 112 : index
        %get3A_346 = tpu.vector_load %arg12[%get3A_343, %get3A_344, %get3A_345] {strides = array<i32>} : memref<2x128x128xf32, #tpu.memory_space<vmem>>, vector<16xf32>,
        %mul3A_347 = arith.mulf %gather3A_236, %get3A_17 : vector<16xf32>
        %add3A_348 = arith.addf %get3A_346, %mul3A_347 : vector<16xf32>
        %max3A_349 = arith.constant 0.000000e+00 : f32
        %max3A_350 = vector.broadcast %max3A_349 : f32 to vector<16xf32>
        %max3A_351 = arith.maximumf %add3A_348, %max3A_350 : vector<16xf32>
        %swap3A_352 = arith.constant 0 : i32
        %swap3A_353 = arith.index_cast %swap3A_352 : i32 to index
        %swap3A_354 = arith.index_cast %scan3A_232 : i32 to index
        %swap3A_355 = arith.constant 112 : index
        %swap3A_356 = tpu.vector_load %arg12[%swap3A_353, %swap3A_354, %swap3A_355] {strides = array<i32>} : memref<2x128x128xf32, #tpu.memory_space<vmem>>, vector<16xf32>,
        tpu.vector_store %arg12[%swap3A_353, %swap3A_354, %swap3A_355], %max3A_351 {strides = array<i32>} : memref<2x128x128xf32, #tpu.memory_space<vmem>>, vector<16xf32>,
        %scan3A_357 = arith.constant 0 : i32
        %scan3A_358 = arith.constant 2 : i32
        %scan3A_359 = arith.addi %scan3A_108, %scan3A_358 : i32
        %broadcast_in_dim3A_360 = arith.constant 0 : i32
        %broadcast_in_dim3A_361 = vector.broadcast %broadcast_in_dim3A_360 : i32 to vector<16xi32>
        %broadcast_in_dim3A_362 = vector.broadcast %scan3A_359 : i32 to vector<16xi32>
        %gather3A_363 = tpu.vector_load_idx %arg11[%broadcast_in_dim3A_361, %broadcast_in_dim3A_362] : memref<2x128xf32, #tpu.memory_space<vmem>>[vector<16xi32>, vector<16xi32>], vector<16xf32>,
        %get3A_364 = arith.constant 0 : i32
        %get3A_365 = arith.index_cast %get3A_364 : i32 to index
        %get3A_366 = arith.index_cast %scan3A_359 : i32 to index
        %get3A_367 = arith.constant 0 : index
        %get3A_368 = tpu.vector_load %arg12[%get3A_365, %get3A_366, %get3A_367] {strides = array<i32>} : memref<2x128x128xf32, #tpu.memory_space<vmem>>, vector<16xf32>,
        %mul3A_369 = arith.mulf %gather3A_363, %get3A_3 : vector<16xf32>
        %add3A_370 = arith.addf %get3A_368, %mul3A_369 : vector<16xf32>
        %max3A_371 = arith.constant 0.000000e+00 : f32
        %max3A_372 = vector.broadcast %max3A_371 : f32 to vector<16xf32>
        %max3A_373 = arith.maximumf %add3A_370, %max3A_372 : vector<16xf32>
        %swap3A_374 = arith.constant 0 : i32
        %swap3A_375 = arith.index_cast %swap3A_374 : i32 to index
        %swap3A_376 = arith.index_cast %scan3A_359 : i32 to index
        %swap3A_377 = arith.constant 0 : index
        %swap3A_378 = tpu.vector_load %arg12[%swap3A_375, %swap3A_376, %swap3A_377] {strides = array<i32>} : memref<2x128x128xf32, #tpu.memory_space<vmem>>, vector<16xf32>,
        tpu.vector_store %arg12[%swap3A_375, %swap3A_376, %swap3A_377], %max3A_373 {strides = array<i32>} : memref<2x128x128xf32, #tpu.memory_space<vmem>>, vector<16xf32>,
        %get3A_379 = arith.constant 0 : i32
        %get3A_380 = arith.index_cast %get3A_379 : i32 to index
        %get3A_381 = arith.index_cast %scan3A_359 : i32 to index
        %get3A_382 = arith.constant 16 : index
        %get3A_383 = tpu.vector_load %arg12[%get3A_380, %get3A_381, %get3A_382] {strides = array<i32>} : memref<2x128x128xf32, #tpu.memory_space<vmem>>, vector<16xf32>,
        %mul3A_384 = arith.mulf %gather3A_363, %get3A_5 : vector<16xf32>
        %add3A_385 = arith.addf %get3A_383, %mul3A_384 : vector<16xf32>
        %max3A_386 = arith.constant 0.000000e+00 : f32
        %max3A_387 = vector.broadcast %max3A_386 : f32 to vector<16xf32>
        %max3A_388 = arith.maximumf %add3A_385, %max3A_387 : vector<16xf32>
        %swap3A_389 = arith.constant 0 : i32
        %swap3A_390 = arith.index_cast %swap3A_389 : i32 to index
        %swap3A_391 = arith.index_cast %scan3A_359 : i32 to index
        %swap3A_392 = arith.constant 16 : index
        %swap3A_393 = tpu.vector_load %arg12[%swap3A_390, %swap3A_391, %swap3A_392] {strides = array<i32>} : memref<2x128x128xf32, #tpu.memory_space<vmem>>, vector<16xf32>,
        tpu.vector_store %arg12[%swap3A_390, %swap3A_391, %swap3A_392], %max3A_388 {strides = array<i32>} : memref<2x128x128xf32, #tpu.memory_space<vmem>>, vector<16xf32>,
        %get3A_394 = arith.constant 0 : i32
        %get3A_395 = arith.index_cast %get3A_394 : i32 to index
        %get3A_396 = arith.index_cast %scan3A_359 : i32 to index
        %get3A_397 = arith.constant 32 : index
        %get3A_398 = tpu.vector_load %arg12[%get3A_395, %get3A_396, %get3A_397] {strides = array<i32>} : memref<2x128x128xf32, #tpu.memory_space<vmem>>, vector<16xf32>,
        %mul3A_399 = arith.mulf %gather3A_363, %get3A_7 : vector<16xf32>
        %add3A_400 = arith.addf %get3A_398, %mul3A_399 : vector<16xf32>
        %max3A_401 = arith.constant 0.000000e+00 : f32
        %max3A_402 = vector.broadcast %max3A_401 : f32 to vector<16xf32>
        %max3A_403 = arith.maximumf %add3A_400, %max3A_402 : vector<16xf32>
        %swap3A_404 = arith.constant 0 : i32
        %swap3A_405 = arith.index_cast %swap3A_404 : i32 to index
        %swap3A_406 = arith.index_cast %scan3A_359 : i32 to index
        %swap3A_407 = arith.constant 32 : index
        %swap3A_408 = tpu.vector_load %arg12[%swap3A_405, %swap3A_406, %swap3A_407] {strides = array<i32>} : memref<2x128x128xf32, #tpu.memory_space<vmem>>, vector<16xf32>,
        tpu.vector_store %arg12[%swap3A_405, %swap3A_406, %swap3A_407], %max3A_403 {strides = array<i32>} : memref<2x128x128xf32, #tpu.memory_space<vmem>>, vector<16xf32>,
        %get3A_409 = arith.constant 0 : i32
        %get3A_410 = arith.index_cast %get3A_409 : i32 to index
        %get3A_411 = arith.index_cast %scan3A_359 : i32 to index
        %get3A_412 = arith.constant 48 : index
        %get3A_413 = tpu.vector_load %arg12[%get3A_410, %get3A_411, %get3A_412] {strides = array<i32>} : memref<2x128x128xf32, #tpu.memory_space<vmem>>, vector<16xf32>,
        %mul3A_414 = arith.mulf %gather3A_363, %get3A_9 : vector<16xf32>
        %add3A_415 = arith.addf %get3A_413, %mul3A_414 : vector<16xf32>
        %max3A_416 = arith.constant 0.000000e+00 : f32
        %max3A_417 = vector.broadcast %max3A_416 : f32 to vector<16xf32>
        %max3A_418 = arith.maximumf %add3A_415, %max3A_417 : vector<16xf32>
        %swap3A_419 = arith.constant 0 : i32
        %swap3A_420 = arith.index_cast %swap3A_419 : i32 to index
        %swap3A_421 = arith.index_cast %scan3A_359 : i32 to index
        %swap3A_422 = arith.constant 48 : index
        %swap3A_423 = tpu.vector_load %arg12[%swap3A_420, %swap3A_421, %swap3A_422] {strides = array<i32>} : memref<2x128x128xf32, #tpu.memory_space<vmem>>, vector<16xf32>,
        tpu.vector_store %arg12[%swap3A_420, %swap3A_421, %swap3A_422], %max3A_418 {strides = array<i32>} : memref<2x128x128xf32, #tpu.memory_space<vmem>>, vector<16xf32>,
        %get3A_424 = arith.constant 0 : i32
        %get3A_425 = arith.index_cast %get3A_424 : i32 to index
        %get3A_426 = arith.index_cast %scan3A_359 : i32 to index
        %get3A_427 = arith.constant 64 : index
        %get3A_428 = tpu.vector_load %arg12[%get3A_425, %get3A_426, %get3A_427] {strides = array<i32>} : memref<2x128x128xf32, #tpu.memory_space<vmem>>, vector<16xf32>,
        %mul3A_429 = arith.mulf %gather3A_363, %get3A_11 : vector<16xf32>
        %add3A_430 = arith.addf %get3A_428, %mul3A_429 : vector<16xf32>
        %max3A_431 = arith.constant 0.000000e+00 : f32
        %max3A_432 = vector.broadcast %max3A_431 : f32 to vector<16xf32>
        %max3A_433 = arith.maximumf %add3A_430, %max3A_432 : vector<16xf32>
        %swap3A_434 = arith.constant 0 : i32
        %swap3A_435 = arith.index_cast %swap3A_434 : i32 to index
        %swap3A_436 = arith.index_cast %scan3A_359 : i32 to index
        %swap3A_437 = arith.constant 64 : index
        %swap3A_438 = tpu.vector_load %arg12[%swap3A_435, %swap3A_436, %swap3A_437] {strides = array<i32>} : memref<2x128x128xf32, #tpu.memory_space<vmem>>, vector<16xf32>,
        tpu.vector_store %arg12[%swap3A_435, %swap3A_436, %swap3A_437], %max3A_433 {strides = array<i32>} : memref<2x128x128xf32, #tpu.memory_space<vmem>>, vector<16xf32>,
        %get3A_439 = arith.constant 0 : i32
        %get3A_440 = arith.index_cast %get3A_439 : i32 to index
        %get3A_441 = arith.index_cast %scan3A_359 : i32 to index
        %get3A_442 = arith.constant 80 : index
        %get3A_443 = tpu.vector_load %arg12[%get3A_440, %get3A_441, %get3A_442] {strides = array<i32>} : memref<2x128x128xf32, #tpu.memory_space<vmem>>, vector<16xf32>,
        %mul3A_444 = arith.mulf %gather3A_363, %get3A_13 : vector<16xf32>
        %add3A_445 = arith.addf %get3A_443, %mul3A_444 : vector<16xf32>
        %max3A_446 = arith.constant 0.000000e+00 : f32
        %max3A_447 = vector.broadcast %max3A_446 : f32 to vector<16xf32>
        %max3A_448 = arith.maximumf %add3A_445, %max3A_447 : vector<16xf32>
        %swap3A_449 = arith.constant 0 : i32
        %swap3A_450 = arith.index_cast %swap3A_449 : i32 to index
        %swap3A_451 = arith.index_cast %scan3A_359 : i32 to index
        %swap3A_452 = arith.constant 80 : index
        %swap3A_453 = tpu.vector_load %arg12[%swap3A_450, %swap3A_451, %swap3A_452] {strides = array<i32>} : memref<2x128x128xf32, #tpu.memory_space<vmem>>, vector<16xf32>,
        tpu.vector_store %arg12[%swap3A_450, %swap3A_451, %swap3A_452], %max3A_448 {strides = array<i32>} : memref<2x128x128xf32, #tpu.memory_space<vmem>>, vector<16xf32>,
        %get3A_454 = arith.constant 0 : i32
        %get3A_455 = arith.index_cast %get3A_454 : i32 to index
        %get3A_456 = arith.index_cast %scan3A_359 : i32 to index
        %get3A_457 = arith.constant 96 : index
        %get3A_458 = tpu.vector_load %arg12[%get3A_455, %get3A_456, %get3A_457] {strides = array<i32>} : memref<2x128x128xf32, #tpu.memory_space<vmem>>, vector<16xf32>,
        %mul3A_459 = arith.mulf %gather3A_363, %get3A_15 : vector<16xf32>
        %add3A_460 = arith.addf %get3A_458, %mul3A_459 : vector<16xf32>
        %max3A_461 = arith.constant 0.000000e+00 : f32
        %max3A_462 = vector.broadcast %max3A_461 : f32 to vector<16xf32>
        %max3A_463 = arith.maximumf %add3A_460, %max3A_462 : vector<16xf32>
        %swap3A_464 = arith.constant 0 : i32
        %swap3A_465 = arith.index_cast %swap3A_464 : i32 to index
        %swap3A_466 = arith.index_cast %scan3A_359 : i32 to index
        %swap3A_467 = arith.constant 96 : index
        %swap3A_468 = tpu.vector_load %arg12[%swap3A_465, %swap3A_466, %swap3A_467] {strides = array<i32>} : memref<2x128x128xf32, #tpu.memory_space<vmem>>, vector<16xf32>,
        tpu.vector_store %arg12[%swap3A_465, %swap3A_466, %swap3A_467], %max3A_463 {strides = array<i32>} : memref<2x128x128xf32, #tpu.memory_space<vmem>>, vector<16xf32>,
        %get3A_469 = arith.constant 0 : i32
        %get3A_470 = arith.index_cast %get3A_469 : i32 to index
        %get3A_471 = arith.index_cast %scan3A_359 : i32 to index
        %get3A_472 = arith.constant 112 : index
        %get3A_473 = tpu.vector_load %arg12[%get3A_470, %get3A_471, %get3A_472] {strides = array<i32>} : memref<2x128x128xf32, #tpu.memory_space<vmem>>, vector<16xf32>,
        %mul3A_474 = arith.mulf %gather3A_363, %get3A_17 : vector<16xf32>
        %add3A_475 = arith.addf %get3A_473, %mul3A_474 : vector<16xf32>
        %max3A_476 = arith.constant 0.000000e+00 : f32
        %max3A_477 = vector.broadcast %max3A_476 : f32 to vector<16xf32>
        %max3A_478 = arith.maximumf %add3A_475, %max3A_477 : vector<16xf32>
        %swap3A_479 = arith.constant 0 : i32
        %swap3A_480 = arith.index_cast %swap3A_479 : i32 to index
        %swap3A_481 = arith.index_cast %scan3A_359 : i32 to index
        %swap3A_482 = arith.constant 112 : index
        %swap3A_483 = tpu.vector_load %arg12[%swap3A_480, %swap3A_481, %swap3A_482] {strides = array<i32>} : memref<2x128x128xf32, #tpu.memory_space<vmem>>, vector<16xf32>,
        tpu.vector_store %arg12[%swap3A_480, %swap3A_481, %swap3A_482], %max3A_478 {strides = array<i32>} : memref<2x128x128xf32, #tpu.memory_space<vmem>>, vector<16xf32>,
        %scan3A_484 = arith.constant 0 : i32
        %scan3A_485 = arith.constant 3 : i32
        %scan3A_486 = arith.addi %scan3A_108, %scan3A_485 : i32
        %broadcast_in_dim3A_487 = arith.constant 0 : i32
        %broadcast_in_dim3A_488 = vector.broadcast %broadcast_in_dim3A_487 : i32 to vector<16xi32>
        %broadcast_in_dim3A_489 = vector.broadcast %scan3A_486 : i32 to vector<16xi32>
        %gather3A_490 = tpu.vector_load_idx %arg11[%broadcast_in_dim3A_488, %broadcast_in_dim3A_489] : memref<2x128xf32, #tpu.memory_space<vmem>>[vector<16xi32>, vector<16xi32>], vector<16xf32>,
        %get3A_491 = arith.constant 0 : i32
        %get3A_492 = arith.index_cast %get3A_491 : i32 to index
        %get3A_493 = arith.index_cast %scan3A_486 : i32 to index
        %get3A_494 = arith.constant 0 : index
        %get3A_495 = tpu.vector_load %arg12[%get3A_492, %get3A_493, %get3A_494] {strides = array<i32>} : memref<2x128x128xf32, #tpu.memory_space<vmem>>, vector<16xf32>,
        %mul3A_496 = arith.mulf %gather3A_490, %get3A_3 : vector<16xf32>
        %add3A_497 = arith.addf %get3A_495, %mul3A_496 : vector<16xf32>
        %max3A_498 = arith.constant 0.000000e+00 : f32
        %max3A_499 = vector.broadcast %max3A_498 : f32 to vector<16xf32>
        %max3A_500 = arith.maximumf %add3A_497, %max3A_499 : vector<16xf32>
        %swap3A_501 = arith.constant 0 : i32
        %swap3A_502 = arith.index_cast %swap3A_501 : i32 to index
        %swap3A_503 = arith.index_cast %scan3A_486 : i32 to index
        %swap3A_504 = arith.constant 0 : index
        %swap3A_505 = tpu.vector_load %arg12[%swap3A_502, %swap3A_503, %swap3A_504] {strides = array<i32>} : memref<2x128x128xf32, #tpu.memory_space<vmem>>, vector<16xf32>,
        tpu.vector_store %arg12[%swap3A_502, %swap3A_503, %swap3A_504], %max3A_500 {strides = array<i32>} : memref<2x128x128xf32, #tpu.memory_space<vmem>>, vector<16xf32>,
        %get3A_506 = arith.constant 0 : i32
        %get3A_507 = arith.index_cast %get3A_506 : i32 to index
        %get3A_508 = arith.index_cast %scan3A_486 : i32 to index
        %get3A_509 = arith.constant 16 : index
        %get3A_510 = tpu.vector_load %arg12[%get3A_507, %get3A_508, %get3A_509] {strides = array<i32>} : memref<2x128x128xf32, #tpu.memory_space<vmem>>, vector<16xf32>,
        %mul3A_511 = arith.mulf %gather3A_490, %get3A_5 : vector<16xf32>
        %add3A_512 = arith.addf %get3A_510, %mul3A_511 : vector<16xf32>
        %max3A_513 = arith.constant 0.000000e+00 : f32
        %max3A_514 = vector.broadcast %max3A_513 : f32 to vector<16xf32>
        %max3A_515 = arith.maximumf %add3A_512, %max3A_514 : vector<16xf32>
        %swap3A_516 = arith.constant 0 : i32
        %swap3A_517 = arith.index_cast %swap3A_516 : i32 to index
        %swap3A_518 = arith.index_cast %scan3A_486 : i32 to index
        %swap3A_519 = arith.constant 16 : index
        %swap3A_520 = tpu.vector_load %arg12[%swap3A_517, %swap3A_518, %swap3A_519] {strides = array<i32>} : memref<2x128x128xf32, #tpu.memory_space<vmem>>, vector<16xf32>,
        tpu.vector_store %arg12[%swap3A_517, %swap3A_518, %swap3A_519], %max3A_515 {strides = array<i32>} : memref<2x128x128xf32, #tpu.memory_space<vmem>>, vector<16xf32>,
        %get3A_521 = arith.constant 0 : i32
        %get3A_522 = arith.index_cast %get3A_521 : i32 to index
        %get3A_523 = arith.index_cast %scan3A_486 : i32 to index
        %get3A_524 = arith.constant 32 : index
        %get3A_525 = tpu.vector_load %arg12[%get3A_522, %get3A_523, %get3A_524] {strides = array<i32>} : memref<2x128x128xf32, #tpu.memory_space<vmem>>, vector<16xf32>,
        %mul3A_526 = arith.mulf %gather3A_490, %get3A_7 : vector<16xf32>
        %add3A_527 = arith.addf %get3A_525, %mul3A_526 : vector<16xf32>
        %max3A_528 = arith.constant 0.000000e+00 : f32
        %max3A_529 = vector.broadcast %max3A_528 : f32 to vector<16xf32>
        %max3A_530 = arith.maximumf %add3A_527, %max3A_529 : vector<16xf32>
        %swap3A_531 = arith.constant 0 : i32
        %swap3A_532 = arith.index_cast %swap3A_531 : i32 to index
        %swap3A_533 = arith.index_cast %scan3A_486 : i32 to index
        %swap3A_534 = arith.constant 32 : index
        %swap3A_535 = tpu.vector_load %arg12[%swap3A_532, %swap3A_533, %swap3A_534] {strides = array<i32>} : memref<2x128x128xf32, #tpu.memory_space<vmem>>, vector<16xf32>,
        tpu.vector_store %arg12[%swap3A_532, %swap3A_533, %swap3A_534], %max3A_530 {strides = array<i32>} : memref<2x128x128xf32, #tpu.memory_space<vmem>>, vector<16xf32>,
        %get3A_536 = arith.constant 0 : i32
        %get3A_537 = arith.index_cast %get3A_536 : i32 to index
        %get3A_538 = arith.index_cast %scan3A_486 : i32 to index
        %get3A_539 = arith.constant 48 : index
        %get3A_540 = tpu.vector_load %arg12[%get3A_537, %get3A_538, %get3A_539] {strides = array<i32>} : memref<2x128x128xf32, #tpu.memory_space<vmem>>, vector<16xf32>,
        %mul3A_541 = arith.mulf %gather3A_490, %get3A_9 : vector<16xf32>
        %add3A_542 = arith.addf %get3A_540, %mul3A_541 : vector<16xf32>
        %max3A_543 = arith.constant 0.000000e+00 : f32
        %max3A_544 = vector.broadcast %max3A_543 : f32 to vector<16xf32>
        %max3A_545 = arith.maximumf %add3A_542, %max3A_544 : vector<16xf32>
        %swap3A_546 = arith.constant 0 : i32
        %swap3A_547 = arith.index_cast %swap3A_546 : i32 to index
        %swap3A_548 = arith.index_cast %scan3A_486 : i32 to index
        %swap3A_549 = arith.constant 48 : index
        %swap3A_550 = tpu.vector_load %arg12[%swap3A_547, %swap3A_548, %swap3A_549] {strides = array<i32>} : memref<2x128x128xf32, #tpu.memory_space<vmem>>, vector<16xf32>,
        tpu.vector_store %arg12[%swap3A_547, %swap3A_548, %swap3A_549], %max3A_545 {strides = array<i32>} : memref<2x128x128xf32, #tpu.memory_space<vmem>>, vector<16xf32>,
        %get3A_551 = arith.constant 0 : i32
        %get3A_552 = arith.index_cast %get3A_551 : i32 to index
        %get3A_553 = arith.index_cast %scan3A_486 : i32 to index
        %get3A_554 = arith.constant 64 : index
        %get3A_555 = tpu.vector_load %arg12[%get3A_552, %get3A_553, %get3A_554] {strides = array<i32>} : memref<2x128x128xf32, #tpu.memory_space<vmem>>, vector<16xf32>,
        %mul3A_556 = arith.mulf %gather3A_490, %get3A_11 : vector<16xf32>
        %add3A_557 = arith.addf %get3A_555, %mul3A_556 : vector<16xf32>
        %max3A_558 = arith.constant 0.000000e+00 : f32
        %max3A_559 = vector.broadcast %max3A_558 : f32 to vector<16xf32>
        %max3A_560 = arith.maximumf %add3A_557, %max3A_559 : vector<16xf32>
        %swap3A_561 = arith.constant 0 : i32
        %swap3A_562 = arith.index_cast %swap3A_561 : i32 to index
        %swap3A_563 = arith.index_cast %scan3A_486 : i32 to index
        %swap3A_564 = arith.constant 64 : index
        %swap3A_565 = tpu.vector_load %arg12[%swap3A_562, %swap3A_563, %swap3A_564] {strides = array<i32>} : memref<2x128x128xf32, #tpu.memory_space<vmem>>, vector<16xf32>,
        tpu.vector_store %arg12[%swap3A_562, %swap3A_563, %swap3A_564], %max3A_560 {strides = array<i32>} : memref<2x128x128xf32, #tpu.memory_space<vmem>>, vector<16xf32>,
        %get3A_566 = arith.constant 0 : i32
        %get3A_567 = arith.index_cast %get3A_566 : i32 to index
        %get3A_568 = arith.index_cast %scan3A_486 : i32 to index
        %get3A_569 = arith.constant 80 : index
        %get3A_570 = tpu.vector_load %arg12[%get3A_567, %get3A_568, %get3A_569] {strides = array<i32>} : memref<2x128x128xf32, #tpu.memory_space<vmem>>, vector<16xf32>,
        %mul3A_571 = arith.mulf %gather3A_490, %get3A_13 : vector<16xf32>
        %add3A_572 = arith.addf %get3A_570, %mul3A_571 : vector<16xf32>
        %max3A_573 = arith.constant 0.000000e+00 : f32
        %max3A_574 = vector.broadcast %max3A_573 : f32 to vector<16xf32>
        %max3A_575 = arith.maximumf %add3A_572, %max3A_574 : vector<16xf32>
        %swap3A_576 = arith.constant 0 : i32
        %swap3A_577 = arith.index_cast %swap3A_576 : i32 to index
        %swap3A_578 = arith.index_cast %scan3A_486 : i32 to index
        %swap3A_579 = arith.constant 80 : index
        %swap3A_580 = tpu.vector_load %arg12[%swap3A_577, %swap3A_578, %swap3A_579] {strides = array<i32>} : memref<2x128x128xf32, #tpu.memory_space<vmem>>, vector<16xf32>,
        tpu.vector_store %arg12[%swap3A_577, %swap3A_578, %swap3A_579], %max3A_575 {strides = array<i32>} : memref<2x128x128xf32, #tpu.memory_space<vmem>>, vector<16xf32>,
        %get3A_581 = arith.constant 0 : i32
        %get3A_582 = arith.index_cast %get3A_581 : i32 to index
        %get3A_583 = arith.index_cast %scan3A_486 : i32 to index
        %get3A_584 = arith.constant 96 : index
        %get3A_585 = tpu.vector_load %arg12[%get3A_582, %get3A_583, %get3A_584] {strides = array<i32>} : memref<2x128x128xf32, #tpu.memory_space<vmem>>, vector<16xf32>,
        %mul3A_586 = arith.mulf %gather3A_490, %get3A_15 : vector<16xf32>
        %add3A_587 = arith.addf %get3A_585, %mul3A_586 : vector<16xf32>
        %max3A_588 = arith.constant 0.000000e+00 : f32
        %max3A_589 = vector.broadcast %max3A_588 : f32 to vector<16xf32>
        %max3A_590 = arith.maximumf %add3A_587, %max3A_589 : vector<16xf32>
        %swap3A_591 = arith.constant 0 : i32
        %swap3A_592 = arith.index_cast %swap3A_591 : i32 to index
        %swap3A_593 = arith.index_cast %scan3A_486 : i32 to index
        %swap3A_594 = arith.constant 96 : index
        %swap3A_595 = tpu.vector_load %arg12[%swap3A_592, %swap3A_593, %swap3A_594] {strides = array<i32>} : memref<2x128x128xf32, #tpu.memory_space<vmem>>, vector<16xf32>,
        tpu.vector_store %arg12[%swap3A_592, %swap3A_593, %swap3A_594], %max3A_590 {strides = array<i32>} : memref<2x128x128xf32, #tpu.memory_space<vmem>>, vector<16xf32>,
        %get3A_596 = arith.constant 0 : i32
        %get3A_597 = arith.index_cast %get3A_596 : i32 to index
        %get3A_598 = arith.index_cast %scan3A_486 : i32 to index
        %get3A_599 = arith.constant 112 : index
        %get3A_600 = tpu.vector_load %arg12[%get3A_597, %get3A_598, %get3A_599] {strides = array<i32>} : memref<2x128x128xf32, #tpu.memory_space<vmem>>, vector<16xf32>,
        %mul3A_601 = arith.mulf %gather3A_490, %get3A_17 : vector<16xf32>
        %add3A_602 = arith.addf %get3A_600, %mul3A_601 : vector<16xf32>
        %max3A_603 = arith.constant 0.000000e+00 : f32
        %max3A_604 = vector.broadcast %max3A_603 : f32 to vector<16xf32>
        %max3A_605 = arith.maximumf %add3A_602, %max3A_604 : vector<16xf32>
        %swap3A_606 = arith.constant 0 : i32
        %swap3A_607 = arith.index_cast %swap3A_606 : i32 to index
        %swap3A_608 = arith.index_cast %scan3A_486 : i32 to index
        %swap3A_609 = arith.constant 112 : index
        %swap3A_610 = tpu.vector_load %arg12[%swap3A_607, %swap3A_608, %swap3A_609] {strides = array<i32>} : memref<2x128x128xf32, #tpu.memory_space<vmem>>, vector<16xf32>,
        tpu.vector_store %arg12[%swap3A_607, %swap3A_608, %swap3A_609], %max3A_605 {strides = array<i32>} : memref<2x128x128xf32, #tpu.memory_space<vmem>>, vector<16xf32>,
        %scan3A_611 = arith.constant 0 : i32
        scf.yield %scan3A_611 : i32
      }
      %scan3A_72 = arith.constant 128 : i32
      %run_scoped3A_73 = arith.constant 0 : i32
      %run_scoped3A_74 = arith.constant 0 : i32
      "tpu.region"() ({
        %run_scoped3A_108 = tpu.sem_alloc : memref<!tpu.dma_semaphore, #tpu.memory_space<semaphore_mem>>
        %dma_start3A_109 = arith.constant 0 : i32
        %dma_start3A_110 = arith.constant 0 : i32
        %dma_start3A_111 = tpu.memref_slice %arg12[%run_scoped3A_73, %dma_start3A_109, %dma_start3A_110] : memref<2x128x128xf32, #tpu.memory_space<vmem>> -> memref<1x128x128xf32, #tpu.memory_space<vmem>>
        %dma_start3A_112 = tpu.memref_squeeze %dma_start3A_111 : memref<1x128x128xf32, #tpu.memory_space<vmem>> -> memref<128x128xf32, #tpu.memory_space<vmem>>
        %dma_start3A_113 = arith.constant 0 : i32
        %dma_start3A_114 = tpu.memref_slice %arg10[%run_scoped3A_74, %dma_start3A_113] : memref<2x128xi32, #tpu.memory_space<vmem>> -> memref<1x128xi32, #tpu.memory_space<vmem>>
        %dma_start3A_115 = tpu.memref_squeeze %dma_start3A_114 : memref<1x128xi32, #tpu.memory_space<vmem>> -> memref<128xi32, #tpu.memory_space<vmem>>
        %dma_start3A_116 = arith.constant 0 : i32
        %dma_start3A_117 = arith.constant 0 : i32
        %dma_start3A_118 = tpu.memref_slice %arg14[%dma_start3A_116, %dma_start3A_117] : memref<10240x128xf32, #tpu.memory_space<vmem_shared>> -> memref<10240x128xf32, #tpu.memory_space<vmem_shared>>
        tpu.enqueue_indirect_dma source(%dma_start3A_112 : memref<128x128xf32, #tpu.memory_space<vmem>>) target(%dma_start3A_118 : memref<10240x128xf32, #tpu.memory_space<vmem_shared>>) offsets(%dma_start3A_115 : memref<128xi32, #tpu.memory_space<vmem>>) semaphore(%run_scoped3A_108 : memref<!tpu.dma_semaphore, #tpu.memory_space<semaphore_mem>>) {add = true}
        %dma_wait3A_119 = arith.constant 0 : i32
        %dma_wait3A_120 = arith.constant 0 : i32
        %dma_wait3A_121 = tpu.memref_slice %arg12[%run_scoped3A_73, %dma_wait3A_119, %dma_wait3A_120] : memref<2x128x128xf32, #tpu.memory_space<vmem>> -> memref<1x128x128xf32, #tpu.memory_space<vmem>>
        %dma_wait3A_122 = tpu.memref_squeeze %dma_wait3A_121 : memref<1x128x128xf32, #tpu.memory_space<vmem>> -> memref<128x128xf32, #tpu.memory_space<vmem>>
        %dma_wait3A_123 = arith.constant 0 : i32
        %dma_wait3A_124 = tpu.memref_slice %arg10[%run_scoped3A_74, %dma_wait3A_123] : memref<2x128xi32, #tpu.memory_space<vmem>> -> memref<1x128xi32, #tpu.memory_space<vmem>>
        %dma_wait3A_125 = tpu.memref_squeeze %dma_wait3A_124 : memref<1x128xi32, #tpu.memory_space<vmem>> -> memref<128xi32, #tpu.memory_space<vmem>>
        %dma_wait3A_126 = arith.constant 0 : i32
        %dma_wait3A_127 = arith.constant 0 : i32
        %dma_wait3A_128 = tpu.memref_slice %arg14[%dma_wait3A_126, %dma_wait3A_127] : memref<10240x128xf32, #tpu.memory_space<vmem_shared>> -> memref<10240x128xf32, #tpu.memory_space<vmem_shared>>
        tpu.wait_indirect_dma semaphore(%run_scoped3A_108 : memref<!tpu.dma_semaphore, #tpu.memory_space<semaphore_mem>>) src(%dma_wait3A_122 : memref<128x128xf32, #tpu.memory_space<vmem>>) dst(%dma_wait3A_128 : memref<10240x128xf32, #tpu.memory_space<vmem_shared>>)
        tpu.yield
      }) : () -> ()
      %mul3A_75 = arith.constant 2 : i32
      %mul3A_76 = arith.muli %mul3A_75, %scan3A_47 : i32
      %add3A_77 = arith.constant 1 : i32
      %add3A_78 = arith.addi %mul3A_76, %add3A_77 : i32
      %add3A_79 = arith.constant 1 : i32
      %add3A_80 = arith.addi %add3A_78, %add3A_79 : i32
      %lt3A_81 = arith.constant 40 : i32
      %lt3A_82 = arith.cmpi slt, %add3A_80, %lt3A_81 : i32
      %convert_element_type3A_83 = arith.extui %lt3A_82 : i1 to i32
      %cond3A_84 = arith.constant 0 : i32
      %cond3A_85 = arith.cmpi ne, %convert_element_type3A_83, %cond3A_84 : i32
      scf.if %cond3A_85 {
        %add3A_108 = arith.constant 1 : i32
        %add3A_109 = arith.addi %add3A_78, %add3A_108 : i32
        %mul3A_110 = arith.constant 40 : i32
        %mul3A_111 = arith.muli %add3A, %mul3A_110 : i32
        %add3A_112 = arith.addi %mul3A_111, %add3A_109 : i32
        %run_scoped3A_113 = arith.constant 0 : i32
        "tpu.region"() ({
          %run_scoped3A_128 = tpu.sem_alloc : memref<!tpu.dma_semaphore, #tpu.memory_space<semaphore_mem>>
          %dma_start3A_129 = arith.constant 0 : i32
          %dma_start3A_130 = tpu.memref_slice %arg9[%run_scoped3A_113, %dma_start3A_129] : memref<2x128xi32, #tpu.memory_space<vmem>> -> memref<1x128xi32, #tpu.memory_space<vmem>>
          %dma_start3A_131 = tpu.memref_squeeze %dma_start3A_130 : memref<1x128xi32, #tpu.memory_space<vmem>> -> memref<128xi32, #tpu.memory_space<vmem>>
          %dma_start3A_132 = arith.constant 0 : i32
          %dma_start3A_133 = tpu.memref_slice %arg3[%add3A_112, %dma_start3A_132] : memref<1280x128xi32, #tpu.memory_space<hbm>> -> memref<1x128xi32, #tpu.memory_space<hbm>>
          %dma_start3A_134 = tpu.memref_squeeze %dma_start3A_133 : memref<1x128xi32, #tpu.memory_space<hbm>> -> memref<128xi32, #tpu.memory_space<hbm>>
          %dma_start3A_135 = arith.constant 0 : i32
          %dma_start3A_136 = tpu.memref_slice %arg9[%run_scoped3A_113, %dma_start3A_135] : memref<2x128xi32, #tpu.memory_space<vmem>> -> memref<1x128xi32, #tpu.memory_space<vmem>>
          %dma_start3A_137 = tpu.memref_squeeze %dma_start3A_136 : memref<1x128xi32, #tpu.memory_space<vmem>> -> memref<128xi32, #tpu.memory_space<vmem>>
          %dma_start3A_138 = arith.constant 0 : i32
          %dma_start3A_139 = tpu.memref_slice %arg3[%add3A_112, %dma_start3A_138] : memref<1280x128xi32, #tpu.memory_space<hbm>> -> memref<1x128xi32, #tpu.memory_space<hbm>>
          %dma_start3A_140 = tpu.memref_squeeze %dma_start3A_139 : memref<1x128xi32, #tpu.memory_space<hbm>> -> memref<128xi32, #tpu.memory_space<hbm>>
          tpu.enqueue_dma source(%dma_start3A_140 : memref<128xi32, #tpu.memory_space<hbm>>) target(%dma_start3A_137 : memref<128xi32, #tpu.memory_space<vmem>>) target_semaphore(%run_scoped3A_128 : memref<!tpu.dma_semaphore, #tpu.memory_space<semaphore_mem>>)
          %dma_wait3A_141 = arith.constant 0 : i32
          %dma_wait3A_142 = tpu.memref_slice %arg9[%run_scoped3A_113, %dma_wait3A_141] : memref<2x128xi32, #tpu.memory_space<vmem>> -> memref<1x128xi32, #tpu.memory_space<vmem>>
          %dma_wait3A_143 = tpu.memref_squeeze %dma_wait3A_142 : memref<1x128xi32, #tpu.memory_space<vmem>> -> memref<128xi32, #tpu.memory_space<vmem>>
          %dma_wait3A_144 = arith.constant 0 : i32
          %dma_wait3A_145 = tpu.memref_slice %arg3[%add3A_112, %dma_wait3A_144] : memref<1280x128xi32, #tpu.memory_space<hbm>> -> memref<1x128xi32, #tpu.memory_space<hbm>>
          %dma_wait3A_146 = tpu.memref_squeeze %dma_wait3A_145 : memref<1x128xi32, #tpu.memory_space<hbm>> -> memref<128xi32, #tpu.memory_space<hbm>>
          %dma_wait3A_147 = arith.constant 0 : i32
          %dma_wait3A_148 = tpu.memref_slice %arg9[%run_scoped3A_113, %dma_wait3A_147] : memref<2x128xi32, #tpu.memory_space<vmem>> -> memref<1x128xi32, #tpu.memory_space<vmem>>
          %dma_wait3A_149 = tpu.memref_squeeze %dma_wait3A_148 : memref<1x128xi32, #tpu.memory_space<vmem>> -> memref<128xi32, #tpu.memory_space<vmem>>
          %dma_wait3A_150 = arith.constant 0 : i32
          %dma_wait3A_151 = tpu.memref_slice %arg3[%add3A_112, %dma_wait3A_150] : memref<1280x128xi32, #tpu.memory_space<hbm>> -> memref<1x128xi32, #tpu.memory_space<hbm>>
          %dma_wait3A_152 = tpu.memref_squeeze %dma_wait3A_151 : memref<1x128xi32, #tpu.memory_space<hbm>> -> memref<128xi32, #tpu.memory_space<hbm>>
          tpu.wait_dma2 semaphore(%run_scoped3A_128 : memref<!tpu.dma_semaphore, #tpu.memory_space<semaphore_mem>>) src(%dma_wait3A_152 : memref<128xi32, #tpu.memory_space<hbm>>) dst(%dma_wait3A_149 : memref<128xi32, #tpu.memory_space<vmem>>)
          tpu.yield
        }) : () -> ()
        %run_scoped3A_114 = arith.constant 0 : i32
        "tpu.region"() ({
          %run_scoped3A_128 = tpu.sem_alloc : memref<!tpu.dma_semaphore, #tpu.memory_space<semaphore_mem>>
          %dma_start3A_129 = arith.constant 0 : i32
          %dma_start3A_130 = tpu.memref_slice %arg10[%run_scoped3A_114, %dma_start3A_129] : memref<2x128xi32, #tpu.memory_space<vmem>> -> memref<1x128xi32, #tpu.memory_space<vmem>>
          %dma_start3A_131 = tpu.memref_squeeze %dma_start3A_130 : memref<1x128xi32, #tpu.memory_space<vmem>> -> memref<128xi32, #tpu.memory_space<vmem>>
          %dma_start3A_132 = arith.constant 0 : i32
          %dma_start3A_133 = tpu.memref_slice %arg4[%add3A_112, %dma_start3A_132] : memref<1280x128xi32, #tpu.memory_space<hbm>> -> memref<1x128xi32, #tpu.memory_space<hbm>>
          %dma_start3A_134 = tpu.memref_squeeze %dma_start3A_133 : memref<1x128xi32, #tpu.memory_space<hbm>> -> memref<128xi32, #tpu.memory_space<hbm>>
          %dma_start3A_135 = arith.constant 0 : i32
          %dma_start3A_136 = tpu.memref_slice %arg10[%run_scoped3A_114, %dma_start3A_135] : memref<2x128xi32, #tpu.memory_space<vmem>> -> memref<1x128xi32, #tpu.memory_space<vmem>>
          %dma_start3A_137 = tpu.memref_squeeze %dma_start3A_136 : memref<1x128xi32, #tpu.memory_space<vmem>> -> memref<128xi32, #tpu.memory_space<vmem>>
          %dma_start3A_138 = arith.constant 0 : i32
          %dma_start3A_139 = tpu.memref_slice %arg4[%add3A_112, %dma_start3A_138] : memref<1280x128xi32, #tpu.memory_space<hbm>> -> memref<1x128xi32, #tpu.memory_space<hbm>>
          %dma_start3A_140 = tpu.memref_squeeze %dma_start3A_139 : memref<1x128xi32, #tpu.memory_space<hbm>> -> memref<128xi32, #tpu.memory_space<hbm>>
          tpu.enqueue_dma source(%dma_start3A_140 : memref<128xi32, #tpu.memory_space<hbm>>) target(%dma_start3A_137 : memref<128xi32, #tpu.memory_space<vmem>>) target_semaphore(%run_scoped3A_128 : memref<!tpu.dma_semaphore, #tpu.memory_space<semaphore_mem>>)
          %dma_wait3A_141 = arith.constant 0 : i32
          %dma_wait3A_142 = tpu.memref_slice %arg10[%run_scoped3A_114, %dma_wait3A_141] : memref<2x128xi32, #tpu.memory_space<vmem>> -> memref<1x128xi32, #tpu.memory_space<vmem>>
          %dma_wait3A_143 = tpu.memref_squeeze %dma_wait3A_142 : memref<1x128xi32, #tpu.memory_space<vmem>> -> memref<128xi32, #tpu.memory_space<vmem>>
          %dma_wait3A_144 = arith.constant 0 : i32
          %dma_wait3A_145 = tpu.memref_slice %arg4[%add3A_112, %dma_wait3A_144] : memref<1280x128xi32, #tpu.memory_space<hbm>> -> memref<1x128xi32, #tpu.memory_space<hbm>>
          %dma_wait3A_146 = tpu.memref_squeeze %dma_wait3A_145 : memref<1x128xi32, #tpu.memory_space<hbm>> -> memref<128xi32, #tpu.memory_space<hbm>>
          %dma_wait3A_147 = arith.constant 0 : i32
          %dma_wait3A_148 = tpu.memref_slice %arg10[%run_scoped3A_114, %dma_wait3A_147] : memref<2x128xi32, #tpu.memory_space<vmem>> -> memref<1x128xi32, #tpu.memory_space<vmem>>
          %dma_wait3A_149 = tpu.memref_squeeze %dma_wait3A_148 : memref<1x128xi32, #tpu.memory_space<vmem>> -> memref<128xi32, #tpu.memory_space<vmem>>
          %dma_wait3A_150 = arith.constant 0 : i32
          %dma_wait3A_151 = tpu.memref_slice %arg4[%add3A_112, %dma_wait3A_150] : memref<1280x128xi32, #tpu.memory_space<hbm>> -> memref<1x128xi32, #tpu.memory_space<hbm>>
          %dma_wait3A_152 = tpu.memref_squeeze %dma_wait3A_151 : memref<1x128xi32, #tpu.memory_space<hbm>> -> memref<128xi32, #tpu.memory_space<hbm>>
          tpu.wait_dma2 semaphore(%run_scoped3A_128 : memref<!tpu.dma_semaphore, #tpu.memory_space<semaphore_mem>>) src(%dma_wait3A_152 : memref<128xi32, #tpu.memory_space<hbm>>) dst(%dma_wait3A_149 : memref<128xi32, #tpu.memory_space<vmem>>)
          tpu.yield
        }) : () -> ()
        %run_scoped3A_115 = arith.constant 0 : i32
        "tpu.region"() ({
          %run_scoped3A_128 = tpu.sem_alloc : memref<!tpu.dma_semaphore, #tpu.memory_space<semaphore_mem>>
          %dma_start3A_129 = arith.constant 0 : i32
          %dma_start3A_130 = tpu.memref_slice %arg11[%run_scoped3A_115, %dma_start3A_129] : memref<2x128xf32, #tpu.memory_space<vmem>> -> memref<1x128xf32, #tpu.memory_space<vmem>>
          %dma_start3A_131 = tpu.memref_squeeze %dma_start3A_130 : memref<1x128xf32, #tpu.memory_space<vmem>> -> memref<128xf32, #tpu.memory_space<vmem>>
          %dma_start3A_132 = arith.constant 0 : i32
          %dma_start3A_133 = tpu.memref_slice %arg5[%add3A_112, %dma_start3A_132] : memref<1280x128xf32, #tpu.memory_space<hbm>> -> memref<1x128xf32, #tpu.memory_space<hbm>>
          %dma_start3A_134 = tpu.memref_squeeze %dma_start3A_133 : memref<1x128xf32, #tpu.memory_space<hbm>> -> memref<128xf32, #tpu.memory_space<hbm>>
          %dma_start3A_135 = arith.constant 0 : i32
          %dma_start3A_136 = tpu.memref_slice %arg11[%run_scoped3A_115, %dma_start3A_135] : memref<2x128xf32, #tpu.memory_space<vmem>> -> memref<1x128xf32, #tpu.memory_space<vmem>>
          %dma_start3A_137 = tpu.memref_squeeze %dma_start3A_136 : memref<1x128xf32, #tpu.memory_space<vmem>> -> memref<128xf32, #tpu.memory_space<vmem>>
          %dma_start3A_138 = arith.constant 0 : i32
          %dma_start3A_139 = tpu.memref_slice %arg5[%add3A_112, %dma_start3A_138] : memref<1280x128xf32, #tpu.memory_space<hbm>> -> memref<1x128xf32, #tpu.memory_space<hbm>>
          %dma_start3A_140 = tpu.memref_squeeze %dma_start3A_139 : memref<1x128xf32, #tpu.memory_space<hbm>> -> memref<128xf32, #tpu.memory_space<hbm>>
          tpu.enqueue_dma source(%dma_start3A_140 : memref<128xf32, #tpu.memory_space<hbm>>) target(%dma_start3A_137 : memref<128xf32, #tpu.memory_space<vmem>>) target_semaphore(%run_scoped3A_128 : memref<!tpu.dma_semaphore, #tpu.memory_space<semaphore_mem>>)
          %dma_wait3A_141 = arith.constant 0 : i32
          %dma_wait3A_142 = tpu.memref_slice %arg11[%run_scoped3A_115, %dma_wait3A_141] : memref<2x128xf32, #tpu.memory_space<vmem>> -> memref<1x128xf32, #tpu.memory_space<vmem>>
          %dma_wait3A_143 = tpu.memref_squeeze %dma_wait3A_142 : memref<1x128xf32, #tpu.memory_space<vmem>> -> memref<128xf32, #tpu.memory_space<vmem>>
          %dma_wait3A_144 = arith.constant 0 : i32
          %dma_wait3A_145 = tpu.memref_slice %arg5[%add3A_112, %dma_wait3A_144] : memref<1280x128xf32, #tpu.memory_space<hbm>> -> memref<1x128xf32, #tpu.memory_space<hbm>>
          %dma_wait3A_146 = tpu.memref_squeeze %dma_wait3A_145 : memref<1x128xf32, #tpu.memory_space<hbm>> -> memref<128xf32, #tpu.memory_space<hbm>>
          %dma_wait3A_147 = arith.constant 0 : i32
          %dma_wait3A_148 = tpu.memref_slice %arg11[%run_scoped3A_115, %dma_wait3A_147] : memref<2x128xf32, #tpu.memory_space<vmem>> -> memref<1x128xf32, #tpu.memory_space<vmem>>
          %dma_wait3A_149 = tpu.memref_squeeze %dma_wait3A_148 : memref<1x128xf32, #tpu.memory_space<vmem>> -> memref<128xf32, #tpu.memory_space<vmem>>
          %dma_wait3A_150 = arith.constant 0 : i32
          %dma_wait3A_151 = tpu.memref_slice %arg5[%add3A_112, %dma_wait3A_150] : memref<1280x128xf32, #tpu.memory_space<hbm>> -> memref<1x128xf32, #tpu.memory_space<hbm>>
          %dma_wait3A_152 = tpu.memref_squeeze %dma_wait3A_151 : memref<1x128xf32, #tpu.memory_space<hbm>> -> memref<128xf32, #tpu.memory_space<hbm>>
          tpu.wait_dma2 semaphore(%run_scoped3A_128 : memref<!tpu.dma_semaphore, #tpu.memory_space<semaphore_mem>>) src(%dma_wait3A_152 : memref<128xf32, #tpu.memory_space<hbm>>) dst(%dma_wait3A_149 : memref<128xf32, #tpu.memory_space<vmem>>)
          tpu.yield
        }) : () -> ()
        %dma_start3A_116 = arith.constant 0 : i32
        %dma_start3A_117 = arith.constant 0 : i32
        %dma_start3A_118 = arith.constant 0 : i32
        %dma_start3A_119 = arith.constant 0 : i32
        %dma_start3A_120 = tpu.memref_slice %arg12[%dma_start3A_117, %dma_start3A_118, %dma_start3A_119] : memref<2x128x128xf32, #tpu.memory_space<vmem>> -> memref<1x128x128xf32, #tpu.memory_space<vmem>>
        %dma_start3A_121 = tpu.memref_squeeze %dma_start3A_120 : memref<1x128x128xf32, #tpu.memory_space<vmem>> -> memref<128x128xf32, #tpu.memory_space<vmem>>
        %dma_start3A_122 = arith.constant 0 : i32
        %dma_start3A_123 = tpu.memref_slice %arg9[%dma_start3A_116, %dma_start3A_122] : memref<2x128xi32, #tpu.memory_space<vmem>> -> memref<1x128xi32, #tpu.memory_space<vmem>>
        %dma_start3A_124 = tpu.memref_squeeze %dma_start3A_123 : memref<1x128xi32, #tpu.memory_space<vmem>> -> memref<128xi32, #tpu.memory_space<vmem>>
        %dma_start3A_125 = arith.constant 0 : i32
        %dma_start3A_126 = arith.constant 0 : i32
        %dma_start3A_127 = tpu.memref_slice %arg2[%dma_start3A_125, %dma_start3A_126] : memref<10000x128xf32, #tpu.memory_space<hbm>> -> memref<10000x128xf32, #tpu.memory_space<hbm>>
        tpu.enqueue_indirect_dma source(%dma_start3A_127 : memref<10000x128xf32, #tpu.memory_space<hbm>>) target(%dma_start3A_121 : memref<128x128xf32, #tpu.memory_space<vmem>>) offsets(%dma_start3A_124 : memref<128xi32, #tpu.memory_space<vmem>>) semaphore(%arg15 : memref<!tpu.dma_semaphore, #tpu.memory_space<semaphore_mem>>)
      } else {
      }
      %dma_wait3A_86 = arith.constant 1 : i32
      %dma_wait3A_87 = arith.constant 1 : i32
      %dma_wait3A_88 = arith.constant 0 : i32
      %dma_wait3A_89 = arith.constant 0 : i32
      %dma_wait3A_90 = tpu.memref_slice %arg12[%dma_wait3A_87, %dma_wait3A_88, %dma_wait3A_89] : memref<2x128x128xf32, #tpu.memory_space<vmem>> -> memref<1x128x128xf32, #tpu.memory_space<vmem>>
      %dma_wait3A_91 = tpu.memref_squeeze %dma_wait3A_90 : memref<1x128x128xf32, #tpu.memory_space<vmem>> -> memref<128x128xf32, #tpu.memory_space<vmem>>
      %dma_wait3A_92 = arith.constant 0 : i32
      %dma_wait3A_93 = tpu.memref_slice %arg9[%dma_wait3A_86, %dma_wait3A_92] : memref<2x128xi32, #tpu.memory_space<vmem>> -> memref<1x128xi32, #tpu.memory_space<vmem>>
      %dma_wait3A_94 = tpu.memref_squeeze %dma_wait3A_93 : memref<1x128xi32, #tpu.memory_space<vmem>> -> memref<128xi32, #tpu.memory_space<vmem>>
      %dma_wait3A_95 = arith.constant 0 : i32
      %dma_wait3A_96 = arith.constant 0 : i32
      %dma_wait3A_97 = tpu.memref_slice %arg2[%dma_wait3A_95, %dma_wait3A_96] : memref<10000x128xf32, #tpu.memory_space<hbm>> -> memref<10000x128xf32, #tpu.memory_space<hbm>>
      tpu.wait_indirect_dma semaphore(%arg16 : memref<!tpu.dma_semaphore, #tpu.memory_space<semaphore_mem>>) src(%dma_wait3A_97 : memref<10000x128xf32, #tpu.memory_space<hbm>>) dst(%dma_wait3A_91 : memref<128x128xf32, #tpu.memory_space<vmem>>)
      %scan3A_98 = arith.constant 0 : i32
      %scan3A_99 = arith.constant 0 : i32
      %scan3A_100 = arith.constant 128 : i32
      %scan3A_101 = arith.addi %scan3A_99, %scan3A_100 : i32
      %scan3A_102 = arith.constant 4 : i32
      %scan3A_103 = scf.for %scan3A_108 = %scan3A_99 to %scan3A_101 step %scan3A_102 iter_args(%scan3A_109 = %scan3A_98) -> (i32)  : i32 {
        %broadcast_in_dim3A = arith.constant 1 : i32
        %broadcast_in_dim3A_110 = vector.broadcast %broadcast_in_dim3A : i32 to vector<16xi32>
        %broadcast_in_dim3A_111 = vector.broadcast %scan3A_108 : i32 to vector<16xi32>
        %gather3A = tpu.vector_load_idx %arg11[%broadcast_in_dim3A_110, %broadcast_in_dim3A_111] : memref<2x128xf32, #tpu.memory_space<vmem>>[vector<16xi32>, vector<16xi32>], vector<16xf32>,
        %get3A_112 = arith.constant 1 : i32
        %get3A_113 = arith.index_cast %get3A_112 : i32 to index
        %get3A_114 = arith.index_cast %scan3A_108 : i32 to index
        %get3A_115 = arith.constant 0 : index
        %get3A_116 = tpu.vector_load %arg12[%get3A_113, %get3A_114, %get3A_115] {strides = array<i32>} : memref<2x128x128xf32, #tpu.memory_space<vmem>>, vector<16xf32>,
        %mul3A_117 = arith.mulf %gather3A, %get3A_3 : vector<16xf32>
        %add3A_118 = arith.addf %get3A_116, %mul3A_117 : vector<16xf32>
        %max3A = arith.constant 0.000000e+00 : f32
        %max3A_119 = vector.broadcast %max3A : f32 to vector<16xf32>
        %max3A_120 = arith.maximumf %add3A_118, %max3A_119 : vector<16xf32>
        %swap3A = arith.constant 1 : i32
        %swap3A_121 = arith.index_cast %swap3A : i32 to index
        %swap3A_122 = arith.index_cast %scan3A_108 : i32 to index
        %swap3A_123 = arith.constant 0 : index
        %swap3A_124 = tpu.vector_load %arg12[%swap3A_121, %swap3A_122, %swap3A_123] {strides = array<i32>} : memref<2x128x128xf32, #tpu.memory_space<vmem>>, vector<16xf32>,
        tpu.vector_store %arg12[%swap3A_121, %swap3A_122, %swap3A_123], %max3A_120 {strides = array<i32>} : memref<2x128x128xf32, #tpu.memory_space<vmem>>, vector<16xf32>,
        %get3A_125 = arith.constant 1 : i32
        %get3A_126 = arith.index_cast %get3A_125 : i32 to index
        %get3A_127 = arith.index_cast %scan3A_108 : i32 to index
        %get3A_128 = arith.constant 16 : index
        %get3A_129 = tpu.vector_load %arg12[%get3A_126, %get3A_127, %get3A_128] {strides = array<i32>} : memref<2x128x128xf32, #tpu.memory_space<vmem>>, vector<16xf32>,
        %mul3A_130 = arith.mulf %gather3A, %get3A_5 : vector<16xf32>
        %add3A_131 = arith.addf %get3A_129, %mul3A_130 : vector<16xf32>
        %max3A_132 = arith.constant 0.000000e+00 : f32
        %max3A_133 = vector.broadcast %max3A_132 : f32 to vector<16xf32>
        %max3A_134 = arith.maximumf %add3A_131, %max3A_133 : vector<16xf32>
        %swap3A_135 = arith.constant 1 : i32
        %swap3A_136 = arith.index_cast %swap3A_135 : i32 to index
        %swap3A_137 = arith.index_cast %scan3A_108 : i32 to index
        %swap3A_138 = arith.constant 16 : index
        %swap3A_139 = tpu.vector_load %arg12[%swap3A_136, %swap3A_137, %swap3A_138] {strides = array<i32>} : memref<2x128x128xf32, #tpu.memory_space<vmem>>, vector<16xf32>,
        tpu.vector_store %arg12[%swap3A_136, %swap3A_137, %swap3A_138], %max3A_134 {strides = array<i32>} : memref<2x128x128xf32, #tpu.memory_space<vmem>>, vector<16xf32>,
        %get3A_140 = arith.constant 1 : i32
        %get3A_141 = arith.index_cast %get3A_140 : i32 to index
        %get3A_142 = arith.index_cast %scan3A_108 : i32 to index
        %get3A_143 = arith.constant 32 : index
        %get3A_144 = tpu.vector_load %arg12[%get3A_141, %get3A_142, %get3A_143] {strides = array<i32>} : memref<2x128x128xf32, #tpu.memory_space<vmem>>, vector<16xf32>,
        %mul3A_145 = arith.mulf %gather3A, %get3A_7 : vector<16xf32>
        %add3A_146 = arith.addf %get3A_144, %mul3A_145 : vector<16xf32>
        %max3A_147 = arith.constant 0.000000e+00 : f32
        %max3A_148 = vector.broadcast %max3A_147 : f32 to vector<16xf32>
        %max3A_149 = arith.maximumf %add3A_146, %max3A_148 : vector<16xf32>
        %swap3A_150 = arith.constant 1 : i32
        %swap3A_151 = arith.index_cast %swap3A_150 : i32 to index
        %swap3A_152 = arith.index_cast %scan3A_108 : i32 to index
        %swap3A_153 = arith.constant 32 : index
        %swap3A_154 = tpu.vector_load %arg12[%swap3A_151, %swap3A_152, %swap3A_153] {strides = array<i32>} : memref<2x128x128xf32, #tpu.memory_space<vmem>>, vector<16xf32>,
        tpu.vector_store %arg12[%swap3A_151, %swap3A_152, %swap3A_153], %max3A_149 {strides = array<i32>} : memref<2x128x128xf32, #tpu.memory_space<vmem>>, vector<16xf32>,
        %get3A_155 = arith.constant 1 : i32
        %get3A_156 = arith.index_cast %get3A_155 : i32 to index
        %get3A_157 = arith.index_cast %scan3A_108 : i32 to index
        %get3A_158 = arith.constant 48 : index
        %get3A_159 = tpu.vector_load %arg12[%get3A_156, %get3A_157, %get3A_158] {strides = array<i32>} : memref<2x128x128xf32, #tpu.memory_space<vmem>>, vector<16xf32>,
        %mul3A_160 = arith.mulf %gather3A, %get3A_9 : vector<16xf32>
        %add3A_161 = arith.addf %get3A_159, %mul3A_160 : vector<16xf32>
        %max3A_162 = arith.constant 0.000000e+00 : f32
        %max3A_163 = vector.broadcast %max3A_162 : f32 to vector<16xf32>
        %max3A_164 = arith.maximumf %add3A_161, %max3A_163 : vector<16xf32>
        %swap3A_165 = arith.constant 1 : i32
        %swap3A_166 = arith.index_cast %swap3A_165 : i32 to index
        %swap3A_167 = arith.index_cast %scan3A_108 : i32 to index
        %swap3A_168 = arith.constant 48 : index
        %swap3A_169 = tpu.vector_load %arg12[%swap3A_166, %swap3A_167, %swap3A_168] {strides = array<i32>} : memref<2x128x128xf32, #tpu.memory_space<vmem>>, vector<16xf32>,
        tpu.vector_store %arg12[%swap3A_166, %swap3A_167, %swap3A_168], %max3A_164 {strides = array<i32>} : memref<2x128x128xf32, #tpu.memory_space<vmem>>, vector<16xf32>,
        %get3A_170 = arith.constant 1 : i32
        %get3A_171 = arith.index_cast %get3A_170 : i32 to index
        %get3A_172 = arith.index_cast %scan3A_108 : i32 to index
        %get3A_173 = arith.constant 64 : index
        %get3A_174 = tpu.vector_load %arg12[%get3A_171, %get3A_172, %get3A_173] {strides = array<i32>} : memref<2x128x128xf32, #tpu.memory_space<vmem>>, vector<16xf32>,
        %mul3A_175 = arith.mulf %gather3A, %get3A_11 : vector<16xf32>
        %add3A_176 = arith.addf %get3A_174, %mul3A_175 : vector<16xf32>
        %max3A_177 = arith.constant 0.000000e+00 : f32
        %max3A_178 = vector.broadcast %max3A_177 : f32 to vector<16xf32>
        %max3A_179 = arith.maximumf %add3A_176, %max3A_178 : vector<16xf32>
        %swap3A_180 = arith.constant 1 : i32
        %swap3A_181 = arith.index_cast %swap3A_180 : i32 to index
        %swap3A_182 = arith.index_cast %scan3A_108 : i32 to index
        %swap3A_183 = arith.constant 64 : index
        %swap3A_184 = tpu.vector_load %arg12[%swap3A_181, %swap3A_182, %swap3A_183] {strides = array<i32>} : memref<2x128x128xf32, #tpu.memory_space<vmem>>, vector<16xf32>,
        tpu.vector_store %arg12[%swap3A_181, %swap3A_182, %swap3A_183], %max3A_179 {strides = array<i32>} : memref<2x128x128xf32, #tpu.memory_space<vmem>>, vector<16xf32>,
        %get3A_185 = arith.constant 1 : i32
        %get3A_186 = arith.index_cast %get3A_185 : i32 to index
        %get3A_187 = arith.index_cast %scan3A_108 : i32 to index
        %get3A_188 = arith.constant 80 : index
        %get3A_189 = tpu.vector_load %arg12[%get3A_186, %get3A_187, %get3A_188] {strides = array<i32>} : memref<2x128x128xf32, #tpu.memory_space<vmem>>, vector<16xf32>,
        %mul3A_190 = arith.mulf %gather3A, %get3A_13 : vector<16xf32>
        %add3A_191 = arith.addf %get3A_189, %mul3A_190 : vector<16xf32>
        %max3A_192 = arith.constant 0.000000e+00 : f32
        %max3A_193 = vector.broadcast %max3A_192 : f32 to vector<16xf32>
        %max3A_194 = arith.maximumf %add3A_191, %max3A_193 : vector<16xf32>
        %swap3A_195 = arith.constant 1 : i32
        %swap3A_196 = arith.index_cast %swap3A_195 : i32 to index
        %swap3A_197 = arith.index_cast %scan3A_108 : i32 to index
        %swap3A_198 = arith.constant 80 : index
        %swap3A_199 = tpu.vector_load %arg12[%swap3A_196, %swap3A_197, %swap3A_198] {strides = array<i32>} : memref<2x128x128xf32, #tpu.memory_space<vmem>>, vector<16xf32>,
        tpu.vector_store %arg12[%swap3A_196, %swap3A_197, %swap3A_198], %max3A_194 {strides = array<i32>} : memref<2x128x128xf32, #tpu.memory_space<vmem>>, vector<16xf32>,
        %get3A_200 = arith.constant 1 : i32
        %get3A_201 = arith.index_cast %get3A_200 : i32 to index
        %get3A_202 = arith.index_cast %scan3A_108 : i32 to index
        %get3A_203 = arith.constant 96 : index
        %get3A_204 = tpu.vector_load %arg12[%get3A_201, %get3A_202, %get3A_203] {strides = array<i32>} : memref<2x128x128xf32, #tpu.memory_space<vmem>>, vector<16xf32>,
        %mul3A_205 = arith.mulf %gather3A, %get3A_15 : vector<16xf32>
        %add3A_206 = arith.addf %get3A_204, %mul3A_205 : vector<16xf32>
        %max3A_207 = arith.constant 0.000000e+00 : f32
        %max3A_208 = vector.broadcast %max3A_207 : f32 to vector<16xf32>
        %max3A_209 = arith.maximumf %add3A_206, %max3A_208 : vector<16xf32>
        %swap3A_210 = arith.constant 1 : i32
        %swap3A_211 = arith.index_cast %swap3A_210 : i32 to index
        %swap3A_212 = arith.index_cast %scan3A_108 : i32 to index
        %swap3A_213 = arith.constant 96 : index
        %swap3A_214 = tpu.vector_load %arg12[%swap3A_211, %swap3A_212, %swap3A_213] {strides = array<i32>} : memref<2x128x128xf32, #tpu.memory_space<vmem>>, vector<16xf32>,
        tpu.vector_store %arg12[%swap3A_211, %swap3A_212, %swap3A_213], %max3A_209 {strides = array<i32>} : memref<2x128x128xf32, #tpu.memory_space<vmem>>, vector<16xf32>,
        %get3A_215 = arith.constant 1 : i32
        %get3A_216 = arith.index_cast %get3A_215 : i32 to index
        %get3A_217 = arith.index_cast %scan3A_108 : i32 to index
        %get3A_218 = arith.constant 112 : index
        %get3A_219 = tpu.vector_load %arg12[%get3A_216, %get3A_217, %get3A_218] {strides = array<i32>} : memref<2x128x128xf32, #tpu.memory_space<vmem>>, vector<16xf32>,
        %mul3A_220 = arith.mulf %gather3A, %get3A_17 : vector<16xf32>
        %add3A_221 = arith.addf %get3A_219, %mul3A_220 : vector<16xf32>
        %max3A_222 = arith.constant 0.000000e+00 : f32
        %max3A_223 = vector.broadcast %max3A_222 : f32 to vector<16xf32>
        %max3A_224 = arith.maximumf %add3A_221, %max3A_223 : vector<16xf32>
        %swap3A_225 = arith.constant 1 : i32
        %swap3A_226 = arith.index_cast %swap3A_225 : i32 to index
        %swap3A_227 = arith.index_cast %scan3A_108 : i32 to index
        %swap3A_228 = arith.constant 112 : index
        %swap3A_229 = tpu.vector_load %arg12[%swap3A_226, %swap3A_227, %swap3A_228] {strides = array<i32>} : memref<2x128x128xf32, #tpu.memory_space<vmem>>, vector<16xf32>,
        tpu.vector_store %arg12[%swap3A_226, %swap3A_227, %swap3A_228], %max3A_224 {strides = array<i32>} : memref<2x128x128xf32, #tpu.memory_space<vmem>>, vector<16xf32>,
        %scan3A_230 = arith.constant 0 : i32
        %scan3A_231 = arith.constant 1 : i32
        %scan3A_232 = arith.addi %scan3A_108, %scan3A_231 : i32
        %broadcast_in_dim3A_233 = arith.constant 1 : i32
        %broadcast_in_dim3A_234 = vector.broadcast %broadcast_in_dim3A_233 : i32 to vector<16xi32>
        %broadcast_in_dim3A_235 = vector.broadcast %scan3A_232 : i32 to vector<16xi32>
        %gather3A_236 = tpu.vector_load_idx %arg11[%broadcast_in_dim3A_234, %broadcast_in_dim3A_235] : memref<2x128xf32, #tpu.memory_space<vmem>>[vector<16xi32>, vector<16xi32>], vector<16xf32>,
        %get3A_237 = arith.constant 1 : i32
        %get3A_238 = arith.index_cast %get3A_237 : i32 to index
        %get3A_239 = arith.index_cast %scan3A_232 : i32 to index
        %get3A_240 = arith.constant 0 : index
        %get3A_241 = tpu.vector_load %arg12[%get3A_238, %get3A_239, %get3A_240] {strides = array<i32>} : memref<2x128x128xf32, #tpu.memory_space<vmem>>, vector<16xf32>,
        %mul3A_242 = arith.mulf %gather3A_236, %get3A_3 : vector<16xf32>
        %add3A_243 = arith.addf %get3A_241, %mul3A_242 : vector<16xf32>
        %max3A_244 = arith.constant 0.000000e+00 : f32
        %max3A_245 = vector.broadcast %max3A_244 : f32 to vector<16xf32>
        %max3A_246 = arith.maximumf %add3A_243, %max3A_245 : vector<16xf32>
        %swap3A_247 = arith.constant 1 : i32
        %swap3A_248 = arith.index_cast %swap3A_247 : i32 to index
        %swap3A_249 = arith.index_cast %scan3A_232 : i32 to index
        %swap3A_250 = arith.constant 0 : index
        %swap3A_251 = tpu.vector_load %arg12[%swap3A_248, %swap3A_249, %swap3A_250] {strides = array<i32>} : memref<2x128x128xf32, #tpu.memory_space<vmem>>, vector<16xf32>,
        tpu.vector_store %arg12[%swap3A_248, %swap3A_249, %swap3A_250], %max3A_246 {strides = array<i32>} : memref<2x128x128xf32, #tpu.memory_space<vmem>>, vector<16xf32>,
        %get3A_252 = arith.constant 1 : i32
        %get3A_253 = arith.index_cast %get3A_252 : i32 to index
        %get3A_254 = arith.index_cast %scan3A_232 : i32 to index
        %get3A_255 = arith.constant 16 : index
        %get3A_256 = tpu.vector_load %arg12[%get3A_253, %get3A_254, %get3A_255] {strides = array<i32>} : memref<2x128x128xf32, #tpu.memory_space<vmem>>, vector<16xf32>,
        %mul3A_257 = arith.mulf %gather3A_236, %get3A_5 : vector<16xf32>
        %add3A_258 = arith.addf %get3A_256, %mul3A_257 : vector<16xf32>
        %max3A_259 = arith.constant 0.000000e+00 : f32
        %max3A_260 = vector.broadcast %max3A_259 : f32 to vector<16xf32>
        %max3A_261 = arith.maximumf %add3A_258, %max3A_260 : vector<16xf32>
        %swap3A_262 = arith.constant 1 : i32
        %swap3A_263 = arith.index_cast %swap3A_262 : i32 to index
        %swap3A_264 = arith.index_cast %scan3A_232 : i32 to index
        %swap3A_265 = arith.constant 16 : index
        %swap3A_266 = tpu.vector_load %arg12[%swap3A_263, %swap3A_264, %swap3A_265] {strides = array<i32>} : memref<2x128x128xf32, #tpu.memory_space<vmem>>, vector<16xf32>,
        tpu.vector_store %arg12[%swap3A_263, %swap3A_264, %swap3A_265], %max3A_261 {strides = array<i32>} : memref<2x128x128xf32, #tpu.memory_space<vmem>>, vector<16xf32>,
        %get3A_267 = arith.constant 1 : i32
        %get3A_268 = arith.index_cast %get3A_267 : i32 to index
        %get3A_269 = arith.index_cast %scan3A_232 : i32 to index
        %get3A_270 = arith.constant 32 : index
        %get3A_271 = tpu.vector_load %arg12[%get3A_268, %get3A_269, %get3A_270] {strides = array<i32>} : memref<2x128x128xf32, #tpu.memory_space<vmem>>, vector<16xf32>,
        %mul3A_272 = arith.mulf %gather3A_236, %get3A_7 : vector<16xf32>
        %add3A_273 = arith.addf %get3A_271, %mul3A_272 : vector<16xf32>
        %max3A_274 = arith.constant 0.000000e+00 : f32
        %max3A_275 = vector.broadcast %max3A_274 : f32 to vector<16xf32>
        %max3A_276 = arith.maximumf %add3A_273, %max3A_275 : vector<16xf32>
        %swap3A_277 = arith.constant 1 : i32
        %swap3A_278 = arith.index_cast %swap3A_277 : i32 to index
        %swap3A_279 = arith.index_cast %scan3A_232 : i32 to index
        %swap3A_280 = arith.constant 32 : index
        %swap3A_281 = tpu.vector_load %arg12[%swap3A_278, %swap3A_279, %swap3A_280] {strides = array<i32>} : memref<2x128x128xf32, #tpu.memory_space<vmem>>, vector<16xf32>,
        tpu.vector_store %arg12[%swap3A_278, %swap3A_279, %swap3A_280], %max3A_276 {strides = array<i32>} : memref<2x128x128xf32, #tpu.memory_space<vmem>>, vector<16xf32>,
        %get3A_282 = arith.constant 1 : i32
        %get3A_283 = arith.index_cast %get3A_282 : i32 to index
        %get3A_284 = arith.index_cast %scan3A_232 : i32 to index
        %get3A_285 = arith.constant 48 : index
        %get3A_286 = tpu.vector_load %arg12[%get3A_283, %get3A_284, %get3A_285] {strides = array<i32>} : memref<2x128x128xf32, #tpu.memory_space<vmem>>, vector<16xf32>,
        %mul3A_287 = arith.mulf %gather3A_236, %get3A_9 : vector<16xf32>
        %add3A_288 = arith.addf %get3A_286, %mul3A_287 : vector<16xf32>
        %max3A_289 = arith.constant 0.000000e+00 : f32
        %max3A_290 = vector.broadcast %max3A_289 : f32 to vector<16xf32>
        %max3A_291 = arith.maximumf %add3A_288, %max3A_290 : vector<16xf32>
        %swap3A_292 = arith.constant 1 : i32
        %swap3A_293 = arith.index_cast %swap3A_292 : i32 to index
        %swap3A_294 = arith.index_cast %scan3A_232 : i32 to index
        %swap3A_295 = arith.constant 48 : index
        %swap3A_296 = tpu.vector_load %arg12[%swap3A_293, %swap3A_294, %swap3A_295] {strides = array<i32>} : memref<2x128x128xf32, #tpu.memory_space<vmem>>, vector<16xf32>,
        tpu.vector_store %arg12[%swap3A_293, %swap3A_294, %swap3A_295], %max3A_291 {strides = array<i32>} : memref<2x128x128xf32, #tpu.memory_space<vmem>>, vector<16xf32>,
        %get3A_297 = arith.constant 1 : i32
        %get3A_298 = arith.index_cast %get3A_297 : i32 to index
        %get3A_299 = arith.index_cast %scan3A_232 : i32 to index
        %get3A_300 = arith.constant 64 : index
        %get3A_301 = tpu.vector_load %arg12[%get3A_298, %get3A_299, %get3A_300] {strides = array<i32>} : memref<2x128x128xf32, #tpu.memory_space<vmem>>, vector<16xf32>,
        %mul3A_302 = arith.mulf %gather3A_236, %get3A_11 : vector<16xf32>
        %add3A_303 = arith.addf %get3A_301, %mul3A_302 : vector<16xf32>
        %max3A_304 = arith.constant 0.000000e+00 : f32
        %max3A_305 = vector.broadcast %max3A_304 : f32 to vector<16xf32>
        %max3A_306 = arith.maximumf %add3A_303, %max3A_305 : vector<16xf32>
        %swap3A_307 = arith.constant 1 : i32
        %swap3A_308 = arith.index_cast %swap3A_307 : i32 to index
        %swap3A_309 = arith.index_cast %scan3A_232 : i32 to index
        %swap3A_310 = arith.constant 64 : index
        %swap3A_311 = tpu.vector_load %arg12[%swap3A_308, %swap3A_309, %swap3A_310] {strides = array<i32>} : memref<2x128x128xf32, #tpu.memory_space<vmem>>, vector<16xf32>,
        tpu.vector_store %arg12[%swap3A_308, %swap3A_309, %swap3A_310], %max3A_306 {strides = array<i32>} : memref<2x128x128xf32, #tpu.memory_space<vmem>>, vector<16xf32>,
        %get3A_312 = arith.constant 1 : i32
        %get3A_313 = arith.index_cast %get3A_312 : i32 to index
        %get3A_314 = arith.index_cast %scan3A_232 : i32 to index
        %get3A_315 = arith.constant 80 : index
        %get3A_316 = tpu.vector_load %arg12[%get3A_313, %get3A_314, %get3A_315] {strides = array<i32>} : memref<2x128x128xf32, #tpu.memory_space<vmem>>, vector<16xf32>,
        %mul3A_317 = arith.mulf %gather3A_236, %get3A_13 : vector<16xf32>
        %add3A_318 = arith.addf %get3A_316, %mul3A_317 : vector<16xf32>
        %max3A_319 = arith.constant 0.000000e+00 : f32
        %max3A_320 = vector.broadcast %max3A_319 : f32 to vector<16xf32>
        %max3A_321 = arith.maximumf %add3A_318, %max3A_320 : vector<16xf32>
        %swap3A_322 = arith.constant 1 : i32
        %swap3A_323 = arith.index_cast %swap3A_322 : i32 to index
        %swap3A_324 = arith.index_cast %scan3A_232 : i32 to index
        %swap3A_325 = arith.constant 80 : index
        %swap3A_326 = tpu.vector_load %arg12[%swap3A_323, %swap3A_324, %swap3A_325] {strides = array<i32>} : memref<2x128x128xf32, #tpu.memory_space<vmem>>, vector<16xf32>,
        tpu.vector_store %arg12[%swap3A_323, %swap3A_324, %swap3A_325], %max3A_321 {strides = array<i32>} : memref<2x128x128xf32, #tpu.memory_space<vmem>>, vector<16xf32>,
        %get3A_327 = arith.constant 1 : i32
        %get3A_328 = arith.index_cast %get3A_327 : i32 to index
        %get3A_329 = arith.index_cast %scan3A_232 : i32 to index
        %get3A_330 = arith.constant 96 : index
        %get3A_331 = tpu.vector_load %arg12[%get3A_328, %get3A_329, %get3A_330] {strides = array<i32>} : memref<2x128x128xf32, #tpu.memory_space<vmem>>, vector<16xf32>,
        %mul3A_332 = arith.mulf %gather3A_236, %get3A_15 : vector<16xf32>
        %add3A_333 = arith.addf %get3A_331, %mul3A_332 : vector<16xf32>
        %max3A_334 = arith.constant 0.000000e+00 : f32
        %max3A_335 = vector.broadcast %max3A_334 : f32 to vector<16xf32>
        %max3A_336 = arith.maximumf %add3A_333, %max3A_335 : vector<16xf32>
        %swap3A_337 = arith.constant 1 : i32
        %swap3A_338 = arith.index_cast %swap3A_337 : i32 to index
        %swap3A_339 = arith.index_cast %scan3A_232 : i32 to index
        %swap3A_340 = arith.constant 96 : index
        %swap3A_341 = tpu.vector_load %arg12[%swap3A_338, %swap3A_339, %swap3A_340] {strides = array<i32>} : memref<2x128x128xf32, #tpu.memory_space<vmem>>, vector<16xf32>,
        tpu.vector_store %arg12[%swap3A_338, %swap3A_339, %swap3A_340], %max3A_336 {strides = array<i32>} : memref<2x128x128xf32, #tpu.memory_space<vmem>>, vector<16xf32>,
        %get3A_342 = arith.constant 1 : i32
        %get3A_343 = arith.index_cast %get3A_342 : i32 to index
        %get3A_344 = arith.index_cast %scan3A_232 : i32 to index
        %get3A_345 = arith.constant 112 : index
        %get3A_346 = tpu.vector_load %arg12[%get3A_343, %get3A_344, %get3A_345] {strides = array<i32>} : memref<2x128x128xf32, #tpu.memory_space<vmem>>, vector<16xf32>,
        %mul3A_347 = arith.mulf %gather3A_236, %get3A_17 : vector<16xf32>
        %add3A_348 = arith.addf %get3A_346, %mul3A_347 : vector<16xf32>
        %max3A_349 = arith.constant 0.000000e+00 : f32
        %max3A_350 = vector.broadcast %max3A_349 : f32 to vector<16xf32>
        %max3A_351 = arith.maximumf %add3A_348, %max3A_350 : vector<16xf32>
        %swap3A_352 = arith.constant 1 : i32
        %swap3A_353 = arith.index_cast %swap3A_352 : i32 to index
        %swap3A_354 = arith.index_cast %scan3A_232 : i32 to index
        %swap3A_355 = arith.constant 112 : index
        %swap3A_356 = tpu.vector_load %arg12[%swap3A_353, %swap3A_354, %swap3A_355] {strides = array<i32>} : memref<2x128x128xf32, #tpu.memory_space<vmem>>, vector<16xf32>,
        tpu.vector_store %arg12[%swap3A_353, %swap3A_354, %swap3A_355], %max3A_351 {strides = array<i32>} : memref<2x128x128xf32, #tpu.memory_space<vmem>>, vector<16xf32>,
        %scan3A_357 = arith.constant 0 : i32
        %scan3A_358 = arith.constant 2 : i32
        %scan3A_359 = arith.addi %scan3A_108, %scan3A_358 : i32
        %broadcast_in_dim3A_360 = arith.constant 1 : i32
        %broadcast_in_dim3A_361 = vector.broadcast %broadcast_in_dim3A_360 : i32 to vector<16xi32>
        %broadcast_in_dim3A_362 = vector.broadcast %scan3A_359 : i32 to vector<16xi32>
        %gather3A_363 = tpu.vector_load_idx %arg11[%broadcast_in_dim3A_361, %broadcast_in_dim3A_362] : memref<2x128xf32, #tpu.memory_space<vmem>>[vector<16xi32>, vector<16xi32>], vector<16xf32>,
        %get3A_364 = arith.constant 1 : i32
        %get3A_365 = arith.index_cast %get3A_364 : i32 to index
        %get3A_366 = arith.index_cast %scan3A_359 : i32 to index
        %get3A_367 = arith.constant 0 : index
        %get3A_368 = tpu.vector_load %arg12[%get3A_365, %get3A_366, %get3A_367] {strides = array<i32>} : memref<2x128x128xf32, #tpu.memory_space<vmem>>, vector<16xf32>,
        %mul3A_369 = arith.mulf %gather3A_363, %get3A_3 : vector<16xf32>
        %add3A_370 = arith.addf %get3A_368, %mul3A_369 : vector<16xf32>
        %max3A_371 = arith.constant 0.000000e+00 : f32
        %max3A_372 = vector.broadcast %max3A_371 : f32 to vector<16xf32>
        %max3A_373 = arith.maximumf %add3A_370, %max3A_372 : vector<16xf32>
        %swap3A_374 = arith.constant 1 : i32
        %swap3A_375 = arith.index_cast %swap3A_374 : i32 to index
        %swap3A_376 = arith.index_cast %scan3A_359 : i32 to index
        %swap3A_377 = arith.constant 0 : index
        %swap3A_378 = tpu.vector_load %arg12[%swap3A_375, %swap3A_376, %swap3A_377] {strides = array<i32>} : memref<2x128x128xf32, #tpu.memory_space<vmem>>, vector<16xf32>,
        tpu.vector_store %arg12[%swap3A_375, %swap3A_376, %swap3A_377], %max3A_373 {strides = array<i32>} : memref<2x128x128xf32, #tpu.memory_space<vmem>>, vector<16xf32>,
        %get3A_379 = arith.constant 1 : i32
        %get3A_380 = arith.index_cast %get3A_379 : i32 to index
        %get3A_381 = arith.index_cast %scan3A_359 : i32 to index
        %get3A_382 = arith.constant 16 : index
        %get3A_383 = tpu.vector_load %arg12[%get3A_380, %get3A_381, %get3A_382] {strides = array<i32>} : memref<2x128x128xf32, #tpu.memory_space<vmem>>, vector<16xf32>,
        %mul3A_384 = arith.mulf %gather3A_363, %get3A_5 : vector<16xf32>
        %add3A_385 = arith.addf %get3A_383, %mul3A_384 : vector<16xf32>
        %max3A_386 = arith.constant 0.000000e+00 : f32
        %max3A_387 = vector.broadcast %max3A_386 : f32 to vector<16xf32>
        %max3A_388 = arith.maximumf %add3A_385, %max3A_387 : vector<16xf32>
        %swap3A_389 = arith.constant 1 : i32
        %swap3A_390 = arith.index_cast %swap3A_389 : i32 to index
        %swap3A_391 = arith.index_cast %scan3A_359 : i32 to index
        %swap3A_392 = arith.constant 16 : index
        %swap3A_393 = tpu.vector_load %arg12[%swap3A_390, %swap3A_391, %swap3A_392] {strides = array<i32>} : memref<2x128x128xf32, #tpu.memory_space<vmem>>, vector<16xf32>,
        tpu.vector_store %arg12[%swap3A_390, %swap3A_391, %swap3A_392], %max3A_388 {strides = array<i32>} : memref<2x128x128xf32, #tpu.memory_space<vmem>>, vector<16xf32>,
        %get3A_394 = arith.constant 1 : i32
        %get3A_395 = arith.index_cast %get3A_394 : i32 to index
        %get3A_396 = arith.index_cast %scan3A_359 : i32 to index
        %get3A_397 = arith.constant 32 : index
        %get3A_398 = tpu.vector_load %arg12[%get3A_395, %get3A_396, %get3A_397] {strides = array<i32>} : memref<2x128x128xf32, #tpu.memory_space<vmem>>, vector<16xf32>,
        %mul3A_399 = arith.mulf %gather3A_363, %get3A_7 : vector<16xf32>
        %add3A_400 = arith.addf %get3A_398, %mul3A_399 : vector<16xf32>
        %max3A_401 = arith.constant 0.000000e+00 : f32
        %max3A_402 = vector.broadcast %max3A_401 : f32 to vector<16xf32>
        %max3A_403 = arith.maximumf %add3A_400, %max3A_402 : vector<16xf32>
        %swap3A_404 = arith.constant 1 : i32
        %swap3A_405 = arith.index_cast %swap3A_404 : i32 to index
        %swap3A_406 = arith.index_cast %scan3A_359 : i32 to index
        %swap3A_407 = arith.constant 32 : index
        %swap3A_408 = tpu.vector_load %arg12[%swap3A_405, %swap3A_406, %swap3A_407] {strides = array<i32>} : memref<2x128x128xf32, #tpu.memory_space<vmem>>, vector<16xf32>,
        tpu.vector_store %arg12[%swap3A_405, %swap3A_406, %swap3A_407], %max3A_403 {strides = array<i32>} : memref<2x128x128xf32, #tpu.memory_space<vmem>>, vector<16xf32>,
        %get3A_409 = arith.constant 1 : i32
        %get3A_410 = arith.index_cast %get3A_409 : i32 to index
        %get3A_411 = arith.index_cast %scan3A_359 : i32 to index
        %get3A_412 = arith.constant 48 : index
        %get3A_413 = tpu.vector_load %arg12[%get3A_410, %get3A_411, %get3A_412] {strides = array<i32>} : memref<2x128x128xf32, #tpu.memory_space<vmem>>, vector<16xf32>,
        %mul3A_414 = arith.mulf %gather3A_363, %get3A_9 : vector<16xf32>
        %add3A_415 = arith.addf %get3A_413, %mul3A_414 : vector<16xf32>
        %max3A_416 = arith.constant 0.000000e+00 : f32
        %max3A_417 = vector.broadcast %max3A_416 : f32 to vector<16xf32>
        %max3A_418 = arith.maximumf %add3A_415, %max3A_417 : vector<16xf32>
        %swap3A_419 = arith.constant 1 : i32
        %swap3A_420 = arith.index_cast %swap3A_419 : i32 to index
        %swap3A_421 = arith.index_cast %scan3A_359 : i32 to index
        %swap3A_422 = arith.constant 48 : index
        %swap3A_423 = tpu.vector_load %arg12[%swap3A_420, %swap3A_421, %swap3A_422] {strides = array<i32>} : memref<2x128x128xf32, #tpu.memory_space<vmem>>, vector<16xf32>,
        tpu.vector_store %arg12[%swap3A_420, %swap3A_421, %swap3A_422], %max3A_418 {strides = array<i32>} : memref<2x128x128xf32, #tpu.memory_space<vmem>>, vector<16xf32>,
        %get3A_424 = arith.constant 1 : i32
        %get3A_425 = arith.index_cast %get3A_424 : i32 to index
        %get3A_426 = arith.index_cast %scan3A_359 : i32 to index
        %get3A_427 = arith.constant 64 : index
        %get3A_428 = tpu.vector_load %arg12[%get3A_425, %get3A_426, %get3A_427] {strides = array<i32>} : memref<2x128x128xf32, #tpu.memory_space<vmem>>, vector<16xf32>,
        %mul3A_429 = arith.mulf %gather3A_363, %get3A_11 : vector<16xf32>
        %add3A_430 = arith.addf %get3A_428, %mul3A_429 : vector<16xf32>
        %max3A_431 = arith.constant 0.000000e+00 : f32
        %max3A_432 = vector.broadcast %max3A_431 : f32 to vector<16xf32>
        %max3A_433 = arith.maximumf %add3A_430, %max3A_432 : vector<16xf32>
        %swap3A_434 = arith.constant 1 : i32
        %swap3A_435 = arith.index_cast %swap3A_434 : i32 to index
        %swap3A_436 = arith.index_cast %scan3A_359 : i32 to index
        %swap3A_437 = arith.constant 64 : index
        %swap3A_438 = tpu.vector_load %arg12[%swap3A_435, %swap3A_436, %swap3A_437] {strides = array<i32>} : memref<2x128x128xf32, #tpu.memory_space<vmem>>, vector<16xf32>,
        tpu.vector_store %arg12[%swap3A_435, %swap3A_436, %swap3A_437], %max3A_433 {strides = array<i32>} : memref<2x128x128xf32, #tpu.memory_space<vmem>>, vector<16xf32>,
        %get3A_439 = arith.constant 1 : i32
        %get3A_440 = arith.index_cast %get3A_439 : i32 to index
        %get3A_441 = arith.index_cast %scan3A_359 : i32 to index
        %get3A_442 = arith.constant 80 : index
        %get3A_443 = tpu.vector_load %arg12[%get3A_440, %get3A_441, %get3A_442] {strides = array<i32>} : memref<2x128x128xf32, #tpu.memory_space<vmem>>, vector<16xf32>,
        %mul3A_444 = arith.mulf %gather3A_363, %get3A_13 : vector<16xf32>
        %add3A_445 = arith.addf %get3A_443, %mul3A_444 : vector<16xf32>
        %max3A_446 = arith.constant 0.000000e+00 : f32
        %max3A_447 = vector.broadcast %max3A_446 : f32 to vector<16xf32>
        %max3A_448 = arith.maximumf %add3A_445, %max3A_447 : vector<16xf32>
        %swap3A_449 = arith.constant 1 : i32
        %swap3A_450 = arith.index_cast %swap3A_449 : i32 to index
        %swap3A_451 = arith.index_cast %scan3A_359 : i32 to index
        %swap3A_452 = arith.constant 80 : index
        %swap3A_453 = tpu.vector_load %arg12[%swap3A_450, %swap3A_451, %swap3A_452] {strides = array<i32>} : memref<2x128x128xf32, #tpu.memory_space<vmem>>, vector<16xf32>,
        tpu.vector_store %arg12[%swap3A_450, %swap3A_451, %swap3A_452], %max3A_448 {strides = array<i32>} : memref<2x128x128xf32, #tpu.memory_space<vmem>>, vector<16xf32>,
        %get3A_454 = arith.constant 1 : i32
        %get3A_455 = arith.index_cast %get3A_454 : i32 to index
        %get3A_456 = arith.index_cast %scan3A_359 : i32 to index
        %get3A_457 = arith.constant 96 : index
        %get3A_458 = tpu.vector_load %arg12[%get3A_455, %get3A_456, %get3A_457] {strides = array<i32>} : memref<2x128x128xf32, #tpu.memory_space<vmem>>, vector<16xf32>,
        %mul3A_459 = arith.mulf %gather3A_363, %get3A_15 : vector<16xf32>
        %add3A_460 = arith.addf %get3A_458, %mul3A_459 : vector<16xf32>
        %max3A_461 = arith.constant 0.000000e+00 : f32
        %max3A_462 = vector.broadcast %max3A_461 : f32 to vector<16xf32>
        %max3A_463 = arith.maximumf %add3A_460, %max3A_462 : vector<16xf32>
        %swap3A_464 = arith.constant 1 : i32
        %swap3A_465 = arith.index_cast %swap3A_464 : i32 to index
        %swap3A_466 = arith.index_cast %scan3A_359 : i32 to index
        %swap3A_467 = arith.constant 96 : index
        %swap3A_468 = tpu.vector_load %arg12[%swap3A_465, %swap3A_466, %swap3A_467] {strides = array<i32>} : memref<2x128x128xf32, #tpu.memory_space<vmem>>, vector<16xf32>,
        tpu.vector_store %arg12[%swap3A_465, %swap3A_466, %swap3A_467], %max3A_463 {strides = array<i32>} : memref<2x128x128xf32, #tpu.memory_space<vmem>>, vector<16xf32>,
        %get3A_469 = arith.constant 1 : i32
        %get3A_470 = arith.index_cast %get3A_469 : i32 to index
        %get3A_471 = arith.index_cast %scan3A_359 : i32 to index
        %get3A_472 = arith.constant 112 : index
        %get3A_473 = tpu.vector_load %arg12[%get3A_470, %get3A_471, %get3A_472] {strides = array<i32>} : memref<2x128x128xf32, #tpu.memory_space<vmem>>, vector<16xf32>,
        %mul3A_474 = arith.mulf %gather3A_363, %get3A_17 : vector<16xf32>
        %add3A_475 = arith.addf %get3A_473, %mul3A_474 : vector<16xf32>
        %max3A_476 = arith.constant 0.000000e+00 : f32
        %max3A_477 = vector.broadcast %max3A_476 : f32 to vector<16xf32>
        %max3A_478 = arith.maximumf %add3A_475, %max3A_477 : vector<16xf32>
        %swap3A_479 = arith.constant 1 : i32
        %swap3A_480 = arith.index_cast %swap3A_479 : i32 to index
        %swap3A_481 = arith.index_cast %scan3A_359 : i32 to index
        %swap3A_482 = arith.constant 112 : index
        %swap3A_483 = tpu.vector_load %arg12[%swap3A_480, %swap3A_481, %swap3A_482] {strides = array<i32>} : memref<2x128x128xf32, #tpu.memory_space<vmem>>, vector<16xf32>,
        tpu.vector_store %arg12[%swap3A_480, %swap3A_481, %swap3A_482], %max3A_478 {strides = array<i32>} : memref<2x128x128xf32, #tpu.memory_space<vmem>>, vector<16xf32>,
        %scan3A_484 = arith.constant 0 : i32
        %scan3A_485 = arith.constant 3 : i32
        %scan3A_486 = arith.addi %scan3A_108, %scan3A_485 : i32
        %broadcast_in_dim3A_487 = arith.constant 1 : i32
        %broadcast_in_dim3A_488 = vector.broadcast %broadcast_in_dim3A_487 : i32 to vector<16xi32>
        %broadcast_in_dim3A_489 = vector.broadcast %scan3A_486 : i32 to vector<16xi32>
        %gather3A_490 = tpu.vector_load_idx %arg11[%broadcast_in_dim3A_488, %broadcast_in_dim3A_489] : memref<2x128xf32, #tpu.memory_space<vmem>>[vector<16xi32>, vector<16xi32>], vector<16xf32>,
        %get3A_491 = arith.constant 1 : i32
        %get3A_492 = arith.index_cast %get3A_491 : i32 to index
        %get3A_493 = arith.index_cast %scan3A_486 : i32 to index
        %get3A_494 = arith.constant 0 : index
        %get3A_495 = tpu.vector_load %arg12[%get3A_492, %get3A_493, %get3A_494] {strides = array<i32>} : memref<2x128x128xf32, #tpu.memory_space<vmem>>, vector<16xf32>,
        %mul3A_496 = arith.mulf %gather3A_490, %get3A_3 : vector<16xf32>
        %add3A_497 = arith.addf %get3A_495, %mul3A_496 : vector<16xf32>
        %max3A_498 = arith.constant 0.000000e+00 : f32
        %max3A_499 = vector.broadcast %max3A_498 : f32 to vector<16xf32>
        %max3A_500 = arith.maximumf %add3A_497, %max3A_499 : vector<16xf32>
        %swap3A_501 = arith.constant 1 : i32
        %swap3A_502 = arith.index_cast %swap3A_501 : i32 to index
        %swap3A_503 = arith.index_cast %scan3A_486 : i32 to index
        %swap3A_504 = arith.constant 0 : index
        %swap3A_505 = tpu.vector_load %arg12[%swap3A_502, %swap3A_503, %swap3A_504] {strides = array<i32>} : memref<2x128x128xf32, #tpu.memory_space<vmem>>, vector<16xf32>,
        tpu.vector_store %arg12[%swap3A_502, %swap3A_503, %swap3A_504], %max3A_500 {strides = array<i32>} : memref<2x128x128xf32, #tpu.memory_space<vmem>>, vector<16xf32>,
        %get3A_506 = arith.constant 1 : i32
        %get3A_507 = arith.index_cast %get3A_506 : i32 to index
        %get3A_508 = arith.index_cast %scan3A_486 : i32 to index
        %get3A_509 = arith.constant 16 : index
        %get3A_510 = tpu.vector_load %arg12[%get3A_507, %get3A_508, %get3A_509] {strides = array<i32>} : memref<2x128x128xf32, #tpu.memory_space<vmem>>, vector<16xf32>,
        %mul3A_511 = arith.mulf %gather3A_490, %get3A_5 : vector<16xf32>
        %add3A_512 = arith.addf %get3A_510, %mul3A_511 : vector<16xf32>
        %max3A_513 = arith.constant 0.000000e+00 : f32
        %max3A_514 = vector.broadcast %max3A_513 : f32 to vector<16xf32>
        %max3A_515 = arith.maximumf %add3A_512, %max3A_514 : vector<16xf32>
        %swap3A_516 = arith.constant 1 : i32
        %swap3A_517 = arith.index_cast %swap3A_516 : i32 to index
        %swap3A_518 = arith.index_cast %scan3A_486 : i32 to index
        %swap3A_519 = arith.constant 16 : index
        %swap3A_520 = tpu.vector_load %arg12[%swap3A_517, %swap3A_518, %swap3A_519] {strides = array<i32>} : memref<2x128x128xf32, #tpu.memory_space<vmem>>, vector<16xf32>,
        tpu.vector_store %arg12[%swap3A_517, %swap3A_518, %swap3A_519], %max3A_515 {strides = array<i32>} : memref<2x128x128xf32, #tpu.memory_space<vmem>>, vector<16xf32>,
        %get3A_521 = arith.constant 1 : i32
        %get3A_522 = arith.index_cast %get3A_521 : i32 to index
        %get3A_523 = arith.index_cast %scan3A_486 : i32 to index
        %get3A_524 = arith.constant 32 : index
        %get3A_525 = tpu.vector_load %arg12[%get3A_522, %get3A_523, %get3A_524] {strides = array<i32>} : memref<2x128x128xf32, #tpu.memory_space<vmem>>, vector<16xf32>,
        %mul3A_526 = arith.mulf %gather3A_490, %get3A_7 : vector<16xf32>
        %add3A_527 = arith.addf %get3A_525, %mul3A_526 : vector<16xf32>
        %max3A_528 = arith.constant 0.000000e+00 : f32
        %max3A_529 = vector.broadcast %max3A_528 : f32 to vector<16xf32>
        %max3A_530 = arith.maximumf %add3A_527, %max3A_529 : vector<16xf32>
        %swap3A_531 = arith.constant 1 : i32
        %swap3A_532 = arith.index_cast %swap3A_531 : i32 to index
        %swap3A_533 = arith.index_cast %scan3A_486 : i32 to index
        %swap3A_534 = arith.constant 32 : index
        %swap3A_535 = tpu.vector_load %arg12[%swap3A_532, %swap3A_533, %swap3A_534] {strides = array<i32>} : memref<2x128x128xf32, #tpu.memory_space<vmem>>, vector<16xf32>,
        tpu.vector_store %arg12[%swap3A_532, %swap3A_533, %swap3A_534], %max3A_530 {strides = array<i32>} : memref<2x128x128xf32, #tpu.memory_space<vmem>>, vector<16xf32>,
        %get3A_536 = arith.constant 1 : i32
        %get3A_537 = arith.index_cast %get3A_536 : i32 to index
        %get3A_538 = arith.index_cast %scan3A_486 : i32 to index
        %get3A_539 = arith.constant 48 : index
        %get3A_540 = tpu.vector_load %arg12[%get3A_537, %get3A_538, %get3A_539] {strides = array<i32>} : memref<2x128x128xf32, #tpu.memory_space<vmem>>, vector<16xf32>,
        %mul3A_541 = arith.mulf %gather3A_490, %get3A_9 : vector<16xf32>
        %add3A_542 = arith.addf %get3A_540, %mul3A_541 : vector<16xf32>
        %max3A_543 = arith.constant 0.000000e+00 : f32
        %max3A_544 = vector.broadcast %max3A_543 : f32 to vector<16xf32>
        %max3A_545 = arith.maximumf %add3A_542, %max3A_544 : vector<16xf32>
        %swap3A_546 = arith.constant 1 : i32
        %swap3A_547 = arith.index_cast %swap3A_546 : i32 to index
        %swap3A_548 = arith.index_cast %scan3A_486 : i32 to index
        %swap3A_549 = arith.constant 48 : index
        %swap3A_550 = tpu.vector_load %arg12[%swap3A_547, %swap3A_548, %swap3A_549] {strides = array<i32>} : memref<2x128x128xf32, #tpu.memory_space<vmem>>, vector<16xf32>,
        tpu.vector_store %arg12[%swap3A_547, %swap3A_548, %swap3A_549], %max3A_545 {strides = array<i32>} : memref<2x128x128xf32, #tpu.memory_space<vmem>>, vector<16xf32>,
        %get3A_551 = arith.constant 1 : i32
        %get3A_552 = arith.index_cast %get3A_551 : i32 to index
        %get3A_553 = arith.index_cast %scan3A_486 : i32 to index
        %get3A_554 = arith.constant 64 : index
        %get3A_555 = tpu.vector_load %arg12[%get3A_552, %get3A_553, %get3A_554] {strides = array<i32>} : memref<2x128x128xf32, #tpu.memory_space<vmem>>, vector<16xf32>,
        %mul3A_556 = arith.mulf %gather3A_490, %get3A_11 : vector<16xf32>
        %add3A_557 = arith.addf %get3A_555, %mul3A_556 : vector<16xf32>
        %max3A_558 = arith.constant 0.000000e+00 : f32
        %max3A_559 = vector.broadcast %max3A_558 : f32 to vector<16xf32>
        %max3A_560 = arith.maximumf %add3A_557, %max3A_559 : vector<16xf32>
        %swap3A_561 = arith.constant 1 : i32
        %swap3A_562 = arith.index_cast %swap3A_561 : i32 to index
        %swap3A_563 = arith.index_cast %scan3A_486 : i32 to index
        %swap3A_564 = arith.constant 64 : index
        %swap3A_565 = tpu.vector_load %arg12[%swap3A_562, %swap3A_563, %swap3A_564] {strides = array<i32>} : memref<2x128x128xf32, #tpu.memory_space<vmem>>, vector<16xf32>,
        tpu.vector_store %arg12[%swap3A_562, %swap3A_563, %swap3A_564], %max3A_560 {strides = array<i32>} : memref<2x128x128xf32, #tpu.memory_space<vmem>>, vector<16xf32>,
        %get3A_566 = arith.constant 1 : i32
        %get3A_567 = arith.index_cast %get3A_566 : i32 to index
        %get3A_568 = arith.index_cast %scan3A_486 : i32 to index
        %get3A_569 = arith.constant 80 : index
        %get3A_570 = tpu.vector_load %arg12[%get3A_567, %get3A_568, %get3A_569] {strides = array<i32>} : memref<2x128x128xf32, #tpu.memory_space<vmem>>, vector<16xf32>,
        %mul3A_571 = arith.mulf %gather3A_490, %get3A_13 : vector<16xf32>
        %add3A_572 = arith.addf %get3A_570, %mul3A_571 : vector<16xf32>
        %max3A_573 = arith.constant 0.000000e+00 : f32
        %max3A_574 = vector.broadcast %max3A_573 : f32 to vector<16xf32>
        %max3A_575 = arith.maximumf %add3A_572, %max3A_574 : vector<16xf32>
        %swap3A_576 = arith.constant 1 : i32
        %swap3A_577 = arith.index_cast %swap3A_576 : i32 to index
        %swap3A_578 = arith.index_cast %scan3A_486 : i32 to index
        %swap3A_579 = arith.constant 80 : index
        %swap3A_580 = tpu.vector_load %arg12[%swap3A_577, %swap3A_578, %swap3A_579] {strides = array<i32>} : memref<2x128x128xf32, #tpu.memory_space<vmem>>, vector<16xf32>,
        tpu.vector_store %arg12[%swap3A_577, %swap3A_578, %swap3A_579], %max3A_575 {strides = array<i32>} : memref<2x128x128xf32, #tpu.memory_space<vmem>>, vector<16xf32>,
        %get3A_581 = arith.constant 1 : i32
        %get3A_582 = arith.index_cast %get3A_581 : i32 to index
        %get3A_583 = arith.index_cast %scan3A_486 : i32 to index
        %get3A_584 = arith.constant 96 : index
        %get3A_585 = tpu.vector_load %arg12[%get3A_582, %get3A_583, %get3A_584] {strides = array<i32>} : memref<2x128x128xf32, #tpu.memory_space<vmem>>, vector<16xf32>,
        %mul3A_586 = arith.mulf %gather3A_490, %get3A_15 : vector<16xf32>
        %add3A_587 = arith.addf %get3A_585, %mul3A_586 : vector<16xf32>
        %max3A_588 = arith.constant 0.000000e+00 : f32
        %max3A_589 = vector.broadcast %max3A_588 : f32 to vector<16xf32>
        %max3A_590 = arith.maximumf %add3A_587, %max3A_589 : vector<16xf32>
        %swap3A_591 = arith.constant 1 : i32
        %swap3A_592 = arith.index_cast %swap3A_591 : i32 to index
        %swap3A_593 = arith.index_cast %scan3A_486 : i32 to index
        %swap3A_594 = arith.constant 96 : index
        %swap3A_595 = tpu.vector_load %arg12[%swap3A_592, %swap3A_593, %swap3A_594] {strides = array<i32>} : memref<2x128x128xf32, #tpu.memory_space<vmem>>, vector<16xf32>,
        tpu.vector_store %arg12[%swap3A_592, %swap3A_593, %swap3A_594], %max3A_590 {strides = array<i32>} : memref<2x128x128xf32, #tpu.memory_space<vmem>>, vector<16xf32>,
        %get3A_596 = arith.constant 1 : i32
        %get3A_597 = arith.index_cast %get3A_596 : i32 to index
        %get3A_598 = arith.index_cast %scan3A_486 : i32 to index
        %get3A_599 = arith.constant 112 : index
        %get3A_600 = tpu.vector_load %arg12[%get3A_597, %get3A_598, %get3A_599] {strides = array<i32>} : memref<2x128x128xf32, #tpu.memory_space<vmem>>, vector<16xf32>,
        %mul3A_601 = arith.mulf %gather3A_490, %get3A_17 : vector<16xf32>
        %add3A_602 = arith.addf %get3A_600, %mul3A_601 : vector<16xf32>
        %max3A_603 = arith.constant 0.000000e+00 : f32
        %max3A_604 = vector.broadcast %max3A_603 : f32 to vector<16xf32>
        %max3A_605 = arith.maximumf %add3A_602, %max3A_604 : vector<16xf32>
        %swap3A_606 = arith.constant 1 : i32
        %swap3A_607 = arith.index_cast %swap3A_606 : i32 to index
        %swap3A_608 = arith.index_cast %scan3A_486 : i32 to index
        %swap3A_609 = arith.constant 112 : index
        %swap3A_610 = tpu.vector_load %arg12[%swap3A_607, %swap3A_608, %swap3A_609] {strides = array<i32>} : memref<2x128x128xf32, #tpu.memory_space<vmem>>, vector<16xf32>,
        tpu.vector_store %arg12[%swap3A_607, %swap3A_608, %swap3A_609], %max3A_605 {strides = array<i32>} : memref<2x128x128xf32, #tpu.memory_space<vmem>>, vector<16xf32>,
        %scan3A_611 = arith.constant 0 : i32
        scf.yield %scan3A_611 : i32
      }
      %scan3A_104 = arith.constant 128 : i32
      %run_scoped3A_105 = arith.constant 1 : i32
      %run_scoped3A_106 = arith.constant 1 : i32
      "tpu.region"() ({
        %run_scoped3A_108 = tpu.sem_alloc : memref<!tpu.dma_semaphore, #tpu.memory_space<semaphore_mem>>
        %dma_start3A_109 = arith.constant 0 : i32
        %dma_start3A_110 = arith.constant 0 : i32
        %dma_start3A_111 = tpu.memref_slice %arg12[%run_scoped3A_105, %dma_start3A_109, %dma_start3A_110] : memref<2x128x128xf32, #tpu.memory_space<vmem>> -> memref<1x128x128xf32, #tpu.memory_space<vmem>>
        %dma_start3A_112 = tpu.memref_squeeze %dma_start3A_111 : memref<1x128x128xf32, #tpu.memory_space<vmem>> -> memref<128x128xf32, #tpu.memory_space<vmem>>
        %dma_start3A_113 = arith.constant 0 : i32
        %dma_start3A_114 = tpu.memref_slice %arg10[%run_scoped3A_106, %dma_start3A_113] : memref<2x128xi32, #tpu.memory_space<vmem>> -> memref<1x128xi32, #tpu.memory_space<vmem>>
        %dma_start3A_115 = tpu.memref_squeeze %dma_start3A_114 : memref<1x128xi32, #tpu.memory_space<vmem>> -> memref<128xi32, #tpu.memory_space<vmem>>
        %dma_start3A_116 = arith.constant 0 : i32
        %dma_start3A_117 = arith.constant 0 : i32
        %dma_start3A_118 = tpu.memref_slice %arg14[%dma_start3A_116, %dma_start3A_117] : memref<10240x128xf32, #tpu.memory_space<vmem_shared>> -> memref<10240x128xf32, #tpu.memory_space<vmem_shared>>
        tpu.enqueue_indirect_dma source(%dma_start3A_112 : memref<128x128xf32, #tpu.memory_space<vmem>>) target(%dma_start3A_118 : memref<10240x128xf32, #tpu.memory_space<vmem_shared>>) offsets(%dma_start3A_115 : memref<128xi32, #tpu.memory_space<vmem>>) semaphore(%run_scoped3A_108 : memref<!tpu.dma_semaphore, #tpu.memory_space<semaphore_mem>>) {add = true}
        %dma_wait3A_119 = arith.constant 0 : i32
        %dma_wait3A_120 = arith.constant 0 : i32
        %dma_wait3A_121 = tpu.memref_slice %arg12[%run_scoped3A_105, %dma_wait3A_119, %dma_wait3A_120] : memref<2x128x128xf32, #tpu.memory_space<vmem>> -> memref<1x128x128xf32, #tpu.memory_space<vmem>>
        %dma_wait3A_122 = tpu.memref_squeeze %dma_wait3A_121 : memref<1x128x128xf32, #tpu.memory_space<vmem>> -> memref<128x128xf32, #tpu.memory_space<vmem>>
        %dma_wait3A_123 = arith.constant 0 : i32
        %dma_wait3A_124 = tpu.memref_slice %arg10[%run_scoped3A_106, %dma_wait3A_123] : memref<2x128xi32, #tpu.memory_space<vmem>> -> memref<1x128xi32, #tpu.memory_space<vmem>>
        %dma_wait3A_125 = tpu.memref_squeeze %dma_wait3A_124 : memref<1x128xi32, #tpu.memory_space<vmem>> -> memref<128xi32, #tpu.memory_space<vmem>>
        %dma_wait3A_126 = arith.constant 0 : i32
        %dma_wait3A_127 = arith.constant 0 : i32
        %dma_wait3A_128 = tpu.memref_slice %arg14[%dma_wait3A_126, %dma_wait3A_127] : memref<10240x128xf32, #tpu.memory_space<vmem_shared>> -> memref<10240x128xf32, #tpu.memory_space<vmem_shared>>
        tpu.wait_indirect_dma semaphore(%run_scoped3A_108 : memref<!tpu.dma_semaphore, #tpu.memory_space<semaphore_mem>>) src(%dma_wait3A_122 : memref<128x128xf32, #tpu.memory_space<vmem>>) dst(%dma_wait3A_128 : memref<10240x128xf32, #tpu.memory_space<vmem_shared>>)
        tpu.yield
      }) : () -> ()
      %scan3A_107 = arith.constant 0 : i32
      scf.yield %scan3A_107 : i32
    }
    %scan3A_41 = arith.constant 20 : i32
    %barrier3A_42 = arith.constant 0 : index
    tpu.barrier barrier_id(%barrier3A_42)
    %mul3A_43 = arith.constant 640 : i32
    %mul3A_44 = arith.muli %arg1, %mul3A_43 : i32
    %mul3A_45 = arith.constant 640 : i32
    %mul3A_46 = arith.muli %arg1, %mul3A_45 : i32
    "tpu.region"() ({
      %run_scoped3A_47 = tpu.sem_alloc : memref<!tpu.dma_semaphore, #tpu.memory_space<semaphore_mem>>
      %dma_start3A_48 = arith.constant 0 : i32
      %dma_start3A_49 = tpu.memref_slice %arg8[%arg0, %mul3A_46, %dma_start3A_48] : memref<2x10240x128xf32, #tpu.memory_space<hbm>> -> memref<1x640x128xf32, #tpu.memory_space<hbm>>
      %dma_start3A_50 = tpu.memref_squeeze %dma_start3A_49 : memref<1x640x128xf32, #tpu.memory_space<hbm>> -> memref<640x128xf32, #tpu.memory_space<hbm>>
      %dma_start3A_51 = arith.constant 0 : i32
      %dma_start3A_52 = tpu.memref_slice %arg14[%mul3A_44, %dma_start3A_51] : memref<10240x128xf32, #tpu.memory_space<vmem_shared>> -> memref<640x128xf32, #tpu.memory_space<vmem_shared>>
      tpu.enqueue_dma source(%dma_start3A_52 : memref<640x128xf32, #tpu.memory_space<vmem_shared>>) target(%dma_start3A_50 : memref<640x128xf32, #tpu.memory_space<hbm>>) target_semaphore(%run_scoped3A_47 : memref<!tpu.dma_semaphore, #tpu.memory_space<semaphore_mem>>)
      %dma_wait3A = arith.constant 0 : i32
      %dma_wait3A_53 = tpu.memref_slice %arg8[%arg0, %mul3A_46, %dma_wait3A] : memref<2x10240x128xf32, #tpu.memory_space<hbm>> -> memref<1x640x128xf32, #tpu.memory_space<hbm>>
      %dma_wait3A_54 = tpu.memref_squeeze %dma_wait3A_53 : memref<1x640x128xf32, #tpu.memory_space<hbm>> -> memref<640x128xf32, #tpu.memory_space<hbm>>
      %dma_wait3A_55 = arith.constant 0 : i32
      %dma_wait3A_56 = tpu.memref_slice %arg14[%mul3A_44, %dma_wait3A_55] : memref<10240x128xf32, #tpu.memory_space<vmem_shared>> -> memref<640x128xf32, #tpu.memory_space<vmem_shared>>
      tpu.wait_dma2 semaphore(%run_scoped3A_47 : memref<!tpu.dma_semaphore, #tpu.memory_space<semaphore_mem>>) src(%dma_wait3A_56 : memref<640x128xf32, #tpu.memory_space<vmem_shared>>) dst(%dma_wait3A_54 : memref<640x128xf32, #tpu.memory_space<hbm>>)
      tpu.yield
    }) : () -> ()
    return
  }
}

module attributes {stable_mosaic.version = 14 : i64} {
  func.func @_k0_body(%arg0: memref<10000x8xf32, #tpu.memory_space<vmem>>, %arg1: memref<8x128xf32, #tpu.memory_space<vmem>>, %arg2: memref<1x128xf32, #tpu.memory_space<vmem>>, %arg3: memref<1x128xf32, #tpu.memory_space<vmem>>, %arg4: memref<10000x128xf32, #tpu.memory_space<vmem>>) attributes {dimension_semantics = [], scalar_prefetch = 0 : i64, scratch_operands = 0 : i64, tpu.core_type = #tpu.core_type<tc>} {
    %get3A = arith.constant 0 : index
    %get3A_0 = arith.constant 0 : index
    %get3A_1 = vector.load %arg0[%get3A, %get3A_0] : memref<10000x8xf32, #tpu.memory_space<vmem>>, vector<10000x8xf32>
    %get3A_2 = arith.constant 0 : index
    %get3A_3 = arith.constant 0 : index
    %get3A_4 = vector.load %arg1[%get3A_2, %get3A_3] : memref<8x128xf32, #tpu.memory_space<vmem>>, vector<8x128xf32>
    %dot_general3A = arith.constant dense<0.000000e+00> : vector<10000x128xf32>
    %dot_general3A_5 = tpu.matmul %get3A_1, %get3A_4, %dot_general3A {dimension_numbers = #tpu.dot_dimension_numbers<[1], [0], [0], [1], [0, 0, 1, 1], [], []>, transpose_lhs_hint = false} : vector<10000x8xf32>, vector<8x128xf32>, vector<10000x128xf32> -> vector<10000x128xf32>
    %get3A_6 = arith.constant 0 : index
    %get3A_7 = arith.constant 0 : index
    %get3A_8 = vector.load %arg2[%get3A_6, %get3A_7] : memref<1x128xf32, #tpu.memory_space<vmem>>, vector<1x128xf32>
    %add3A = vector.broadcast %get3A_8 : vector<1x128xf32> to vector<10000x128xf32>
    %add3A_9 = arith.addf %dot_general3A_5, %add3A : vector<10000x128xf32>
    %max3A = arith.constant 0.000000e+00 : f32
    %max3A_10 = vector.broadcast %max3A : f32 to vector<10000x128xf32>
    %max3A_11 = arith.maximumf %add3A_9, %max3A_10 : vector<10000x128xf32>
    %get3A_12 = arith.constant 0 : index
    %get3A_13 = arith.constant 0 : index
    %get3A_14 = vector.load %arg3[%get3A_12, %get3A_13] : memref<1x128xf32, #tpu.memory_space<vmem>>, vector<1x128xf32>
    %add3A_15 = vector.broadcast %get3A_14 : vector<1x128xf32> to vector<10000x128xf32>
    %add3A_16 = arith.addf %max3A_11, %add3A_15 : vector<10000x128xf32>
    %swap3A = arith.constant 0 : index
    %swap3A_17 = arith.constant 0 : index
    %swap3A_18 = vector.load %arg4[%swap3A, %swap3A_17] : memref<10000x128xf32, #tpu.memory_space<vmem>>, vector<10000x128xf32>
    tpu.vector_store %arg4[%swap3A, %swap3A_17], %add3A_16 {strides = array<i32>} : memref<10000x128xf32, #tpu.memory_space<vmem>>, vector<10000x128xf32>,
    return
  }
}

module attributes {stable_mosaic.version = 14 : i64} {
  func.func @_k2_body(%arg0: i32, %arg1: memref<256x8xf32, #tpu.memory_space<vmem>>, %arg2: memref<8x128xf32, #tpu.memory_space<vmem>>, %arg3: memref<1x128xf32, #tpu.memory_space<vmem>>, %arg4: memref<1x256x128xf32, #tpu.memory_space<vmem>>, %arg5: memref<1x256x128xf32, #tpu.memory_space<vmem>>, %arg6: memref<128x128xf32, #tpu.memory_space<vmem>>, %arg7: memref<1x128xf32, #tpu.memory_space<vmem>>, %arg8: memref<256x128xi32, #tpu.memory_space<vmem>>, %arg9: memref<256x128xf32, #tpu.memory_space<vmem>>, %arg10: memref<2x64x128xf32, #tpu.memory_space<vmem>>, %arg11: memref<64x128xf32, #tpu.memory_space<vmem>>, %arg12: memref<64x128xf32, #tpu.memory_space<vmem>>) attributes {dimension_semantics = [#tpu.dimension_semantics<arbitrary>], iteration_bounds = array<i64: 40>, scalar_prefetch = 0 : i64, scratch_operands = 2 : i64, tpu.core_type = #tpu.core_type<tc>, window_params = [{transform_indices = @transform_0, window_bounds = array<i64: 256, 8>}, {pipeline_mode = #tpu.pipeline_mode<synchronous>, transform_indices = @transform_1, window_bounds = array<i64: 8, 128>}, {pipeline_mode = #tpu.pipeline_mode<synchronous>, transform_indices = @transform_2, window_bounds = array<i64: 1, 128>}, {transform_indices = @transform_3, window_bounds = array<i64: 1, 256, 128>}, {transform_indices = @transform_4, window_bounds = array<i64: 1, 256, 128>}, {pipeline_mode = #tpu.pipeline_mode<synchronous>, transform_indices = @transform_5, window_bounds = array<i64: 128, 128>}, {pipeline_mode = #tpu.pipeline_mode<synchronous>, transform_indices = @transform_6, window_bounds = array<i64: 1, 128>}, {transform_indices = @transform_7, window_bounds = array<i64: 256, 128>}, {transform_indices = @transform_8, window_bounds = array<i64: 256, 128>}, {pipeline_mode = #tpu.pipeline_mode<synchronous>, transform_indices = @transform_9, window_bounds = array<i64: 2, 64, 128>}]} {
    %get3A = arith.constant 0 : index
    %get3A_0 = arith.constant 0 : index
    %get3A_1 = vector.load %arg1[%get3A, %get3A_0] : memref<256x8xf32, #tpu.memory_space<vmem>>, vector<256x8xf32>
    %get3A_2 = arith.constant 0 : index
    %get3A_3 = arith.constant 0 : index
    %get3A_4 = vector.load %arg2[%get3A_2, %get3A_3] : memref<8x128xf32, #tpu.memory_space<vmem>>, vector<8x128xf32>
    %dot_general3A = arith.constant dense<0.000000e+00> : vector<256x128xf32>
    %dot_general3A_5 = tpu.matmul %get3A_1, %get3A_4, %dot_general3A {dimension_numbers = #tpu.dot_dimension_numbers<[1], [0], [0], [1], [0, 0, 1, 1], [], []>, transpose_lhs_hint = false} : vector<256x8xf32>, vector<8x128xf32>, vector<256x128xf32> -> vector<256x128xf32>
    %get3A_6 = arith.constant 0 : index
    %get3A_7 = arith.constant 0 : index
    %get3A_8 = vector.load %arg3[%get3A_6, %get3A_7] : memref<1x128xf32, #tpu.memory_space<vmem>>, vector<1x128xf32>
    %add3A = vector.broadcast %get3A_8 : vector<1x128xf32> to vector<256x128xf32>
    %add3A_9 = arith.addf %dot_general3A_5, %add3A : vector<256x128xf32>
    %max3A = arith.constant 0.000000e+00 : f32
    %max3A_10 = vector.broadcast %max3A : f32 to vector<256x128xf32>
    %max3A_11 = arith.maximumf %add3A_9, %max3A_10 : vector<256x128xf32>
    %get3A_12 = arith.constant 0 : index
    %get3A_13 = arith.constant 0 : index
    %get3A_14 = arith.constant 0 : index
    %get3A_15 = vector.load %arg4[%get3A_12, %get3A_13, %get3A_14] : memref<1x256x128xf32, #tpu.memory_space<vmem>>, vector<1x256x128xf32>
    %get3A_16 = vector.shape_cast %get3A_15 : vector<1x256x128xf32> to vector<256x128xf32>
    %get3A_17 = arith.constant 0 : index
    %get3A_18 = arith.constant 0 : index
    %get3A_19 = arith.constant 0 : index
    %get3A_20 = vector.load %arg5[%get3A_17, %get3A_18, %get3A_19] : memref<1x256x128xf32, #tpu.memory_space<vmem>>, vector<1x256x128xf32>
    %get3A_21 = vector.shape_cast %get3A_20 : vector<1x256x128xf32> to vector<256x128xf32>
    %add3A_22 = arith.addf %get3A_16, %get3A_21 : vector<256x128xf32>
    %get3A_23 = arith.constant 0 : index
    %get3A_24 = arith.constant 0 : index
    %get3A_25 = vector.load %arg6[%get3A_23, %get3A_24] : memref<128x128xf32, #tpu.memory_space<vmem>>, vector<128x128xf32>
    %dot_general3A_26 = arith.constant dense<0.000000e+00> : vector<256x128xf32>
    %dot_general3A_27 = tpu.matmul %add3A_22, %get3A_25, %dot_general3A_26 {dimension_numbers = #tpu.dot_dimension_numbers<[1], [0], [0], [1], [0, 0, 1, 1], [], []>, transpose_lhs_hint = false} : vector<256x128xf32>, vector<128x128xf32>, vector<256x128xf32> -> vector<256x128xf32>
    %add3A_28 = arith.addf %max3A_11, %dot_general3A_27 : vector<256x128xf32>
    %get3A_29 = arith.constant 0 : index
    %get3A_30 = arith.constant 0 : index
    %get3A_31 = vector.load %arg7[%get3A_29, %get3A_30] : memref<1x128xf32, #tpu.memory_space<vmem>>, vector<1x128xf32>
    %add3A_32 = vector.broadcast %get3A_31 : vector<1x128xf32> to vector<256x128xf32>
    %add3A_33 = arith.addf %add3A_28, %add3A_32 : vector<256x128xf32>
    %max3A_34 = arith.constant 0.000000e+00 : f32
    %max3A_35 = vector.broadcast %max3A_34 : f32 to vector<256x128xf32>
    %max3A_36 = arith.maximumf %add3A_33, %max3A_35 : vector<256x128xf32>
    %swap3A = arith.constant 0 : index
    %swap3A_37 = arith.constant 0 : index
    %swap3A_38 = vector.load %arg9[%swap3A, %swap3A_37] : memref<256x128xf32, #tpu.memory_space<vmem>>, vector<256x128xf32>
    tpu.vector_store %arg9[%swap3A, %swap3A_37], %max3A_36 {strides = array<i32>} : memref<256x128xf32, #tpu.memory_space<vmem>>, vector<256x128xf32>,
    %get3A_39 = arith.constant 0 : index
    %get3A_40 = arith.constant 0 : index
    %get3A_41 = vector.load %arg8[%get3A_39, %get3A_40] : memref<256x128xi32, #tpu.memory_space<vmem>>, vector<256x64xi32>
    %iota3A = tpu.iota {dimensions = array<i32: 1>} : vector<256x64xi32>
    %eq3A = arith.cmpi eq, %get3A_41, %iota3A : vector<256x64xi32>
    %convert_element_type3A = arith.extui %eq3A : vector<256x64xi1> to vector<256x64xi32>
    %convert_element_type3A_42 = arith.sitofp %convert_element_type3A : vector<256x64xi32> to vector<256x64xf32>
    %eq3A_43 = arith.constant 0 : i32
    %eq3A_44 = arith.cmpi eq, %arg0, %eq3A_43 : i32
    %convert_element_type3A_45 = arith.extui %eq3A_44 : i1 to i32
    %cond3A = arith.constant 0 : i32
    %cond3A_46 = arith.cmpi ne, %convert_element_type3A_45, %cond3A : i32
    scf.if %cond3A_46 {
      %broadcast_in_dim3A_71 = arith.constant 0.000000e+00 : f32
      %broadcast_in_dim3A_72 = vector.broadcast %broadcast_in_dim3A_71 : f32 to vector<64x128xf32>
      %swap3A_73 = arith.constant 0 : index
      %swap3A_74 = arith.constant 0 : index
      %swap3A_75 = vector.load %arg11[%swap3A_73, %swap3A_74] : memref<64x128xf32, #tpu.memory_space<vmem>>, vector<64x128xf32>
      tpu.vector_store %arg11[%swap3A_73, %swap3A_74], %broadcast_in_dim3A_72 {strides = array<i32>} : memref<64x128xf32, #tpu.memory_space<vmem>>, vector<64x128xf32>,
      %broadcast_in_dim3A_76 = arith.constant 0.000000e+00 : f32
      %broadcast_in_dim3A_77 = vector.broadcast %broadcast_in_dim3A_76 : f32 to vector<64x128xf32>
      %swap3A_78 = arith.constant 0 : index
      %swap3A_79 = arith.constant 0 : index
      %swap3A_80 = vector.load %arg12[%swap3A_78, %swap3A_79] : memref<64x128xf32, #tpu.memory_space<vmem>>, vector<64x128xf32>
      tpu.vector_store %arg12[%swap3A_78, %swap3A_79], %broadcast_in_dim3A_77 {strides = array<i32>} : memref<64x128xf32, #tpu.memory_space<vmem>>, vector<64x128xf32>,
    } else {
    }
    %get3A_47 = arith.constant 0 : index
    %get3A_48 = arith.constant 0 : index
    %get3A_49 = vector.load %arg11[%get3A_47, %get3A_48] : memref<64x128xf32, #tpu.memory_space<vmem>>, vector<64x128xf32>
    %dot_general3A_50 = arith.constant dense<0.000000e+00> : vector<64x128xf32>
    %dot_general3A_51 = tpu.matmul %convert_element_type3A_42, %max3A_36, %dot_general3A_50 {dimension_numbers = #tpu.dot_dimension_numbers<[0], [0], [1], [1], [0, 1, 1, 1], [], []>, transpose_lhs_hint = false} : vector<256x64xf32>, vector<256x128xf32>, vector<64x128xf32> -> vector<64x128xf32>
    %add3A_52 = arith.addf %get3A_49, %dot_general3A_51 : vector<64x128xf32>
    %swap3A_53 = arith.constant 0 : index
    %swap3A_54 = arith.constant 0 : index
    %swap3A_55 = vector.load %arg11[%swap3A_53, %swap3A_54] : memref<64x128xf32, #tpu.memory_space<vmem>>, vector<64x128xf32>
    tpu.vector_store %arg11[%swap3A_53, %swap3A_54], %add3A_52 {strides = array<i32>} : memref<64x128xf32, #tpu.memory_space<vmem>>, vector<64x128xf32>,
    %get3A_56 = arith.constant 0 : index
    %get3A_57 = arith.constant 0 : index
    %get3A_58 = vector.load %arg12[%get3A_56, %get3A_57] : memref<64x128xf32, #tpu.memory_space<vmem>>, vector<64x128xf32>
    %broadcast_in_dim3A = arith.constant 1.000000e+00 : f32
    %broadcast_in_dim3A_59 = vector.broadcast %broadcast_in_dim3A : f32 to vector<256x128xf32>
    %dot_general3A_60 = arith.constant dense<0.000000e+00> : vector<64x128xf32>
    %dot_general3A_61 = tpu.matmul %convert_element_type3A_42, %broadcast_in_dim3A_59, %dot_general3A_60 {dimension_numbers = #tpu.dot_dimension_numbers<[0], [0], [1], [1], [0, 1, 1, 1], [], []>, transpose_lhs_hint = false} : vector<256x64xf32>, vector<256x128xf32>, vector<64x128xf32> -> vector<64x128xf32>
    %add3A_62 = arith.addf %get3A_58, %dot_general3A_61 : vector<64x128xf32>
    %swap3A_63 = arith.constant 0 : index
    %swap3A_64 = arith.constant 0 : index
    %swap3A_65 = vector.load %arg12[%swap3A_63, %swap3A_64] : memref<64x128xf32, #tpu.memory_space<vmem>>, vector<64x128xf32>
    tpu.vector_store %arg12[%swap3A_63, %swap3A_64], %add3A_62 {strides = array<i32>} : memref<64x128xf32, #tpu.memory_space<vmem>>, vector<64x128xf32>,
    %eq3A_66 = arith.constant 39 : i32
    %eq3A_67 = arith.cmpi eq, %arg0, %eq3A_66 : i32
    %convert_element_type3A_68 = arith.extui %eq3A_67 : i1 to i32
    %cond3A_69 = arith.constant 0 : i32
    %cond3A_70 = arith.cmpi ne, %convert_element_type3A_68, %cond3A_69 : i32
    scf.if %cond3A_70 {
      %get3A_71 = arith.constant 0 : index
      %get3A_72 = arith.constant 0 : index
      %get3A_73 = vector.load %arg11[%get3A_71, %get3A_72] : memref<64x128xf32, #tpu.memory_space<vmem>>, vector<64x128xf32>
      %swap3A_74 = arith.constant 0 : index
      %swap3A_75 = arith.constant 0 : index
      %swap3A_76 = arith.constant 0 : index
      %swap3A_77 = vector.load %arg10[%swap3A_74, %swap3A_75, %swap3A_76] : memref<2x64x128xf32, #tpu.memory_space<vmem>>, vector<1x64x128xf32>
      %swap3A_78 = vector.shape_cast %swap3A_77 : vector<1x64x128xf32> to vector<64x128xf32>
      %swap3A_79 = vector.shape_cast %get3A_73 : vector<64x128xf32> to vector<1x64x128xf32>
      tpu.vector_store %arg10[%swap3A_74, %swap3A_75, %swap3A_76], %swap3A_79 {strides = array<i32>} : memref<2x64x128xf32, #tpu.memory_space<vmem>>, vector<1x64x128xf32>,
      %get3A_80 = arith.constant 0 : index
      %get3A_81 = arith.constant 0 : index
      %get3A_82 = vector.load %arg12[%get3A_80, %get3A_81] : memref<64x128xf32, #tpu.memory_space<vmem>>, vector<64x128xf32>
      %swap3A_83 = arith.constant 1 : index
      %swap3A_84 = arith.constant 0 : index
      %swap3A_85 = arith.constant 0 : index
      %swap3A_86 = vector.load %arg10[%swap3A_83, %swap3A_84, %swap3A_85] : memref<2x64x128xf32, #tpu.memory_space<vmem>>, vector<1x64x128xf32>
      %swap3A_87 = vector.shape_cast %swap3A_86 : vector<1x64x128xf32> to vector<64x128xf32>
      %swap3A_88 = vector.shape_cast %get3A_82 : vector<64x128xf32> to vector<1x64x128xf32>
      tpu.vector_store %arg10[%swap3A_83, %swap3A_84, %swap3A_85], %swap3A_88 {strides = array<i32>} : memref<2x64x128xf32, #tpu.memory_space<vmem>>, vector<1x64x128xf32>,
    } else {
    }
    return
  }
  func.func @transform_0(%arg0: i32) -> (i32, i32) {
    %c0_i32 = arith.constant 0 : i32
    %c0_i32_0 = arith.constant 0 : i32
    return %arg0, %c0_i32 : i32, i32
  }
  func.func @transform_1(%arg0: i32) -> (i32, i32) {
    %c0_i32 = arith.constant 0 : i32
    %c0_i32_0 = arith.constant 0 : i32
    %c0_i32_1 = arith.constant 0 : i32
    return %c0_i32, %c0_i32_0 : i32, i32
  }
  func.func @transform_2(%arg0: i32) -> (i32, i32) {
    %c0_i32 = arith.constant 0 : i32
    %c0_i32_0 = arith.constant 0 : i32
    %c0_i32_1 = arith.constant 0 : i32
    return %c0_i32, %c0_i32_0 : i32, i32
  }
  func.func @transform_3(%arg0: i32) -> (i32, i32, i32) {
    %c0_i32 = arith.constant 0 : i32
    %c0_i32_0 = arith.constant 0 : i32
    %c0_i32_1 = arith.constant 0 : i32
    return %c0_i32, %arg0, %c0_i32_0 : i32, i32, i32
  }
  func.func @transform_4(%arg0: i32) -> (i32, i32, i32) {
    %c0_i32 = arith.constant 0 : i32
    %c0_i32_0 = arith.constant 0 : i32
    %c0_i32_1 = arith.constant 0 : i32
    return %c0_i32, %arg0, %c0_i32_0 : i32, i32, i32
  }
  func.func @transform_5(%arg0: i32) -> (i32, i32) {
    %c0_i32 = arith.constant 0 : i32
    %c0_i32_0 = arith.constant 0 : i32
    %c0_i32_1 = arith.constant 0 : i32
    return %c0_i32, %c0_i32_0 : i32, i32
  }
  func.func @transform_6(%arg0: i32) -> (i32, i32) {
    %c0_i32 = arith.constant 0 : i32
    %c0_i32_0 = arith.constant 0 : i32
    %c0_i32_1 = arith.constant 0 : i32
    return %c0_i32, %c0_i32_0 : i32, i32
  }
  func.func @transform_7(%arg0: i32) -> (i32, i32) {
    %c0_i32 = arith.constant 0 : i32
    %c0_i32_0 = arith.constant 0 : i32
    return %arg0, %c0_i32 : i32, i32
  }
  func.func @transform_8(%arg0: i32) -> (i32, i32) {
    %c0_i32 = arith.constant 0 : i32
    %c0_i32_0 = arith.constant 0 : i32
    return %arg0, %c0_i32 : i32, i32
  }
  func.func @transform_9(%arg0: i32) -> (i32, i32, i32) {
    %c0_i32 = arith.constant 0 : i32
    %c0_i32_0 = arith.constant 0 : i32
    %c0_i32_1 = arith.constant 0 : i32
    %c0_i32_2 = arith.constant 0 : i32
    return %c0_i32, %c0_i32_0, %c0_i32_1 : i32, i32, i32
  }
}

module attributes {stable_mosaic.version = 14 : i64} {
  func.func @_k3_body(%arg0: i32, %arg1: memref<256x128xf32, #tpu.memory_space<vmem>>, %arg2: memref<2x64x128xf32, #tpu.memory_space<vmem>>, %arg3: memref<256x128xi32, #tpu.memory_space<vmem>>, %arg4: memref<128x64xf32, #tpu.memory_space<vmem>>, %arg5: memref<1x64xf32, #tpu.memory_space<vmem>>, %arg6: memref<64x16xf32, #tpu.memory_space<vmem>>, %arg7: memref<1x16xf32, #tpu.memory_space<vmem>>, %arg8: memref<2x128x512xf32, #tpu.memory_space<vmem>>, %arg9: memref<2x512xf32, #tpu.memory_space<vmem>>, %arg10: memref<2x512x128xf32, #tpu.memory_space<vmem>>, %arg11: memref<2x128xf32, #tpu.memory_space<vmem>>, %arg12: memref<2x128xf32, #tpu.memory_space<vmem>>, %arg13: memref<2x128xf32, #tpu.memory_space<vmem>>, %arg14: memref<16x128x512xf32, #tpu.memory_space<vmem>>, %arg15: memref<16x512xf32, #tpu.memory_space<vmem>>, %arg16: memref<16x512x128xf32, #tpu.memory_space<vmem>>, %arg17: memref<16x128xf32, #tpu.memory_space<vmem>>, %arg18: memref<16x128xf32, #tpu.memory_space<vmem>>, %arg19: memref<16x128xf32, #tpu.memory_space<vmem>>, %arg20: memref<128x128xf32, #tpu.memory_space<vmem>>, %arg21: memref<1x128xf32, #tpu.memory_space<vmem>>, %arg22: memref<1x128xf32, #tpu.memory_space<vmem>>, %arg23: memref<1x256xf32, #tpu.memory_space<vmem>>, %arg24: memref<1x1x256xf32, #tpu.memory_space<vmem>>, %arg25: memref<64x16xf32, #tpu.memory_space<vmem>>, %arg26: memref<256x128xf32, #tpu.memory_space<vmem>>) attributes {dimension_semantics = [#tpu.dimension_semantics<arbitrary>], iteration_bounds = array<i64: 40>, scalar_prefetch = 0 : i64, scratch_operands = 2 : i64, tpu.core_type = #tpu.core_type<tc>, window_params = [{transform_indices = @transform_0, window_bounds = array<i64: 256, 128>}, {pipeline_mode = #tpu.pipeline_mode<synchronous>, transform_indices = @transform_1, window_bounds = array<i64: 2, 64, 128>}, {transform_indices = @transform_2, window_bounds = array<i64: 256, 128>}, {pipeline_mode = #tpu.pipeline_mode<synchronous>, transform_indices = @transform_3, window_bounds = array<i64: 128, 64>}, {pipeline_mode = #tpu.pipeline_mode<synchronous>, transform_indices = @transform_4, window_bounds = array<i64: 1, 64>}, {pipeline_mode = #tpu.pipeline_mode<synchronous>, transform_indices = @transform_5, window_bounds = array<i64: 64, 16>}, {pipeline_mode = #tpu.pipeline_mode<synchronous>, transform_indices = @transform_6, window_bounds = array<i64: 1, 16>}, {pipeline_mode = #tpu.pipeline_mode<synchronous>, transform_indices = @transform_7, window_bounds = array<i64: 2, 128, 512>}, {pipeline_mode = #tpu.pipeline_mode<synchronous>, transform_indices = @transform_8, window_bounds = array<i64: 2, 512>}, {pipeline_mode = #tpu.pipeline_mode<synchronous>, transform_indices = @transform_9, window_bounds = array<i64: 2, 512, 128>}, {pipeline_mode = #tpu.pipeline_mode<synchronous>, transform_indices = @transform_10, window_bounds = array<i64: 2, 128>}, {pipeline_mode = #tpu.pipeline_mode<synchronous>, transform_indices = @transform_11, window_bounds = array<i64: 2, 128>}, {pipeline_mode = #tpu.pipeline_mode<synchronous>, transform_indices = @transform_12, window_bounds = array<i64: 2, 128>}, {pipeline_mode = #tpu.pipeline_mode<synchronous>, transform_indices = @transform_13, window_bounds = array<i64: 16, 128, 512>}, {pipeline_mode = #tpu.pipeline_mode<synchronous>, transform_indices = @transform_14, window_bounds = array<i64: 16, 512>}, {pipeline_mode = #tpu.pipeline_mode<synchronous>, transform_indices = @transform_15, window_bounds = array<i64: 16, 512, 128>}, {pipeline_mode = #tpu.pipeline_mode<synchronous>, transform_indices = @transform_16, window_bounds = array<i64: 16, 128>}, {pipeline_mode = #tpu.pipeline_mode<synchronous>, transform_indices = @transform_17, window_bounds = array<i64: 16, 128>}, {pipeline_mode = #tpu.pipeline_mode<synchronous>, transform_indices = @transform_18, window_bounds = array<i64: 16, 128>}, {pipeline_mode = #tpu.pipeline_mode<synchronous>, transform_indices = @transform_19, window_bounds = array<i64: 128, 128>}, {pipeline_mode = #tpu.pipeline_mode<synchronous>, transform_indices = @transform_20, window_bounds = array<i64: 1, 128>}, {pipeline_mode = #tpu.pipeline_mode<synchronous>, transform_indices = @transform_21, window_bounds = array<i64: 1, 128>}, {pipeline_mode = #tpu.pipeline_mode<synchronous>, transform_indices = @transform_22, window_bounds = array<i64: 1, 256>}, {transform_indices = @transform_23, window_bounds = array<i64: 1, 1, 256>}]} {
    %eq3A = arith.constant 0 : i32
    %eq3A_0 = arith.cmpi eq, %arg0, %eq3A : i32
    %convert_element_type3A = arith.extui %eq3A_0 : i1 to i32
    %cond3A = arith.constant 0 : i32
    %cond3A_1 = arith.cmpi ne, %convert_element_type3A, %cond3A : i32
    scf.if %cond3A_1 {
      %get3A_346 = arith.constant 0 : index
      %get3A_347 = arith.constant 0 : index
      %get3A_348 = arith.constant 0 : index
      %get3A_349 = vector.load %arg2[%get3A_346, %get3A_347, %get3A_348] : memref<2x64x128xf32, #tpu.memory_space<vmem>>, vector<1x64x128xf32>
      %get3A_350 = vector.shape_cast %get3A_349 : vector<1x64x128xf32> to vector<64x128xf32>
      %get3A_351 = arith.constant 1 : index
      %get3A_352 = arith.constant 0 : index
      %get3A_353 = arith.constant 0 : index
      %get3A_354 = vector.load %arg2[%get3A_351, %get3A_352, %get3A_353] : memref<2x64x128xf32, #tpu.memory_space<vmem>>, vector<1x64x128xf32>
      %get3A_355 = vector.shape_cast %get3A_354 : vector<1x64x128xf32> to vector<64x128xf32>
      %max3A_356 = arith.constant 1.000000e+00 : f32
      %max3A_357 = vector.broadcast %max3A_356 : f32 to vector<64x128xf32>
      %max3A_358 = arith.maximumf %get3A_355, %max3A_357 : vector<64x128xf32>
      %div3A_359 = arith.divf %get3A_350, %max3A_358 : vector<64x128xf32>
      %get3A_360 = arith.constant 0 : index
      %get3A_361 = arith.constant 0 : index
      %get3A_362 = vector.load %arg4[%get3A_360, %get3A_361] : memref<128x64xf32, #tpu.memory_space<vmem>>, vector<128x64xf32>
      %dot_general3A_363 = arith.constant dense<0.000000e+00> : vector<64x64xf32>
      %dot_general3A_364 = tpu.matmul %div3A_359, %get3A_362, %dot_general3A_363 {dimension_numbers = #tpu.dot_dimension_numbers<[1], [0], [0], [1], [0, 0, 1, 1], [], []>, transpose_lhs_hint = false} : vector<64x128xf32>, vector<128x64xf32>, vector<64x64xf32> -> vector<64x64xf32>
      %get3A_365 = arith.constant 0 : index
      %get3A_366 = arith.constant 0 : index
      %get3A_367 = vector.load %arg5[%get3A_365, %get3A_366] : memref<1x64xf32, #tpu.memory_space<vmem>>, vector<1x64xf32>
      %add3A_368 = vector.broadcast %get3A_367 : vector<1x64xf32> to vector<64x64xf32>
      %add3A_369 = arith.addf %dot_general3A_364, %add3A_368 : vector<64x64xf32>
      %ge3A = arith.constant 0.000000e+00 : f32
      %ge3A_370 = vector.broadcast %ge3A : f32 to vector<64x64xf32>
      %ge3A_371 = arith.cmpf oge, %add3A_369, %ge3A_370 : vector<64x64xf32>
      %mul3A_372 = arith.constant 2.000000e-01 : f32
      %mul3A_373 = vector.broadcast %mul3A_372 : f32 to vector<64x64xf32>
      %mul3A_374 = arith.mulf %mul3A_373, %add3A_369 : vector<64x64xf32>
      %select_n3A = arith.select %ge3A_371, %add3A_369, %mul3A_374 : vector<64x64xi1>, vector<64x64xf32>
      %get3A_375 = arith.constant 0 : index
      %get3A_376 = arith.constant 0 : index
      %get3A_377 = vector.load %arg6[%get3A_375, %get3A_376] : memref<64x16xf32, #tpu.memory_space<vmem>>, vector<64x16xf32>
      %dot_general3A_378 = arith.constant dense<0.000000e+00> : vector<64x16xf32>
      %dot_general3A_379 = tpu.matmul %select_n3A, %get3A_377, %dot_general3A_378 {dimension_numbers = #tpu.dot_dimension_numbers<[1], [0], [0], [1], [0, 0, 1, 1], [], []>, transpose_lhs_hint = false} : vector<64x64xf32>, vector<64x16xf32>, vector<64x16xf32> -> vector<64x16xf32>
      %get3A_380 = arith.constant 0 : index
      %get3A_381 = arith.constant 0 : index
      %get3A_382 = vector.load %arg7[%get3A_380, %get3A_381] : memref<1x16xf32, #tpu.memory_space<vmem>>, vector<1x16xf32>
      %add3A_383 = vector.broadcast %get3A_382 : vector<1x16xf32> to vector<64x16xf32>
      %add3A_384 = arith.addf %dot_general3A_379, %add3A_383 : vector<64x16xf32>
      %iota3A_385 = tpu.iota {dimensions = array<i32: 1>} : vector<64x16xi32>
      %broadcast_in_dim3A_386 = arith.constant 0.000000e+00 : f32
      %broadcast_in_dim3A_387 = vector.broadcast %broadcast_in_dim3A_386 : f32 to vector<64x16xf32>
      %reduce_max3A_388 = arith.constant dense<0xFF800000> : vector<64xf32>
      %reduce_max3A_389 = vector.multi_reduction <maximumf>, %add3A_384, %reduce_max3A_388 [1] : vector<64x16xf32> to vector<64xf32>
      %broadcast_in_dim3A_390 = vector.shape_cast %reduce_max3A_389 : vector<64xf32> to vector<64x1xf32>
      %eq3A_391 = vector.broadcast %broadcast_in_dim3A_390 : vector<64x1xf32> to vector<64x16xf32>
      %eq3A_392 = arith.cmpf oeq, %add3A_384, %eq3A_391 : vector<64x16xf32>
      %jit3A = arith.constant 16 : i32
      %broadcast_in_dim3A_393 = vector.broadcast %jit3A : i32 to vector<64x16xi32>
      %select_n3A_394 = arith.select %eq3A_392, %iota3A_385, %broadcast_in_dim3A_393 : vector<64x16xi1>, vector<64x16xi32>
      %reduce_min3A = arith.constant dense<2147483647> : vector<64xi32>
      %reduce_min3A_395 = vector.multi_reduction <minsi>, %select_n3A_394, %reduce_min3A [1] : vector<64x16xi32> to vector<64xi32>
      %broadcast_in_dim3A_396 = vector.shape_cast %reduce_min3A_395 : vector<64xi32> to vector<64x1xi32>
      %eq3A_397 = vector.broadcast %broadcast_in_dim3A_396 : vector<64x1xi32> to vector<64x16xi32>
      %eq3A_398 = arith.cmpi eq, %iota3A_385, %eq3A_397 : vector<64x16xi32>
      %jit3A_399 = arith.constant 1.000000e+00 : f32
      %broadcast_in_dim3A_400 = vector.broadcast %jit3A_399 : f32 to vector<64x16xf32>
      %select_n3A_401 = arith.select %eq3A_398, %broadcast_in_dim3A_400, %broadcast_in_dim3A_387 : vector<64x16xi1>, vector<64x16xf32>
      %jit3A_402 = arith.constant 0xFF800000 : f32
      %broadcast_in_dim3A_403 = vector.broadcast %jit3A_402 : f32 to vector<64x16xf32>
      %select_n3A_404 = arith.select %eq3A_398, %broadcast_in_dim3A_403, %add3A_384 : vector<64x16xi1>, vector<64x16xf32>
      %reduce_max3A_405 = arith.constant dense<0xFF800000> : vector<64xf32>
      %reduce_max3A_406 = vector.multi_reduction <maximumf>, %select_n3A_404, %reduce_max3A_405 [1] : vector<64x16xf32> to vector<64xf32>
      %broadcast_in_dim3A_407 = vector.shape_cast %reduce_max3A_406 : vector<64xf32> to vector<64x1xf32>
      %eq3A_408 = vector.broadcast %broadcast_in_dim3A_407 : vector<64x1xf32> to vector<64x16xf32>
      %eq3A_409 = arith.cmpf oeq, %select_n3A_404, %eq3A_408 : vector<64x16xf32>
      %jit3A_410 = arith.constant 16 : i32
      %broadcast_in_dim3A_411 = vector.broadcast %jit3A_410 : i32 to vector<64x16xi32>
      %select_n3A_412 = arith.select %eq3A_409, %iota3A_385, %broadcast_in_dim3A_411 : vector<64x16xi1>, vector<64x16xi32>
      %reduce_min3A_413 = arith.constant dense<2147483647> : vector<64xi32>
      %reduce_min3A_414 = vector.multi_reduction <minsi>, %select_n3A_412, %reduce_min3A_413 [1] : vector<64x16xi32> to vector<64xi32>
      %broadcast_in_dim3A_415 = vector.shape_cast %reduce_min3A_414 : vector<64xi32> to vector<64x1xi32>
      %eq3A_416 = vector.broadcast %broadcast_in_dim3A_415 : vector<64x1xi32> to vector<64x16xi32>
      %eq3A_417 = arith.cmpi eq, %iota3A_385, %eq3A_416 : vector<64x16xi32>
      %jit3A_418 = arith.constant 1.000000e+00 : f32
      %broadcast_in_dim3A_419 = vector.broadcast %jit3A_418 : f32 to vector<64x16xf32>
      %select_n3A_420 = arith.select %eq3A_417, %broadcast_in_dim3A_419, %select_n3A_401 : vector<64x16xi1>, vector<64x16xf32>
      %jit3A_421 = arith.constant 0xFF800000 : f32
      %broadcast_in_dim3A_422 = vector.broadcast %jit3A_421 : f32 to vector<64x16xf32>
      %select_n3A_423 = arith.select %eq3A_417, %broadcast_in_dim3A_422, %select_n3A_404 : vector<64x16xi1>, vector<64x16xf32>
      %reduce_max3A_424 = arith.constant dense<0xFF800000> : vector<64xf32>
      %reduce_max3A_425 = vector.multi_reduction <maximumf>, %select_n3A_423, %reduce_max3A_424 [1] : vector<64x16xf32> to vector<64xf32>
      %broadcast_in_dim3A_426 = vector.shape_cast %reduce_max3A_425 : vector<64xf32> to vector<64x1xf32>
      %eq3A_427 = vector.broadcast %broadcast_in_dim3A_426 : vector<64x1xf32> to vector<64x16xf32>
      %eq3A_428 = arith.cmpf oeq, %select_n3A_423, %eq3A_427 : vector<64x16xf32>
      %jit3A_429 = arith.constant 16 : i32
      %broadcast_in_dim3A_430 = vector.broadcast %jit3A_429 : i32 to vector<64x16xi32>
      %select_n3A_431 = arith.select %eq3A_428, %iota3A_385, %broadcast_in_dim3A_430 : vector<64x16xi1>, vector<64x16xi32>
      %reduce_min3A_432 = arith.constant dense<2147483647> : vector<64xi32>
      %reduce_min3A_433 = vector.multi_reduction <minsi>, %select_n3A_431, %reduce_min3A_432 [1] : vector<64x16xi32> to vector<64xi32>
      %broadcast_in_dim3A_434 = vector.shape_cast %reduce_min3A_433 : vector<64xi32> to vector<64x1xi32>
      %eq3A_435 = vector.broadcast %broadcast_in_dim3A_434 : vector<64x1xi32> to vector<64x16xi32>
      %eq3A_436 = arith.cmpi eq, %iota3A_385, %eq3A_435 : vector<64x16xi32>
      %jit3A_437 = arith.constant 1.000000e+00 : f32
      %broadcast_in_dim3A_438 = vector.broadcast %jit3A_437 : f32 to vector<64x16xf32>
      %select_n3A_439 = arith.select %eq3A_436, %broadcast_in_dim3A_438, %select_n3A_420 : vector<64x16xi1>, vector<64x16xf32>
      %jit3A_440 = arith.constant 0xFF800000 : f32
      %broadcast_in_dim3A_441 = vector.broadcast %jit3A_440 : f32 to vector<64x16xf32>
      %select_n3A_442 = arith.select %eq3A_436, %broadcast_in_dim3A_441, %select_n3A_423 : vector<64x16xi1>, vector<64x16xf32>
      %reduce_max3A_443 = arith.constant dense<0xFF800000> : vector<64xf32>
      %reduce_max3A_444 = vector.multi_reduction <maximumf>, %select_n3A_442, %reduce_max3A_443 [1] : vector<64x16xf32> to vector<64xf32>
      %broadcast_in_dim3A_445 = vector.shape_cast %reduce_max3A_444 : vector<64xf32> to vector<64x1xf32>
      %eq3A_446 = vector.broadcast %broadcast_in_dim3A_445 : vector<64x1xf32> to vector<64x16xf32>
      %eq3A_447 = arith.cmpf oeq, %select_n3A_442, %eq3A_446 : vector<64x16xf32>
      %jit3A_448 = arith.constant 16 : i32
      %broadcast_in_dim3A_449 = vector.broadcast %jit3A_448 : i32 to vector<64x16xi32>
      %select_n3A_450 = arith.select %eq3A_447, %iota3A_385, %broadcast_in_dim3A_449 : vector<64x16xi1>, vector<64x16xi32>
      %reduce_min3A_451 = arith.constant dense<2147483647> : vector<64xi32>
      %reduce_min3A_452 = vector.multi_reduction <minsi>, %select_n3A_450, %reduce_min3A_451 [1] : vector<64x16xi32> to vector<64xi32>
      %broadcast_in_dim3A_453 = vector.shape_cast %reduce_min3A_452 : vector<64xi32> to vector<64x1xi32>
      %eq3A_454 = vector.broadcast %broadcast_in_dim3A_453 : vector<64x1xi32> to vector<64x16xi32>
      %eq3A_455 = arith.cmpi eq, %iota3A_385, %eq3A_454 : vector<64x16xi32>
      %jit3A_456 = arith.constant 1.000000e+00 : f32
      %broadcast_in_dim3A_457 = vector.broadcast %jit3A_456 : f32 to vector<64x16xf32>
      %select_n3A_458 = arith.select %eq3A_455, %broadcast_in_dim3A_457, %select_n3A_439 : vector<64x16xi1>, vector<64x16xf32>
      %reduce_max3A_459 = arith.constant dense<0xFF800000> : vector<64xf32>
      %reduce_max3A_460 = vector.multi_reduction <maximumf>, %add3A_384, %reduce_max3A_459 [1] : vector<64x16xf32> to vector<64xf32>
      %broadcast_in_dim3A_461 = vector.shape_cast %reduce_max3A_460 : vector<64xf32> to vector<64x1xf32>
      %sub3A_462 = vector.broadcast %broadcast_in_dim3A_461 : vector<64x1xf32> to vector<64x16xf32>
      %sub3A_463 = arith.subf %add3A_384, %sub3A_462 : vector<64x16xf32>
      %exp3A = math.exp %sub3A_463 : vector<64x16xf32>
      %reduce_sum3A_464 = arith.constant dense<0.000000e+00> : vector<64xf32>
      %reduce_sum3A_465 = vector.multi_reduction <add>, %exp3A, %reduce_sum3A_464 [1] : vector<64x16xf32> to vector<64xf32>
      %broadcast_in_dim3A_466 = vector.shape_cast %reduce_sum3A_465 : vector<64xf32> to vector<64x1xf32>
      %div3A_467 = vector.broadcast %broadcast_in_dim3A_466 : vector<64x1xf32> to vector<64x16xf32>
      %div3A_468 = arith.divf %exp3A, %div3A_467 : vector<64x16xf32>
      %mul3A_469 = arith.mulf %div3A_468, %select_n3A_458 : vector<64x16xf32>
      %reduce_sum3A_470 = arith.constant dense<0.000000e+00> : vector<64xf32>
      %reduce_sum3A_471 = vector.multi_reduction <add>, %mul3A_469, %reduce_sum3A_470 [1] : vector<64x16xf32> to vector<64xf32>
      %broadcast_in_dim3A_472 = vector.shape_cast %reduce_sum3A_471 : vector<64xf32> to vector<64x1xf32>
      %add3A_473 = arith.constant 9.99999996E-13 : f32
      %add3A_474 = vector.broadcast %add3A_473 : f32 to vector<64x1xf32>
      %add3A_475 = arith.addf %broadcast_in_dim3A_472, %add3A_474 : vector<64x1xf32>
      %div3A_476 = vector.broadcast %add3A_475 : vector<64x1xf32> to vector<64x16xf32>
      %div3A_477 = arith.divf %mul3A_469, %div3A_476 : vector<64x16xf32>
      %swap3A_478 = arith.constant 0 : index
      %swap3A_479 = arith.constant 0 : index
      %swap3A_480 = vector.load %arg25[%swap3A_478, %swap3A_479] : memref<64x16xf32, #tpu.memory_space<vmem>>, vector<64x16xf32>
      tpu.vector_store %arg25[%swap3A_478, %swap3A_479], %div3A_477 {strides = array<i32>} : memref<64x16xf32, #tpu.memory_space<vmem>>, vector<64x16xf32>,
    } else {
    }
    %get3A = arith.constant 0 : index
    %get3A_2 = arith.constant 0 : index
    %get3A_3 = vector.load %arg1[%get3A, %get3A_2] : memref<256x128xf32, #tpu.memory_space<vmem>>, vector<256x128xf32>
    %get3A_4 = arith.constant 0 : index
    %get3A_5 = arith.constant 0 : index
    %get3A_6 = vector.load %arg3[%get3A_4, %get3A_5] : memref<256x128xi32, #tpu.memory_space<vmem>>, vector<256x64xi32>
    %iota3A = tpu.iota {dimensions = array<i32: 1>} : vector<256x64xi32>
    %eq3A_7 = arith.cmpi eq, %get3A_6, %iota3A : vector<256x64xi32>
    %convert_element_type3A_8 = arith.extui %eq3A_7 : vector<256x64xi1> to vector<256x64xi32>
    %convert_element_type3A_9 = arith.sitofp %convert_element_type3A_8 : vector<256x64xi32> to vector<256x64xf32>
    %get3A_10 = arith.constant 0 : index
    %get3A_11 = arith.constant 0 : index
    %get3A_12 = vector.load %arg25[%get3A_10, %get3A_11] : memref<64x16xf32, #tpu.memory_space<vmem>>, vector<64x16xf32>
    %dot_general3A = arith.constant dense<0.000000e+00> : vector<256x16xf32>
    %dot_general3A_13 = tpu.matmul %convert_element_type3A_9, %get3A_12, %dot_general3A {dimension_numbers = #tpu.dot_dimension_numbers<[1], [0], [0], [1], [0, 0, 1, 1], [], []>, transpose_lhs_hint = false} : vector<256x64xf32>, vector<64x16xf32>, vector<256x16xf32> -> vector<256x16xf32>
    %get3A_14 = arith.constant 0 : index
    %get3A_15 = arith.constant 0 : index
    %get3A_16 = arith.constant 0 : index
    %get3A_17 = vector.load %arg8[%get3A_14, %get3A_15, %get3A_16] : memref<2x128x512xf32, #tpu.memory_space<vmem>>, vector<1x128x512xf32>
    %get3A_18 = vector.shape_cast %get3A_17 : vector<1x128x512xf32> to vector<128x512xf32>
    %dot_general3A_19 = arith.constant dense<0.000000e+00> : vector<256x512xf32>
    %dot_general3A_20 = tpu.matmul %get3A_3, %get3A_18, %dot_general3A_19 {dimension_numbers = #tpu.dot_dimension_numbers<[1], [0], [0], [1], [0, 0, 1, 1], [], []>, transpose_lhs_hint = false} : vector<256x128xf32>, vector<128x512xf32>, vector<256x512xf32> -> vector<256x512xf32>
    %get3A_21 = arith.constant 0 : index
    %get3A_22 = arith.constant 0 : index
    %get3A_23 = vector.load %arg9[%get3A_21, %get3A_22] : memref<2x512xf32, #tpu.memory_space<vmem>>, vector<1x512xf32>
    %add3A = vector.broadcast %get3A_23 : vector<1x512xf32> to vector<256x512xf32>
    %add3A_24 = arith.addf %dot_general3A_20, %add3A : vector<256x512xf32>
    %mul3A = arith.constant 0.707106769 : f32
    %mul3A_25 = vector.broadcast %mul3A : f32 to vector<256x512xf32>
    %mul3A_26 = arith.mulf %add3A_24, %mul3A_25 : vector<256x512xf32>
    %erf3A = math.erf %mul3A_26 : vector<256x512xf32>
    %add3A_27 = arith.constant 1.000000e+00 : f32
    %add3A_28 = vector.broadcast %add3A_27 : f32 to vector<256x512xf32>
    %add3A_29 = arith.addf %add3A_28, %erf3A : vector<256x512xf32>
    %mul3A_30 = arith.mulf %add3A_24, %add3A_29 : vector<256x512xf32>
    %get3A_31 = arith.constant 0 : index
    %get3A_32 = arith.constant 0 : index
    %get3A_33 = arith.constant 0 : index
    %get3A_34 = vector.load %arg10[%get3A_31, %get3A_32, %get3A_33] : memref<2x512x128xf32, #tpu.memory_space<vmem>>, vector<1x512x128xf32>
    %get3A_35 = vector.shape_cast %get3A_34 : vector<1x512x128xf32> to vector<512x128xf32>
    %dot_general3A_36 = arith.constant dense<0.000000e+00> : vector<256x128xf32>
    %dot_general3A_37 = tpu.matmul %mul3A_30, %get3A_35, %dot_general3A_36 {dimension_numbers = #tpu.dot_dimension_numbers<[1], [0], [0], [1], [0, 0, 1, 1], [], []>, transpose_lhs_hint = false} : vector<256x512xf32>, vector<512x128xf32>, vector<256x128xf32> -> vector<256x128xf32>
    %get3A_38 = arith.constant 0 : index
    %get3A_39 = arith.constant 0 : index
    %get3A_40 = vector.load %arg11[%get3A_38, %get3A_39] : memref<2x128xf32, #tpu.memory_space<vmem>>, vector<1x128xf32>
    %add3A_41 = vector.broadcast %get3A_40 : vector<1x128xf32> to vector<256x128xf32>
    %add3A_42 = arith.addf %dot_general3A_37, %add3A_41 : vector<256x128xf32>
    %get3A_43 = arith.constant 0 : index
    %get3A_44 = arith.constant 0 : index
    %get3A_45 = vector.load %arg12[%get3A_43, %get3A_44] : memref<2x128xf32, #tpu.memory_space<vmem>>, vector<1x128xf32>
    %get3A_46 = arith.constant 0 : index
    %get3A_47 = arith.constant 0 : index
    %get3A_48 = vector.load %arg13[%get3A_46, %get3A_47] : memref<2x128xf32, #tpu.memory_space<vmem>>, vector<1x128xf32>
    %reduce_sum3A = arith.constant dense<0.000000e+00> : vector<256xf32>
    %reduce_sum3A_49 = vector.multi_reduction <add>, %add3A_42, %reduce_sum3A [1] : vector<256x128xf32> to vector<256xf32>
    %broadcast_in_dim3A = vector.shape_cast %reduce_sum3A_49 : vector<256xf32> to vector<256x1xf32>
    %div3A = arith.constant 1.280000e+02 : f32
    %div3A_50 = vector.broadcast %div3A : f32 to vector<256x1xf32>
    %div3A_51 = arith.divf %broadcast_in_dim3A, %div3A_50 : vector<256x1xf32>
    %sub3A = vector.broadcast %div3A_51 : vector<256x1xf32> to vector<256x128xf32>
    %sub3A_52 = arith.subf %add3A_42, %sub3A : vector<256x128xf32>
    %integer_pow3A = arith.mulf %sub3A_52, %sub3A_52 : vector<256x128xf32>
    %reduce_sum3A_53 = arith.constant dense<0.000000e+00> : vector<256xf32>
    %reduce_sum3A_54 = vector.multi_reduction <add>, %integer_pow3A, %reduce_sum3A_53 [1] : vector<256x128xf32> to vector<256xf32>
    %broadcast_in_dim3A_55 = vector.shape_cast %reduce_sum3A_54 : vector<256xf32> to vector<256x1xf32>
    %div3A_56 = arith.constant 1.280000e+02 : f32
    %div3A_57 = vector.broadcast %div3A_56 : f32 to vector<256x1xf32>
    %div3A_58 = arith.divf %broadcast_in_dim3A_55, %div3A_57 : vector<256x1xf32>
    %sub3A_59 = vector.broadcast %div3A_51 : vector<256x1xf32> to vector<256x128xf32>
    %sub3A_60 = arith.subf %add3A_42, %sub3A_59 : vector<256x128xf32>
    %add3A_61 = arith.constant 9.99999974E-6 : f32
    %add3A_62 = vector.broadcast %add3A_61 : f32 to vector<256x1xf32>
    %add3A_63 = arith.addf %div3A_58, %add3A_62 : vector<256x1xf32>
    %rsqrt3A = math.rsqrt %add3A_63 : vector<256x1xf32>
    %mul3A_64 = vector.broadcast %rsqrt3A : vector<256x1xf32> to vector<256x128xf32>
    %mul3A_65 = arith.mulf %sub3A_60, %mul3A_64 : vector<256x128xf32>
    %mul3A_66 = vector.broadcast %get3A_45 : vector<1x128xf32> to vector<256x128xf32>
    %mul3A_67 = arith.mulf %mul3A_65, %mul3A_66 : vector<256x128xf32>
    %add3A_68 = vector.broadcast %get3A_48 : vector<1x128xf32> to vector<256x128xf32>
    %add3A_69 = arith.addf %mul3A_67, %add3A_68 : vector<256x128xf32>
    %mul3A_70 = arith.constant 5.000000e-01 : f32
    %mul3A_71 = vector.broadcast %mul3A_70 : f32 to vector<256x128xf32>
    %mul3A_72 = arith.mulf %mul3A_71, %add3A_69 : vector<256x128xf32>
    %add3A_73 = arith.addf %get3A_3, %mul3A_72 : vector<256x128xf32>
    %get3A_74 = arith.constant 1 : index
    %get3A_75 = arith.constant 0 : index
    %get3A_76 = arith.constant 0 : index
    %get3A_77 = vector.load %arg8[%get3A_74, %get3A_75, %get3A_76] : memref<2x128x512xf32, #tpu.memory_space<vmem>>, vector<1x128x512xf32>
    %get3A_78 = vector.shape_cast %get3A_77 : vector<1x128x512xf32> to vector<128x512xf32>
    %dot_general3A_79 = arith.constant dense<0.000000e+00> : vector<256x512xf32>
    %dot_general3A_80 = tpu.matmul %get3A_3, %get3A_78, %dot_general3A_79 {dimension_numbers = #tpu.dot_dimension_numbers<[1], [0], [0], [1], [0, 0, 1, 1], [], []>, transpose_lhs_hint = false} : vector<256x128xf32>, vector<128x512xf32>, vector<256x512xf32> -> vector<256x512xf32>
    %get3A_81 = arith.constant 1 : index
    %get3A_82 = arith.constant 0 : index
    %get3A_83 = vector.load %arg9[%get3A_81, %get3A_82] : memref<2x512xf32, #tpu.memory_space<vmem>>, vector<1x512xf32>
    %add3A_84 = vector.broadcast %get3A_83 : vector<1x512xf32> to vector<256x512xf32>
    %add3A_85 = arith.addf %dot_general3A_80, %add3A_84 : vector<256x512xf32>
    %mul3A_86 = arith.constant 0.707106769 : f32
    %mul3A_87 = vector.broadcast %mul3A_86 : f32 to vector<256x512xf32>
    %mul3A_88 = arith.mulf %add3A_85, %mul3A_87 : vector<256x512xf32>
    %erf3A_89 = math.erf %mul3A_88 : vector<256x512xf32>
    %add3A_90 = arith.constant 1.000000e+00 : f32
    %add3A_91 = vector.broadcast %add3A_90 : f32 to vector<256x512xf32>
    %add3A_92 = arith.addf %add3A_91, %erf3A_89 : vector<256x512xf32>
    %mul3A_93 = arith.mulf %add3A_85, %add3A_92 : vector<256x512xf32>
    %get3A_94 = arith.constant 1 : index
    %get3A_95 = arith.constant 0 : index
    %get3A_96 = arith.constant 0 : index
    %get3A_97 = vector.load %arg10[%get3A_94, %get3A_95, %get3A_96] : memref<2x512x128xf32, #tpu.memory_space<vmem>>, vector<1x512x128xf32>
    %get3A_98 = vector.shape_cast %get3A_97 : vector<1x512x128xf32> to vector<512x128xf32>
    %dot_general3A_99 = arith.constant dense<0.000000e+00> : vector<256x128xf32>
    %dot_general3A_100 = tpu.matmul %mul3A_93, %get3A_98, %dot_general3A_99 {dimension_numbers = #tpu.dot_dimension_numbers<[1], [0], [0], [1], [0, 0, 1, 1], [], []>, transpose_lhs_hint = false} : vector<256x512xf32>, vector<512x128xf32>, vector<256x128xf32> -> vector<256x128xf32>
    %get3A_101 = arith.constant 1 : index
    %get3A_102 = arith.constant 0 : index
    %get3A_103 = vector.load %arg11[%get3A_101, %get3A_102] : memref<2x128xf32, #tpu.memory_space<vmem>>, vector<1x128xf32>
    %add3A_104 = vector.broadcast %get3A_103 : vector<1x128xf32> to vector<256x128xf32>
    %add3A_105 = arith.addf %dot_general3A_100, %add3A_104 : vector<256x128xf32>
    %get3A_106 = arith.constant 1 : index
    %get3A_107 = arith.constant 0 : index
    %get3A_108 = vector.load %arg12[%get3A_106, %get3A_107] : memref<2x128xf32, #tpu.memory_space<vmem>>, vector<1x128xf32>
    %get3A_109 = arith.constant 1 : index
    %get3A_110 = arith.constant 0 : index
    %get3A_111 = vector.load %arg13[%get3A_109, %get3A_110] : memref<2x128xf32, #tpu.memory_space<vmem>>, vector<1x128xf32>
    %reduce_sum3A_112 = arith.constant dense<0.000000e+00> : vector<256xf32>
    %reduce_sum3A_113 = vector.multi_reduction <add>, %add3A_105, %reduce_sum3A_112 [1] : vector<256x128xf32> to vector<256xf32>
    %broadcast_in_dim3A_114 = vector.shape_cast %reduce_sum3A_113 : vector<256xf32> to vector<256x1xf32>
    %div3A_115 = arith.constant 1.280000e+02 : f32
    %div3A_116 = vector.broadcast %div3A_115 : f32 to vector<256x1xf32>
    %div3A_117 = arith.divf %broadcast_in_dim3A_114, %div3A_116 : vector<256x1xf32>
    %sub3A_118 = vector.broadcast %div3A_117 : vector<256x1xf32> to vector<256x128xf32>
    %sub3A_119 = arith.subf %add3A_105, %sub3A_118 : vector<256x128xf32>
    %integer_pow3A_120 = arith.mulf %sub3A_119, %sub3A_119 : vector<256x128xf32>
    %reduce_sum3A_121 = arith.constant dense<0.000000e+00> : vector<256xf32>
    %reduce_sum3A_122 = vector.multi_reduction <add>, %integer_pow3A_120, %reduce_sum3A_121 [1] : vector<256x128xf32> to vector<256xf32>
    %broadcast_in_dim3A_123 = vector.shape_cast %reduce_sum3A_122 : vector<256xf32> to vector<256x1xf32>
    %div3A_124 = arith.constant 1.280000e+02 : f32
    %div3A_125 = vector.broadcast %div3A_124 : f32 to vector<256x1xf32>
    %div3A_126 = arith.divf %broadcast_in_dim3A_123, %div3A_125 : vector<256x1xf32>
    %sub3A_127 = vector.broadcast %div3A_117 : vector<256x1xf32> to vector<256x128xf32>
    %sub3A_128 = arith.subf %add3A_105, %sub3A_127 : vector<256x128xf32>
    %add3A_129 = arith.constant 9.99999974E-6 : f32
    %add3A_130 = vector.broadcast %add3A_129 : f32 to vector<256x1xf32>
    %add3A_131 = arith.addf %div3A_126, %add3A_130 : vector<256x1xf32>
    %rsqrt3A_132 = math.rsqrt %add3A_131 : vector<256x1xf32>
    %mul3A_133 = vector.broadcast %rsqrt3A_132 : vector<256x1xf32> to vector<256x128xf32>
    %mul3A_134 = arith.mulf %sub3A_128, %mul3A_133 : vector<256x128xf32>
    %mul3A_135 = vector.broadcast %get3A_108 : vector<1x128xf32> to vector<256x128xf32>
    %mul3A_136 = arith.mulf %mul3A_134, %mul3A_135 : vector<256x128xf32>
    %add3A_137 = vector.broadcast %get3A_111 : vector<1x128xf32> to vector<256x128xf32>
    %add3A_138 = arith.addf %mul3A_136, %add3A_137 : vector<256x128xf32>
    %mul3A_139 = arith.constant 5.000000e-01 : f32
    %mul3A_140 = vector.broadcast %mul3A_139 : f32 to vector<256x128xf32>
    %mul3A_141 = arith.mulf %mul3A_140, %add3A_138 : vector<256x128xf32>
    %add3A_142 = arith.addf %add3A_73, %mul3A_141 : vector<256x128xf32>
    %swap3A = arith.constant 0 : index
    %swap3A_143 = arith.constant 0 : index
    %swap3A_144 = vector.load %arg26[%swap3A, %swap3A_143] : memref<256x128xf32, #tpu.memory_space<vmem>>, vector<256x128xf32>
    tpu.vector_store %arg26[%swap3A, %swap3A_143], %add3A_142 {strides = array<i32>} : memref<256x128xf32, #tpu.memory_space<vmem>>, vector<256x128xf32>,
    %slice3A = vector.extract_strided_slice %dot_general3A_13 {offsets = [0, 0], sizes = [256, 1], strides = [1, 1]} : vector<256x16xf32> to vector<256x1xf32>
    %reduce_max3A = vector.shape_cast %slice3A : vector<256x1xf32> to vector<1x256x1xf32>
    %reduce_max3A_145 = arith.constant dense<0xFF800000> : vector<1xf32>
    %reduce_max3A_146 = vector.multi_reduction <maximumf>, %reduce_max3A, %reduce_max3A_145 [1, 2] : vector<1x256x1xf32> to vector<1xf32>
    %reduce_max3A_147 = vector.shape_cast %reduce_max3A_146 : vector<1xf32> to vector<1x1x1xf32>
    %reduce_max3A_148 = vector.extract %reduce_max3A_147[0, 0, 0] : f32 from vector<1x1x1xf32>
    %gt3A = arith.constant 0.000000e+00 : f32
    %gt3A_149 = arith.cmpf ogt, %reduce_max3A_148, %gt3A : f32
    %convert_element_type3A_150 = arith.extui %gt3A_149 : i1 to i32
    %cond3A_151 = arith.constant 0 : i32
    %cond3A_152 = arith.cmpi ne, %convert_element_type3A_150, %cond3A_151 : i32
    scf.if %cond3A_152 {
      %get3A_346 = arith.constant 0 : index
      %get3A_347 = arith.constant 0 : index
      %get3A_348 = arith.constant 0 : index
      %get3A_349 = vector.load %arg14[%get3A_346, %get3A_347, %get3A_348] : memref<16x128x512xf32, #tpu.memory_space<vmem>>, vector<1x128x512xf32>
      %get3A_350 = vector.shape_cast %get3A_349 : vector<1x128x512xf32> to vector<128x512xf32>
      %dot_general3A_351 = arith.constant dense<0.000000e+00> : vector<256x512xf32>
      %dot_general3A_352 = tpu.matmul %get3A_3, %get3A_350, %dot_general3A_351 {dimension_numbers = #tpu.dot_dimension_numbers<[1], [0], [0], [1], [0, 0, 1, 1], [], []>, transpose_lhs_hint = false} : vector<256x128xf32>, vector<128x512xf32>, vector<256x512xf32> -> vector<256x512xf32>
      %get3A_353 = arith.constant 0 : index
      %get3A_354 = arith.constant 0 : index
      %get3A_355 = vector.load %arg15[%get3A_353, %get3A_354] : memref<16x512xf32, #tpu.memory_space<vmem>>, vector<1x512xf32>
      %add3A_356 = vector.broadcast %get3A_355 : vector<1x512xf32> to vector<256x512xf32>
      %add3A_357 = arith.addf %dot_general3A_352, %add3A_356 : vector<256x512xf32>
      %mul3A_358 = arith.constant 0.707106769 : f32
      %mul3A_359 = vector.broadcast %mul3A_358 : f32 to vector<256x512xf32>
      %mul3A_360 = arith.mulf %add3A_357, %mul3A_359 : vector<256x512xf32>
      %erf3A_361 = math.erf %mul3A_360 : vector<256x512xf32>
      %add3A_362 = arith.constant 1.000000e+00 : f32
      %add3A_363 = vector.broadcast %add3A_362 : f32 to vector<256x512xf32>
      %add3A_364 = arith.addf %add3A_363, %erf3A_361 : vector<256x512xf32>
      %mul3A_365 = arith.mulf %add3A_357, %add3A_364 : vector<256x512xf32>
      %get3A_366 = arith.constant 0 : index
      %get3A_367 = arith.constant 0 : index
      %get3A_368 = arith.constant 0 : index
      %get3A_369 = vector.load %arg16[%get3A_366, %get3A_367, %get3A_368] : memref<16x512x128xf32, #tpu.memory_space<vmem>>, vector<1x512x128xf32>
      %get3A_370 = vector.shape_cast %get3A_369 : vector<1x512x128xf32> to vector<512x128xf32>
      %dot_general3A_371 = arith.constant dense<0.000000e+00> : vector<256x128xf32>
      %dot_general3A_372 = tpu.matmul %mul3A_365, %get3A_370, %dot_general3A_371 {dimension_numbers = #tpu.dot_dimension_numbers<[1], [0], [0], [1], [0, 0, 1, 1], [], []>, transpose_lhs_hint = false} : vector<256x512xf32>, vector<512x128xf32>, vector<256x128xf32> -> vector<256x128xf32>
      %get3A_373 = arith.constant 0 : index
      %get3A_374 = arith.constant 0 : index
      %get3A_375 = vector.load %arg17[%get3A_373, %get3A_374] : memref<16x128xf32, #tpu.memory_space<vmem>>, vector<1x128xf32>
      %add3A_376 = vector.broadcast %get3A_375 : vector<1x128xf32> to vector<256x128xf32>
      %add3A_377 = arith.addf %dot_general3A_372, %add3A_376 : vector<256x128xf32>
      %get3A_378 = arith.constant 0 : index
      %get3A_379 = arith.constant 0 : index
      %get3A_380 = vector.load %arg26[%get3A_378, %get3A_379] : memref<256x128xf32, #tpu.memory_space<vmem>>, vector<256x128xf32>
      %get3A_381 = arith.constant 0 : index
      %get3A_382 = arith.constant 0 : index
      %get3A_383 = vector.load %arg18[%get3A_381, %get3A_382] : memref<16x128xf32, #tpu.memory_space<vmem>>, vector<1x128xf32>
      %get3A_384 = arith.constant 0 : index
      %get3A_385 = arith.constant 0 : index
      %get3A_386 = vector.load %arg19[%get3A_384, %get3A_385] : memref<16x128xf32, #tpu.memory_space<vmem>>, vector<1x128xf32>
      %reduce_sum3A_387 = arith.constant dense<0.000000e+00> : vector<256xf32>
      %reduce_sum3A_388 = vector.multi_reduction <add>, %add3A_377, %reduce_sum3A_387 [1] : vector<256x128xf32> to vector<256xf32>
      %broadcast_in_dim3A_389 = vector.shape_cast %reduce_sum3A_388 : vector<256xf32> to vector<256x1xf32>
      %div3A_390 = arith.constant 1.280000e+02 : f32
      %div3A_391 = vector.broadcast %div3A_390 : f32 to vector<256x1xf32>
      %div3A_392 = arith.divf %broadcast_in_dim3A_389, %div3A_391 : vector<256x1xf32>
      %sub3A_393 = vector.broadcast %div3A_392 : vector<256x1xf32> to vector<256x128xf32>
      %sub3A_394 = arith.subf %add3A_377, %sub3A_393 : vector<256x128xf32>
      %integer_pow3A_395 = arith.mulf %sub3A_394, %sub3A_394 : vector<256x128xf32>
      %reduce_sum3A_396 = arith.constant dense<0.000000e+00> : vector<256xf32>
      %reduce_sum3A_397 = vector.multi_reduction <add>, %integer_pow3A_395, %reduce_sum3A_396 [1] : vector<256x128xf32> to vector<256xf32>
      %broadcast_in_dim3A_398 = vector.shape_cast %reduce_sum3A_397 : vector<256xf32> to vector<256x1xf32>
      %div3A_399 = arith.constant 1.280000e+02 : f32
      %div3A_400 = vector.broadcast %div3A_399 : f32 to vector<256x1xf32>
      %div3A_401 = arith.divf %broadcast_in_dim3A_398, %div3A_400 : vector<256x1xf32>
      %sub3A_402 = vector.broadcast %div3A_392 : vector<256x1xf32> to vector<256x128xf32>
      %sub3A_403 = arith.subf %add3A_377, %sub3A_402 : vector<256x128xf32>
      %add3A_404 = arith.constant 9.99999974E-6 : f32
      %add3A_405 = vector.broadcast %add3A_404 : f32 to vector<256x1xf32>
      %add3A_406 = arith.addf %div3A_401, %add3A_405 : vector<256x1xf32>
      %rsqrt3A_407 = math.rsqrt %add3A_406 : vector<256x1xf32>
      %mul3A_408 = vector.broadcast %rsqrt3A_407 : vector<256x1xf32> to vector<256x128xf32>
      %mul3A_409 = arith.mulf %sub3A_403, %mul3A_408 : vector<256x128xf32>
      %mul3A_410 = vector.broadcast %get3A_383 : vector<1x128xf32> to vector<256x128xf32>
      %mul3A_411 = arith.mulf %mul3A_409, %mul3A_410 : vector<256x128xf32>
      %add3A_412 = vector.broadcast %get3A_386 : vector<1x128xf32> to vector<256x128xf32>
      %add3A_413 = arith.addf %mul3A_411, %add3A_412 : vector<256x128xf32>
      %mul3A_414 = vector.broadcast %slice3A : vector<256x1xf32> to vector<256x128xf32>
      %mul3A_415 = arith.mulf %mul3A_414, %add3A_413 : vector<256x128xf32>
      %add3A_416 = arith.addf %get3A_380, %mul3A_415 : vector<256x128xf32>
      %swap3A_417 = arith.constant 0 : index
      %swap3A_418 = arith.constant 0 : index
      %swap3A_419 = vector.load %arg26[%swap3A_417, %swap3A_418] : memref<256x128xf32, #tpu.memory_space<vmem>>, vector<256x128xf32>
      tpu.vector_store %arg26[%swap3A_417, %swap3A_418], %add3A_416 {strides = array<i32>} : memref<256x128xf32, #tpu.memory_space<vmem>>, vector<256x128xf32>,
    } else {
    }
    %slice3A_153 = vector.extract_strided_slice %dot_general3A_13 {offsets = [0, 1], sizes = [256, 1], strides = [1, 1]} : vector<256x16xf32> to vector<256x1xf32>
    %reduce_max3A_154 = vector.shape_cast %slice3A_153 : vector<256x1xf32> to vector<1x256x1xf32>
    %reduce_max3A_155 = arith.constant dense<0xFF800000> : vector<1xf32>
    %reduce_max3A_156 = vector.multi_reduction <maximumf>, %reduce_max3A_154, %reduce_max3A_155 [1, 2] : vector<1x256x1xf32> to vector<1xf32>
    %reduce_max3A_157 = vector.shape_cast %reduce_max3A_156 : vector<1xf32> to vector<1x1x1xf32>
    %reduce_max3A_158 = vector.extract %reduce_max3A_157[0, 0, 0] : f32 from vector<1x1x1xf32>
    %gt3A_159 = arith.constant 0.000000e+00 : f32
    %gt3A_160 = arith.cmpf ogt, %reduce_max3A_158, %gt3A_159 : f32
    %convert_element_type3A_161 = arith.extui %gt3A_160 : i1 to i32
    %cond3A_162 = arith.constant 0 : i32
    %cond3A_163 = arith.cmpi ne, %convert_element_type3A_161, %cond3A_162 : i32
    scf.if %cond3A_163 {
      %get3A_346 = arith.constant 1 : index
      %get3A_347 = arith.constant 0 : index
      %get3A_348 = arith.constant 0 : index
      %get3A_349 = vector.load %arg14[%get3A_346, %get3A_347, %get3A_348] : memref<16x128x512xf32, #tpu.memory_space<vmem>>, vector<1x128x512xf32>
      %get3A_350 = vector.shape_cast %get3A_349 : vector<1x128x512xf32> to vector<128x512xf32>
      %dot_general3A_351 = arith.constant dense<0.000000e+00> : vector<256x512xf32>
      %dot_general3A_352 = tpu.matmul %get3A_3, %get3A_350, %dot_general3A_351 {dimension_numbers = #tpu.dot_dimension_numbers<[1], [0], [0], [1], [0, 0, 1, 1], [], []>, transpose_lhs_hint = false} : vector<256x128xf32>, vector<128x512xf32>, vector<256x512xf32> -> vector<256x512xf32>
      %get3A_353 = arith.constant 1 : index
      %get3A_354 = arith.constant 0 : index
      %get3A_355 = vector.load %arg15[%get3A_353, %get3A_354] : memref<16x512xf32, #tpu.memory_space<vmem>>, vector<1x512xf32>
      %add3A_356 = vector.broadcast %get3A_355 : vector<1x512xf32> to vector<256x512xf32>
      %add3A_357 = arith.addf %dot_general3A_352, %add3A_356 : vector<256x512xf32>
      %mul3A_358 = arith.constant 0.707106769 : f32
      %mul3A_359 = vector.broadcast %mul3A_358 : f32 to vector<256x512xf32>
      %mul3A_360 = arith.mulf %add3A_357, %mul3A_359 : vector<256x512xf32>
      %erf3A_361 = math.erf %mul3A_360 : vector<256x512xf32>
      %add3A_362 = arith.constant 1.000000e+00 : f32
      %add3A_363 = vector.broadcast %add3A_362 : f32 to vector<256x512xf32>
      %add3A_364 = arith.addf %add3A_363, %erf3A_361 : vector<256x512xf32>
      %mul3A_365 = arith.mulf %add3A_357, %add3A_364 : vector<256x512xf32>
      %get3A_366 = arith.constant 1 : index
      %get3A_367 = arith.constant 0 : index
      %get3A_368 = arith.constant 0 : index
      %get3A_369 = vector.load %arg16[%get3A_366, %get3A_367, %get3A_368] : memref<16x512x128xf32, #tpu.memory_space<vmem>>, vector<1x512x128xf32>
      %get3A_370 = vector.shape_cast %get3A_369 : vector<1x512x128xf32> to vector<512x128xf32>
      %dot_general3A_371 = arith.constant dense<0.000000e+00> : vector<256x128xf32>
      %dot_general3A_372 = tpu.matmul %mul3A_365, %get3A_370, %dot_general3A_371 {dimension_numbers = #tpu.dot_dimension_numbers<[1], [0], [0], [1], [0, 0, 1, 1], [], []>, transpose_lhs_hint = false} : vector<256x512xf32>, vector<512x128xf32>, vector<256x128xf32> -> vector<256x128xf32>
      %get3A_373 = arith.constant 1 : index
      %get3A_374 = arith.constant 0 : index
      %get3A_375 = vector.load %arg17[%get3A_373, %get3A_374] : memref<16x128xf32, #tpu.memory_space<vmem>>, vector<1x128xf32>
      %add3A_376 = vector.broadcast %get3A_375 : vector<1x128xf32> to vector<256x128xf32>
      %add3A_377 = arith.addf %dot_general3A_372, %add3A_376 : vector<256x128xf32>
      %get3A_378 = arith.constant 0 : index
      %get3A_379 = arith.constant 0 : index
      %get3A_380 = vector.load %arg26[%get3A_378, %get3A_379] : memref<256x128xf32, #tpu.memory_space<vmem>>, vector<256x128xf32>
      %get3A_381 = arith.constant 1 : index
      %get3A_382 = arith.constant 0 : index
      %get3A_383 = vector.load %arg18[%get3A_381, %get3A_382] : memref<16x128xf32, #tpu.memory_space<vmem>>, vector<1x128xf32>
      %get3A_384 = arith.constant 1 : index
      %get3A_385 = arith.constant 0 : index
      %get3A_386 = vector.load %arg19[%get3A_384, %get3A_385] : memref<16x128xf32, #tpu.memory_space<vmem>>, vector<1x128xf32>
      %reduce_sum3A_387 = arith.constant dense<0.000000e+00> : vector<256xf32>
      %reduce_sum3A_388 = vector.multi_reduction <add>, %add3A_377, %reduce_sum3A_387 [1] : vector<256x128xf32> to vector<256xf32>
      %broadcast_in_dim3A_389 = vector.shape_cast %reduce_sum3A_388 : vector<256xf32> to vector<256x1xf32>
      %div3A_390 = arith.constant 1.280000e+02 : f32
      %div3A_391 = vector.broadcast %div3A_390 : f32 to vector<256x1xf32>
      %div3A_392 = arith.divf %broadcast_in_dim3A_389, %div3A_391 : vector<256x1xf32>
      %sub3A_393 = vector.broadcast %div3A_392 : vector<256x1xf32> to vector<256x128xf32>
      %sub3A_394 = arith.subf %add3A_377, %sub3A_393 : vector<256x128xf32>
      %integer_pow3A_395 = arith.mulf %sub3A_394, %sub3A_394 : vector<256x128xf32>
      %reduce_sum3A_396 = arith.constant dense<0.000000e+00> : vector<256xf32>
      %reduce_sum3A_397 = vector.multi_reduction <add>, %integer_pow3A_395, %reduce_sum3A_396 [1] : vector<256x128xf32> to vector<256xf32>
      %broadcast_in_dim3A_398 = vector.shape_cast %reduce_sum3A_397 : vector<256xf32> to vector<256x1xf32>
      %div3A_399 = arith.constant 1.280000e+02 : f32
      %div3A_400 = vector.broadcast %div3A_399 : f32 to vector<256x1xf32>
      %div3A_401 = arith.divf %broadcast_in_dim3A_398, %div3A_400 : vector<256x1xf32>
      %sub3A_402 = vector.broadcast %div3A_392 : vector<256x1xf32> to vector<256x128xf32>
      %sub3A_403 = arith.subf %add3A_377, %sub3A_402 : vector<256x128xf32>
      %add3A_404 = arith.constant 9.99999974E-6 : f32
      %add3A_405 = vector.broadcast %add3A_404 : f32 to vector<256x1xf32>
      %add3A_406 = arith.addf %div3A_401, %add3A_405 : vector<256x1xf32>
      %rsqrt3A_407 = math.rsqrt %add3A_406 : vector<256x1xf32>
      %mul3A_408 = vector.broadcast %rsqrt3A_407 : vector<256x1xf32> to vector<256x128xf32>
      %mul3A_409 = arith.mulf %sub3A_403, %mul3A_408 : vector<256x128xf32>
      %mul3A_410 = vector.broadcast %get3A_383 : vector<1x128xf32> to vector<256x128xf32>
      %mul3A_411 = arith.mulf %mul3A_409, %mul3A_410 : vector<256x128xf32>
      %add3A_412 = vector.broadcast %get3A_386 : vector<1x128xf32> to vector<256x128xf32>
      %add3A_413 = arith.addf %mul3A_411, %add3A_412 : vector<256x128xf32>
      %mul3A_414 = vector.broadcast %slice3A_153 : vector<256x1xf32> to vector<256x128xf32>
      %mul3A_415 = arith.mulf %mul3A_414, %add3A_413 : vector<256x128xf32>
      %add3A_416 = arith.addf %get3A_380, %mul3A_415 : vector<256x128xf32>
      %swap3A_417 = arith.constant 0 : index
      %swap3A_418 = arith.constant 0 : index
      %swap3A_419 = vector.load %arg26[%swap3A_417, %swap3A_418] : memref<256x128xf32, #tpu.memory_space<vmem>>, vector<256x128xf32>
      tpu.vector_store %arg26[%swap3A_417, %swap3A_418], %add3A_416 {strides = array<i32>} : memref<256x128xf32, #tpu.memory_space<vmem>>, vector<256x128xf32>,
    } else {
    }
    %slice3A_164 = vector.extract_strided_slice %dot_general3A_13 {offsets = [0, 2], sizes = [256, 1], strides = [1, 1]} : vector<256x16xf32> to vector<256x1xf32>
    %reduce_max3A_165 = vector.shape_cast %slice3A_164 : vector<256x1xf32> to vector<1x256x1xf32>
    %reduce_max3A_166 = arith.constant dense<0xFF800000> : vector<1xf32>
    %reduce_max3A_167 = vector.multi_reduction <maximumf>, %reduce_max3A_165, %reduce_max3A_166 [1, 2] : vector<1x256x1xf32> to vector<1xf32>
    %reduce_max3A_168 = vector.shape_cast %reduce_max3A_167 : vector<1xf32> to vector<1x1x1xf32>
    %reduce_max3A_169 = vector.extract %reduce_max3A_168[0, 0, 0] : f32 from vector<1x1x1xf32>
    %gt3A_170 = arith.constant 0.000000e+00 : f32
    %gt3A_171 = arith.cmpf ogt, %reduce_max3A_169, %gt3A_170 : f32
    %convert_element_type3A_172 = arith.extui %gt3A_171 : i1 to i32
    %cond3A_173 = arith.constant 0 : i32
    %cond3A_174 = arith.cmpi ne, %convert_element_type3A_172, %cond3A_173 : i32
    scf.if %cond3A_174 {
      %get3A_346 = arith.constant 2 : index
      %get3A_347 = arith.constant 0 : index
      %get3A_348 = arith.constant 0 : index
      %get3A_349 = vector.load %arg14[%get3A_346, %get3A_347, %get3A_348] : memref<16x128x512xf32, #tpu.memory_space<vmem>>, vector<1x128x512xf32>
      %get3A_350 = vector.shape_cast %get3A_349 : vector<1x128x512xf32> to vector<128x512xf32>
      %dot_general3A_351 = arith.constant dense<0.000000e+00> : vector<256x512xf32>
      %dot_general3A_352 = tpu.matmul %get3A_3, %get3A_350, %dot_general3A_351 {dimension_numbers = #tpu.dot_dimension_numbers<[1], [0], [0], [1], [0, 0, 1, 1], [], []>, transpose_lhs_hint = false} : vector<256x128xf32>, vector<128x512xf32>, vector<256x512xf32> -> vector<256x512xf32>
      %get3A_353 = arith.constant 2 : index
      %get3A_354 = arith.constant 0 : index
      %get3A_355 = vector.load %arg15[%get3A_353, %get3A_354] : memref<16x512xf32, #tpu.memory_space<vmem>>, vector<1x512xf32>
      %add3A_356 = vector.broadcast %get3A_355 : vector<1x512xf32> to vector<256x512xf32>
      %add3A_357 = arith.addf %dot_general3A_352, %add3A_356 : vector<256x512xf32>
      %mul3A_358 = arith.constant 0.707106769 : f32
      %mul3A_359 = vector.broadcast %mul3A_358 : f32 to vector<256x512xf32>
      %mul3A_360 = arith.mulf %add3A_357, %mul3A_359 : vector<256x512xf32>
      %erf3A_361 = math.erf %mul3A_360 : vector<256x512xf32>
      %add3A_362 = arith.constant 1.000000e+00 : f32
      %add3A_363 = vector.broadcast %add3A_362 : f32 to vector<256x512xf32>
      %add3A_364 = arith.addf %add3A_363, %erf3A_361 : vector<256x512xf32>
      %mul3A_365 = arith.mulf %add3A_357, %add3A_364 : vector<256x512xf32>
      %get3A_366 = arith.constant 2 : index
      %get3A_367 = arith.constant 0 : index
      %get3A_368 = arith.constant 0 : index
      %get3A_369 = vector.load %arg16[%get3A_366, %get3A_367, %get3A_368] : memref<16x512x128xf32, #tpu.memory_space<vmem>>, vector<1x512x128xf32>
      %get3A_370 = vector.shape_cast %get3A_369 : vector<1x512x128xf32> to vector<512x128xf32>
      %dot_general3A_371 = arith.constant dense<0.000000e+00> : vector<256x128xf32>
      %dot_general3A_372 = tpu.matmul %mul3A_365, %get3A_370, %dot_general3A_371 {dimension_numbers = #tpu.dot_dimension_numbers<[1], [0], [0], [1], [0, 0, 1, 1], [], []>, transpose_lhs_hint = false} : vector<256x512xf32>, vector<512x128xf32>, vector<256x128xf32> -> vector<256x128xf32>
      %get3A_373 = arith.constant 2 : index
      %get3A_374 = arith.constant 0 : index
      %get3A_375 = vector.load %arg17[%get3A_373, %get3A_374] : memref<16x128xf32, #tpu.memory_space<vmem>>, vector<1x128xf32>
      %add3A_376 = vector.broadcast %get3A_375 : vector<1x128xf32> to vector<256x128xf32>
      %add3A_377 = arith.addf %dot_general3A_372, %add3A_376 : vector<256x128xf32>
      %get3A_378 = arith.constant 0 : index
      %get3A_379 = arith.constant 0 : index
      %get3A_380 = vector.load %arg26[%get3A_378, %get3A_379] : memref<256x128xf32, #tpu.memory_space<vmem>>, vector<256x128xf32>
      %get3A_381 = arith.constant 2 : index
      %get3A_382 = arith.constant 0 : index
      %get3A_383 = vector.load %arg18[%get3A_381, %get3A_382] : memref<16x128xf32, #tpu.memory_space<vmem>>, vector<1x128xf32>
      %get3A_384 = arith.constant 2 : index
      %get3A_385 = arith.constant 0 : index
      %get3A_386 = vector.load %arg19[%get3A_384, %get3A_385] : memref<16x128xf32, #tpu.memory_space<vmem>>, vector<1x128xf32>
      %reduce_sum3A_387 = arith.constant dense<0.000000e+00> : vector<256xf32>
      %reduce_sum3A_388 = vector.multi_reduction <add>, %add3A_377, %reduce_sum3A_387 [1] : vector<256x128xf32> to vector<256xf32>
      %broadcast_in_dim3A_389 = vector.shape_cast %reduce_sum3A_388 : vector<256xf32> to vector<256x1xf32>
      %div3A_390 = arith.constant 1.280000e+02 : f32
      %div3A_391 = vector.broadcast %div3A_390 : f32 to vector<256x1xf32>
      %div3A_392 = arith.divf %broadcast_in_dim3A_389, %div3A_391 : vector<256x1xf32>
      %sub3A_393 = vector.broadcast %div3A_392 : vector<256x1xf32> to vector<256x128xf32>
      %sub3A_394 = arith.subf %add3A_377, %sub3A_393 : vector<256x128xf32>
      %integer_pow3A_395 = arith.mulf %sub3A_394, %sub3A_394 : vector<256x128xf32>
      %reduce_sum3A_396 = arith.constant dense<0.000000e+00> : vector<256xf32>
      %reduce_sum3A_397 = vector.multi_reduction <add>, %integer_pow3A_395, %reduce_sum3A_396 [1] : vector<256x128xf32> to vector<256xf32>
      %broadcast_in_dim3A_398 = vector.shape_cast %reduce_sum3A_397 : vector<256xf32> to vector<256x1xf32>
      %div3A_399 = arith.constant 1.280000e+02 : f32
      %div3A_400 = vector.broadcast %div3A_399 : f32 to vector<256x1xf32>
      %div3A_401 = arith.divf %broadcast_in_dim3A_398, %div3A_400 : vector<256x1xf32>
      %sub3A_402 = vector.broadcast %div3A_392 : vector<256x1xf32> to vector<256x128xf32>
      %sub3A_403 = arith.subf %add3A_377, %sub3A_402 : vector<256x128xf32>
      %add3A_404 = arith.constant 9.99999974E-6 : f32
      %add3A_405 = vector.broadcast %add3A_404 : f32 to vector<256x1xf32>
      %add3A_406 = arith.addf %div3A_401, %add3A_405 : vector<256x1xf32>
      %rsqrt3A_407 = math.rsqrt %add3A_406 : vector<256x1xf32>
      %mul3A_408 = vector.broadcast %rsqrt3A_407 : vector<256x1xf32> to vector<256x128xf32>
      %mul3A_409 = arith.mulf %sub3A_403, %mul3A_408 : vector<256x128xf32>
      %mul3A_410 = vector.broadcast %get3A_383 : vector<1x128xf32> to vector<256x128xf32>
      %mul3A_411 = arith.mulf %mul3A_409, %mul3A_410 : vector<256x128xf32>
      %add3A_412 = vector.broadcast %get3A_386 : vector<1x128xf32> to vector<256x128xf32>
      %add3A_413 = arith.addf %mul3A_411, %add3A_412 : vector<256x128xf32>
      %mul3A_414 = vector.broadcast %slice3A_164 : vector<256x1xf32> to vector<256x128xf32>
      %mul3A_415 = arith.mulf %mul3A_414, %add3A_413 : vector<256x128xf32>
      %add3A_416 = arith.addf %get3A_380, %mul3A_415 : vector<256x128xf32>
      %swap3A_417 = arith.constant 0 : index
      %swap3A_418 = arith.constant 0 : index
      %swap3A_419 = vector.load %arg26[%swap3A_417, %swap3A_418] : memref<256x128xf32, #tpu.memory_space<vmem>>, vector<256x128xf32>
      tpu.vector_store %arg26[%swap3A_417, %swap3A_418], %add3A_416 {strides = array<i32>} : memref<256x128xf32, #tpu.memory_space<vmem>>, vector<256x128xf32>,
    } else {
    }
    %slice3A_175 = vector.extract_strided_slice %dot_general3A_13 {offsets = [0, 3], sizes = [256, 1], strides = [1, 1]} : vector<256x16xf32> to vector<256x1xf32>
    %reduce_max3A_176 = vector.shape_cast %slice3A_175 : vector<256x1xf32> to vector<1x256x1xf32>
    %reduce_max3A_177 = arith.constant dense<0xFF800000> : vector<1xf32>
    %reduce_max3A_178 = vector.multi_reduction <maximumf>, %reduce_max3A_176, %reduce_max3A_177 [1, 2] : vector<1x256x1xf32> to vector<1xf32>
    %reduce_max3A_179 = vector.shape_cast %reduce_max3A_178 : vector<1xf32> to vector<1x1x1xf32>
    %reduce_max3A_180 = vector.extract %reduce_max3A_179[0, 0, 0] : f32 from vector<1x1x1xf32>
    %gt3A_181 = arith.constant 0.000000e+00 : f32
    %gt3A_182 = arith.cmpf ogt, %reduce_max3A_180, %gt3A_181 : f32
    %convert_element_type3A_183 = arith.extui %gt3A_182 : i1 to i32
    %cond3A_184 = arith.constant 0 : i32
    %cond3A_185 = arith.cmpi ne, %convert_element_type3A_183, %cond3A_184 : i32
    scf.if %cond3A_185 {
      %get3A_346 = arith.constant 3 : index
      %get3A_347 = arith.constant 0 : index
      %get3A_348 = arith.constant 0 : index
      %get3A_349 = vector.load %arg14[%get3A_346, %get3A_347, %get3A_348] : memref<16x128x512xf32, #tpu.memory_space<vmem>>, vector<1x128x512xf32>
      %get3A_350 = vector.shape_cast %get3A_349 : vector<1x128x512xf32> to vector<128x512xf32>
      %dot_general3A_351 = arith.constant dense<0.000000e+00> : vector<256x512xf32>
      %dot_general3A_352 = tpu.matmul %get3A_3, %get3A_350, %dot_general3A_351 {dimension_numbers = #tpu.dot_dimension_numbers<[1], [0], [0], [1], [0, 0, 1, 1], [], []>, transpose_lhs_hint = false} : vector<256x128xf32>, vector<128x512xf32>, vector<256x512xf32> -> vector<256x512xf32>
      %get3A_353 = arith.constant 3 : index
      %get3A_354 = arith.constant 0 : index
      %get3A_355 = vector.load %arg15[%get3A_353, %get3A_354] : memref<16x512xf32, #tpu.memory_space<vmem>>, vector<1x512xf32>
      %add3A_356 = vector.broadcast %get3A_355 : vector<1x512xf32> to vector<256x512xf32>
      %add3A_357 = arith.addf %dot_general3A_352, %add3A_356 : vector<256x512xf32>
      %mul3A_358 = arith.constant 0.707106769 : f32
      %mul3A_359 = vector.broadcast %mul3A_358 : f32 to vector<256x512xf32>
      %mul3A_360 = arith.mulf %add3A_357, %mul3A_359 : vector<256x512xf32>
      %erf3A_361 = math.erf %mul3A_360 : vector<256x512xf32>
      %add3A_362 = arith.constant 1.000000e+00 : f32
      %add3A_363 = vector.broadcast %add3A_362 : f32 to vector<256x512xf32>
      %add3A_364 = arith.addf %add3A_363, %erf3A_361 : vector<256x512xf32>
      %mul3A_365 = arith.mulf %add3A_357, %add3A_364 : vector<256x512xf32>
      %get3A_366 = arith.constant 3 : index
      %get3A_367 = arith.constant 0 : index
      %get3A_368 = arith.constant 0 : index
      %get3A_369 = vector.load %arg16[%get3A_366, %get3A_367, %get3A_368] : memref<16x512x128xf32, #tpu.memory_space<vmem>>, vector<1x512x128xf32>
      %get3A_370 = vector.shape_cast %get3A_369 : vector<1x512x128xf32> to vector<512x128xf32>
      %dot_general3A_371 = arith.constant dense<0.000000e+00> : vector<256x128xf32>
      %dot_general3A_372 = tpu.matmul %mul3A_365, %get3A_370, %dot_general3A_371 {dimension_numbers = #tpu.dot_dimension_numbers<[1], [0], [0], [1], [0, 0, 1, 1], [], []>, transpose_lhs_hint = false} : vector<256x512xf32>, vector<512x128xf32>, vector<256x128xf32> -> vector<256x128xf32>
      %get3A_373 = arith.constant 3 : index
      %get3A_374 = arith.constant 0 : index
      %get3A_375 = vector.load %arg17[%get3A_373, %get3A_374] : memref<16x128xf32, #tpu.memory_space<vmem>>, vector<1x128xf32>
      %add3A_376 = vector.broadcast %get3A_375 : vector<1x128xf32> to vector<256x128xf32>
      %add3A_377 = arith.addf %dot_general3A_372, %add3A_376 : vector<256x128xf32>
      %get3A_378 = arith.constant 0 : index
      %get3A_379 = arith.constant 0 : index
      %get3A_380 = vector.load %arg26[%get3A_378, %get3A_379] : memref<256x128xf32, #tpu.memory_space<vmem>>, vector<256x128xf32>
      %get3A_381 = arith.constant 3 : index
      %get3A_382 = arith.constant 0 : index
      %get3A_383 = vector.load %arg18[%get3A_381, %get3A_382] : memref<16x128xf32, #tpu.memory_space<vmem>>, vector<1x128xf32>
      %get3A_384 = arith.constant 3 : index
      %get3A_385 = arith.constant 0 : index
      %get3A_386 = vector.load %arg19[%get3A_384, %get3A_385] : memref<16x128xf32, #tpu.memory_space<vmem>>, vector<1x128xf32>
      %reduce_sum3A_387 = arith.constant dense<0.000000e+00> : vector<256xf32>
      %reduce_sum3A_388 = vector.multi_reduction <add>, %add3A_377, %reduce_sum3A_387 [1] : vector<256x128xf32> to vector<256xf32>
      %broadcast_in_dim3A_389 = vector.shape_cast %reduce_sum3A_388 : vector<256xf32> to vector<256x1xf32>
      %div3A_390 = arith.constant 1.280000e+02 : f32
      %div3A_391 = vector.broadcast %div3A_390 : f32 to vector<256x1xf32>
      %div3A_392 = arith.divf %broadcast_in_dim3A_389, %div3A_391 : vector<256x1xf32>
      %sub3A_393 = vector.broadcast %div3A_392 : vector<256x1xf32> to vector<256x128xf32>
      %sub3A_394 = arith.subf %add3A_377, %sub3A_393 : vector<256x128xf32>
      %integer_pow3A_395 = arith.mulf %sub3A_394, %sub3A_394 : vector<256x128xf32>
      %reduce_sum3A_396 = arith.constant dense<0.000000e+00> : vector<256xf32>
      %reduce_sum3A_397 = vector.multi_reduction <add>, %integer_pow3A_395, %reduce_sum3A_396 [1] : vector<256x128xf32> to vector<256xf32>
      %broadcast_in_dim3A_398 = vector.shape_cast %reduce_sum3A_397 : vector<256xf32> to vector<256x1xf32>
      %div3A_399 = arith.constant 1.280000e+02 : f32
      %div3A_400 = vector.broadcast %div3A_399 : f32 to vector<256x1xf32>
      %div3A_401 = arith.divf %broadcast_in_dim3A_398, %div3A_400 : vector<256x1xf32>
      %sub3A_402 = vector.broadcast %div3A_392 : vector<256x1xf32> to vector<256x128xf32>
      %sub3A_403 = arith.subf %add3A_377, %sub3A_402 : vector<256x128xf32>
      %add3A_404 = arith.constant 9.99999974E-6 : f32
      %add3A_405 = vector.broadcast %add3A_404 : f32 to vector<256x1xf32>
      %add3A_406 = arith.addf %div3A_401, %add3A_405 : vector<256x1xf32>
      %rsqrt3A_407 = math.rsqrt %add3A_406 : vector<256x1xf32>
      %mul3A_408 = vector.broadcast %rsqrt3A_407 : vector<256x1xf32> to vector<256x128xf32>
      %mul3A_409 = arith.mulf %sub3A_403, %mul3A_408 : vector<256x128xf32>
      %mul3A_410 = vector.broadcast %get3A_383 : vector<1x128xf32> to vector<256x128xf32>
      %mul3A_411 = arith.mulf %mul3A_409, %mul3A_410 : vector<256x128xf32>
      %add3A_412 = vector.broadcast %get3A_386 : vector<1x128xf32> to vector<256x128xf32>
      %add3A_413 = arith.addf %mul3A_411, %add3A_412 : vector<256x128xf32>
      %mul3A_414 = vector.broadcast %slice3A_175 : vector<256x1xf32> to vector<256x128xf32>
      %mul3A_415 = arith.mulf %mul3A_414, %add3A_413 : vector<256x128xf32>
      %add3A_416 = arith.addf %get3A_380, %mul3A_415 : vector<256x128xf32>
      %swap3A_417 = arith.constant 0 : index
      %swap3A_418 = arith.constant 0 : index
      %swap3A_419 = vector.load %arg26[%swap3A_417, %swap3A_418] : memref<256x128xf32, #tpu.memory_space<vmem>>, vector<256x128xf32>
      tpu.vector_store %arg26[%swap3A_417, %swap3A_418], %add3A_416 {strides = array<i32>} : memref<256x128xf32, #tpu.memory_space<vmem>>, vector<256x128xf32>,
    } else {
    }
    %slice3A_186 = vector.extract_strided_slice %dot_general3A_13 {offsets = [0, 4], sizes = [256, 1], strides = [1, 1]} : vector<256x16xf32> to vector<256x1xf32>
    %reduce_max3A_187 = vector.shape_cast %slice3A_186 : vector<256x1xf32> to vector<1x256x1xf32>
    %reduce_max3A_188 = arith.constant dense<0xFF800000> : vector<1xf32>
    %reduce_max3A_189 = vector.multi_reduction <maximumf>, %reduce_max3A_187, %reduce_max3A_188 [1, 2] : vector<1x256x1xf32> to vector<1xf32>
    %reduce_max3A_190 = vector.shape_cast %reduce_max3A_189 : vector<1xf32> to vector<1x1x1xf32>
    %reduce_max3A_191 = vector.extract %reduce_max3A_190[0, 0, 0] : f32 from vector<1x1x1xf32>
    %gt3A_192 = arith.constant 0.000000e+00 : f32
    %gt3A_193 = arith.cmpf ogt, %reduce_max3A_191, %gt3A_192 : f32
    %convert_element_type3A_194 = arith.extui %gt3A_193 : i1 to i32
    %cond3A_195 = arith.constant 0 : i32
    %cond3A_196 = arith.cmpi ne, %convert_element_type3A_194, %cond3A_195 : i32
    scf.if %cond3A_196 {
      %get3A_346 = arith.constant 4 : index
      %get3A_347 = arith.constant 0 : index
      %get3A_348 = arith.constant 0 : index
      %get3A_349 = vector.load %arg14[%get3A_346, %get3A_347, %get3A_348] : memref<16x128x512xf32, #tpu.memory_space<vmem>>, vector<1x128x512xf32>
      %get3A_350 = vector.shape_cast %get3A_349 : vector<1x128x512xf32> to vector<128x512xf32>
      %dot_general3A_351 = arith.constant dense<0.000000e+00> : vector<256x512xf32>
      %dot_general3A_352 = tpu.matmul %get3A_3, %get3A_350, %dot_general3A_351 {dimension_numbers = #tpu.dot_dimension_numbers<[1], [0], [0], [1], [0, 0, 1, 1], [], []>, transpose_lhs_hint = false} : vector<256x128xf32>, vector<128x512xf32>, vector<256x512xf32> -> vector<256x512xf32>
      %get3A_353 = arith.constant 4 : index
      %get3A_354 = arith.constant 0 : index
      %get3A_355 = vector.load %arg15[%get3A_353, %get3A_354] : memref<16x512xf32, #tpu.memory_space<vmem>>, vector<1x512xf32>
      %add3A_356 = vector.broadcast %get3A_355 : vector<1x512xf32> to vector<256x512xf32>
      %add3A_357 = arith.addf %dot_general3A_352, %add3A_356 : vector<256x512xf32>
      %mul3A_358 = arith.constant 0.707106769 : f32
      %mul3A_359 = vector.broadcast %mul3A_358 : f32 to vector<256x512xf32>
      %mul3A_360 = arith.mulf %add3A_357, %mul3A_359 : vector<256x512xf32>
      %erf3A_361 = math.erf %mul3A_360 : vector<256x512xf32>
      %add3A_362 = arith.constant 1.000000e+00 : f32
      %add3A_363 = vector.broadcast %add3A_362 : f32 to vector<256x512xf32>
      %add3A_364 = arith.addf %add3A_363, %erf3A_361 : vector<256x512xf32>
      %mul3A_365 = arith.mulf %add3A_357, %add3A_364 : vector<256x512xf32>
      %get3A_366 = arith.constant 4 : index
      %get3A_367 = arith.constant 0 : index
      %get3A_368 = arith.constant 0 : index
      %get3A_369 = vector.load %arg16[%get3A_366, %get3A_367, %get3A_368] : memref<16x512x128xf32, #tpu.memory_space<vmem>>, vector<1x512x128xf32>
      %get3A_370 = vector.shape_cast %get3A_369 : vector<1x512x128xf32> to vector<512x128xf32>
      %dot_general3A_371 = arith.constant dense<0.000000e+00> : vector<256x128xf32>
      %dot_general3A_372 = tpu.matmul %mul3A_365, %get3A_370, %dot_general3A_371 {dimension_numbers = #tpu.dot_dimension_numbers<[1], [0], [0], [1], [0, 0, 1, 1], [], []>, transpose_lhs_hint = false} : vector<256x512xf32>, vector<512x128xf32>, vector<256x128xf32> -> vector<256x128xf32>
      %get3A_373 = arith.constant 4 : index
      %get3A_374 = arith.constant 0 : index
      %get3A_375 = vector.load %arg17[%get3A_373, %get3A_374] : memref<16x128xf32, #tpu.memory_space<vmem>>, vector<1x128xf32>
      %add3A_376 = vector.broadcast %get3A_375 : vector<1x128xf32> to vector<256x128xf32>
      %add3A_377 = arith.addf %dot_general3A_372, %add3A_376 : vector<256x128xf32>
      %get3A_378 = arith.constant 0 : index
      %get3A_379 = arith.constant 0 : index
      %get3A_380 = vector.load %arg26[%get3A_378, %get3A_379] : memref<256x128xf32, #tpu.memory_space<vmem>>, vector<256x128xf32>
      %get3A_381 = arith.constant 4 : index
      %get3A_382 = arith.constant 0 : index
      %get3A_383 = vector.load %arg18[%get3A_381, %get3A_382] : memref<16x128xf32, #tpu.memory_space<vmem>>, vector<1x128xf32>
      %get3A_384 = arith.constant 4 : index
      %get3A_385 = arith.constant 0 : index
      %get3A_386 = vector.load %arg19[%get3A_384, %get3A_385] : memref<16x128xf32, #tpu.memory_space<vmem>>, vector<1x128xf32>
      %reduce_sum3A_387 = arith.constant dense<0.000000e+00> : vector<256xf32>
      %reduce_sum3A_388 = vector.multi_reduction <add>, %add3A_377, %reduce_sum3A_387 [1] : vector<256x128xf32> to vector<256xf32>
      %broadcast_in_dim3A_389 = vector.shape_cast %reduce_sum3A_388 : vector<256xf32> to vector<256x1xf32>
      %div3A_390 = arith.constant 1.280000e+02 : f32
      %div3A_391 = vector.broadcast %div3A_390 : f32 to vector<256x1xf32>
      %div3A_392 = arith.divf %broadcast_in_dim3A_389, %div3A_391 : vector<256x1xf32>
      %sub3A_393 = vector.broadcast %div3A_392 : vector<256x1xf32> to vector<256x128xf32>
      %sub3A_394 = arith.subf %add3A_377, %sub3A_393 : vector<256x128xf32>
      %integer_pow3A_395 = arith.mulf %sub3A_394, %sub3A_394 : vector<256x128xf32>
      %reduce_sum3A_396 = arith.constant dense<0.000000e+00> : vector<256xf32>
      %reduce_sum3A_397 = vector.multi_reduction <add>, %integer_pow3A_395, %reduce_sum3A_396 [1] : vector<256x128xf32> to vector<256xf32>
      %broadcast_in_dim3A_398 = vector.shape_cast %reduce_sum3A_397 : vector<256xf32> to vector<256x1xf32>
      %div3A_399 = arith.constant 1.280000e+02 : f32
      %div3A_400 = vector.broadcast %div3A_399 : f32 to vector<256x1xf32>
      %div3A_401 = arith.divf %broadcast_in_dim3A_398, %div3A_400 : vector<256x1xf32>
      %sub3A_402 = vector.broadcast %div3A_392 : vector<256x1xf32> to vector<256x128xf32>
      %sub3A_403 = arith.subf %add3A_377, %sub3A_402 : vector<256x128xf32>
      %add3A_404 = arith.constant 9.99999974E-6 : f32
      %add3A_405 = vector.broadcast %add3A_404 : f32 to vector<256x1xf32>
      %add3A_406 = arith.addf %div3A_401, %add3A_405 : vector<256x1xf32>
      %rsqrt3A_407 = math.rsqrt %add3A_406 : vector<256x1xf32>
      %mul3A_408 = vector.broadcast %rsqrt3A_407 : vector<256x1xf32> to vector<256x128xf32>
      %mul3A_409 = arith.mulf %sub3A_403, %mul3A_408 : vector<256x128xf32>
      %mul3A_410 = vector.broadcast %get3A_383 : vector<1x128xf32> to vector<256x128xf32>
      %mul3A_411 = arith.mulf %mul3A_409, %mul3A_410 : vector<256x128xf32>
      %add3A_412 = vector.broadcast %get3A_386 : vector<1x128xf32> to vector<256x128xf32>
      %add3A_413 = arith.addf %mul3A_411, %add3A_412 : vector<256x128xf32>
      %mul3A_414 = vector.broadcast %slice3A_186 : vector<256x1xf32> to vector<256x128xf32>
      %mul3A_415 = arith.mulf %mul3A_414, %add3A_413 : vector<256x128xf32>
      %add3A_416 = arith.addf %get3A_380, %mul3A_415 : vector<256x128xf32>
      %swap3A_417 = arith.constant 0 : index
      %swap3A_418 = arith.constant 0 : index
      %swap3A_419 = vector.load %arg26[%swap3A_417, %swap3A_418] : memref<256x128xf32, #tpu.memory_space<vmem>>, vector<256x128xf32>
      tpu.vector_store %arg26[%swap3A_417, %swap3A_418], %add3A_416 {strides = array<i32>} : memref<256x128xf32, #tpu.memory_space<vmem>>, vector<256x128xf32>,
    } else {
    }
    %slice3A_197 = vector.extract_strided_slice %dot_general3A_13 {offsets = [0, 5], sizes = [256, 1], strides = [1, 1]} : vector<256x16xf32> to vector<256x1xf32>
    %reduce_max3A_198 = vector.shape_cast %slice3A_197 : vector<256x1xf32> to vector<1x256x1xf32>
    %reduce_max3A_199 = arith.constant dense<0xFF800000> : vector<1xf32>
    %reduce_max3A_200 = vector.multi_reduction <maximumf>, %reduce_max3A_198, %reduce_max3A_199 [1, 2] : vector<1x256x1xf32> to vector<1xf32>
    %reduce_max3A_201 = vector.shape_cast %reduce_max3A_200 : vector<1xf32> to vector<1x1x1xf32>
    %reduce_max3A_202 = vector.extract %reduce_max3A_201[0, 0, 0] : f32 from vector<1x1x1xf32>
    %gt3A_203 = arith.constant 0.000000e+00 : f32
    %gt3A_204 = arith.cmpf ogt, %reduce_max3A_202, %gt3A_203 : f32
    %convert_element_type3A_205 = arith.extui %gt3A_204 : i1 to i32
    %cond3A_206 = arith.constant 0 : i32
    %cond3A_207 = arith.cmpi ne, %convert_element_type3A_205, %cond3A_206 : i32
    scf.if %cond3A_207 {
      %get3A_346 = arith.constant 5 : index
      %get3A_347 = arith.constant 0 : index
      %get3A_348 = arith.constant 0 : index
      %get3A_349 = vector.load %arg14[%get3A_346, %get3A_347, %get3A_348] : memref<16x128x512xf32, #tpu.memory_space<vmem>>, vector<1x128x512xf32>
      %get3A_350 = vector.shape_cast %get3A_349 : vector<1x128x512xf32> to vector<128x512xf32>
      %dot_general3A_351 = arith.constant dense<0.000000e+00> : vector<256x512xf32>
      %dot_general3A_352 = tpu.matmul %get3A_3, %get3A_350, %dot_general3A_351 {dimension_numbers = #tpu.dot_dimension_numbers<[1], [0], [0], [1], [0, 0, 1, 1], [], []>, transpose_lhs_hint = false} : vector<256x128xf32>, vector<128x512xf32>, vector<256x512xf32> -> vector<256x512xf32>
      %get3A_353 = arith.constant 5 : index
      %get3A_354 = arith.constant 0 : index
      %get3A_355 = vector.load %arg15[%get3A_353, %get3A_354] : memref<16x512xf32, #tpu.memory_space<vmem>>, vector<1x512xf32>
      %add3A_356 = vector.broadcast %get3A_355 : vector<1x512xf32> to vector<256x512xf32>
      %add3A_357 = arith.addf %dot_general3A_352, %add3A_356 : vector<256x512xf32>
      %mul3A_358 = arith.constant 0.707106769 : f32
      %mul3A_359 = vector.broadcast %mul3A_358 : f32 to vector<256x512xf32>
      %mul3A_360 = arith.mulf %add3A_357, %mul3A_359 : vector<256x512xf32>
      %erf3A_361 = math.erf %mul3A_360 : vector<256x512xf32>
      %add3A_362 = arith.constant 1.000000e+00 : f32
      %add3A_363 = vector.broadcast %add3A_362 : f32 to vector<256x512xf32>
      %add3A_364 = arith.addf %add3A_363, %erf3A_361 : vector<256x512xf32>
      %mul3A_365 = arith.mulf %add3A_357, %add3A_364 : vector<256x512xf32>
      %get3A_366 = arith.constant 5 : index
      %get3A_367 = arith.constant 0 : index
      %get3A_368 = arith.constant 0 : index
      %get3A_369 = vector.load %arg16[%get3A_366, %get3A_367, %get3A_368] : memref<16x512x128xf32, #tpu.memory_space<vmem>>, vector<1x512x128xf32>
      %get3A_370 = vector.shape_cast %get3A_369 : vector<1x512x128xf32> to vector<512x128xf32>
      %dot_general3A_371 = arith.constant dense<0.000000e+00> : vector<256x128xf32>
      %dot_general3A_372 = tpu.matmul %mul3A_365, %get3A_370, %dot_general3A_371 {dimension_numbers = #tpu.dot_dimension_numbers<[1], [0], [0], [1], [0, 0, 1, 1], [], []>, transpose_lhs_hint = false} : vector<256x512xf32>, vector<512x128xf32>, vector<256x128xf32> -> vector<256x128xf32>
      %get3A_373 = arith.constant 5 : index
      %get3A_374 = arith.constant 0 : index
      %get3A_375 = vector.load %arg17[%get3A_373, %get3A_374] : memref<16x128xf32, #tpu.memory_space<vmem>>, vector<1x128xf32>
      %add3A_376 = vector.broadcast %get3A_375 : vector<1x128xf32> to vector<256x128xf32>
      %add3A_377 = arith.addf %dot_general3A_372, %add3A_376 : vector<256x128xf32>
      %get3A_378 = arith.constant 0 : index
      %get3A_379 = arith.constant 0 : index
      %get3A_380 = vector.load %arg26[%get3A_378, %get3A_379] : memref<256x128xf32, #tpu.memory_space<vmem>>, vector<256x128xf32>
      %get3A_381 = arith.constant 5 : index
      %get3A_382 = arith.constant 0 : index
      %get3A_383 = vector.load %arg18[%get3A_381, %get3A_382] : memref<16x128xf32, #tpu.memory_space<vmem>>, vector<1x128xf32>
      %get3A_384 = arith.constant 5 : index
      %get3A_385 = arith.constant 0 : index
      %get3A_386 = vector.load %arg19[%get3A_384, %get3A_385] : memref<16x128xf32, #tpu.memory_space<vmem>>, vector<1x128xf32>
      %reduce_sum3A_387 = arith.constant dense<0.000000e+00> : vector<256xf32>
      %reduce_sum3A_388 = vector.multi_reduction <add>, %add3A_377, %reduce_sum3A_387 [1] : vector<256x128xf32> to vector<256xf32>
      %broadcast_in_dim3A_389 = vector.shape_cast %reduce_sum3A_388 : vector<256xf32> to vector<256x1xf32>
      %div3A_390 = arith.constant 1.280000e+02 : f32
      %div3A_391 = vector.broadcast %div3A_390 : f32 to vector<256x1xf32>
      %div3A_392 = arith.divf %broadcast_in_dim3A_389, %div3A_391 : vector<256x1xf32>
      %sub3A_393 = vector.broadcast %div3A_392 : vector<256x1xf32> to vector<256x128xf32>
      %sub3A_394 = arith.subf %add3A_377, %sub3A_393 : vector<256x128xf32>
      %integer_pow3A_395 = arith.mulf %sub3A_394, %sub3A_394 : vector<256x128xf32>
      %reduce_sum3A_396 = arith.constant dense<0.000000e+00> : vector<256xf32>
      %reduce_sum3A_397 = vector.multi_reduction <add>, %integer_pow3A_395, %reduce_sum3A_396 [1] : vector<256x128xf32> to vector<256xf32>
      %broadcast_in_dim3A_398 = vector.shape_cast %reduce_sum3A_397 : vector<256xf32> to vector<256x1xf32>
      %div3A_399 = arith.constant 1.280000e+02 : f32
      %div3A_400 = vector.broadcast %div3A_399 : f32 to vector<256x1xf32>
      %div3A_401 = arith.divf %broadcast_in_dim3A_398, %div3A_400 : vector<256x1xf32>
      %sub3A_402 = vector.broadcast %div3A_392 : vector<256x1xf32> to vector<256x128xf32>
      %sub3A_403 = arith.subf %add3A_377, %sub3A_402 : vector<256x128xf32>
      %add3A_404 = arith.constant 9.99999974E-6 : f32
      %add3A_405 = vector.broadcast %add3A_404 : f32 to vector<256x1xf32>
      %add3A_406 = arith.addf %div3A_401, %add3A_405 : vector<256x1xf32>
      %rsqrt3A_407 = math.rsqrt %add3A_406 : vector<256x1xf32>
      %mul3A_408 = vector.broadcast %rsqrt3A_407 : vector<256x1xf32> to vector<256x128xf32>
      %mul3A_409 = arith.mulf %sub3A_403, %mul3A_408 : vector<256x128xf32>
      %mul3A_410 = vector.broadcast %get3A_383 : vector<1x128xf32> to vector<256x128xf32>
      %mul3A_411 = arith.mulf %mul3A_409, %mul3A_410 : vector<256x128xf32>
      %add3A_412 = vector.broadcast %get3A_386 : vector<1x128xf32> to vector<256x128xf32>
      %add3A_413 = arith.addf %mul3A_411, %add3A_412 : vector<256x128xf32>
      %mul3A_414 = vector.broadcast %slice3A_197 : vector<256x1xf32> to vector<256x128xf32>
      %mul3A_415 = arith.mulf %mul3A_414, %add3A_413 : vector<256x128xf32>
      %add3A_416 = arith.addf %get3A_380, %mul3A_415 : vector<256x128xf32>
      %swap3A_417 = arith.constant 0 : index
      %swap3A_418 = arith.constant 0 : index
      %swap3A_419 = vector.load %arg26[%swap3A_417, %swap3A_418] : memref<256x128xf32, #tpu.memory_space<vmem>>, vector<256x128xf32>
      tpu.vector_store %arg26[%swap3A_417, %swap3A_418], %add3A_416 {strides = array<i32>} : memref<256x128xf32, #tpu.memory_space<vmem>>, vector<256x128xf32>,
    } else {
    }
    %slice3A_208 = vector.extract_strided_slice %dot_general3A_13 {offsets = [0, 6], sizes = [256, 1], strides = [1, 1]} : vector<256x16xf32> to vector<256x1xf32>
    %reduce_max3A_209 = vector.shape_cast %slice3A_208 : vector<256x1xf32> to vector<1x256x1xf32>
    %reduce_max3A_210 = arith.constant dense<0xFF800000> : vector<1xf32>
    %reduce_max3A_211 = vector.multi_reduction <maximumf>, %reduce_max3A_209, %reduce_max3A_210 [1, 2] : vector<1x256x1xf32> to vector<1xf32>
    %reduce_max3A_212 = vector.shape_cast %reduce_max3A_211 : vector<1xf32> to vector<1x1x1xf32>
    %reduce_max3A_213 = vector.extract %reduce_max3A_212[0, 0, 0] : f32 from vector<1x1x1xf32>
    %gt3A_214 = arith.constant 0.000000e+00 : f32
    %gt3A_215 = arith.cmpf ogt, %reduce_max3A_213, %gt3A_214 : f32
    %convert_element_type3A_216 = arith.extui %gt3A_215 : i1 to i32
    %cond3A_217 = arith.constant 0 : i32
    %cond3A_218 = arith.cmpi ne, %convert_element_type3A_216, %cond3A_217 : i32
    scf.if %cond3A_218 {
      %get3A_346 = arith.constant 6 : index
      %get3A_347 = arith.constant 0 : index
      %get3A_348 = arith.constant 0 : index
      %get3A_349 = vector.load %arg14[%get3A_346, %get3A_347, %get3A_348] : memref<16x128x512xf32, #tpu.memory_space<vmem>>, vector<1x128x512xf32>
      %get3A_350 = vector.shape_cast %get3A_349 : vector<1x128x512xf32> to vector<128x512xf32>
      %dot_general3A_351 = arith.constant dense<0.000000e+00> : vector<256x512xf32>
      %dot_general3A_352 = tpu.matmul %get3A_3, %get3A_350, %dot_general3A_351 {dimension_numbers = #tpu.dot_dimension_numbers<[1], [0], [0], [1], [0, 0, 1, 1], [], []>, transpose_lhs_hint = false} : vector<256x128xf32>, vector<128x512xf32>, vector<256x512xf32> -> vector<256x512xf32>
      %get3A_353 = arith.constant 6 : index
      %get3A_354 = arith.constant 0 : index
      %get3A_355 = vector.load %arg15[%get3A_353, %get3A_354] : memref<16x512xf32, #tpu.memory_space<vmem>>, vector<1x512xf32>
      %add3A_356 = vector.broadcast %get3A_355 : vector<1x512xf32> to vector<256x512xf32>
      %add3A_357 = arith.addf %dot_general3A_352, %add3A_356 : vector<256x512xf32>
      %mul3A_358 = arith.constant 0.707106769 : f32
      %mul3A_359 = vector.broadcast %mul3A_358 : f32 to vector<256x512xf32>
      %mul3A_360 = arith.mulf %add3A_357, %mul3A_359 : vector<256x512xf32>
      %erf3A_361 = math.erf %mul3A_360 : vector<256x512xf32>
      %add3A_362 = arith.constant 1.000000e+00 : f32
      %add3A_363 = vector.broadcast %add3A_362 : f32 to vector<256x512xf32>
      %add3A_364 = arith.addf %add3A_363, %erf3A_361 : vector<256x512xf32>
      %mul3A_365 = arith.mulf %add3A_357, %add3A_364 : vector<256x512xf32>
      %get3A_366 = arith.constant 6 : index
      %get3A_367 = arith.constant 0 : index
      %get3A_368 = arith.constant 0 : index
      %get3A_369 = vector.load %arg16[%get3A_366, %get3A_367, %get3A_368] : memref<16x512x128xf32, #tpu.memory_space<vmem>>, vector<1x512x128xf32>
      %get3A_370 = vector.shape_cast %get3A_369 : vector<1x512x128xf32> to vector<512x128xf32>
      %dot_general3A_371 = arith.constant dense<0.000000e+00> : vector<256x128xf32>
      %dot_general3A_372 = tpu.matmul %mul3A_365, %get3A_370, %dot_general3A_371 {dimension_numbers = #tpu.dot_dimension_numbers<[1], [0], [0], [1], [0, 0, 1, 1], [], []>, transpose_lhs_hint = false} : vector<256x512xf32>, vector<512x128xf32>, vector<256x128xf32> -> vector<256x128xf32>
      %get3A_373 = arith.constant 6 : index
      %get3A_374 = arith.constant 0 : index
      %get3A_375 = vector.load %arg17[%get3A_373, %get3A_374] : memref<16x128xf32, #tpu.memory_space<vmem>>, vector<1x128xf32>
      %add3A_376 = vector.broadcast %get3A_375 : vector<1x128xf32> to vector<256x128xf32>
      %add3A_377 = arith.addf %dot_general3A_372, %add3A_376 : vector<256x128xf32>
      %get3A_378 = arith.constant 0 : index
      %get3A_379 = arith.constant 0 : index
      %get3A_380 = vector.load %arg26[%get3A_378, %get3A_379] : memref<256x128xf32, #tpu.memory_space<vmem>>, vector<256x128xf32>
      %get3A_381 = arith.constant 6 : index
      %get3A_382 = arith.constant 0 : index
      %get3A_383 = vector.load %arg18[%get3A_381, %get3A_382] : memref<16x128xf32, #tpu.memory_space<vmem>>, vector<1x128xf32>
      %get3A_384 = arith.constant 6 : index
      %get3A_385 = arith.constant 0 : index
      %get3A_386 = vector.load %arg19[%get3A_384, %get3A_385] : memref<16x128xf32, #tpu.memory_space<vmem>>, vector<1x128xf32>
      %reduce_sum3A_387 = arith.constant dense<0.000000e+00> : vector<256xf32>
      %reduce_sum3A_388 = vector.multi_reduction <add>, %add3A_377, %reduce_sum3A_387 [1] : vector<256x128xf32> to vector<256xf32>
      %broadcast_in_dim3A_389 = vector.shape_cast %reduce_sum3A_388 : vector<256xf32> to vector<256x1xf32>
      %div3A_390 = arith.constant 1.280000e+02 : f32
      %div3A_391 = vector.broadcast %div3A_390 : f32 to vector<256x1xf32>
      %div3A_392 = arith.divf %broadcast_in_dim3A_389, %div3A_391 : vector<256x1xf32>
      %sub3A_393 = vector.broadcast %div3A_392 : vector<256x1xf32> to vector<256x128xf32>
      %sub3A_394 = arith.subf %add3A_377, %sub3A_393 : vector<256x128xf32>
      %integer_pow3A_395 = arith.mulf %sub3A_394, %sub3A_394 : vector<256x128xf32>
      %reduce_sum3A_396 = arith.constant dense<0.000000e+00> : vector<256xf32>
      %reduce_sum3A_397 = vector.multi_reduction <add>, %integer_pow3A_395, %reduce_sum3A_396 [1] : vector<256x128xf32> to vector<256xf32>
      %broadcast_in_dim3A_398 = vector.shape_cast %reduce_sum3A_397 : vector<256xf32> to vector<256x1xf32>
      %div3A_399 = arith.constant 1.280000e+02 : f32
      %div3A_400 = vector.broadcast %div3A_399 : f32 to vector<256x1xf32>
      %div3A_401 = arith.divf %broadcast_in_dim3A_398, %div3A_400 : vector<256x1xf32>
      %sub3A_402 = vector.broadcast %div3A_392 : vector<256x1xf32> to vector<256x128xf32>
      %sub3A_403 = arith.subf %add3A_377, %sub3A_402 : vector<256x128xf32>
      %add3A_404 = arith.constant 9.99999974E-6 : f32
      %add3A_405 = vector.broadcast %add3A_404 : f32 to vector<256x1xf32>
      %add3A_406 = arith.addf %div3A_401, %add3A_405 : vector<256x1xf32>
      %rsqrt3A_407 = math.rsqrt %add3A_406 : vector<256x1xf32>
      %mul3A_408 = vector.broadcast %rsqrt3A_407 : vector<256x1xf32> to vector<256x128xf32>
      %mul3A_409 = arith.mulf %sub3A_403, %mul3A_408 : vector<256x128xf32>
      %mul3A_410 = vector.broadcast %get3A_383 : vector<1x128xf32> to vector<256x128xf32>
      %mul3A_411 = arith.mulf %mul3A_409, %mul3A_410 : vector<256x128xf32>
      %add3A_412 = vector.broadcast %get3A_386 : vector<1x128xf32> to vector<256x128xf32>
      %add3A_413 = arith.addf %mul3A_411, %add3A_412 : vector<256x128xf32>
      %mul3A_414 = vector.broadcast %slice3A_208 : vector<256x1xf32> to vector<256x128xf32>
      %mul3A_415 = arith.mulf %mul3A_414, %add3A_413 : vector<256x128xf32>
      %add3A_416 = arith.addf %get3A_380, %mul3A_415 : vector<256x128xf32>
      %swap3A_417 = arith.constant 0 : index
      %swap3A_418 = arith.constant 0 : index
      %swap3A_419 = vector.load %arg26[%swap3A_417, %swap3A_418] : memref<256x128xf32, #tpu.memory_space<vmem>>, vector<256x128xf32>
      tpu.vector_store %arg26[%swap3A_417, %swap3A_418], %add3A_416 {strides = array<i32>} : memref<256x128xf32, #tpu.memory_space<vmem>>, vector<256x128xf32>,
    } else {
    }
    %slice3A_219 = vector.extract_strided_slice %dot_general3A_13 {offsets = [0, 7], sizes = [256, 1], strides = [1, 1]} : vector<256x16xf32> to vector<256x1xf32>
    %reduce_max3A_220 = vector.shape_cast %slice3A_219 : vector<256x1xf32> to vector<1x256x1xf32>
    %reduce_max3A_221 = arith.constant dense<0xFF800000> : vector<1xf32>
    %reduce_max3A_222 = vector.multi_reduction <maximumf>, %reduce_max3A_220, %reduce_max3A_221 [1, 2] : vector<1x256x1xf32> to vector<1xf32>
    %reduce_max3A_223 = vector.shape_cast %reduce_max3A_222 : vector<1xf32> to vector<1x1x1xf32>
    %reduce_max3A_224 = vector.extract %reduce_max3A_223[0, 0, 0] : f32 from vector<1x1x1xf32>
    %gt3A_225 = arith.constant 0.000000e+00 : f32
    %gt3A_226 = arith.cmpf ogt, %reduce_max3A_224, %gt3A_225 : f32
    %convert_element_type3A_227 = arith.extui %gt3A_226 : i1 to i32
    %cond3A_228 = arith.constant 0 : i32
    %cond3A_229 = arith.cmpi ne, %convert_element_type3A_227, %cond3A_228 : i32
    scf.if %cond3A_229 {
      %get3A_346 = arith.constant 7 : index
      %get3A_347 = arith.constant 0 : index
      %get3A_348 = arith.constant 0 : index
      %get3A_349 = vector.load %arg14[%get3A_346, %get3A_347, %get3A_348] : memref<16x128x512xf32, #tpu.memory_space<vmem>>, vector<1x128x512xf32>
      %get3A_350 = vector.shape_cast %get3A_349 : vector<1x128x512xf32> to vector<128x512xf32>
      %dot_general3A_351 = arith.constant dense<0.000000e+00> : vector<256x512xf32>
      %dot_general3A_352 = tpu.matmul %get3A_3, %get3A_350, %dot_general3A_351 {dimension_numbers = #tpu.dot_dimension_numbers<[1], [0], [0], [1], [0, 0, 1, 1], [], []>, transpose_lhs_hint = false} : vector<256x128xf32>, vector<128x512xf32>, vector<256x512xf32> -> vector<256x512xf32>
      %get3A_353 = arith.constant 7 : index
      %get3A_354 = arith.constant 0 : index
      %get3A_355 = vector.load %arg15[%get3A_353, %get3A_354] : memref<16x512xf32, #tpu.memory_space<vmem>>, vector<1x512xf32>
      %add3A_356 = vector.broadcast %get3A_355 : vector<1x512xf32> to vector<256x512xf32>
      %add3A_357 = arith.addf %dot_general3A_352, %add3A_356 : vector<256x512xf32>
      %mul3A_358 = arith.constant 0.707106769 : f32
      %mul3A_359 = vector.broadcast %mul3A_358 : f32 to vector<256x512xf32>
      %mul3A_360 = arith.mulf %add3A_357, %mul3A_359 : vector<256x512xf32>
      %erf3A_361 = math.erf %mul3A_360 : vector<256x512xf32>
      %add3A_362 = arith.constant 1.000000e+00 : f32
      %add3A_363 = vector.broadcast %add3A_362 : f32 to vector<256x512xf32>
      %add3A_364 = arith.addf %add3A_363, %erf3A_361 : vector<256x512xf32>
      %mul3A_365 = arith.mulf %add3A_357, %add3A_364 : vector<256x512xf32>
      %get3A_366 = arith.constant 7 : index
      %get3A_367 = arith.constant 0 : index
      %get3A_368 = arith.constant 0 : index
      %get3A_369 = vector.load %arg16[%get3A_366, %get3A_367, %get3A_368] : memref<16x512x128xf32, #tpu.memory_space<vmem>>, vector<1x512x128xf32>
      %get3A_370 = vector.shape_cast %get3A_369 : vector<1x512x128xf32> to vector<512x128xf32>
      %dot_general3A_371 = arith.constant dense<0.000000e+00> : vector<256x128xf32>
      %dot_general3A_372 = tpu.matmul %mul3A_365, %get3A_370, %dot_general3A_371 {dimension_numbers = #tpu.dot_dimension_numbers<[1], [0], [0], [1], [0, 0, 1, 1], [], []>, transpose_lhs_hint = false} : vector<256x512xf32>, vector<512x128xf32>, vector<256x128xf32> -> vector<256x128xf32>
      %get3A_373 = arith.constant 7 : index
      %get3A_374 = arith.constant 0 : index
      %get3A_375 = vector.load %arg17[%get3A_373, %get3A_374] : memref<16x128xf32, #tpu.memory_space<vmem>>, vector<1x128xf32>
      %add3A_376 = vector.broadcast %get3A_375 : vector<1x128xf32> to vector<256x128xf32>
      %add3A_377 = arith.addf %dot_general3A_372, %add3A_376 : vector<256x128xf32>
      %get3A_378 = arith.constant 0 : index
      %get3A_379 = arith.constant 0 : index
      %get3A_380 = vector.load %arg26[%get3A_378, %get3A_379] : memref<256x128xf32, #tpu.memory_space<vmem>>, vector<256x128xf32>
      %get3A_381 = arith.constant 7 : index
      %get3A_382 = arith.constant 0 : index
      %get3A_383 = vector.load %arg18[%get3A_381, %get3A_382] : memref<16x128xf32, #tpu.memory_space<vmem>>, vector<1x128xf32>
      %get3A_384 = arith.constant 7 : index
      %get3A_385 = arith.constant 0 : index
      %get3A_386 = vector.load %arg19[%get3A_384, %get3A_385] : memref<16x128xf32, #tpu.memory_space<vmem>>, vector<1x128xf32>
      %reduce_sum3A_387 = arith.constant dense<0.000000e+00> : vector<256xf32>
      %reduce_sum3A_388 = vector.multi_reduction <add>, %add3A_377, %reduce_sum3A_387 [1] : vector<256x128xf32> to vector<256xf32>
      %broadcast_in_dim3A_389 = vector.shape_cast %reduce_sum3A_388 : vector<256xf32> to vector<256x1xf32>
      %div3A_390 = arith.constant 1.280000e+02 : f32
      %div3A_391 = vector.broadcast %div3A_390 : f32 to vector<256x1xf32>
      %div3A_392 = arith.divf %broadcast_in_dim3A_389, %div3A_391 : vector<256x1xf32>
      %sub3A_393 = vector.broadcast %div3A_392 : vector<256x1xf32> to vector<256x128xf32>
      %sub3A_394 = arith.subf %add3A_377, %sub3A_393 : vector<256x128xf32>
      %integer_pow3A_395 = arith.mulf %sub3A_394, %sub3A_394 : vector<256x128xf32>
      %reduce_sum3A_396 = arith.constant dense<0.000000e+00> : vector<256xf32>
      %reduce_sum3A_397 = vector.multi_reduction <add>, %integer_pow3A_395, %reduce_sum3A_396 [1] : vector<256x128xf32> to vector<256xf32>
      %broadcast_in_dim3A_398 = vector.shape_cast %reduce_sum3A_397 : vector<256xf32> to vector<256x1xf32>
      %div3A_399 = arith.constant 1.280000e+02 : f32
      %div3A_400 = vector.broadcast %div3A_399 : f32 to vector<256x1xf32>
      %div3A_401 = arith.divf %broadcast_in_dim3A_398, %div3A_400 : vector<256x1xf32>
      %sub3A_402 = vector.broadcast %div3A_392 : vector<256x1xf32> to vector<256x128xf32>
      %sub3A_403 = arith.subf %add3A_377, %sub3A_402 : vector<256x128xf32>
      %add3A_404 = arith.constant 9.99999974E-6 : f32
      %add3A_405 = vector.broadcast %add3A_404 : f32 to vector<256x1xf32>
      %add3A_406 = arith.addf %div3A_401, %add3A_405 : vector<256x1xf32>
      %rsqrt3A_407 = math.rsqrt %add3A_406 : vector<256x1xf32>
      %mul3A_408 = vector.broadcast %rsqrt3A_407 : vector<256x1xf32> to vector<256x128xf32>
      %mul3A_409 = arith.mulf %sub3A_403, %mul3A_408 : vector<256x128xf32>
      %mul3A_410 = vector.broadcast %get3A_383 : vector<1x128xf32> to vector<256x128xf32>
      %mul3A_411 = arith.mulf %mul3A_409, %mul3A_410 : vector<256x128xf32>
      %add3A_412 = vector.broadcast %get3A_386 : vector<1x128xf32> to vector<256x128xf32>
      %add3A_413 = arith.addf %mul3A_411, %add3A_412 : vector<256x128xf32>
      %mul3A_414 = vector.broadcast %slice3A_219 : vector<256x1xf32> to vector<256x128xf32>
      %mul3A_415 = arith.mulf %mul3A_414, %add3A_413 : vector<256x128xf32>
      %add3A_416 = arith.addf %get3A_380, %mul3A_415 : vector<256x128xf32>
      %swap3A_417 = arith.constant 0 : index
      %swap3A_418 = arith.constant 0 : index
      %swap3A_419 = vector.load %arg26[%swap3A_417, %swap3A_418] : memref<256x128xf32, #tpu.memory_space<vmem>>, vector<256x128xf32>
      tpu.vector_store %arg26[%swap3A_417, %swap3A_418], %add3A_416 {strides = array<i32>} : memref<256x128xf32, #tpu.memory_space<vmem>>, vector<256x128xf32>,
    } else {
    }
    %slice3A_230 = vector.extract_strided_slice %dot_general3A_13 {offsets = [0, 8], sizes = [256, 1], strides = [1, 1]} : vector<256x16xf32> to vector<256x1xf32>
    %reduce_max3A_231 = vector.shape_cast %slice3A_230 : vector<256x1xf32> to vector<1x256x1xf32>
    %reduce_max3A_232 = arith.constant dense<0xFF800000> : vector<1xf32>
    %reduce_max3A_233 = vector.multi_reduction <maximumf>, %reduce_max3A_231, %reduce_max3A_232 [1, 2] : vector<1x256x1xf32> to vector<1xf32>
    %reduce_max3A_234 = vector.shape_cast %reduce_max3A_233 : vector<1xf32> to vector<1x1x1xf32>
    %reduce_max3A_235 = vector.extract %reduce_max3A_234[0, 0, 0] : f32 from vector<1x1x1xf32>
    %gt3A_236 = arith.constant 0.000000e+00 : f32
    %gt3A_237 = arith.cmpf ogt, %reduce_max3A_235, %gt3A_236 : f32
    %convert_element_type3A_238 = arith.extui %gt3A_237 : i1 to i32
    %cond3A_239 = arith.constant 0 : i32
    %cond3A_240 = arith.cmpi ne, %convert_element_type3A_238, %cond3A_239 : i32
    scf.if %cond3A_240 {
      %get3A_346 = arith.constant 8 : index
      %get3A_347 = arith.constant 0 : index
      %get3A_348 = arith.constant 0 : index
      %get3A_349 = vector.load %arg14[%get3A_346, %get3A_347, %get3A_348] : memref<16x128x512xf32, #tpu.memory_space<vmem>>, vector<1x128x512xf32>
      %get3A_350 = vector.shape_cast %get3A_349 : vector<1x128x512xf32> to vector<128x512xf32>
      %dot_general3A_351 = arith.constant dense<0.000000e+00> : vector<256x512xf32>
      %dot_general3A_352 = tpu.matmul %get3A_3, %get3A_350, %dot_general3A_351 {dimension_numbers = #tpu.dot_dimension_numbers<[1], [0], [0], [1], [0, 0, 1, 1], [], []>, transpose_lhs_hint = false} : vector<256x128xf32>, vector<128x512xf32>, vector<256x512xf32> -> vector<256x512xf32>
      %get3A_353 = arith.constant 8 : index
      %get3A_354 = arith.constant 0 : index
      %get3A_355 = vector.load %arg15[%get3A_353, %get3A_354] : memref<16x512xf32, #tpu.memory_space<vmem>>, vector<1x512xf32>
      %add3A_356 = vector.broadcast %get3A_355 : vector<1x512xf32> to vector<256x512xf32>
      %add3A_357 = arith.addf %dot_general3A_352, %add3A_356 : vector<256x512xf32>
      %mul3A_358 = arith.constant 0.707106769 : f32
      %mul3A_359 = vector.broadcast %mul3A_358 : f32 to vector<256x512xf32>
      %mul3A_360 = arith.mulf %add3A_357, %mul3A_359 : vector<256x512xf32>
      %erf3A_361 = math.erf %mul3A_360 : vector<256x512xf32>
      %add3A_362 = arith.constant 1.000000e+00 : f32
      %add3A_363 = vector.broadcast %add3A_362 : f32 to vector<256x512xf32>
      %add3A_364 = arith.addf %add3A_363, %erf3A_361 : vector<256x512xf32>
      %mul3A_365 = arith.mulf %add3A_357, %add3A_364 : vector<256x512xf32>
      %get3A_366 = arith.constant 8 : index
      %get3A_367 = arith.constant 0 : index
      %get3A_368 = arith.constant 0 : index
      %get3A_369 = vector.load %arg16[%get3A_366, %get3A_367, %get3A_368] : memref<16x512x128xf32, #tpu.memory_space<vmem>>, vector<1x512x128xf32>
      %get3A_370 = vector.shape_cast %get3A_369 : vector<1x512x128xf32> to vector<512x128xf32>
      %dot_general3A_371 = arith.constant dense<0.000000e+00> : vector<256x128xf32>
      %dot_general3A_372 = tpu.matmul %mul3A_365, %get3A_370, %dot_general3A_371 {dimension_numbers = #tpu.dot_dimension_numbers<[1], [0], [0], [1], [0, 0, 1, 1], [], []>, transpose_lhs_hint = false} : vector<256x512xf32>, vector<512x128xf32>, vector<256x128xf32> -> vector<256x128xf32>
      %get3A_373 = arith.constant 8 : index
      %get3A_374 = arith.constant 0 : index
      %get3A_375 = vector.load %arg17[%get3A_373, %get3A_374] : memref<16x128xf32, #tpu.memory_space<vmem>>, vector<1x128xf32>
      %add3A_376 = vector.broadcast %get3A_375 : vector<1x128xf32> to vector<256x128xf32>
      %add3A_377 = arith.addf %dot_general3A_372, %add3A_376 : vector<256x128xf32>
      %get3A_378 = arith.constant 0 : index
      %get3A_379 = arith.constant 0 : index
      %get3A_380 = vector.load %arg26[%get3A_378, %get3A_379] : memref<256x128xf32, #tpu.memory_space<vmem>>, vector<256x128xf32>
      %get3A_381 = arith.constant 8 : index
      %get3A_382 = arith.constant 0 : index
      %get3A_383 = vector.load %arg18[%get3A_381, %get3A_382] : memref<16x128xf32, #tpu.memory_space<vmem>>, vector<1x128xf32>
      %get3A_384 = arith.constant 8 : index
      %get3A_385 = arith.constant 0 : index
      %get3A_386 = vector.load %arg19[%get3A_384, %get3A_385] : memref<16x128xf32, #tpu.memory_space<vmem>>, vector<1x128xf32>
      %reduce_sum3A_387 = arith.constant dense<0.000000e+00> : vector<256xf32>
      %reduce_sum3A_388 = vector.multi_reduction <add>, %add3A_377, %reduce_sum3A_387 [1] : vector<256x128xf32> to vector<256xf32>
      %broadcast_in_dim3A_389 = vector.shape_cast %reduce_sum3A_388 : vector<256xf32> to vector<256x1xf32>
      %div3A_390 = arith.constant 1.280000e+02 : f32
      %div3A_391 = vector.broadcast %div3A_390 : f32 to vector<256x1xf32>
      %div3A_392 = arith.divf %broadcast_in_dim3A_389, %div3A_391 : vector<256x1xf32>
      %sub3A_393 = vector.broadcast %div3A_392 : vector<256x1xf32> to vector<256x128xf32>
      %sub3A_394 = arith.subf %add3A_377, %sub3A_393 : vector<256x128xf32>
      %integer_pow3A_395 = arith.mulf %sub3A_394, %sub3A_394 : vector<256x128xf32>
      %reduce_sum3A_396 = arith.constant dense<0.000000e+00> : vector<256xf32>
      %reduce_sum3A_397 = vector.multi_reduction <add>, %integer_pow3A_395, %reduce_sum3A_396 [1] : vector<256x128xf32> to vector<256xf32>
      %broadcast_in_dim3A_398 = vector.shape_cast %reduce_sum3A_397 : vector<256xf32> to vector<256x1xf32>
      %div3A_399 = arith.constant 1.280000e+02 : f32
      %div3A_400 = vector.broadcast %div3A_399 : f32 to vector<256x1xf32>
      %div3A_401 = arith.divf %broadcast_in_dim3A_398, %div3A_400 : vector<256x1xf32>
      %sub3A_402 = vector.broadcast %div3A_392 : vector<256x1xf32> to vector<256x128xf32>
      %sub3A_403 = arith.subf %add3A_377, %sub3A_402 : vector<256x128xf32>
      %add3A_404 = arith.constant 9.99999974E-6 : f32
      %add3A_405 = vector.broadcast %add3A_404 : f32 to vector<256x1xf32>
      %add3A_406 = arith.addf %div3A_401, %add3A_405 : vector<256x1xf32>
      %rsqrt3A_407 = math.rsqrt %add3A_406 : vector<256x1xf32>
      %mul3A_408 = vector.broadcast %rsqrt3A_407 : vector<256x1xf32> to vector<256x128xf32>
      %mul3A_409 = arith.mulf %sub3A_403, %mul3A_408 : vector<256x128xf32>
      %mul3A_410 = vector.broadcast %get3A_383 : vector<1x128xf32> to vector<256x128xf32>
      %mul3A_411 = arith.mulf %mul3A_409, %mul3A_410 : vector<256x128xf32>
      %add3A_412 = vector.broadcast %get3A_386 : vector<1x128xf32> to vector<256x128xf32>
      %add3A_413 = arith.addf %mul3A_411, %add3A_412 : vector<256x128xf32>
      %mul3A_414 = vector.broadcast %slice3A_230 : vector<256x1xf32> to vector<256x128xf32>
      %mul3A_415 = arith.mulf %mul3A_414, %add3A_413 : vector<256x128xf32>
      %add3A_416 = arith.addf %get3A_380, %mul3A_415 : vector<256x128xf32>
      %swap3A_417 = arith.constant 0 : index
      %swap3A_418 = arith.constant 0 : index
      %swap3A_419 = vector.load %arg26[%swap3A_417, %swap3A_418] : memref<256x128xf32, #tpu.memory_space<vmem>>, vector<256x128xf32>
      tpu.vector_store %arg26[%swap3A_417, %swap3A_418], %add3A_416 {strides = array<i32>} : memref<256x128xf32, #tpu.memory_space<vmem>>, vector<256x128xf32>,
    } else {
    }
    %slice3A_241 = vector.extract_strided_slice %dot_general3A_13 {offsets = [0, 9], sizes = [256, 1], strides = [1, 1]} : vector<256x16xf32> to vector<256x1xf32>
    %reduce_max3A_242 = vector.shape_cast %slice3A_241 : vector<256x1xf32> to vector<1x256x1xf32>
    %reduce_max3A_243 = arith.constant dense<0xFF800000> : vector<1xf32>
    %reduce_max3A_244 = vector.multi_reduction <maximumf>, %reduce_max3A_242, %reduce_max3A_243 [1, 2] : vector<1x256x1xf32> to vector<1xf32>
    %reduce_max3A_245 = vector.shape_cast %reduce_max3A_244 : vector<1xf32> to vector<1x1x1xf32>
    %reduce_max3A_246 = vector.extract %reduce_max3A_245[0, 0, 0] : f32 from vector<1x1x1xf32>
    %gt3A_247 = arith.constant 0.000000e+00 : f32
    %gt3A_248 = arith.cmpf ogt, %reduce_max3A_246, %gt3A_247 : f32
    %convert_element_type3A_249 = arith.extui %gt3A_248 : i1 to i32
    %cond3A_250 = arith.constant 0 : i32
    %cond3A_251 = arith.cmpi ne, %convert_element_type3A_249, %cond3A_250 : i32
    scf.if %cond3A_251 {
      %get3A_346 = arith.constant 9 : index
      %get3A_347 = arith.constant 0 : index
      %get3A_348 = arith.constant 0 : index
      %get3A_349 = vector.load %arg14[%get3A_346, %get3A_347, %get3A_348] : memref<16x128x512xf32, #tpu.memory_space<vmem>>, vector<1x128x512xf32>
      %get3A_350 = vector.shape_cast %get3A_349 : vector<1x128x512xf32> to vector<128x512xf32>
      %dot_general3A_351 = arith.constant dense<0.000000e+00> : vector<256x512xf32>
      %dot_general3A_352 = tpu.matmul %get3A_3, %get3A_350, %dot_general3A_351 {dimension_numbers = #tpu.dot_dimension_numbers<[1], [0], [0], [1], [0, 0, 1, 1], [], []>, transpose_lhs_hint = false} : vector<256x128xf32>, vector<128x512xf32>, vector<256x512xf32> -> vector<256x512xf32>
      %get3A_353 = arith.constant 9 : index
      %get3A_354 = arith.constant 0 : index
      %get3A_355 = vector.load %arg15[%get3A_353, %get3A_354] : memref<16x512xf32, #tpu.memory_space<vmem>>, vector<1x512xf32>
      %add3A_356 = vector.broadcast %get3A_355 : vector<1x512xf32> to vector<256x512xf32>
      %add3A_357 = arith.addf %dot_general3A_352, %add3A_356 : vector<256x512xf32>
      %mul3A_358 = arith.constant 0.707106769 : f32
      %mul3A_359 = vector.broadcast %mul3A_358 : f32 to vector<256x512xf32>
      %mul3A_360 = arith.mulf %add3A_357, %mul3A_359 : vector<256x512xf32>
      %erf3A_361 = math.erf %mul3A_360 : vector<256x512xf32>
      %add3A_362 = arith.constant 1.000000e+00 : f32
      %add3A_363 = vector.broadcast %add3A_362 : f32 to vector<256x512xf32>
      %add3A_364 = arith.addf %add3A_363, %erf3A_361 : vector<256x512xf32>
      %mul3A_365 = arith.mulf %add3A_357, %add3A_364 : vector<256x512xf32>
      %get3A_366 = arith.constant 9 : index
      %get3A_367 = arith.constant 0 : index
      %get3A_368 = arith.constant 0 : index
      %get3A_369 = vector.load %arg16[%get3A_366, %get3A_367, %get3A_368] : memref<16x512x128xf32, #tpu.memory_space<vmem>>, vector<1x512x128xf32>
      %get3A_370 = vector.shape_cast %get3A_369 : vector<1x512x128xf32> to vector<512x128xf32>
      %dot_general3A_371 = arith.constant dense<0.000000e+00> : vector<256x128xf32>
      %dot_general3A_372 = tpu.matmul %mul3A_365, %get3A_370, %dot_general3A_371 {dimension_numbers = #tpu.dot_dimension_numbers<[1], [0], [0], [1], [0, 0, 1, 1], [], []>, transpose_lhs_hint = false} : vector<256x512xf32>, vector<512x128xf32>, vector<256x128xf32> -> vector<256x128xf32>
      %get3A_373 = arith.constant 9 : index
      %get3A_374 = arith.constant 0 : index
      %get3A_375 = vector.load %arg17[%get3A_373, %get3A_374] : memref<16x128xf32, #tpu.memory_space<vmem>>, vector<1x128xf32>
      %add3A_376 = vector.broadcast %get3A_375 : vector<1x128xf32> to vector<256x128xf32>
      %add3A_377 = arith.addf %dot_general3A_372, %add3A_376 : vector<256x128xf32>
      %get3A_378 = arith.constant 0 : index
      %get3A_379 = arith.constant 0 : index
      %get3A_380 = vector.load %arg26[%get3A_378, %get3A_379] : memref<256x128xf32, #tpu.memory_space<vmem>>, vector<256x128xf32>
      %get3A_381 = arith.constant 9 : index
      %get3A_382 = arith.constant 0 : index
      %get3A_383 = vector.load %arg18[%get3A_381, %get3A_382] : memref<16x128xf32, #tpu.memory_space<vmem>>, vector<1x128xf32>
      %get3A_384 = arith.constant 9 : index
      %get3A_385 = arith.constant 0 : index
      %get3A_386 = vector.load %arg19[%get3A_384, %get3A_385] : memref<16x128xf32, #tpu.memory_space<vmem>>, vector<1x128xf32>
      %reduce_sum3A_387 = arith.constant dense<0.000000e+00> : vector<256xf32>
      %reduce_sum3A_388 = vector.multi_reduction <add>, %add3A_377, %reduce_sum3A_387 [1] : vector<256x128xf32> to vector<256xf32>
      %broadcast_in_dim3A_389 = vector.shape_cast %reduce_sum3A_388 : vector<256xf32> to vector<256x1xf32>
      %div3A_390 = arith.constant 1.280000e+02 : f32
      %div3A_391 = vector.broadcast %div3A_390 : f32 to vector<256x1xf32>
      %div3A_392 = arith.divf %broadcast_in_dim3A_389, %div3A_391 : vector<256x1xf32>
      %sub3A_393 = vector.broadcast %div3A_392 : vector<256x1xf32> to vector<256x128xf32>
      %sub3A_394 = arith.subf %add3A_377, %sub3A_393 : vector<256x128xf32>
      %integer_pow3A_395 = arith.mulf %sub3A_394, %sub3A_394 : vector<256x128xf32>
      %reduce_sum3A_396 = arith.constant dense<0.000000e+00> : vector<256xf32>
      %reduce_sum3A_397 = vector.multi_reduction <add>, %integer_pow3A_395, %reduce_sum3A_396 [1] : vector<256x128xf32> to vector<256xf32>
      %broadcast_in_dim3A_398 = vector.shape_cast %reduce_sum3A_397 : vector<256xf32> to vector<256x1xf32>
      %div3A_399 = arith.constant 1.280000e+02 : f32
      %div3A_400 = vector.broadcast %div3A_399 : f32 to vector<256x1xf32>
      %div3A_401 = arith.divf %broadcast_in_dim3A_398, %div3A_400 : vector<256x1xf32>
      %sub3A_402 = vector.broadcast %div3A_392 : vector<256x1xf32> to vector<256x128xf32>
      %sub3A_403 = arith.subf %add3A_377, %sub3A_402 : vector<256x128xf32>
      %add3A_404 = arith.constant 9.99999974E-6 : f32
      %add3A_405 = vector.broadcast %add3A_404 : f32 to vector<256x1xf32>
      %add3A_406 = arith.addf %div3A_401, %add3A_405 : vector<256x1xf32>
      %rsqrt3A_407 = math.rsqrt %add3A_406 : vector<256x1xf32>
      %mul3A_408 = vector.broadcast %rsqrt3A_407 : vector<256x1xf32> to vector<256x128xf32>
      %mul3A_409 = arith.mulf %sub3A_403, %mul3A_408 : vector<256x128xf32>
      %mul3A_410 = vector.broadcast %get3A_383 : vector<1x128xf32> to vector<256x128xf32>
      %mul3A_411 = arith.mulf %mul3A_409, %mul3A_410 : vector<256x128xf32>
      %add3A_412 = vector.broadcast %get3A_386 : vector<1x128xf32> to vector<256x128xf32>
      %add3A_413 = arith.addf %mul3A_411, %add3A_412 : vector<256x128xf32>
      %mul3A_414 = vector.broadcast %slice3A_241 : vector<256x1xf32> to vector<256x128xf32>
      %mul3A_415 = arith.mulf %mul3A_414, %add3A_413 : vector<256x128xf32>
      %add3A_416 = arith.addf %get3A_380, %mul3A_415 : vector<256x128xf32>
      %swap3A_417 = arith.constant 0 : index
      %swap3A_418 = arith.constant 0 : index
      %swap3A_419 = vector.load %arg26[%swap3A_417, %swap3A_418] : memref<256x128xf32, #tpu.memory_space<vmem>>, vector<256x128xf32>
      tpu.vector_store %arg26[%swap3A_417, %swap3A_418], %add3A_416 {strides = array<i32>} : memref<256x128xf32, #tpu.memory_space<vmem>>, vector<256x128xf32>,
    } else {
    }
    %slice3A_252 = vector.extract_strided_slice %dot_general3A_13 {offsets = [0, 10], sizes = [256, 1], strides = [1, 1]} : vector<256x16xf32> to vector<256x1xf32>
    %reduce_max3A_253 = vector.shape_cast %slice3A_252 : vector<256x1xf32> to vector<1x256x1xf32>
    %reduce_max3A_254 = arith.constant dense<0xFF800000> : vector<1xf32>
    %reduce_max3A_255 = vector.multi_reduction <maximumf>, %reduce_max3A_253, %reduce_max3A_254 [1, 2] : vector<1x256x1xf32> to vector<1xf32>
    %reduce_max3A_256 = vector.shape_cast %reduce_max3A_255 : vector<1xf32> to vector<1x1x1xf32>
    %reduce_max3A_257 = vector.extract %reduce_max3A_256[0, 0, 0] : f32 from vector<1x1x1xf32>
    %gt3A_258 = arith.constant 0.000000e+00 : f32
    %gt3A_259 = arith.cmpf ogt, %reduce_max3A_257, %gt3A_258 : f32
    %convert_element_type3A_260 = arith.extui %gt3A_259 : i1 to i32
    %cond3A_261 = arith.constant 0 : i32
    %cond3A_262 = arith.cmpi ne, %convert_element_type3A_260, %cond3A_261 : i32
    scf.if %cond3A_262 {
      %get3A_346 = arith.constant 10 : index
      %get3A_347 = arith.constant 0 : index
      %get3A_348 = arith.constant 0 : index
      %get3A_349 = vector.load %arg14[%get3A_346, %get3A_347, %get3A_348] : memref<16x128x512xf32, #tpu.memory_space<vmem>>, vector<1x128x512xf32>
      %get3A_350 = vector.shape_cast %get3A_349 : vector<1x128x512xf32> to vector<128x512xf32>
      %dot_general3A_351 = arith.constant dense<0.000000e+00> : vector<256x512xf32>
      %dot_general3A_352 = tpu.matmul %get3A_3, %get3A_350, %dot_general3A_351 {dimension_numbers = #tpu.dot_dimension_numbers<[1], [0], [0], [1], [0, 0, 1, 1], [], []>, transpose_lhs_hint = false} : vector<256x128xf32>, vector<128x512xf32>, vector<256x512xf32> -> vector<256x512xf32>
      %get3A_353 = arith.constant 10 : index
      %get3A_354 = arith.constant 0 : index
      %get3A_355 = vector.load %arg15[%get3A_353, %get3A_354] : memref<16x512xf32, #tpu.memory_space<vmem>>, vector<1x512xf32>
      %add3A_356 = vector.broadcast %get3A_355 : vector<1x512xf32> to vector<256x512xf32>
      %add3A_357 = arith.addf %dot_general3A_352, %add3A_356 : vector<256x512xf32>
      %mul3A_358 = arith.constant 0.707106769 : f32
      %mul3A_359 = vector.broadcast %mul3A_358 : f32 to vector<256x512xf32>
      %mul3A_360 = arith.mulf %add3A_357, %mul3A_359 : vector<256x512xf32>
      %erf3A_361 = math.erf %mul3A_360 : vector<256x512xf32>
      %add3A_362 = arith.constant 1.000000e+00 : f32
      %add3A_363 = vector.broadcast %add3A_362 : f32 to vector<256x512xf32>
      %add3A_364 = arith.addf %add3A_363, %erf3A_361 : vector<256x512xf32>
      %mul3A_365 = arith.mulf %add3A_357, %add3A_364 : vector<256x512xf32>
      %get3A_366 = arith.constant 10 : index
      %get3A_367 = arith.constant 0 : index
      %get3A_368 = arith.constant 0 : index
      %get3A_369 = vector.load %arg16[%get3A_366, %get3A_367, %get3A_368] : memref<16x512x128xf32, #tpu.memory_space<vmem>>, vector<1x512x128xf32>
      %get3A_370 = vector.shape_cast %get3A_369 : vector<1x512x128xf32> to vector<512x128xf32>
      %dot_general3A_371 = arith.constant dense<0.000000e+00> : vector<256x128xf32>
      %dot_general3A_372 = tpu.matmul %mul3A_365, %get3A_370, %dot_general3A_371 {dimension_numbers = #tpu.dot_dimension_numbers<[1], [0], [0], [1], [0, 0, 1, 1], [], []>, transpose_lhs_hint = false} : vector<256x512xf32>, vector<512x128xf32>, vector<256x128xf32> -> vector<256x128xf32>
      %get3A_373 = arith.constant 10 : index
      %get3A_374 = arith.constant 0 : index
      %get3A_375 = vector.load %arg17[%get3A_373, %get3A_374] : memref<16x128xf32, #tpu.memory_space<vmem>>, vector<1x128xf32>
      %add3A_376 = vector.broadcast %get3A_375 : vector<1x128xf32> to vector<256x128xf32>
      %add3A_377 = arith.addf %dot_general3A_372, %add3A_376 : vector<256x128xf32>
      %get3A_378 = arith.constant 0 : index
      %get3A_379 = arith.constant 0 : index
      %get3A_380 = vector.load %arg26[%get3A_378, %get3A_379] : memref<256x128xf32, #tpu.memory_space<vmem>>, vector<256x128xf32>
      %get3A_381 = arith.constant 10 : index
      %get3A_382 = arith.constant 0 : index
      %get3A_383 = vector.load %arg18[%get3A_381, %get3A_382] : memref<16x128xf32, #tpu.memory_space<vmem>>, vector<1x128xf32>
      %get3A_384 = arith.constant 10 : index
      %get3A_385 = arith.constant 0 : index
      %get3A_386 = vector.load %arg19[%get3A_384, %get3A_385] : memref<16x128xf32, #tpu.memory_space<vmem>>, vector<1x128xf32>
      %reduce_sum3A_387 = arith.constant dense<0.000000e+00> : vector<256xf32>
      %reduce_sum3A_388 = vector.multi_reduction <add>, %add3A_377, %reduce_sum3A_387 [1] : vector<256x128xf32> to vector<256xf32>
      %broadcast_in_dim3A_389 = vector.shape_cast %reduce_sum3A_388 : vector<256xf32> to vector<256x1xf32>
      %div3A_390 = arith.constant 1.280000e+02 : f32
      %div3A_391 = vector.broadcast %div3A_390 : f32 to vector<256x1xf32>
      %div3A_392 = arith.divf %broadcast_in_dim3A_389, %div3A_391 : vector<256x1xf32>
      %sub3A_393 = vector.broadcast %div3A_392 : vector<256x1xf32> to vector<256x128xf32>
      %sub3A_394 = arith.subf %add3A_377, %sub3A_393 : vector<256x128xf32>
      %integer_pow3A_395 = arith.mulf %sub3A_394, %sub3A_394 : vector<256x128xf32>
      %reduce_sum3A_396 = arith.constant dense<0.000000e+00> : vector<256xf32>
      %reduce_sum3A_397 = vector.multi_reduction <add>, %integer_pow3A_395, %reduce_sum3A_396 [1] : vector<256x128xf32> to vector<256xf32>
      %broadcast_in_dim3A_398 = vector.shape_cast %reduce_sum3A_397 : vector<256xf32> to vector<256x1xf32>
      %div3A_399 = arith.constant 1.280000e+02 : f32
      %div3A_400 = vector.broadcast %div3A_399 : f32 to vector<256x1xf32>
      %div3A_401 = arith.divf %broadcast_in_dim3A_398, %div3A_400 : vector<256x1xf32>
      %sub3A_402 = vector.broadcast %div3A_392 : vector<256x1xf32> to vector<256x128xf32>
      %sub3A_403 = arith.subf %add3A_377, %sub3A_402 : vector<256x128xf32>
      %add3A_404 = arith.constant 9.99999974E-6 : f32
      %add3A_405 = vector.broadcast %add3A_404 : f32 to vector<256x1xf32>
      %add3A_406 = arith.addf %div3A_401, %add3A_405 : vector<256x1xf32>
      %rsqrt3A_407 = math.rsqrt %add3A_406 : vector<256x1xf32>
      %mul3A_408 = vector.broadcast %rsqrt3A_407 : vector<256x1xf32> to vector<256x128xf32>
      %mul3A_409 = arith.mulf %sub3A_403, %mul3A_408 : vector<256x128xf32>
      %mul3A_410 = vector.broadcast %get3A_383 : vector<1x128xf32> to vector<256x128xf32>
      %mul3A_411 = arith.mulf %mul3A_409, %mul3A_410 : vector<256x128xf32>
      %add3A_412 = vector.broadcast %get3A_386 : vector<1x128xf32> to vector<256x128xf32>
      %add3A_413 = arith.addf %mul3A_411, %add3A_412 : vector<256x128xf32>
      %mul3A_414 = vector.broadcast %slice3A_252 : vector<256x1xf32> to vector<256x128xf32>
      %mul3A_415 = arith.mulf %mul3A_414, %add3A_413 : vector<256x128xf32>
      %add3A_416 = arith.addf %get3A_380, %mul3A_415 : vector<256x128xf32>
      %swap3A_417 = arith.constant 0 : index
      %swap3A_418 = arith.constant 0 : index
      %swap3A_419 = vector.load %arg26[%swap3A_417, %swap3A_418] : memref<256x128xf32, #tpu.memory_space<vmem>>, vector<256x128xf32>
      tpu.vector_store %arg26[%swap3A_417, %swap3A_418], %add3A_416 {strides = array<i32>} : memref<256x128xf32, #tpu.memory_space<vmem>>, vector<256x128xf32>,
    } else {
    }
    %slice3A_263 = vector.extract_strided_slice %dot_general3A_13 {offsets = [0, 11], sizes = [256, 1], strides = [1, 1]} : vector<256x16xf32> to vector<256x1xf32>
    %reduce_max3A_264 = vector.shape_cast %slice3A_263 : vector<256x1xf32> to vector<1x256x1xf32>
    %reduce_max3A_265 = arith.constant dense<0xFF800000> : vector<1xf32>
    %reduce_max3A_266 = vector.multi_reduction <maximumf>, %reduce_max3A_264, %reduce_max3A_265 [1, 2] : vector<1x256x1xf32> to vector<1xf32>
    %reduce_max3A_267 = vector.shape_cast %reduce_max3A_266 : vector<1xf32> to vector<1x1x1xf32>
    %reduce_max3A_268 = vector.extract %reduce_max3A_267[0, 0, 0] : f32 from vector<1x1x1xf32>
    %gt3A_269 = arith.constant 0.000000e+00 : f32
    %gt3A_270 = arith.cmpf ogt, %reduce_max3A_268, %gt3A_269 : f32
    %convert_element_type3A_271 = arith.extui %gt3A_270 : i1 to i32
    %cond3A_272 = arith.constant 0 : i32
    %cond3A_273 = arith.cmpi ne, %convert_element_type3A_271, %cond3A_272 : i32
    scf.if %cond3A_273 {
      %get3A_346 = arith.constant 11 : index
      %get3A_347 = arith.constant 0 : index
      %get3A_348 = arith.constant 0 : index
      %get3A_349 = vector.load %arg14[%get3A_346, %get3A_347, %get3A_348] : memref<16x128x512xf32, #tpu.memory_space<vmem>>, vector<1x128x512xf32>
      %get3A_350 = vector.shape_cast %get3A_349 : vector<1x128x512xf32> to vector<128x512xf32>
      %dot_general3A_351 = arith.constant dense<0.000000e+00> : vector<256x512xf32>
      %dot_general3A_352 = tpu.matmul %get3A_3, %get3A_350, %dot_general3A_351 {dimension_numbers = #tpu.dot_dimension_numbers<[1], [0], [0], [1], [0, 0, 1, 1], [], []>, transpose_lhs_hint = false} : vector<256x128xf32>, vector<128x512xf32>, vector<256x512xf32> -> vector<256x512xf32>
      %get3A_353 = arith.constant 11 : index
      %get3A_354 = arith.constant 0 : index
      %get3A_355 = vector.load %arg15[%get3A_353, %get3A_354] : memref<16x512xf32, #tpu.memory_space<vmem>>, vector<1x512xf32>
      %add3A_356 = vector.broadcast %get3A_355 : vector<1x512xf32> to vector<256x512xf32>
      %add3A_357 = arith.addf %dot_general3A_352, %add3A_356 : vector<256x512xf32>
      %mul3A_358 = arith.constant 0.707106769 : f32
      %mul3A_359 = vector.broadcast %mul3A_358 : f32 to vector<256x512xf32>
      %mul3A_360 = arith.mulf %add3A_357, %mul3A_359 : vector<256x512xf32>
      %erf3A_361 = math.erf %mul3A_360 : vector<256x512xf32>
      %add3A_362 = arith.constant 1.000000e+00 : f32
      %add3A_363 = vector.broadcast %add3A_362 : f32 to vector<256x512xf32>
      %add3A_364 = arith.addf %add3A_363, %erf3A_361 : vector<256x512xf32>
      %mul3A_365 = arith.mulf %add3A_357, %add3A_364 : vector<256x512xf32>
      %get3A_366 = arith.constant 11 : index
      %get3A_367 = arith.constant 0 : index
      %get3A_368 = arith.constant 0 : index
      %get3A_369 = vector.load %arg16[%get3A_366, %get3A_367, %get3A_368] : memref<16x512x128xf32, #tpu.memory_space<vmem>>, vector<1x512x128xf32>
      %get3A_370 = vector.shape_cast %get3A_369 : vector<1x512x128xf32> to vector<512x128xf32>
      %dot_general3A_371 = arith.constant dense<0.000000e+00> : vector<256x128xf32>
      %dot_general3A_372 = tpu.matmul %mul3A_365, %get3A_370, %dot_general3A_371 {dimension_numbers = #tpu.dot_dimension_numbers<[1], [0], [0], [1], [0, 0, 1, 1], [], []>, transpose_lhs_hint = false} : vector<256x512xf32>, vector<512x128xf32>, vector<256x128xf32> -> vector<256x128xf32>
      %get3A_373 = arith.constant 11 : index
      %get3A_374 = arith.constant 0 : index
      %get3A_375 = vector.load %arg17[%get3A_373, %get3A_374] : memref<16x128xf32, #tpu.memory_space<vmem>>, vector<1x128xf32>
      %add3A_376 = vector.broadcast %get3A_375 : vector<1x128xf32> to vector<256x128xf32>
      %add3A_377 = arith.addf %dot_general3A_372, %add3A_376 : vector<256x128xf32>
      %get3A_378 = arith.constant 0 : index
      %get3A_379 = arith.constant 0 : index
      %get3A_380 = vector.load %arg26[%get3A_378, %get3A_379] : memref<256x128xf32, #tpu.memory_space<vmem>>, vector<256x128xf32>
      %get3A_381 = arith.constant 11 : index
      %get3A_382 = arith.constant 0 : index
      %get3A_383 = vector.load %arg18[%get3A_381, %get3A_382] : memref<16x128xf32, #tpu.memory_space<vmem>>, vector<1x128xf32>
      %get3A_384 = arith.constant 11 : index
      %get3A_385 = arith.constant 0 : index
      %get3A_386 = vector.load %arg19[%get3A_384, %get3A_385] : memref<16x128xf32, #tpu.memory_space<vmem>>, vector<1x128xf32>
      %reduce_sum3A_387 = arith.constant dense<0.000000e+00> : vector<256xf32>
      %reduce_sum3A_388 = vector.multi_reduction <add>, %add3A_377, %reduce_sum3A_387 [1] : vector<256x128xf32> to vector<256xf32>
      %broadcast_in_dim3A_389 = vector.shape_cast %reduce_sum3A_388 : vector<256xf32> to vector<256x1xf32>
      %div3A_390 = arith.constant 1.280000e+02 : f32
      %div3A_391 = vector.broadcast %div3A_390 : f32 to vector<256x1xf32>
      %div3A_392 = arith.divf %broadcast_in_dim3A_389, %div3A_391 : vector<256x1xf32>
      %sub3A_393 = vector.broadcast %div3A_392 : vector<256x1xf32> to vector<256x128xf32>
      %sub3A_394 = arith.subf %add3A_377, %sub3A_393 : vector<256x128xf32>
      %integer_pow3A_395 = arith.mulf %sub3A_394, %sub3A_394 : vector<256x128xf32>
      %reduce_sum3A_396 = arith.constant dense<0.000000e+00> : vector<256xf32>
      %reduce_sum3A_397 = vector.multi_reduction <add>, %integer_pow3A_395, %reduce_sum3A_396 [1] : vector<256x128xf32> to vector<256xf32>
      %broadcast_in_dim3A_398 = vector.shape_cast %reduce_sum3A_397 : vector<256xf32> to vector<256x1xf32>
      %div3A_399 = arith.constant 1.280000e+02 : f32
      %div3A_400 = vector.broadcast %div3A_399 : f32 to vector<256x1xf32>
      %div3A_401 = arith.divf %broadcast_in_dim3A_398, %div3A_400 : vector<256x1xf32>
      %sub3A_402 = vector.broadcast %div3A_392 : vector<256x1xf32> to vector<256x128xf32>
      %sub3A_403 = arith.subf %add3A_377, %sub3A_402 : vector<256x128xf32>
      %add3A_404 = arith.constant 9.99999974E-6 : f32
      %add3A_405 = vector.broadcast %add3A_404 : f32 to vector<256x1xf32>
      %add3A_406 = arith.addf %div3A_401, %add3A_405 : vector<256x1xf32>
      %rsqrt3A_407 = math.rsqrt %add3A_406 : vector<256x1xf32>
      %mul3A_408 = vector.broadcast %rsqrt3A_407 : vector<256x1xf32> to vector<256x128xf32>
      %mul3A_409 = arith.mulf %sub3A_403, %mul3A_408 : vector<256x128xf32>
      %mul3A_410 = vector.broadcast %get3A_383 : vector<1x128xf32> to vector<256x128xf32>
      %mul3A_411 = arith.mulf %mul3A_409, %mul3A_410 : vector<256x128xf32>
      %add3A_412 = vector.broadcast %get3A_386 : vector<1x128xf32> to vector<256x128xf32>
      %add3A_413 = arith.addf %mul3A_411, %add3A_412 : vector<256x128xf32>
      %mul3A_414 = vector.broadcast %slice3A_263 : vector<256x1xf32> to vector<256x128xf32>
      %mul3A_415 = arith.mulf %mul3A_414, %add3A_413 : vector<256x128xf32>
      %add3A_416 = arith.addf %get3A_380, %mul3A_415 : vector<256x128xf32>
      %swap3A_417 = arith.constant 0 : index
      %swap3A_418 = arith.constant 0 : index
      %swap3A_419 = vector.load %arg26[%swap3A_417, %swap3A_418] : memref<256x128xf32, #tpu.memory_space<vmem>>, vector<256x128xf32>
      tpu.vector_store %arg26[%swap3A_417, %swap3A_418], %add3A_416 {strides = array<i32>} : memref<256x128xf32, #tpu.memory_space<vmem>>, vector<256x128xf32>,
    } else {
    }
    %slice3A_274 = vector.extract_strided_slice %dot_general3A_13 {offsets = [0, 12], sizes = [256, 1], strides = [1, 1]} : vector<256x16xf32> to vector<256x1xf32>
    %reduce_max3A_275 = vector.shape_cast %slice3A_274 : vector<256x1xf32> to vector<1x256x1xf32>
    %reduce_max3A_276 = arith.constant dense<0xFF800000> : vector<1xf32>
    %reduce_max3A_277 = vector.multi_reduction <maximumf>, %reduce_max3A_275, %reduce_max3A_276 [1, 2] : vector<1x256x1xf32> to vector<1xf32>
    %reduce_max3A_278 = vector.shape_cast %reduce_max3A_277 : vector<1xf32> to vector<1x1x1xf32>
    %reduce_max3A_279 = vector.extract %reduce_max3A_278[0, 0, 0] : f32 from vector<1x1x1xf32>
    %gt3A_280 = arith.constant 0.000000e+00 : f32
    %gt3A_281 = arith.cmpf ogt, %reduce_max3A_279, %gt3A_280 : f32
    %convert_element_type3A_282 = arith.extui %gt3A_281 : i1 to i32
    %cond3A_283 = arith.constant 0 : i32
    %cond3A_284 = arith.cmpi ne, %convert_element_type3A_282, %cond3A_283 : i32
    scf.if %cond3A_284 {
      %get3A_346 = arith.constant 12 : index
      %get3A_347 = arith.constant 0 : index
      %get3A_348 = arith.constant 0 : index
      %get3A_349 = vector.load %arg14[%get3A_346, %get3A_347, %get3A_348] : memref<16x128x512xf32, #tpu.memory_space<vmem>>, vector<1x128x512xf32>
      %get3A_350 = vector.shape_cast %get3A_349 : vector<1x128x512xf32> to vector<128x512xf32>
      %dot_general3A_351 = arith.constant dense<0.000000e+00> : vector<256x512xf32>
      %dot_general3A_352 = tpu.matmul %get3A_3, %get3A_350, %dot_general3A_351 {dimension_numbers = #tpu.dot_dimension_numbers<[1], [0], [0], [1], [0, 0, 1, 1], [], []>, transpose_lhs_hint = false} : vector<256x128xf32>, vector<128x512xf32>, vector<256x512xf32> -> vector<256x512xf32>
      %get3A_353 = arith.constant 12 : index
      %get3A_354 = arith.constant 0 : index
      %get3A_355 = vector.load %arg15[%get3A_353, %get3A_354] : memref<16x512xf32, #tpu.memory_space<vmem>>, vector<1x512xf32>
      %add3A_356 = vector.broadcast %get3A_355 : vector<1x512xf32> to vector<256x512xf32>
      %add3A_357 = arith.addf %dot_general3A_352, %add3A_356 : vector<256x512xf32>
      %mul3A_358 = arith.constant 0.707106769 : f32
      %mul3A_359 = vector.broadcast %mul3A_358 : f32 to vector<256x512xf32>
      %mul3A_360 = arith.mulf %add3A_357, %mul3A_359 : vector<256x512xf32>
      %erf3A_361 = math.erf %mul3A_360 : vector<256x512xf32>
      %add3A_362 = arith.constant 1.000000e+00 : f32
      %add3A_363 = vector.broadcast %add3A_362 : f32 to vector<256x512xf32>
      %add3A_364 = arith.addf %add3A_363, %erf3A_361 : vector<256x512xf32>
      %mul3A_365 = arith.mulf %add3A_357, %add3A_364 : vector<256x512xf32>
      %get3A_366 = arith.constant 12 : index
      %get3A_367 = arith.constant 0 : index
      %get3A_368 = arith.constant 0 : index
      %get3A_369 = vector.load %arg16[%get3A_366, %get3A_367, %get3A_368] : memref<16x512x128xf32, #tpu.memory_space<vmem>>, vector<1x512x128xf32>
      %get3A_370 = vector.shape_cast %get3A_369 : vector<1x512x128xf32> to vector<512x128xf32>
      %dot_general3A_371 = arith.constant dense<0.000000e+00> : vector<256x128xf32>
      %dot_general3A_372 = tpu.matmul %mul3A_365, %get3A_370, %dot_general3A_371 {dimension_numbers = #tpu.dot_dimension_numbers<[1], [0], [0], [1], [0, 0, 1, 1], [], []>, transpose_lhs_hint = false} : vector<256x512xf32>, vector<512x128xf32>, vector<256x128xf32> -> vector<256x128xf32>
      %get3A_373 = arith.constant 12 : index
      %get3A_374 = arith.constant 0 : index
      %get3A_375 = vector.load %arg17[%get3A_373, %get3A_374] : memref<16x128xf32, #tpu.memory_space<vmem>>, vector<1x128xf32>
      %add3A_376 = vector.broadcast %get3A_375 : vector<1x128xf32> to vector<256x128xf32>
      %add3A_377 = arith.addf %dot_general3A_372, %add3A_376 : vector<256x128xf32>
      %get3A_378 = arith.constant 0 : index
      %get3A_379 = arith.constant 0 : index
      %get3A_380 = vector.load %arg26[%get3A_378, %get3A_379] : memref<256x128xf32, #tpu.memory_space<vmem>>, vector<256x128xf32>
      %get3A_381 = arith.constant 12 : index
      %get3A_382 = arith.constant 0 : index
      %get3A_383 = vector.load %arg18[%get3A_381, %get3A_382] : memref<16x128xf32, #tpu.memory_space<vmem>>, vector<1x128xf32>
      %get3A_384 = arith.constant 12 : index
      %get3A_385 = arith.constant 0 : index
      %get3A_386 = vector.load %arg19[%get3A_384, %get3A_385] : memref<16x128xf32, #tpu.memory_space<vmem>>, vector<1x128xf32>
      %reduce_sum3A_387 = arith.constant dense<0.000000e+00> : vector<256xf32>
      %reduce_sum3A_388 = vector.multi_reduction <add>, %add3A_377, %reduce_sum3A_387 [1] : vector<256x128xf32> to vector<256xf32>
      %broadcast_in_dim3A_389 = vector.shape_cast %reduce_sum3A_388 : vector<256xf32> to vector<256x1xf32>
      %div3A_390 = arith.constant 1.280000e+02 : f32
      %div3A_391 = vector.broadcast %div3A_390 : f32 to vector<256x1xf32>
      %div3A_392 = arith.divf %broadcast_in_dim3A_389, %div3A_391 : vector<256x1xf32>
      %sub3A_393 = vector.broadcast %div3A_392 : vector<256x1xf32> to vector<256x128xf32>
      %sub3A_394 = arith.subf %add3A_377, %sub3A_393 : vector<256x128xf32>
      %integer_pow3A_395 = arith.mulf %sub3A_394, %sub3A_394 : vector<256x128xf32>
      %reduce_sum3A_396 = arith.constant dense<0.000000e+00> : vector<256xf32>
      %reduce_sum3A_397 = vector.multi_reduction <add>, %integer_pow3A_395, %reduce_sum3A_396 [1] : vector<256x128xf32> to vector<256xf32>
      %broadcast_in_dim3A_398 = vector.shape_cast %reduce_sum3A_397 : vector<256xf32> to vector<256x1xf32>
      %div3A_399 = arith.constant 1.280000e+02 : f32
      %div3A_400 = vector.broadcast %div3A_399 : f32 to vector<256x1xf32>
      %div3A_401 = arith.divf %broadcast_in_dim3A_398, %div3A_400 : vector<256x1xf32>
      %sub3A_402 = vector.broadcast %div3A_392 : vector<256x1xf32> to vector<256x128xf32>
      %sub3A_403 = arith.subf %add3A_377, %sub3A_402 : vector<256x128xf32>
      %add3A_404 = arith.constant 9.99999974E-6 : f32
      %add3A_405 = vector.broadcast %add3A_404 : f32 to vector<256x1xf32>
      %add3A_406 = arith.addf %div3A_401, %add3A_405 : vector<256x1xf32>
      %rsqrt3A_407 = math.rsqrt %add3A_406 : vector<256x1xf32>
      %mul3A_408 = vector.broadcast %rsqrt3A_407 : vector<256x1xf32> to vector<256x128xf32>
      %mul3A_409 = arith.mulf %sub3A_403, %mul3A_408 : vector<256x128xf32>
      %mul3A_410 = vector.broadcast %get3A_383 : vector<1x128xf32> to vector<256x128xf32>
      %mul3A_411 = arith.mulf %mul3A_409, %mul3A_410 : vector<256x128xf32>
      %add3A_412 = vector.broadcast %get3A_386 : vector<1x128xf32> to vector<256x128xf32>
      %add3A_413 = arith.addf %mul3A_411, %add3A_412 : vector<256x128xf32>
      %mul3A_414 = vector.broadcast %slice3A_274 : vector<256x1xf32> to vector<256x128xf32>
      %mul3A_415 = arith.mulf %mul3A_414, %add3A_413 : vector<256x128xf32>
      %add3A_416 = arith.addf %get3A_380, %mul3A_415 : vector<256x128xf32>
      %swap3A_417 = arith.constant 0 : index
      %swap3A_418 = arith.constant 0 : index
      %swap3A_419 = vector.load %arg26[%swap3A_417, %swap3A_418] : memref<256x128xf32, #tpu.memory_space<vmem>>, vector<256x128xf32>
      tpu.vector_store %arg26[%swap3A_417, %swap3A_418], %add3A_416 {strides = array<i32>} : memref<256x128xf32, #tpu.memory_space<vmem>>, vector<256x128xf32>,
    } else {
    }
    %slice3A_285 = vector.extract_strided_slice %dot_general3A_13 {offsets = [0, 13], sizes = [256, 1], strides = [1, 1]} : vector<256x16xf32> to vector<256x1xf32>
    %reduce_max3A_286 = vector.shape_cast %slice3A_285 : vector<256x1xf32> to vector<1x256x1xf32>
    %reduce_max3A_287 = arith.constant dense<0xFF800000> : vector<1xf32>
    %reduce_max3A_288 = vector.multi_reduction <maximumf>, %reduce_max3A_286, %reduce_max3A_287 [1, 2] : vector<1x256x1xf32> to vector<1xf32>
    %reduce_max3A_289 = vector.shape_cast %reduce_max3A_288 : vector<1xf32> to vector<1x1x1xf32>
    %reduce_max3A_290 = vector.extract %reduce_max3A_289[0, 0, 0] : f32 from vector<1x1x1xf32>
    %gt3A_291 = arith.constant 0.000000e+00 : f32
    %gt3A_292 = arith.cmpf ogt, %reduce_max3A_290, %gt3A_291 : f32
    %convert_element_type3A_293 = arith.extui %gt3A_292 : i1 to i32
    %cond3A_294 = arith.constant 0 : i32
    %cond3A_295 = arith.cmpi ne, %convert_element_type3A_293, %cond3A_294 : i32
    scf.if %cond3A_295 {
      %get3A_346 = arith.constant 13 : index
      %get3A_347 = arith.constant 0 : index
      %get3A_348 = arith.constant 0 : index
      %get3A_349 = vector.load %arg14[%get3A_346, %get3A_347, %get3A_348] : memref<16x128x512xf32, #tpu.memory_space<vmem>>, vector<1x128x512xf32>
      %get3A_350 = vector.shape_cast %get3A_349 : vector<1x128x512xf32> to vector<128x512xf32>
      %dot_general3A_351 = arith.constant dense<0.000000e+00> : vector<256x512xf32>
      %dot_general3A_352 = tpu.matmul %get3A_3, %get3A_350, %dot_general3A_351 {dimension_numbers = #tpu.dot_dimension_numbers<[1], [0], [0], [1], [0, 0, 1, 1], [], []>, transpose_lhs_hint = false} : vector<256x128xf32>, vector<128x512xf32>, vector<256x512xf32> -> vector<256x512xf32>
      %get3A_353 = arith.constant 13 : index
      %get3A_354 = arith.constant 0 : index
      %get3A_355 = vector.load %arg15[%get3A_353, %get3A_354] : memref<16x512xf32, #tpu.memory_space<vmem>>, vector<1x512xf32>
      %add3A_356 = vector.broadcast %get3A_355 : vector<1x512xf32> to vector<256x512xf32>
      %add3A_357 = arith.addf %dot_general3A_352, %add3A_356 : vector<256x512xf32>
      %mul3A_358 = arith.constant 0.707106769 : f32
      %mul3A_359 = vector.broadcast %mul3A_358 : f32 to vector<256x512xf32>
      %mul3A_360 = arith.mulf %add3A_357, %mul3A_359 : vector<256x512xf32>
      %erf3A_361 = math.erf %mul3A_360 : vector<256x512xf32>
      %add3A_362 = arith.constant 1.000000e+00 : f32
      %add3A_363 = vector.broadcast %add3A_362 : f32 to vector<256x512xf32>
      %add3A_364 = arith.addf %add3A_363, %erf3A_361 : vector<256x512xf32>
      %mul3A_365 = arith.mulf %add3A_357, %add3A_364 : vector<256x512xf32>
      %get3A_366 = arith.constant 13 : index
      %get3A_367 = arith.constant 0 : index
      %get3A_368 = arith.constant 0 : index
      %get3A_369 = vector.load %arg16[%get3A_366, %get3A_367, %get3A_368] : memref<16x512x128xf32, #tpu.memory_space<vmem>>, vector<1x512x128xf32>
      %get3A_370 = vector.shape_cast %get3A_369 : vector<1x512x128xf32> to vector<512x128xf32>
      %dot_general3A_371 = arith.constant dense<0.000000e+00> : vector<256x128xf32>
      %dot_general3A_372 = tpu.matmul %mul3A_365, %get3A_370, %dot_general3A_371 {dimension_numbers = #tpu.dot_dimension_numbers<[1], [0], [0], [1], [0, 0, 1, 1], [], []>, transpose_lhs_hint = false} : vector<256x512xf32>, vector<512x128xf32>, vector<256x128xf32> -> vector<256x128xf32>
      %get3A_373 = arith.constant 13 : index
      %get3A_374 = arith.constant 0 : index
      %get3A_375 = vector.load %arg17[%get3A_373, %get3A_374] : memref<16x128xf32, #tpu.memory_space<vmem>>, vector<1x128xf32>
      %add3A_376 = vector.broadcast %get3A_375 : vector<1x128xf32> to vector<256x128xf32>
      %add3A_377 = arith.addf %dot_general3A_372, %add3A_376 : vector<256x128xf32>
      %get3A_378 = arith.constant 0 : index
      %get3A_379 = arith.constant 0 : index
      %get3A_380 = vector.load %arg26[%get3A_378, %get3A_379] : memref<256x128xf32, #tpu.memory_space<vmem>>, vector<256x128xf32>
      %get3A_381 = arith.constant 13 : index
      %get3A_382 = arith.constant 0 : index
      %get3A_383 = vector.load %arg18[%get3A_381, %get3A_382] : memref<16x128xf32, #tpu.memory_space<vmem>>, vector<1x128xf32>
      %get3A_384 = arith.constant 13 : index
      %get3A_385 = arith.constant 0 : index
      %get3A_386 = vector.load %arg19[%get3A_384, %get3A_385] : memref<16x128xf32, #tpu.memory_space<vmem>>, vector<1x128xf32>
      %reduce_sum3A_387 = arith.constant dense<0.000000e+00> : vector<256xf32>
      %reduce_sum3A_388 = vector.multi_reduction <add>, %add3A_377, %reduce_sum3A_387 [1] : vector<256x128xf32> to vector<256xf32>
      %broadcast_in_dim3A_389 = vector.shape_cast %reduce_sum3A_388 : vector<256xf32> to vector<256x1xf32>
      %div3A_390 = arith.constant 1.280000e+02 : f32
      %div3A_391 = vector.broadcast %div3A_390 : f32 to vector<256x1xf32>
      %div3A_392 = arith.divf %broadcast_in_dim3A_389, %div3A_391 : vector<256x1xf32>
      %sub3A_393 = vector.broadcast %div3A_392 : vector<256x1xf32> to vector<256x128xf32>
      %sub3A_394 = arith.subf %add3A_377, %sub3A_393 : vector<256x128xf32>
      %integer_pow3A_395 = arith.mulf %sub3A_394, %sub3A_394 : vector<256x128xf32>
      %reduce_sum3A_396 = arith.constant dense<0.000000e+00> : vector<256xf32>
      %reduce_sum3A_397 = vector.multi_reduction <add>, %integer_pow3A_395, %reduce_sum3A_396 [1] : vector<256x128xf32> to vector<256xf32>
      %broadcast_in_dim3A_398 = vector.shape_cast %reduce_sum3A_397 : vector<256xf32> to vector<256x1xf32>
      %div3A_399 = arith.constant 1.280000e+02 : f32
      %div3A_400 = vector.broadcast %div3A_399 : f32 to vector<256x1xf32>
      %div3A_401 = arith.divf %broadcast_in_dim3A_398, %div3A_400 : vector<256x1xf32>
      %sub3A_402 = vector.broadcast %div3A_392 : vector<256x1xf32> to vector<256x128xf32>
      %sub3A_403 = arith.subf %add3A_377, %sub3A_402 : vector<256x128xf32>
      %add3A_404 = arith.constant 9.99999974E-6 : f32
      %add3A_405 = vector.broadcast %add3A_404 : f32 to vector<256x1xf32>
      %add3A_406 = arith.addf %div3A_401, %add3A_405 : vector<256x1xf32>
      %rsqrt3A_407 = math.rsqrt %add3A_406 : vector<256x1xf32>
      %mul3A_408 = vector.broadcast %rsqrt3A_407 : vector<256x1xf32> to vector<256x128xf32>
      %mul3A_409 = arith.mulf %sub3A_403, %mul3A_408 : vector<256x128xf32>
      %mul3A_410 = vector.broadcast %get3A_383 : vector<1x128xf32> to vector<256x128xf32>
      %mul3A_411 = arith.mulf %mul3A_409, %mul3A_410 : vector<256x128xf32>
      %add3A_412 = vector.broadcast %get3A_386 : vector<1x128xf32> to vector<256x128xf32>
      %add3A_413 = arith.addf %mul3A_411, %add3A_412 : vector<256x128xf32>
      %mul3A_414 = vector.broadcast %slice3A_285 : vector<256x1xf32> to vector<256x128xf32>
      %mul3A_415 = arith.mulf %mul3A_414, %add3A_413 : vector<256x128xf32>
      %add3A_416 = arith.addf %get3A_380, %mul3A_415 : vector<256x128xf32>
      %swap3A_417 = arith.constant 0 : index
      %swap3A_418 = arith.constant 0 : index
      %swap3A_419 = vector.load %arg26[%swap3A_417, %swap3A_418] : memref<256x128xf32, #tpu.memory_space<vmem>>, vector<256x128xf32>
      tpu.vector_store %arg26[%swap3A_417, %swap3A_418], %add3A_416 {strides = array<i32>} : memref<256x128xf32, #tpu.memory_space<vmem>>, vector<256x128xf32>,
    } else {
    }
    %slice3A_296 = vector.extract_strided_slice %dot_general3A_13 {offsets = [0, 14], sizes = [256, 1], strides = [1, 1]} : vector<256x16xf32> to vector<256x1xf32>
    %reduce_max3A_297 = vector.shape_cast %slice3A_296 : vector<256x1xf32> to vector<1x256x1xf32>
    %reduce_max3A_298 = arith.constant dense<0xFF800000> : vector<1xf32>
    %reduce_max3A_299 = vector.multi_reduction <maximumf>, %reduce_max3A_297, %reduce_max3A_298 [1, 2] : vector<1x256x1xf32> to vector<1xf32>
    %reduce_max3A_300 = vector.shape_cast %reduce_max3A_299 : vector<1xf32> to vector<1x1x1xf32>
    %reduce_max3A_301 = vector.extract %reduce_max3A_300[0, 0, 0] : f32 from vector<1x1x1xf32>
    %gt3A_302 = arith.constant 0.000000e+00 : f32
    %gt3A_303 = arith.cmpf ogt, %reduce_max3A_301, %gt3A_302 : f32
    %convert_element_type3A_304 = arith.extui %gt3A_303 : i1 to i32
    %cond3A_305 = arith.constant 0 : i32
    %cond3A_306 = arith.cmpi ne, %convert_element_type3A_304, %cond3A_305 : i32
    scf.if %cond3A_306 {
      %get3A_346 = arith.constant 14 : index
      %get3A_347 = arith.constant 0 : index
      %get3A_348 = arith.constant 0 : index
      %get3A_349 = vector.load %arg14[%get3A_346, %get3A_347, %get3A_348] : memref<16x128x512xf32, #tpu.memory_space<vmem>>, vector<1x128x512xf32>
      %get3A_350 = vector.shape_cast %get3A_349 : vector<1x128x512xf32> to vector<128x512xf32>
      %dot_general3A_351 = arith.constant dense<0.000000e+00> : vector<256x512xf32>
      %dot_general3A_352 = tpu.matmul %get3A_3, %get3A_350, %dot_general3A_351 {dimension_numbers = #tpu.dot_dimension_numbers<[1], [0], [0], [1], [0, 0, 1, 1], [], []>, transpose_lhs_hint = false} : vector<256x128xf32>, vector<128x512xf32>, vector<256x512xf32> -> vector<256x512xf32>
      %get3A_353 = arith.constant 14 : index
      %get3A_354 = arith.constant 0 : index
      %get3A_355 = vector.load %arg15[%get3A_353, %get3A_354] : memref<16x512xf32, #tpu.memory_space<vmem>>, vector<1x512xf32>
      %add3A_356 = vector.broadcast %get3A_355 : vector<1x512xf32> to vector<256x512xf32>
      %add3A_357 = arith.addf %dot_general3A_352, %add3A_356 : vector<256x512xf32>
      %mul3A_358 = arith.constant 0.707106769 : f32
      %mul3A_359 = vector.broadcast %mul3A_358 : f32 to vector<256x512xf32>
      %mul3A_360 = arith.mulf %add3A_357, %mul3A_359 : vector<256x512xf32>
      %erf3A_361 = math.erf %mul3A_360 : vector<256x512xf32>
      %add3A_362 = arith.constant 1.000000e+00 : f32
      %add3A_363 = vector.broadcast %add3A_362 : f32 to vector<256x512xf32>
      %add3A_364 = arith.addf %add3A_363, %erf3A_361 : vector<256x512xf32>
      %mul3A_365 = arith.mulf %add3A_357, %add3A_364 : vector<256x512xf32>
      %get3A_366 = arith.constant 14 : index
      %get3A_367 = arith.constant 0 : index
      %get3A_368 = arith.constant 0 : index
      %get3A_369 = vector.load %arg16[%get3A_366, %get3A_367, %get3A_368] : memref<16x512x128xf32, #tpu.memory_space<vmem>>, vector<1x512x128xf32>
      %get3A_370 = vector.shape_cast %get3A_369 : vector<1x512x128xf32> to vector<512x128xf32>
      %dot_general3A_371 = arith.constant dense<0.000000e+00> : vector<256x128xf32>
      %dot_general3A_372 = tpu.matmul %mul3A_365, %get3A_370, %dot_general3A_371 {dimension_numbers = #tpu.dot_dimension_numbers<[1], [0], [0], [1], [0, 0, 1, 1], [], []>, transpose_lhs_hint = false} : vector<256x512xf32>, vector<512x128xf32>, vector<256x128xf32> -> vector<256x128xf32>
      %get3A_373 = arith.constant 14 : index
      %get3A_374 = arith.constant 0 : index
      %get3A_375 = vector.load %arg17[%get3A_373, %get3A_374] : memref<16x128xf32, #tpu.memory_space<vmem>>, vector<1x128xf32>
      %add3A_376 = vector.broadcast %get3A_375 : vector<1x128xf32> to vector<256x128xf32>
      %add3A_377 = arith.addf %dot_general3A_372, %add3A_376 : vector<256x128xf32>
      %get3A_378 = arith.constant 0 : index
      %get3A_379 = arith.constant 0 : index
      %get3A_380 = vector.load %arg26[%get3A_378, %get3A_379] : memref<256x128xf32, #tpu.memory_space<vmem>>, vector<256x128xf32>
      %get3A_381 = arith.constant 14 : index
      %get3A_382 = arith.constant 0 : index
      %get3A_383 = vector.load %arg18[%get3A_381, %get3A_382] : memref<16x128xf32, #tpu.memory_space<vmem>>, vector<1x128xf32>
      %get3A_384 = arith.constant 14 : index
      %get3A_385 = arith.constant 0 : index
      %get3A_386 = vector.load %arg19[%get3A_384, %get3A_385] : memref<16x128xf32, #tpu.memory_space<vmem>>, vector<1x128xf32>
      %reduce_sum3A_387 = arith.constant dense<0.000000e+00> : vector<256xf32>
      %reduce_sum3A_388 = vector.multi_reduction <add>, %add3A_377, %reduce_sum3A_387 [1] : vector<256x128xf32> to vector<256xf32>
      %broadcast_in_dim3A_389 = vector.shape_cast %reduce_sum3A_388 : vector<256xf32> to vector<256x1xf32>
      %div3A_390 = arith.constant 1.280000e+02 : f32
      %div3A_391 = vector.broadcast %div3A_390 : f32 to vector<256x1xf32>
      %div3A_392 = arith.divf %broadcast_in_dim3A_389, %div3A_391 : vector<256x1xf32>
      %sub3A_393 = vector.broadcast %div3A_392 : vector<256x1xf32> to vector<256x128xf32>
      %sub3A_394 = arith.subf %add3A_377, %sub3A_393 : vector<256x128xf32>
      %integer_pow3A_395 = arith.mulf %sub3A_394, %sub3A_394 : vector<256x128xf32>
      %reduce_sum3A_396 = arith.constant dense<0.000000e+00> : vector<256xf32>
      %reduce_sum3A_397 = vector.multi_reduction <add>, %integer_pow3A_395, %reduce_sum3A_396 [1] : vector<256x128xf32> to vector<256xf32>
      %broadcast_in_dim3A_398 = vector.shape_cast %reduce_sum3A_397 : vector<256xf32> to vector<256x1xf32>
      %div3A_399 = arith.constant 1.280000e+02 : f32
      %div3A_400 = vector.broadcast %div3A_399 : f32 to vector<256x1xf32>
      %div3A_401 = arith.divf %broadcast_in_dim3A_398, %div3A_400 : vector<256x1xf32>
      %sub3A_402 = vector.broadcast %div3A_392 : vector<256x1xf32> to vector<256x128xf32>
      %sub3A_403 = arith.subf %add3A_377, %sub3A_402 : vector<256x128xf32>
      %add3A_404 = arith.constant 9.99999974E-6 : f32
      %add3A_405 = vector.broadcast %add3A_404 : f32 to vector<256x1xf32>
      %add3A_406 = arith.addf %div3A_401, %add3A_405 : vector<256x1xf32>
      %rsqrt3A_407 = math.rsqrt %add3A_406 : vector<256x1xf32>
      %mul3A_408 = vector.broadcast %rsqrt3A_407 : vector<256x1xf32> to vector<256x128xf32>
      %mul3A_409 = arith.mulf %sub3A_403, %mul3A_408 : vector<256x128xf32>
      %mul3A_410 = vector.broadcast %get3A_383 : vector<1x128xf32> to vector<256x128xf32>
      %mul3A_411 = arith.mulf %mul3A_409, %mul3A_410 : vector<256x128xf32>
      %add3A_412 = vector.broadcast %get3A_386 : vector<1x128xf32> to vector<256x128xf32>
      %add3A_413 = arith.addf %mul3A_411, %add3A_412 : vector<256x128xf32>
      %mul3A_414 = vector.broadcast %slice3A_296 : vector<256x1xf32> to vector<256x128xf32>
      %mul3A_415 = arith.mulf %mul3A_414, %add3A_413 : vector<256x128xf32>
      %add3A_416 = arith.addf %get3A_380, %mul3A_415 : vector<256x128xf32>
      %swap3A_417 = arith.constant 0 : index
      %swap3A_418 = arith.constant 0 : index
      %swap3A_419 = vector.load %arg26[%swap3A_417, %swap3A_418] : memref<256x128xf32, #tpu.memory_space<vmem>>, vector<256x128xf32>
      tpu.vector_store %arg26[%swap3A_417, %swap3A_418], %add3A_416 {strides = array<i32>} : memref<256x128xf32, #tpu.memory_space<vmem>>, vector<256x128xf32>,
    } else {
    }
    %slice3A_307 = vector.extract_strided_slice %dot_general3A_13 {offsets = [0, 15], sizes = [256, 1], strides = [1, 1]} : vector<256x16xf32> to vector<256x1xf32>
    %reduce_max3A_308 = vector.shape_cast %slice3A_307 : vector<256x1xf32> to vector<1x256x1xf32>
    %reduce_max3A_309 = arith.constant dense<0xFF800000> : vector<1xf32>
    %reduce_max3A_310 = vector.multi_reduction <maximumf>, %reduce_max3A_308, %reduce_max3A_309 [1, 2] : vector<1x256x1xf32> to vector<1xf32>
    %reduce_max3A_311 = vector.shape_cast %reduce_max3A_310 : vector<1xf32> to vector<1x1x1xf32>
    %reduce_max3A_312 = vector.extract %reduce_max3A_311[0, 0, 0] : f32 from vector<1x1x1xf32>
    %gt3A_313 = arith.constant 0.000000e+00 : f32
    %gt3A_314 = arith.cmpf ogt, %reduce_max3A_312, %gt3A_313 : f32
    %convert_element_type3A_315 = arith.extui %gt3A_314 : i1 to i32
    %cond3A_316 = arith.constant 0 : i32
    %cond3A_317 = arith.cmpi ne, %convert_element_type3A_315, %cond3A_316 : i32
    scf.if %cond3A_317 {
      %get3A_346 = arith.constant 15 : index
      %get3A_347 = arith.constant 0 : index
      %get3A_348 = arith.constant 0 : index
      %get3A_349 = vector.load %arg14[%get3A_346, %get3A_347, %get3A_348] : memref<16x128x512xf32, #tpu.memory_space<vmem>>, vector<1x128x512xf32>
      %get3A_350 = vector.shape_cast %get3A_349 : vector<1x128x512xf32> to vector<128x512xf32>
      %dot_general3A_351 = arith.constant dense<0.000000e+00> : vector<256x512xf32>
      %dot_general3A_352 = tpu.matmul %get3A_3, %get3A_350, %dot_general3A_351 {dimension_numbers = #tpu.dot_dimension_numbers<[1], [0], [0], [1], [0, 0, 1, 1], [], []>, transpose_lhs_hint = false} : vector<256x128xf32>, vector<128x512xf32>, vector<256x512xf32> -> vector<256x512xf32>
      %get3A_353 = arith.constant 15 : index
      %get3A_354 = arith.constant 0 : index
      %get3A_355 = vector.load %arg15[%get3A_353, %get3A_354] : memref<16x512xf32, #tpu.memory_space<vmem>>, vector<1x512xf32>
      %add3A_356 = vector.broadcast %get3A_355 : vector<1x512xf32> to vector<256x512xf32>
      %add3A_357 = arith.addf %dot_general3A_352, %add3A_356 : vector<256x512xf32>
      %mul3A_358 = arith.constant 0.707106769 : f32
      %mul3A_359 = vector.broadcast %mul3A_358 : f32 to vector<256x512xf32>
      %mul3A_360 = arith.mulf %add3A_357, %mul3A_359 : vector<256x512xf32>
      %erf3A_361 = math.erf %mul3A_360 : vector<256x512xf32>
      %add3A_362 = arith.constant 1.000000e+00 : f32
      %add3A_363 = vector.broadcast %add3A_362 : f32 to vector<256x512xf32>
      %add3A_364 = arith.addf %add3A_363, %erf3A_361 : vector<256x512xf32>
      %mul3A_365 = arith.mulf %add3A_357, %add3A_364 : vector<256x512xf32>
      %get3A_366 = arith.constant 15 : index
      %get3A_367 = arith.constant 0 : index
      %get3A_368 = arith.constant 0 : index
      %get3A_369 = vector.load %arg16[%get3A_366, %get3A_367, %get3A_368] : memref<16x512x128xf32, #tpu.memory_space<vmem>>, vector<1x512x128xf32>
      %get3A_370 = vector.shape_cast %get3A_369 : vector<1x512x128xf32> to vector<512x128xf32>
      %dot_general3A_371 = arith.constant dense<0.000000e+00> : vector<256x128xf32>
      %dot_general3A_372 = tpu.matmul %mul3A_365, %get3A_370, %dot_general3A_371 {dimension_numbers = #tpu.dot_dimension_numbers<[1], [0], [0], [1], [0, 0, 1, 1], [], []>, transpose_lhs_hint = false} : vector<256x512xf32>, vector<512x128xf32>, vector<256x128xf32> -> vector<256x128xf32>
      %get3A_373 = arith.constant 15 : index
      %get3A_374 = arith.constant 0 : index
      %get3A_375 = vector.load %arg17[%get3A_373, %get3A_374] : memref<16x128xf32, #tpu.memory_space<vmem>>, vector<1x128xf32>
      %add3A_376 = vector.broadcast %get3A_375 : vector<1x128xf32> to vector<256x128xf32>
      %add3A_377 = arith.addf %dot_general3A_372, %add3A_376 : vector<256x128xf32>
      %get3A_378 = arith.constant 0 : index
      %get3A_379 = arith.constant 0 : index
      %get3A_380 = vector.load %arg26[%get3A_378, %get3A_379] : memref<256x128xf32, #tpu.memory_space<vmem>>, vector<256x128xf32>
      %get3A_381 = arith.constant 15 : index
      %get3A_382 = arith.constant 0 : index
      %get3A_383 = vector.load %arg18[%get3A_381, %get3A_382] : memref<16x128xf32, #tpu.memory_space<vmem>>, vector<1x128xf32>
      %get3A_384 = arith.constant 15 : index
      %get3A_385 = arith.constant 0 : index
      %get3A_386 = vector.load %arg19[%get3A_384, %get3A_385] : memref<16x128xf32, #tpu.memory_space<vmem>>, vector<1x128xf32>
      %reduce_sum3A_387 = arith.constant dense<0.000000e+00> : vector<256xf32>
      %reduce_sum3A_388 = vector.multi_reduction <add>, %add3A_377, %reduce_sum3A_387 [1] : vector<256x128xf32> to vector<256xf32>
      %broadcast_in_dim3A_389 = vector.shape_cast %reduce_sum3A_388 : vector<256xf32> to vector<256x1xf32>
      %div3A_390 = arith.constant 1.280000e+02 : f32
      %div3A_391 = vector.broadcast %div3A_390 : f32 to vector<256x1xf32>
      %div3A_392 = arith.divf %broadcast_in_dim3A_389, %div3A_391 : vector<256x1xf32>
      %sub3A_393 = vector.broadcast %div3A_392 : vector<256x1xf32> to vector<256x128xf32>
      %sub3A_394 = arith.subf %add3A_377, %sub3A_393 : vector<256x128xf32>
      %integer_pow3A_395 = arith.mulf %sub3A_394, %sub3A_394 : vector<256x128xf32>
      %reduce_sum3A_396 = arith.constant dense<0.000000e+00> : vector<256xf32>
      %reduce_sum3A_397 = vector.multi_reduction <add>, %integer_pow3A_395, %reduce_sum3A_396 [1] : vector<256x128xf32> to vector<256xf32>
      %broadcast_in_dim3A_398 = vector.shape_cast %reduce_sum3A_397 : vector<256xf32> to vector<256x1xf32>
      %div3A_399 = arith.constant 1.280000e+02 : f32
      %div3A_400 = vector.broadcast %div3A_399 : f32 to vector<256x1xf32>
      %div3A_401 = arith.divf %broadcast_in_dim3A_398, %div3A_400 : vector<256x1xf32>
      %sub3A_402 = vector.broadcast %div3A_392 : vector<256x1xf32> to vector<256x128xf32>
      %sub3A_403 = arith.subf %add3A_377, %sub3A_402 : vector<256x128xf32>
      %add3A_404 = arith.constant 9.99999974E-6 : f32
      %add3A_405 = vector.broadcast %add3A_404 : f32 to vector<256x1xf32>
      %add3A_406 = arith.addf %div3A_401, %add3A_405 : vector<256x1xf32>
      %rsqrt3A_407 = math.rsqrt %add3A_406 : vector<256x1xf32>
      %mul3A_408 = vector.broadcast %rsqrt3A_407 : vector<256x1xf32> to vector<256x128xf32>
      %mul3A_409 = arith.mulf %sub3A_403, %mul3A_408 : vector<256x128xf32>
      %mul3A_410 = vector.broadcast %get3A_383 : vector<1x128xf32> to vector<256x128xf32>
      %mul3A_411 = arith.mulf %mul3A_409, %mul3A_410 : vector<256x128xf32>
      %add3A_412 = vector.broadcast %get3A_386 : vector<1x128xf32> to vector<256x128xf32>
      %add3A_413 = arith.addf %mul3A_411, %add3A_412 : vector<256x128xf32>
      %mul3A_414 = vector.broadcast %slice3A_307 : vector<256x1xf32> to vector<256x128xf32>
      %mul3A_415 = arith.mulf %mul3A_414, %add3A_413 : vector<256x128xf32>
      %add3A_416 = arith.addf %get3A_380, %mul3A_415 : vector<256x128xf32>
      %swap3A_417 = arith.constant 0 : index
      %swap3A_418 = arith.constant 0 : index
      %swap3A_419 = vector.load %arg26[%swap3A_417, %swap3A_418] : memref<256x128xf32, #tpu.memory_space<vmem>>, vector<256x128xf32>
      tpu.vector_store %arg26[%swap3A_417, %swap3A_418], %add3A_416 {strides = array<i32>} : memref<256x128xf32, #tpu.memory_space<vmem>>, vector<256x128xf32>,
    } else {
    }
    %get3A_318 = arith.constant 0 : index
    %get3A_319 = arith.constant 0 : index
    %get3A_320 = vector.load %arg26[%get3A_318, %get3A_319] : memref<256x128xf32, #tpu.memory_space<vmem>>, vector<256x128xf32>
    %get3A_321 = arith.constant 0 : index
    %get3A_322 = arith.constant 0 : index
    %get3A_323 = vector.load %arg20[%get3A_321, %get3A_322] : memref<128x128xf32, #tpu.memory_space<vmem>>, vector<128x128xf32>
    %dot_general3A_324 = arith.constant dense<0.000000e+00> : vector<256x128xf32>
    %dot_general3A_325 = tpu.matmul %get3A_320, %get3A_323, %dot_general3A_324 {dimension_numbers = #tpu.dot_dimension_numbers<[1], [0], [0], [1], [0, 0, 1, 1], [], []>, transpose_lhs_hint = false} : vector<256x128xf32>, vector<128x128xf32>, vector<256x128xf32> -> vector<256x128xf32>
    %get3A_326 = arith.constant 0 : index
    %get3A_327 = arith.constant 0 : index
    %get3A_328 = vector.load %arg21[%get3A_326, %get3A_327] : memref<1x128xf32, #tpu.memory_space<vmem>>, vector<1x128xf32>
    %add3A_329 = vector.broadcast %get3A_328 : vector<1x128xf32> to vector<256x128xf32>
    %add3A_330 = arith.addf %dot_general3A_325, %add3A_329 : vector<256x128xf32>
    %max3A = arith.constant 0.000000e+00 : f32
    %max3A_331 = vector.broadcast %max3A : f32 to vector<256x128xf32>
    %max3A_332 = arith.maximumf %add3A_330, %max3A_331 : vector<256x128xf32>
    %get3A_333 = arith.constant 0 : index
    %get3A_334 = arith.constant 0 : index
    %get3A_335 = vector.load %arg22[%get3A_333, %get3A_334] : memref<1x128xf32, #tpu.memory_space<vmem>>, vector<1x128xf32>
    %dot_general3A_336 = arith.constant dense<0.000000e+00> : vector<1x256xf32>
    %dot_general3A_337 = tpu.matmul %get3A_335, %max3A_332, %dot_general3A_336 {dimension_numbers = #tpu.dot_dimension_numbers<[1], [1], [0], [0], [0, 0, 1, 0], [], []>, transpose_lhs_hint = false} : vector<1x128xf32>, vector<256x128xf32>, vector<1x256xf32> -> vector<1x256xf32>
    %get3A_338 = arith.constant 0 : index
    %get3A_339 = arith.constant 0 : index
    %get3A_340 = vector.load %arg23[%get3A_338, %get3A_339] : memref<1x256xf32, #tpu.memory_space<vmem>>, vector<1x256xf32>
    %add3A_341 = arith.addf %dot_general3A_337, %get3A_340 : vector<1x256xf32>
    %reshape3A = vector.shape_cast %add3A_341 : vector<1x256xf32> to vector<1x1x256xf32>
    %swap3A_342 = arith.constant 0 : index
    %swap3A_343 = arith.constant 0 : index
    %swap3A_344 = arith.constant 0 : index
    %swap3A_345 = vector.load %arg24[%swap3A_342, %swap3A_343, %swap3A_344] : memref<1x1x256xf32, #tpu.memory_space<vmem>>, vector<1x1x256xf32>
    tpu.vector_store %arg24[%swap3A_342, %swap3A_343, %swap3A_344], %reshape3A {strides = array<i32>} : memref<1x1x256xf32, #tpu.memory_space<vmem>>, vector<1x1x256xf32>,
    return
  }
  func.func @transform_0(%arg0: i32) -> (i32, i32) {
    %c0_i32 = arith.constant 0 : i32
    %c0_i32_0 = arith.constant 0 : i32
    return %arg0, %c0_i32 : i32, i32
  }
  func.func @transform_1(%arg0: i32) -> (i32, i32, i32) {
    %c0_i32 = arith.constant 0 : i32
    %c0_i32_0 = arith.constant 0 : i32
    %c0_i32_1 = arith.constant 0 : i32
    %c0_i32_2 = arith.constant 0 : i32
    return %c0_i32, %c0_i32_0, %c0_i32_1 : i32, i32, i32
  }
  func.func @transform_2(%arg0: i32) -> (i32, i32) {
    %c0_i32 = arith.constant 0 : i32
    %c0_i32_0 = arith.constant 0 : i32
    return %arg0, %c0_i32 : i32, i32
  }
  func.func @transform_3(%arg0: i32) -> (i32, i32) {
    %c0_i32 = arith.constant 0 : i32
    %c0_i32_0 = arith.constant 0 : i32
    %c0_i32_1 = arith.constant 0 : i32
    return %c0_i32, %c0_i32_0 : i32, i32
  }
  func.func @transform_4(%arg0: i32) -> (i32, i32) {
    %c0_i32 = arith.constant 0 : i32
    %c0_i32_0 = arith.constant 0 : i32
    %c0_i32_1 = arith.constant 0 : i32
    return %c0_i32, %c0_i32_0 : i32, i32
  }
  func.func @transform_5(%arg0: i32) -> (i32, i32) {
    %c0_i32 = arith.constant 0 : i32
    %c0_i32_0 = arith.constant 0 : i32
    %c0_i32_1 = arith.constant 0 : i32
    return %c0_i32, %c0_i32_0 : i32, i32
  }
  func.func @transform_6(%arg0: i32) -> (i32, i32) {
    %c0_i32 = arith.constant 0 : i32
    %c0_i32_0 = arith.constant 0 : i32
    %c0_i32_1 = arith.constant 0 : i32
    return %c0_i32, %c0_i32_0 : i32, i32
  }
  func.func @transform_7(%arg0: i32) -> (i32, i32, i32) {
    %c0_i32 = arith.constant 0 : i32
    %c0_i32_0 = arith.constant 0 : i32
    %c0_i32_1 = arith.constant 0 : i32
    %c0_i32_2 = arith.constant 0 : i32
    return %c0_i32, %c0_i32_0, %c0_i32_1 : i32, i32, i32
  }
  func.func @transform_8(%arg0: i32) -> (i32, i32) {
    %c0_i32 = arith.constant 0 : i32
    %c0_i32_0 = arith.constant 0 : i32
    %c0_i32_1 = arith.constant 0 : i32
    return %c0_i32, %c0_i32_0 : i32, i32
  }
  func.func @transform_9(%arg0: i32) -> (i32, i32, i32) {
    %c0_i32 = arith.constant 0 : i32
    %c0_i32_0 = arith.constant 0 : i32
    %c0_i32_1 = arith.constant 0 : i32
    %c0_i32_2 = arith.constant 0 : i32
    return %c0_i32, %c0_i32_0, %c0_i32_1 : i32, i32, i32
  }
  func.func @transform_10(%arg0: i32) -> (i32, i32) {
    %c0_i32 = arith.constant 0 : i32
    %c0_i32_0 = arith.constant 0 : i32
    %c0_i32_1 = arith.constant 0 : i32
    return %c0_i32, %c0_i32_0 : i32, i32
  }
  func.func @transform_11(%arg0: i32) -> (i32, i32) {
    %c0_i32 = arith.constant 0 : i32
    %c0_i32_0 = arith.constant 0 : i32
    %c0_i32_1 = arith.constant 0 : i32
    return %c0_i32, %c0_i32_0 : i32, i32
  }
  func.func @transform_12(%arg0: i32) -> (i32, i32) {
    %c0_i32 = arith.constant 0 : i32
    %c0_i32_0 = arith.constant 0 : i32
    %c0_i32_1 = arith.constant 0 : i32
    return %c0_i32, %c0_i32_0 : i32, i32
  }
  func.func @transform_13(%arg0: i32) -> (i32, i32, i32) {
    %c0_i32 = arith.constant 0 : i32
    %c0_i32_0 = arith.constant 0 : i32
    %c0_i32_1 = arith.constant 0 : i32
    %c0_i32_2 = arith.constant 0 : i32
    return %c0_i32, %c0_i32_0, %c0_i32_1 : i32, i32, i32
  }
  func.func @transform_14(%arg0: i32) -> (i32, i32) {
    %c0_i32 = arith.constant 0 : i32
    %c0_i32_0 = arith.constant 0 : i32
    %c0_i32_1 = arith.constant 0 : i32
    return %c0_i32, %c0_i32_0 : i32, i32
  }
  func.func @transform_15(%arg0: i32) -> (i32, i32, i32) {
    %c0_i32 = arith.constant 0 : i32
    %c0_i32_0 = arith.constant 0 : i32
    %c0_i32_1 = arith.constant 0 : i32
    %c0_i32_2 = arith.constant 0 : i32
    return %c0_i32, %c0_i32_0, %c0_i32_1 : i32, i32, i32
  }
  func.func @transform_16(%arg0: i32) -> (i32, i32) {
    %c0_i32 = arith.constant 0 : i32
    %c0_i32_0 = arith.constant 0 : i32
    %c0_i32_1 = arith.constant 0 : i32
    return %c0_i32, %c0_i32_0 : i32, i32
  }
  func.func @transform_17(%arg0: i32) -> (i32, i32) {
    %c0_i32 = arith.constant 0 : i32
    %c0_i32_0 = arith.constant 0 : i32
    %c0_i32_1 = arith.constant 0 : i32
    return %c0_i32, %c0_i32_0 : i32, i32
  }
  func.func @transform_18(%arg0: i32) -> (i32, i32) {
    %c0_i32 = arith.constant 0 : i32
    %c0_i32_0 = arith.constant 0 : i32
    %c0_i32_1 = arith.constant 0 : i32
    return %c0_i32, %c0_i32_0 : i32, i32
  }
  func.func @transform_19(%arg0: i32) -> (i32, i32) {
    %c0_i32 = arith.constant 0 : i32
    %c0_i32_0 = arith.constant 0 : i32
    %c0_i32_1 = arith.constant 0 : i32
    return %c0_i32, %c0_i32_0 : i32, i32
  }
  func.func @transform_20(%arg0: i32) -> (i32, i32) {
    %c0_i32 = arith.constant 0 : i32
    %c0_i32_0 = arith.constant 0 : i32
    %c0_i32_1 = arith.constant 0 : i32
    return %c0_i32, %c0_i32_0 : i32, i32
  }
  func.func @transform_21(%arg0: i32) -> (i32, i32) {
    %c0_i32 = arith.constant 0 : i32
    %c0_i32_0 = arith.constant 0 : i32
    %c0_i32_1 = arith.constant 0 : i32
    return %c0_i32, %c0_i32_0 : i32, i32
  }
  func.func @transform_22(%arg0: i32) -> (i32, i32) {
    %c0_i32 = arith.constant 0 : i32
    %c0_i32_0 = arith.constant 0 : i32
    %c0_i32_1 = arith.constant 0 : i32
    return %c0_i32, %c0_i32_0 : i32, i32
  }
  func.func @transform_23(%arg0: i32) -> (i32, i32, i32) {
    %c0_i32 = arith.constant 0 : i32
    %c0_i32_0 = arith.constant 0 : i32
    %c0_i32_1 = arith.constant 0 : i32
    return %arg0, %c0_i32, %c0_i32_0 : i32, i32, i32
  }
}

</mosaic_0001>

<sc_bundles>
// kernel: kernel.6.cloned.1.call-start
scs
__scs_entry_jumppad:
0x0: {  	(pc) =	sbr.rel $0x88, $3  }
0x1: {  	(tag) =	ssettag $0x0;
	lr =	simm.s32 $0x1  }
0x2: {  	[smem:$0x3F7E] =	sst lr;
	_ =	strace $0xD0000000  }
0x3: {  	_ = 	snop  }
0x4: {  	_ = 	snop  }
0x5: {  	_ = 	snop  }
0x6: {  	_ = 	snop  }
0x7: {  	_ = 	snop  }
__scs_overlays_trampoline_lowered:
0x8: {  	[smem:$0x3F8D] =	sst s0  }
0x9: {  	[smem:$0x3F8E] =	sst s1  }
0xa: {  	[smem:$0x3F8F] =	sst s2  }
0xb: {  	[smem:$0x3F90] =	sst s3  }
0xc: {  	[smem:$0x3F91] =	sst s4  }
0xd: {  	[smem:$0x3F92] =	sst s5  }
0xe: {  	[smem:$0x3F93] =	sst s6  }
0xf: {  	[smem:$0x3F94] =	sst s7  }
0x10: {  	[smem:$0x3F95] =	sst s8  }
0x11: {  	[smem:$0x3F96] =	sst s9;
	s0 =	simm.s32 @!p0 $0x0  }
0x12: {  	s1 =	sld [smem:$0x3F7C];
	s0 =	simm.s32 @p0 $0x1  }
0x13: {  	[smem:$0x3F97] =	sst s0;
	s0 =	simm.s32 @!p1 $0x0  }
0x14: {  	s2 =	sld [smem:$0x3F7B];
	s0 =	simm.s32 @p1 $0x1  }
0x15: {  	[smem:$0x3F98] =	sst s0;
	s0 =	simm.s32 @!p2 $0x0  }
0x16: {  	s3 =	sld [smem:$0x3FDB];
	s0 =	simm.s32 @p2 $0x1  }
0x17: {  	s4 =	simm.s32 $0x1BF5;
	[smem:$0x3F9A] =	sst s0  }
0x18: {  	s0 =	sld [smem:$0x3F7D];
	_ =	swait.ge [sflag:s4], $0x0  }
0x19: {  	s7 =	sld [smem:$0x3F7E]  }
0x1a: {  	s8 =	sadd.s32 $0xFFFFE003, lr  }
0x1b: {  	s9 =	sadd.s32 $0xFFFFFEF7, lr;
	s5 =	simm.s32 $0xFFFFFFFF;
	p2 =	slt.u32 s8, $0xFFFFF086  }
0x1c: {  	p1 =	slt.u32 s9, $0xF7A;
	s5 =	simm.s32 @!p2 $0x0  }
0x1d: {  	s5 =	simm.s32 @p1 $0x1;
	p0 =	seq.s32 s7, s2  }
0x1e: {  	s7 =	smul.u32 @!p0 $0xF7A, s2;
	p2 =	seq.s32 @!p0 s5, $0x0  }
0x1f: {  	s9 =	smul.u32 $0xF7A, s1;
	s8 =	simm.s32 @!p0 $0x1BF5;
	p2 =	por !p2, p0  }
0x20: {  	[sflag:s8] =	ssyncset.s32 @!p0 $0xFFFFF086;
	s6 =	sadd.s32 @!p0 s3, s7;
	s7 =	simm.s32 @!p0 $0x108  }
0x21: {  	s3 =	sadd.s32 s3, s9;
	s6 =	sadd.s32 @!p0 $0x88, s6;
	s7 =	simm.s32 @p2 $0x1082  }
0x22: {  	[simem:s7], [sflag:s8] =	dma.local @!p0 [hbm:s6], $0xF7A  }
0x23: {  	s9 =	sor.u32 $0xD0000000, s2;
	s6 =	simm.s32 $0x108;
	_ =	swait.ge @!p0 [sflag:s8], $0x0  }
0x24: {  	s3 =	sadd.s32 $0x88, s3;
	s6 =	simm.s32 @!p1 $0x1082;
	[sflag:s4] =	ssyncset.s32 $0xFFFFF086  }
0x25: {  	[simem:s6], [sflag:s4] =	dma.local [hbm:s3], $0xF7A  }
0x26: {  	[smem:$0x3F7E] =	sst s1;
	(tag) =	ssettag s2;
	_ =	strace s9  }
0x27: {  	s1 =	sld [smem:$0x3F8E]  }
0x28: {  	s2 =	sld [smem:$0x3F8F]  }
0x29: {  	s4 =	sld [smem:$0x3F91]  }
0x2a: {  	p0 =	seq.s32 s5, $0x0;
	s5 =	sld [smem:$0x3F92]  }
0x2b: {  	s6 =	sld [smem:$0x3F93]  }
0x2c: {  	s7 =	sld [smem:$0x3F94]  }
0x2d: {  	s3 =	simm.s32 $0x108;
	s8 =	sld [smem:$0x3F95]  }
0x2e: {  	s3 =	simm.s32 @!p0 $0x1082;
	s9 =	sld [smem:$0x3F96]  }
0x2f: {  	lr =	sadd.s32 s0, s3;
	s0 =	sld [smem:$0x3F8D]  }
0x30: {  	s3 =	sld [smem:$0x3F90]  }
0x31: {  	[smem:$0x3F99] =	sst s10  }
0x32: {  	s10 =	sld [smem:$0x3F97];
	_ =	sdelay $0x3  }
0x33: {  	p0 =	seq.s32 s10, $0x1;
	s10 =	sld [smem:$0x3F99];
	_ =	sdelay $0x3  }
0x34: {  	[smem:$0x3F99] =	sst s10  }
0x35: {  	s10 =	sld [smem:$0x3F98];
	_ =	sdelay $0x3  }
0x36: {  	p1 =	seq.s32 s10, $0x1;
	s10 =	sld [smem:$0x3F99];
	_ =	sdelay $0x3  }
0x37: {  	[smem:$0x3F99] =	sst s10  }
0x38: {  	s10 =	sld [smem:$0x3F9A]  }
0x39: {  	_ = 	snop;
	(pc) =	sbr.ind lr, $3  }
0x3a: {  	_ = 	snop  }
0x3b: {  	_ = 	snop  }
0x3c: {  	p2 =	seq.s32 s10, $0x1;
	s10 =	sld [smem:$0x3F99]  }
0x3d: {  	_ =	shalt  }
0x3e: {  	_ =	shalt  }
0x3f: {  	_ =	shalt  }
0x40: {  	_ =	shalt  }
0x41: {  	_ =	shalt  }
0x42: {  	_ =	shalt  }
0x43: {  	_ =	shalt  }
0x44: {  	_ =	shalt  }
0x45: {  	_ =	shalt  }
0x46: {  	_ =	shalt  }
0x47: {  	_ =	shalt  }
0x48: {  	_ =	shalt  }
0x49: {  	_ =	shalt  }
0x4a: {  	_ =	shalt  }
0x4b: {  	_ =	shalt  }
0x4c: {  	_ =	shalt  }
0x4d: {  	_ =	shalt  }
0x4e: {  	_ =	shalt  }
0x4f: {  	_ =	shalt  }
0x50: {  	_ =	shalt  }
0x51: {  	_ =	shalt  }
0x52: {  	_ =	shalt  }
0x53: {  	_ =	shalt  }
0x54: {  	_ =	shalt  }
0x55: {  	_ =	shalt  }
0x56: {  	_ =	shalt  }
0x57: {  	_ =	shalt  }
0x58: {  	_ =	shalt  }
0x59: {  	_ =	shalt  }
0x5a: {  	_ =	shalt  }
0x5b: {  	_ =	shalt  }
0x5c: {  	_ =	shalt  }
0x5d: {  	_ =	shalt  }
0x5e: {  	_ =	shalt  }
0x5f: {  	_ =	shalt  }
0x60: {  	_ =	shalt  }
0x61: {  	_ =	shalt  }
0x62: {  	_ =	shalt  }
0x63: {  	_ =	shalt  }
0x64: {  	_ =	shalt  }
0x65: {  	_ =	shalt  }
0x66: {  	_ =	shalt  }
0x67: {  	_ =	shalt  }
0x68: {  	_ =	shalt  }
0x69: {  	_ =	shalt  }
0x6a: {  	_ =	shalt  }
0x6b: {  	_ =	shalt  }
0x6c: {  	_ =	shalt  }
0x6d: {  	_ =	shalt  }
0x6e: {  	_ =	shalt  }
0x6f: {  	_ =	shalt  }
0x70: {  	_ =	shalt  }
0x71: {  	_ =	shalt  }
0x72: {  	_ =	shalt  }
0x73: {  	_ =	shalt  }
0x74: {  	_ =	shalt  }
0x75: {  	_ =	shalt  }
0x76: {  	_ =	shalt  }
0x77: {  	_ =	shalt  }
0x78: {  	_ =	shalt  }
0x79: {  	_ =	shalt  }
0x7a: {  	_ =	shalt  }
0x7b: {  	_ =	shalt  }
0x7c: {  	_ =	shalt  }
0x7d: {  	_ =	shalt  }
0x7e: {  	_ =	shalt  }
0x7f: {  	_ =	shalt  }
0x80: {  	_ =	shalt  }
0x81: {  	_ =	shalt  }
0x82: {  	_ =	shalt  }
0x83: {  	_ =	shalt  }
0x84: {  	_ =	shalt  }
0x85: {  	_ =	shalt  }
0x86: {  	_ =	shalt  }
0x87: {  	_ =	shalt  }
.Lfunc_end0:
.L_simem_size_0:
called_computation_lowered:
.L_overlay_start_0:
0x88: {  	s2 =	sld [smem:$0x3FD9]  }
0x89: {  	s3 =	sld [smem:$0x3FFE];
	_ =	sdelay $0x1  }
0x8a: {  	s1 =	srdreg.scid  }
0x8b: {  	s0 =	sand.u32 $0x1, s1  }
0x8c: {  	s17 =	sshll.u32 s0, $0xA;
	s2 =	sadd.s32 s3, s2  }
0x8d: {  	s2 =	sadd.s32 s2, s17  }
0x8e: {  	[smem:$0x3FA5] =	sst s2  }
0x8f: {  	_ = 	snop  }
0x90: {  	s2 =	sld [smem:$0x3FC1];
	(tm) =	ssettm $0x1  }
0x91: {  	s18 =	sld [smem:$0x3FFB];
	_ =	sdelay $0x3  }
0x92: {  	_ =	strace s18  }
0x93: {  	s3 =	sld [smem:$0x3FFC];
	_ =	sdelay $0x3  }
0x94: {  	_ =	strace s3  }
0x95: {  	s3 =	sld [smem:$0x3FFD];
	_ =	sdelay $0x3  }
0x96: {  	_ =	strace s3  }
0x97: {  	_ =	strace $0x8FFFFFFF  }
0x98: {  	s19 =	sld [smem:$0x3FDB];
	_ =	sdelay $0x1  }
0x99: {  	s4 =	simm.s32 $_scs_section_size  }
0x9a: {  	s5 =	simm.s32 $_size__tile_overlayer_lowered;
	s6 =	simm.s32 $_tile_overlayer_lowered  }
0x9b: {  	s22 =	simm.s32 $0x1BFF;
	s21 =	sshll.u32 s6, $0x1;
	s3 =	sadd.s32 s4, s19  }
0x9c: {  	s7 =	simm.s32 $0x0;
	s20 =	sshll.u32 s5, $0x1;
	s5 =	sadd.s32 s21, s3  }
0x9d: {  	[timem:s7], [sflag:s22] =	dma.local [hbm:s5], s20  }
0x9e: {  	_ =	swait.ge [sflag:s22], s20  }
0x9f: {  	s4 =	ssub.s32 $0x0, s20;
	[sflag:s22] =	ssyncset.done $0x0  }
0xa0: {  	[sflag:s22] =	ssyncadd.s32 s4;
	_ =	sdelay $0x1  }
0xa1: {  	s23 =	simm.s32 $0x1B8B  }
0xa2: {  	_ =	swait.ge [sflag:s23], $0x1  }
0xa3: {  	[sflag:s23] =	ssyncset.done $0x0  }
0xa4: {  	s25 =	simm.s32 $0x1B8E;
	s24 =	sld [smem:$0x3FFE];
	[sflag:s23] =	ssyncadd.s32 $0xFFFFFFFF  }
0xa5: {  	s26 =	simm.s32 $execute0_lowered;
	[smem:$0x3FD2] =	sst s25  }
0xa6: {  	s5 =	sshll.u32 s26, $0x1;
	_ =	strace $0x80000046;
	[dreg:$0x1] =	wrdreg $0xFFFFFFFF  }
0xa7: {  	s28 =	simm.s32 $_size_execute0_lowered;
	s3 =	sadd.s32 s3, s5;
	[dreg:$0x0] =	wrdreg $0x0  }
0xa8: {  	s5 =	sshll.u32 s28, $0x1;
	[dreg:$0x2] =	wrdreg s3  }
0xa9: {  	[dreg:$0x3] =	wrdreg s5  }
0xaa: {  	[dreg:$0x4] =	wrdreg $0xC0  }
0xab: {  	_ =	task [dreg:s7], $0x5FFFF  }
0xac: {  	[dreg:$0x1] =	wrdreg $0xFFFFFFFF  }
0xad: {  	[dreg:$0x0] =	wrdreg $0x60  }
0xae: {  	[dreg:$0x2] =	wrdreg s24  }
0xaf: {  	[dreg:$0x3] =	wrdreg s2  }
0xb0: {  	[dreg:$0x4] =	wrdreg $0x83800  }
0xb1: {  	[dreg:$0x5] =	wrdreg $0x9  }
0xb2: {  	_ =	task.clear_ibuf [dreg:s7], $0x6FFFF;
	_ =	strace $0x90000046  }
0xb3: {  	s29 =	simm.s32 $0x9;
	_ =	strace $0x80000048  }
0xb4: {  	_ =	swait.ge [sflag:s29], $0x1  }
0xb5: {  	[sflag:s29] =	ssyncadd.s32 $0xFFFFFFFF  }
0xb6: {  	_ =	strace $0x90000048  }
0xb7: {  	_ =	sfence  }
0xb8: {  	s30 =	sld [smem:$0x0];
	_ =	sdelay $0x2  }
0xb9: {  	s31 =	sshll.u32 s1, $0xD;
	s1 =	sshrl.u32 s1, $0x2  }
0xba: {  	s3 =	sand.u32 $0x4000, s31;
	s1 =	sadd.s32 s1, s30  }
0xbb: {  	s0 =	sor.u32 s3, s0;
	s1 =	sshll.u32 s1, $0x11  }
0xbc: {  	s0 =	sor.u32 s1, s0  }
0xbd: {  	s0 =	sadd.s32 $0x8F2B, s0  }
0xbe: {  	[sflag:s0] =	ssyncadd.remote.s32 $0x1  }
0xbf: {  	_ =	sfence.sel $0xFFFF  }
0xc0: {  	[dreg:$0x0] =	wrdreg $0xFFFFFFFF;
	(pc) =	sbr.abs _section_cstart, $3  }
0xc1: {  	[dreg:$0x1] =	wrdreg $0xFFFFFFFF  }
0xc2: {  	_ =	task.clear_ibuf [dreg:s7], $0x2FFFF;
	_ =	strace $0x9FFFFFFF  }
0xc3: {  	(tm) =	ssettm $0x7FFFFFFF  }
tec
execute0_lowered:
.L_overlay_start_1:
0x0: {  	(tag) =	ssettag $0x1  }
0x1: {  	s0 =	rddreg [dreg:$0x0]  }
0x2: {  	s2 =	rddreg [dreg:$0x2]  }
0x3: {  	s1 =	srdreg.scid;
	s4 =	simm.s32 $0x0;
	s13 =	stileid.u32  }
0x4: {  	s18 =	simm.s32 $0x3;
	s20 =	simm.s32 $0x100;
	s28 =	simm.s32 $0x1  }
0x5: {  	s29 =	simm.s32 $0x2;
	s30 =	simm.s32 $0x0;
	s1 =	sand.u32 $0x1, s1  }
0x6: {  	[smem:$0x7FF] =	sst s4;
	s9 =	smul.u32 $0x14000, s13;
	s5 =	sadd.s32 $0x13000, s0  }
0x7: {  	s6 =	sadd.s32 $0x9000, s0;
	s7 =	sadd.s32 $0xE000, s0;
	s8 =	sadd.s32 $0x4000, s0  }
0x8: {  	s21 =	sadd.s32 $0x3A200, s0;
	s11 =	sshll.u32 s13, $0x1;
	s12 =	smul.u32 $0x50000, s13  }
0x9: {  	s25 =	sshll.u32 s13, $0x6;
	s3 =	smul.u32 $0x140000, s1;
	_ =	strace $0x80000047  }
0xa: {  	[dreg:$0x4] =	wrdreg s21;
	s22 =	ssub.s32 $0x2, s1;
	s1 =	sor.u32 s1, s11  }
0xb: {  	s21 =	simm.s32 $0x200;
	s10 =	sshrl.u32 s22, $0x1;
	s14 =	smul.u32 $0x280, s1  }
0xc: {  	s24 =	sshrl.u32 s12, $0x2;
	s11 =	smul.u32 $0x28, s1;
	s3 =	sadd.s32 s9, s3  }
0xd: {  	s23 =	ssub.s32 s22, s10;
	s9 =	sadd.s32 s24, s2;
	s10 =	sor.u32 $0x1C03, s25  }
0xe: {  	s22 =	simm.s32 $0x80;
	s24 =	simm.s32 $0x180;
	s25 =	simm.s32 $0x280  }
0xf: {  	s3 =	sshrl.u32 s3, $0x3;
	s26 =	sadd.s32 s6, s14;
	s31 =	sadd.s32 s7, s14  }
0x10: {  	s14 =	sadd.s32 s8, s14;
	s16 =	smax.u32 s23, $0x1;
	s17 =	sshrl.u32 s9, $0x3  }
0x11: {  	s23 =	simm.s32 $0x300;
	s0 =	sadd.s32 s3, s0;
	[dreg:$0x5] =	wrdreg s26  }
0x12: {  	[dreg:$0x6] =	wrdreg s31;
	s26 =	simm.s32 $0x4300;
	s15 =	sadd.s32 $0x3CA00, s0  }
.LBB2_1:
0x13: {  	s0 =	rddreg [dreg:$0x4]  }
0x14: {  	[spmem:s17], [sflag:s10] =	dma.local [hbm:s0], $0x2800  }
0x15: {  	_ =	swait.ge [sflag:s18], $0x2800  }
0x16: {  	[sflag:s18] =	ssyncset.done $0x0  }
0x17: {  	[sflag:s18] =	ssyncadd.s32 $0xFFFFD800  }
0x18: {  	s1 =	simm.s32 $0x8300;
	s12 =	rddreg [dreg:$0x1]  }
0x19: {  	[tilespmem:s1], [sflag:$0x3] =	stream.linear.gather [hbm4b:s12+s4], $0x80, $0x38;
	[tilespmem:$0x1C380] =	vst v63  }
0x1a: {  	_ =	swait.ge [sflag:s18], $0x80  }
0x1b: {  	[sflag:s18] =	ssyncset.done $0x0  }
0x1c: {  	[sflag:s18] =	ssyncadd.s32 $0xFFFFFF80  }
0x1d: {  	[bflag:$0x0] =	sbarrier.arrive $0xFFFF  }
0x1e: {  	v0 =	vld [tilespmem:$0x8300]  }
0x1f: {  	v1 =	vld [tilespmem:$0x8310]  }
0x20: {  	v2 =	vld [tilespmem:$0x8320]  }
0x21: {  	v3 =	vld [tilespmem:$0x8330]  }
0x22: {  	v4 =	vld [tilespmem:$0x8340]  }
0x23: {  	v5 =	vld [tilespmem:$0x8350]  }
0x24: {  	v6 =	vld [tilespmem:$0x8360];
	s13 =	rddreg [dreg:$0x5]  }
0x25: {  	v7 =	vld [tilespmem:$0x8370];
	[tilespmem:s4], [sflag:$0x3] =	stream.linear.gather [hbm4b:s13+s4], $0x80, $0x38  }
0x26: {  	_ =	swait.ge [sflag:s18], $0x80  }
0x27: {  	[sflag:s18] =	ssyncset.done $0x0  }
0x28: {  	s19 =	rddreg [dreg:$0x6];
	[sflag:s18] =	ssyncadd.s32 $0xFFFFFF80  }
0x29: {  	[tilespmem:s20], [sflag:$0x3] =	stream.linear.gather [hbm4b:s19+s4], $0x80, $0x38;
	[tilespmem:$0x1C380] =	vst v63  }
0x2a: {  	_ =	swait.ge [sflag:s18], $0x80  }
0x2b: {  	[sflag:s18] =	ssyncset.done $0x0  }
0x2c: {  	[sflag:s18] =	ssyncadd.s32 $0xFFFFFF80  }
0x2d: {  	[tilespmem:s21], [sflag:$0x3] =	stream.linear.gather [hbm4b:s14+s4], $0x80, $0x38;
	[tilespmem:$0x1C380] =	vst v63  }
0x2e: {  	_ =	swait.ge [sflag:s18], $0x80  }
0x2f: {  	[sflag:s18] =	ssyncset.done $0x0  }
0x30: {  	s31 =	simm.s32 $0x0;
	[sflag:s18] =	ssyncadd.s32 $0xFFFFFF80  }
0x31: {  	[tilespmem:s23], [sflag:$0x1] =	stream.indirect.gather [hbm4b:s5+s22], $0x80, s4, s22, $0xb8;
	[tilespmem:$0x1C380] =	vst v63  }
.LBB2_2:
0x32: {  	s0 =	sshll.u32 s31, $0x1  }
0x33: {  	s1 =	sadd.s32 s11, s0  }
0x34: {  	s3 =	sshll.u32 s31, $0x5;
	s1 =	sshll.u32 s1, $0x4  }
0x35: {  	s3 =	sand.u32 $0x60, s3;
	s1 =	sand.u32 $0xFFFFF80, s1  }
0x36: {  	s1 =	sor.u32 s1, s3  }
0x37: {  	s3 =	sor.u32 $0x10, s1  }
0x38: {  	s1 =	simm.s32 $0x0;
	s9 =	sadd.s32 s6, s3  }
0x39: {  	[tilespmem:s22], [sflag:$0x3] =	stream.linear.gather [hbm4b:s9+s1], $0x80, $0x38;
	[tilespmem:$0x1C380] =	vst v63  }
0x3a: {  	_ =	swait.ge [sflag:s18], $0x80  }
0x3b: {  	[sflag:s18] =	ssyncset.done $0x0  }
0x3c: {  	s12 =	sadd.s32 s7, s3;
	[sflag:s18] =	ssyncadd.s32 $0xFFFFFF80  }
0x3d: {  	[tilespmem:s24], [sflag:$0x3] =	stream.linear.gather [hbm4b:s12+s1], $0x80, $0x38;
	[tilespmem:$0x1C380] =	vst v63  }
0x3e: {  	_ =	swait.ge [sflag:s18], $0x80  }
0x3f: {  	[sflag:s18] =	ssyncset.done $0x0  }
0x40: {  	s3 =	sadd.s32 s8, s3;
	[sflag:s18] =	ssyncadd.s32 $0xFFFFFF80  }
0x41: {  	v8 =	vmov s1;
	[tilespmem:s25], [sflag:$0x3] =	stream.linear.gather [hbm4b:s3+s1], $0x80, $0x38;
	[tilespmem:$0x1C380] =	vst v63  }
0x42: {  	v8 =	vand.u32 $0xFFFFFFFC, v8;
	_ =	swait.ge [sflag:s18], $0x80  }
0x43: {  	v8 =	vbroadcast v8, $0x0;
	[sflag:s18] =	ssyncset.done $0x0  }
0x44: {  	[sflag:s18] =	ssyncadd.s32 $0xFFFFFF80  }
0x45: {  	[tilespmem:s26], [sflag:$0x2] =	stream.indirect.gather [hbm4b:s5+s22], $0x80, s22, s22, $0xb8;
	[tilespmem:$0x1C380] =	vst v63  }
0x46: {  	_ =	swait.ge [sflag:s28], $0x4000  }
0x47: {  	[sflag:s28] =	ssyncset.done $0x0  }
0x48: {  	[sflag:s28] =	ssyncadd.s32 $0xFFFFC000  }
0x49: {  	v8 =	vld.idx.msk [tilespmem:v8+s21+$0x0], $0xffff  }
0x4a: {  	s3 =	simm.s32 $0x400  }
0x4b: {  	v9 =	vld [tilespmem:s3+$0xFFFFFF60]  }
0x4c: {  	v10 =	vld [tilespmem:s3+$0xFFFFFF10]  }
0x4d: {  	v12 =	vld [tilespmem:s3+$0xFFFFFF20]  }
0x4e: {  	v21 =	vld [tilespmem:s3+$0xFFFFFF00];
	v13 =	vmul.f32 v8, v6;
	v15 =	vmul.f32 v8, v7  }
0x4f: {  	v11 =	vld [tilespmem:s3+$0xFFFFFF50];
	v16 =	vmul.f32 v8, v1;
	v18 =	vmul.f32 v8, v2  }
0x50: {  	v19 =	vmul.f32 v8, v5;
	v55 =	vmul.f32 v8, v3  }
0x51: {  	v14 =	vld [tilespmem:s3+$0xFFFFFF30];
	v56 =	vmul.f32 v8, v4;
	v8 =	vmul.f32 v8, v0;
	v9 =	vadd.f32 v9, v13  }
0x52: {  	v17 =	vld [tilespmem:s3+$0xFFFFFF40];
	v10 =	vadd.f32 v10, v16  }
0x53: {  	s13 =	simm.s32 $0x1;
	v13 =	vld [tilespmem:s3+$0xFFFFFF70];
	v12 =	vadd.f32 v12, v18;
	v8 =	vadd.f32 v8, v21;
	v9 =	vmax.f32 v9, $0.0e+00  }
0x54: {  	v20 =	vmov s13;
	v11 =	vadd.f32 v11, v19;
	v10 =	vmax.f32 v10, $0.0e+00;
	[tilespmem:s3+$0xFFFFFF60] =	vst v9  }
0x55: {  	v20 =	vand.u32 $0xFFFFFFFD, v20;
	v12 =	vmax.f32 v12, $0.0e+00;
	v8 =	vmax.f32 v8, $0.0e+00;
	[tilespmem:s3+$0xFFFFFF10] =	vst v10  }
0x56: {  	v9 =	vadd.f32 v14, v55;
	v10 =	vmax.f32 v11, $0.0e+00;
	v11 =	vbroadcast v20, $0x0;
	[tilespmem:s3+$0xFFFFFF20] =	vst v12  }
0x57: {  	v14 =	vadd.f32 v17, v56;
	[tilespmem:s3+$0xFFFFFF00] =	vst v8  }
0x58: {  	[tilespmem:s3+$0xFFFFFF50] =	vst v10;
	v10 =	vadd.f32 v13, v15;
	v9 =	vmax.f32 v9, $0.0e+00  }
0x59: {  	[tilespmem:s3+$0xFFFFFF30] =	vst v9;
	v9 =	vmax.f32 v14, $0.0e+00  }
0x5a: {  	v10 =	vmax.f32 v10, $0.0e+00;
	[tilespmem:s3+$0xFFFFFF40] =	vst v9  }
0x5b: {  	[tilespmem:s3+$0xFFFFFF70] =	vst v10  }
0x5c: {  	v8 =	vld.idx.msk [tilespmem:v11+s21+$0x0], $0xffff  }
0x5d: {  	v12 =	vld [tilespmem:s3+$0xFFFFFF80]  }
0x5e: {  	v10 =	vld [tilespmem:s3+$0xFFFFFFC0]  }
0x5f: {  	v9 =	vld [tilespmem:s3+$0xFFFFFF90]  }
0x60: {  	v11 =	vld [tilespmem:s3+$0xFFFFFFF0]  }
0x61: {  	v13 =	vmul.f32 v8, v4;
	v14 =	vmul.f32 v8, v1  }
0x62: {  	v58 =	vld [tilespmem:s3+$0xFFFFFFE0];
	v57 =	vmul.f32 v8, v7;
	v60 =	vmul.f32 v8, v0  }
0x63: {  	v15 =	vld [tilespmem:s3+$0xFFFFFFD0];
	v59 =	vmul.f32 v8, v2;
	v61 =	vmul.f32 v8, v5;
	v10 =	vadd.f32 v10, v13  }
0x64: {  	v62 =	vmul.f32 v8, v3;
	v8 =	vmul.f32 v8, v6;
	v13 =	vld [tilespmem:s3+$0xFFFFFFA0];
	v12 =	vadd.f32 v60, v12  }
0x65: {  	s19 =	simm.s32 $0x2;
	v9 =	vadd.f32 v9, v14;
	v11 =	vadd.f32 v11, v57;
	v14 =	vld [tilespmem:s3+$0xFFFFFFB0];
	v10 =	vmax.f32 v10, $0.0e+00  }
0x66: {  	v63 =	vmov s19;
	v12 =	vmax.f32 v12, $0.0e+00;
	[tilespmem:s3+$0xFFFFFFC0] =	vst v10  }
0x67: {  	v8 =	vadd.f32 v58, v8;
	v10 =	vmax.f32 v11, $0.0e+00;
	v11 =	vand.u32 $0xFFFFFFFE, v63;
	[tilespmem:s3+$0xFFFFFF80] =	vst v12  }
0x68: {  	v15 =	vadd.f32 v15, v61;
	v9 =	vmax.f32 v9, $0.0e+00;
	[tilespmem:s3+$0xFFFFFFF0] =	vst v10;
	v10 =	vbroadcast v11, $0x0  }
0x69: {  	v8 =	vmax.f32 v8, $0.0e+00;
	[tilespmem:s3+$0xFFFFFF90] =	vst v9;
	v11 =	vadd.f32 v13, v59  }
0x6a: {  	v12 =	vmax.f32 v15, $0.0e+00;
	[tilespmem:s3+$0xFFFFFFE0] =	vst v8;
	v9 =	vadd.f32 v14, v62  }
0x6b: {  	v8 =	vld [tilespmem:s3+$0x70];
	[tilespmem:s3+$0xFFFFFFD0] =	vst v12;
	v11 =	vmax.f32 v11, $0.0e+00  }
0x6c: {  	v12 =	vmax.f32 v9, $0.0e+00;
	v9 =	vld [tilespmem:s3+$0x30];
	[tilespmem:s3+$0xFFFFFFA0] =	vst v11  }
0x6d: {  	[tilespmem:s3+$0xFFFFFFB0] =	vst v12;
	v12 =	vld [tilespmem:s3+$0x0]  }
0x6e: {  	v11 =	vld.idx.msk [tilespmem:v10+s21+$0x0], $0xffff  }
0x6f: {  	s19 =	simm.s32 $0x4;
	s9 =	simm.s32 $0x400;
	v10 =	vld [tilespmem:s3+$0x20]  }
.LBB2_3:
0x70: {  	p0 =	slt.u32 s19, $0x7C  }
0x71: {  	v13 =	vld [tilespmem:s3+$0x50];
	s9 =	sadd.s32 $0x200, s9;
	s12 =	smov.u32 s19;
	s19 =	sadd.s32 $0x4, s19  }
0x72: {  	v14 =	vld [tilespmem:s3+$0x10]  }
0x73: {  	v15 =	vmul.f32 v11, v0;
	v16 =	vmul.f32 v11, v3;
	v17 =	vld [tilespmem:s3+$0x60]  }
0x74: {  	v19 =	vmul.f32 v11, v5;
	v20 =	vmul.f32 v11, v7;
	v18 =	vld [tilespmem:s3+$0x40]  }
0x75: {  	v9 =	vadd.f32 v9, v16;
	v12 =	vadd.f32 v15, v12;
	v15 =	vmul.f32 v11, v6  }
0x76: {  	v21 =	vmul.f32 v11, v4;
	v16 =	vmul.f32 v11, v1;
	v8 =	vadd.f32 v8, v20  }
0x77: {  	v11 =	vmul.f32 v11, v2;
	v9 =	vmax.f32 v9, $0.0e+00;
	v12 =	vmax.f32 v12, $0.0e+00  }
0x78: {  	v8 =	vmax.f32 v8, $0.0e+00;
	v14 =	vadd.f32 v14, v16;
	[tilespmem:s3+$0x30] =	vst v9;
	v9 =	vadd.f32 v17, v15  }
0x79: {  	v13 =	vadd.f32 v13, v19;
	v15 =	vadd.f32 v18, v21;
	[tilespmem:s3+$0x70] =	vst v8  }
0x7a: {  	v10 =	vadd.f32 v10, v11;
	v8 =	vmax.f32 v14, $0.0e+00;
	[tilespmem:s3+$0x0] =	vst v12  }
0x7b: {  	[tilespmem:s3+$0x10] =	vst v8;
	v11 =	vmax.f32 v15, $0.0e+00  }
0x7c: {  	v10 =	vmax.f32 v10, $0.0e+00;
	v8 =	vld [tilespmem:s9+$0x70];
	[tilespmem:s3+$0x40] =	vst v11;
	v11 =	vmax.f32 v13, $0.0e+00  }
0x7d: {  	s13 =	sadd.s32 $0x3, s1;
	s1 =	smov.u32 s12;
	[tilespmem:s3+$0x50] =	vst v11  }
0x7e: {  	[tilespmem:s3+$0x20] =	vst v10;
	v10 =	vmov s13  }
0x7f: {  	v9 =	vmax.f32 v9, $0.0e+00  }
0x80: {  	[tilespmem:s3+$0x60] =	vst v9;
	v11 =	vld [tilespmem:s3+$0x80]  }
0x81: {  	v12 =	vld [tilespmem:s3+$0x90]  }
0x82: {  	v13 =	vld [tilespmem:s3+$0xC0]  }
0x83: {  	v10 =	vld.idx.msk [tilespmem:v10+s21+$0x0], $0xffff;
	_ =	sdelay $0x1  }
0x84: {  	v14 =	vld [tilespmem:s3+$0xA0]  }
0x85: {  	v9 =	vld [tilespmem:s9+$0x30]  }
0x86: {  	v15 =	vld [tilespmem:s3+$0xB0];
	_ =	sdelay $0x1  }
0x87: {  	v16 =	vmul.f32 v10, v0;
	v17 =	vmul.f32 v10, v1  }
0x88: {  	v18 =	vmul.f32 v10, v2;
	v19 =	vmul.f32 v10, v3;
	v20 =	vld [tilespmem:s3+$0xD0]  }
0x89: {  	v21 =	vmul.f32 v10, v5;
	v11 =	vadd.f32 v16, v11;
	v16 =	vmul.f32 v10, v4;
	v22 =	vld [tilespmem:s3+$0xE0]  }
0x8a: {  	v23 =	vmov s1;
	v14 =	vadd.f32 v14, v18;
	v15 =	vadd.f32 v15, v19;
	v18 =	vld [tilespmem:s3+$0xF0]  }
0x8b: {  	v19 =	vand.u32 $0xFFFFFFFC, v23;
	v23 =	vmul.f32 v10, v6;
	v10 =	vmul.f32 v10, v7  }
0x8c: {  	v14 =	vmax.f32 v14, $0.0e+00;
	v19 =	vbroadcast v19, $0x0;
	v15 =	vmax.f32 v15, $0.0e+00  }
0x8d: {  	v11 =	vmax.f32 v11, $0.0e+00;
	v13 =	vadd.f32 v13, v16;
	[tilespmem:s3+$0xA0] =	vst v14;
	v14 =	vadd.f32 v20, v21  }
0x8e: {  	v12 =	vadd.f32 v12, v17;
	[tilespmem:s3+$0xB0] =	vst v15;
	v15 =	vadd.f32 v22, v23  }
0x8f: {  	[tilespmem:s3+$0x80] =	vst v11;
	v11 =	vmax.f32 v13, $0.0e+00;
	v13 =	vmax.f32 v14, $0.0e+00;
	v10 =	vadd.f32 v18, v10  }
0x90: {  	v12 =	vmax.f32 v12, $0.0e+00;
	[tilespmem:s3+$0xC0] =	vst v11  }
0x91: {  	v11 =	vmax.f32 v15, $0.0e+00;
	[tilespmem:s3+$0xD0] =	vst v13;
	v10 =	vmax.f32 v10, $0.0e+00  }
0x92: {  	v13 =	vld [tilespmem:s9+$0xFFFFFF40];
	[tilespmem:s3+$0xE0] =	vst v11  }
0x93: {  	[tilespmem:s3+$0x90] =	vst v12  }
0x94: {  	[tilespmem:s3+$0xF0] =	vst v10;
	s3 =	smov.u32 s9  }
0x95: {  	v10 =	vld [tilespmem:s9+$0xFFFFFF70]  }
0x96: {  	v11 =	vld.idx.msk [tilespmem:v19+s21+$0x0], $0xffff  }
0x97: {  	v12 =	vld [tilespmem:s9+$0xFFFFFF60]  }
0x98: {  	v14 =	vld [tilespmem:s9+$0xFFFFFF30]  }
0x99: {  	v15 =	vld [tilespmem:s9+$0xFFFFFF10];
	_ =	sdelay $0x1  }
0x9a: {  	v16 =	vld [tilespmem:s9+$0xFFFFFF50]  }
0x9b: {  	s12 =	sadd.s32 $0x1, s1;
	v18 =	vmul.f32 v11, v6;
	v19 =	vmul.f32 v11, v7;
	v17 =	vld [tilespmem:s9+$0xFFFFFF20]  }
0x9c: {  	v22 =	vmov s12;
	v20 =	vmul.f32 v11, v1;
	v21 =	vmul.f32 v11, v2  }
0x9d: {  	v23 =	vmul.f32 v11, v5;
	v12 =	vadd.f32 v12, v18;
	v10 =	vadd.f32 v10, v19  }
0x9e: {  	v19 =	vmul.f32 v11, v3;
	v15 =	vadd.f32 v15, v20;
	v20 =	vand.u32 $0xFFFFFFFD, v22;
	v18 =	vld [tilespmem:s9+$0xFFFFFF00]  }
0x9f: {  	v22 =	vmul.f32 v11, v4;
	v12 =	vmax.f32 v12, $0.0e+00;
	v16 =	vadd.f32 v16, v23  }
0xa0: {  	v14 =	vadd.f32 v14, v19;
	v15 =	vmax.f32 v15, $0.0e+00;
	v17 =	vadd.f32 v17, v21;
	[tilespmem:s9+$0xFFFFFF60] =	vst v12  }
0xa1: {  	v11 =	vmul.f32 v11, v0;
	[tilespmem:s9+$0xFFFFFF10] =	vst v15;
	v12 =	vmax.f32 v16, $0.0e+00;
	v15 =	vbroadcast v20, $0x0  }
0xa2: {  	v10 =	vmax.f32 v10, $0.0e+00;
	v13 =	vadd.f32 v13, v22;
	v16 =	vmax.f32 v17, $0.0e+00;
	[tilespmem:s9+$0xFFFFFF50] =	vst v12  }
0xa3: {  	v12 =	vmax.f32 v14, $0.0e+00;
	v11 =	vadd.f32 v11, v18;
	[tilespmem:s9+$0xFFFFFF20] =	vst v16  }
0xa4: {  	[tilespmem:s9+$0xFFFFFF30] =	vst v12;
	v12 =	vmax.f32 v13, $0.0e+00  }
0xa5: {  	v11 =	vmax.f32 v11, $0.0e+00;
	[tilespmem:s9+$0xFFFFFF40] =	vst v12  }
0xa6: {  	[tilespmem:s9+$0xFFFFFF70] =	vst v10  }
0xa7: {  	[tilespmem:s9+$0xFFFFFF00] =	vst v11;
	v10 =	vld [tilespmem:s9+$0xFFFFFFA0]  }
0xa8: {  	v11 =	vld.idx.msk [tilespmem:v15+s21+$0x0], $0xffff  }
0xa9: {  	v12 =	vld [tilespmem:s9+$0xFFFFFFE0]  }
0xaa: {  	v13 =	vld [tilespmem:s9+$0xFFFFFF90]  }
0xab: {  	v14 =	vld [tilespmem:s9+$0xFFFFFFB0]  }
0xac: {  	v15 =	vld [tilespmem:s9+$0xFFFFFFC0]  }
0xad: {  	v16 =	vld [tilespmem:s9+$0xFFFFFFF0]  }
0xae: {  	v18 =	vmul.f32 v11, v1;
	v19 =	vmul.f32 v11, v2;
	v17 =	vld [tilespmem:s9+$0xFFFFFF80]  }
0xaf: {  	v20 =	vmul.f32 v11, v4;
	v22 =	vmul.f32 v11, v5;
	v21 =	vld [tilespmem:s9+$0xFFFFFFD0]  }
0xb0: {  	s12 =	sadd.s32 $0x2, s1;
	v23 =	vmul.f32 v11, v7;
	v13 =	vadd.f32 v13, v18;
	v18 =	vmul.f32 v11, v3  }
0xb1: {  	v24 =	vmul.f32 v11, v0;
	v10 =	vadd.f32 v10, v19;
	v15 =	vadd.f32 v15, v20  }
0xb2: {  	v11 =	vmul.f32 v11, v6;
	v19 =	vmov s12;
	v16 =	vadd.f32 v16, v23  }
0xb3: {  	v19 =	vand.u32 $0xFFFFFFFE, v19;
	v17 =	vadd.f32 v24, v17;
	v15 =	vmax.f32 v15, $0.0e+00  }
0xb4: {  	v19 =	vbroadcast v19, $0x0;
	[tilespmem:s9+$0xFFFFFFC0] =	vst v15;
	v15 =	vadd.f32 v21, v22;
	v16 =	vmax.f32 v16, $0.0e+00  }
0xb5: {  	v14 =	vadd.f32 v14, v18;
	v11 =	vadd.f32 v12, v11;
	v17 =	vmax.f32 v17, $0.0e+00;
	[tilespmem:s9+$0xFFFFFFF0] =	vst v16  }
0xb6: {  	v12 =	vmax.f32 v13, $0.0e+00;
	[tilespmem:s9+$0xFFFFFF80] =	vst v17;
	v13 =	vmax.f32 v15, $0.0e+00  }
0xb7: {  	v11 =	vmax.f32 v11, $0.0e+00;
	[tilespmem:s9+$0xFFFFFF90] =	vst v12;
	v12 =	vmax.f32 v14, $0.0e+00  }
0xb8: {  	[tilespmem:s9+$0xFFFFFFD0] =	vst v13  }
0xb9: {  	v10 =	vmax.f32 v10, $0.0e+00;
	[tilespmem:s9+$0xFFFFFFE0] =	vst v11  }
0xba: {  	[tilespmem:s9+$0xFFFFFFA0] =	vst v10  }
.Ltmp0:
0xbb: {  	[tilespmem:s9+$0xFFFFFFB0] =	vst v12;
	(pc) =	sbr.rel @p0 .LBB2_3-.Ltmp0, $3  }
0xbc: {  	v11 =	vld.idx.msk [tilespmem:v19+s21+$0x0], $0xffff  }
0xbd: {  	v10 =	vld [tilespmem:s9+$0x20];
	_ =	sdelay $0x1  }
0xbe: {  	v12 =	vld [tilespmem:s9+$0x0]  }
0xbf: {  	_ = 	snop  }
0xc0: {  	v14 =	vmul.f32 v11, v3  }
0xc1: {  	v13 =	vld [tilespmem:s3+$0x10];
	v16 =	vmul.f32 v11, v7  }
0xc2: {  	v15 =	vld [tilespmem:s3+$0x40];
	v21 =	vmul.f32 v11, v2;
	v9 =	vadd.f32 v9, v14  }
0xc3: {  	v17 =	vld [tilespmem:s3+$0x50];
	v18 =	vmul.f32 v11, v0;
	v8 =	vadd.f32 v8, v16  }
0xc4: {  	v62 =	vld [tilespmem:s3+$0x60];
	v61 =	vmul.f32 v11, v1;
	v10 =	vadd.f32 v10, v21;
	v9 =	vmax.f32 v9, $0.0e+00  }
0xc5: {  	v63 =	vmul.f32 v11, v4;
	v12 =	vadd.f32 v18, v12;
	v8 =	vmax.f32 v8, $0.0e+00;
	[tilespmem:s3+$0x30] =	vst v9  }
0xc6: {  	v19 =	vmul.f32 v11, v5;
	v13 =	vadd.f32 v13, v61;
	v10 =	vmax.f32 v10, $0.0e+00;
	[tilespmem:s3+$0x70] =	vst v8  }
0xc7: {  	s1 =	sadd.s32 $0x3, s1;
	v22 =	vadd.f32 v15, v63;
	v9 =	vmax.f32 v12, $0.0e+00;
	v8 =	vmul.f32 v11, v6;
	[tilespmem:s3+$0x20] =	vst v10  }
0xc8: {  	v23 =	vmov s1;
	v11 =	vadd.f32 v17, v19;
	[tilespmem:s3+$0x0] =	vst v9;
	v9 =	vmax.f32 v13, $0.0e+00  }
0xc9: {  	[tilespmem:s3+$0x10] =	vst v9;
	v9 =	vmax.f32 v22, $0.0e+00;
	v8 =	vadd.f32 v62, v8  }
0xca: {  	[tilespmem:s3+$0x40] =	vst v9;
	v9 =	vmax.f32 v11, $0.0e+00  }
0xcb: {  	[tilespmem:s3+$0x50] =	vst v9;
	v8 =	vmax.f32 v8, $0.0e+00  }
0xcc: {  	[tilespmem:s3+$0x60] =	vst v8  }
0xcd: {  	v8 =	vld.idx.msk [tilespmem:v23+s21+$0x0], $0xffff;
	_ =	sdelay $0x1  }
0xce: {  	v9 =	vld [tilespmem:s3+$0xA0]  }
0xcf: {  	v10 =	vld [tilespmem:s3+$0xB0]  }
0xd0: {  	v11 =	vld [tilespmem:s3+$0x80]  }
0xd1: {  	v27 =	vld [tilespmem:s3+$0xD0];
	v25 =	vmul.f32 v8, v2  }
0xd2: {  	v33 =	vld [tilespmem:s3+$0xF0];
	v26 =	vmul.f32 v8, v3;
	v28 =	vmul.f32 v8, v0  }
0xd3: {  	v24 =	vld [tilespmem:s3+$0xC0];
	v31 =	vmul.f32 v8, v4;
	v32 =	vmul.f32 v8, v5;
	v9 =	vadd.f32 v9, v25  }
0xd4: {  	v29 =	vld [tilespmem:s3+$0xE0];
	v34 =	vmul.f32 v8, v6;
	v35 =	vmul.f32 v8, v1;
	v10 =	vadd.f32 v10, v26  }
0xd5: {  	v30 =	vld [tilespmem:s3+$0x90];
	v8 =	vmul.f32 v8, v7;
	v11 =	vadd.f32 v28, v11;
	v9 =	vmax.f32 v9, $0.0e+00  }
0xd6: {  	v14 =	vadd.f32 v27, v32;
	v10 =	vmax.f32 v10, $0.0e+00;
	[tilespmem:s3+$0xA0] =	vst v9  }
0xd7: {  	v8 =	vadd.f32 v33, v8;
	v11 =	vmax.f32 v11, $0.0e+00;
	[tilespmem:s3+$0xB0] =	vst v10  }
0xd8: {  	v36 =	vmax.f32 v14, $0.0e+00;
	v9 =	vadd.f32 v24, v31;
	[tilespmem:s3+$0x80] =	vst v11  }
0xd9: {  	v8 =	vmax.f32 v8, $0.0e+00;
	v10 =	vadd.f32 v29, v34;
	[tilespmem:s3+$0xD0] =	vst v36  }
0xda: {  	p0 =	seq.s32 s31, $0x13;
	v11 =	vadd.f32 v30, v35;
	[tilespmem:s3+$0xF0] =	vst v8;
	v9 =	vmax.f32 v9, $0.0e+00  }
0xdb: {  	s0 =	sadd.s32 @!p0 $0x2, s0;
	[tilespmem:s3+$0xC0] =	vst v9;
	v9 =	vmax.f32 v10, $0.0e+00  }
0xdc: {  	s1 =	sadd.s32 @!p0 s11, s0;
	v10 =	vmax.f32 v11, $0.0e+00;
	[tilespmem:s3+$0xE0] =	vst v9  }
0xdd: {  	s0 =	sshll.u32 @!p0 s0, $0x4;
	s1 =	sshll.u32 @!p0 s1, $0x4;
	[tilespmem:s3+$0x90] =	vst v10  }
0xde: {  	[spmem:s2] =	stream.indirect.scatter.add.f32 [tilespmem:s23], [sflag:$0x3], $0x80, s20, s22, $0xb8;
	[tilespmem:$0x1C380] =	vst v63  }
0xdf: {  	s0 =	sand.u32 @!p0 $0x60, s0;
	s1 =	sand.u32 @!p0 $0xFFFFF80, s1;
	_ =	swait.ge [sflag:s18], $0x4000  }
0xe0: {  	s9 =	simm.s32 @!p0 $0x3;
	s0 =	sor.u32 @!p0 s0, s1;
	[sflag:s18] =	ssyncset.done $0x0  }
0xe1: {  	s1 =	sadd.s32 @!p0 s6, s0;
	s3 =	simm.s32 @!p0 $0x0;
	[sflag:s18] =	ssyncadd.s32 $0xFFFFC000  }
0xe2: {  	[tilespmem:s3], [sflag:$0x3] =	stream.linear.gather @!p0 [hbm4b:s1+s3], $0x80, $0x38;
	[tilespmem:$0x1C380] =	vst v63  }
0xe3: {  	_ =	swait.ge @!p0 [sflag:s9], $0x80  }
0xe4: {  	[sflag:s9] =	ssyncset.done @!p0 $0x0  }
0xe5: {  	s12 =	simm.s32 @!p0 $0x100;
	s1 =	sadd.s32 @!p0 s7, s0;
	[sflag:s9] =	ssyncadd.s32 @!p0 $0xFFFFFF80  }
0xe6: {  	[tilespmem:s12], [sflag:$0x3] =	stream.linear.gather @!p0 [hbm4b:s1+s3], $0x80, $0x38;
	[tilespmem:$0x1C380] =	vst v63  }
0xe7: {  	_ =	swait.ge @!p0 [sflag:s9], $0x80  }
0xe8: {  	s1 =	simm.s32 $0x0;
	[sflag:s9] =	ssyncset.done @!p0 $0x0  }
0xe9: {  	s0 =	sadd.s32 @!p0 s8, s0;
	s12 =	simm.s32 @!p0 $0x200;
	v8 =	vmov s1;
	[sflag:s9] =	ssyncadd.s32 @!p0 $0xFFFFFF80  }
0xea: {  	v8 =	vand.u32 $0x7C, v8;
	[tilespmem:s12], [sflag:$0x3] =	stream.linear.gather @!p0 [hbm4b:s0+s3], $0x80, $0x38;
	[tilespmem:$0x1C380] =	vst v63  }
0xeb: {  	v8 =	vor.u32 $0x80, v8;
	_ =	swait.ge @!p0 [sflag:s9], $0x80  }
0xec: {  	v8 =	vbroadcast v8, $0x0;
	[sflag:s9] =	ssyncset.done @!p0 $0x0  }
0xed: {  	s0 =	simm.s32 @!p0 $0x80;
	[sflag:s9] =	ssyncadd.s32 @!p0 $0xFFFFFF80;
	s9 =	simm.s32 @!p0 $0x300  }
0xee: {  	[tilespmem:s9], [sflag:$0x1] =	stream.indirect.gather @!p0 [hbm4b:s5+s0], $0x80, s3, s0, $0xb8;
	[tilespmem:$0x1C380] =	vst v63  }
0xef: {  	_ =	swait.ge [sflag:s29], $0x4000  }
0xf0: {  	[sflag:s29] =	ssyncset.done $0x0  }
0xf1: {  	[sflag:s29] =	ssyncadd.s32 $0xFFFFC000  }
0xf2: {  	v8 =	vld.idx.msk [tilespmem:v8+s21+$0x0], $0xffff  }
0xf3: {  	s0 =	simm.s32 $0x44F0  }
0xf4: {  	v10 =	vld [tilespmem:s0+$0xFFFFFE50]  }
0xf5: {  	v9 =	vld [tilespmem:s0+$0xFFFFFE80]  }
0xf6: {  	v37 =	vld [tilespmem:s0+$0xFFFFFE70]  }
0xf7: {  	s13 =	simm.s32 $0x1;
	v11 =	vld [tilespmem:s0+$0xFFFFFE30];
	v39 =	vmul.f32 v8, v4  }
0xf8: {  	v47 =	vmov s13;
	v20 =	vld [tilespmem:s0+$0xFFFFFE60];
	v38 =	vmul.f32 v8, v1;
	v42 =	vmul.f32 v8, v7  }
0xf9: {  	v40 =	vld [tilespmem:s0+$0xFFFFFE40];
	v41 =	vmul.f32 v8, v2;
	v45 =	vmul.f32 v8, v6;
	v10 =	vadd.f32 v10, v39  }
0xfa: {  	v43 =	vld [tilespmem:s0+$0xFFFFFE20];
	v44 =	vmul.f32 v8, v3;
	v21 =	vmul.f32 v8, v0;
	v9 =	vadd.f32 v9, v42  }
0xfb: {  	v46 =	vld [tilespmem:s0+$0xFFFFFE10];
	v8 =	vmul.f32 v8, v5;
	v12 =	vadd.f32 v37, v45;
	v10 =	vmax.f32 v10, $0.0e+00  }
0xfc: {  	v14 =	vand.u32 $0x7D, v47;
	v11 =	vadd.f32 v11, v41;
	v9 =	vmax.f32 v9, $0.0e+00;
	[tilespmem:s0+$0xFFFFFE50] =	vst v10  }
0xfd: {  	v8 =	vadd.f32 v20, v8;
	v12 =	vmax.f32 v12, $0.0e+00;
	[tilespmem:s0+$0xFFFFFE80] =	vst v9;
	v9 =	vor.u32 $0x80, v14  }
0xfe: {  	v11 =	vmax.f32 v11, $0.0e+00;
	v10 =	vadd.f32 v40, v44;
	[tilespmem:s0+$0xFFFFFE70] =	vst v12;
	v9 =	vbroadcast v9, $0x0  }
0xff: {  	v13 =	vadd.f32 v43, v38;
	v8 =	vmax.f32 v8, $0.0e+00;
	[tilespmem:s0+$0xFFFFFE30] =	vst v11  }
0x100: {  	v48 =	vadd.f32 v21, v46;
	[tilespmem:s0+$0xFFFFFE60] =	vst v8;
	v10 =	vmax.f32 v10, $0.0e+00  }
0x101: {  	[tilespmem:s0+$0xFFFFFE40] =	vst v10;
	v10 =	vmax.f32 v13, $0.0e+00  }
0x102: {  	[tilespmem:s0+$0xFFFFFE20] =	vst v10;
	v10 =	vmax.f32 v48, $0.0e+00  }
0x103: {  	[tilespmem:s0+$0xFFFFFE10] =	vst v10  }
0x104: {  	v8 =	vld.idx.msk [tilespmem:v9+s21+$0x0], $0xffff  }
0x105: {  	v49 =	vld [tilespmem:s0+$0xFFFFFEC0]  }
0x106: {  	v10 =	vld [tilespmem:s0+$0xFFFFFED0]  }
0x107: {  	v11 =	vld [tilespmem:s0+$0xFFFFFF00]  }
0x108: {  	v9 =	vld [tilespmem:s0+$0xFFFFFEB0]  }
0x109: {  	v56 =	vld [tilespmem:s0+$0xFFFFFE90];
	v51 =	vmul.f32 v8, v4  }
0x10a: {  	v50 =	vld [tilespmem:s0+$0xFFFFFEA0];
	v53 =	vmul.f32 v8, v7;
	v54 =	vmul.f32 v8, v0  }
0x10b: {  	v52 =	vld [tilespmem:s0+$0xFFFFFEE0];
	v55 =	vmul.f32 v8, v3;
	v57 =	vmul.f32 v8, v2;
	v10 =	vadd.f32 v10, v51  }
0x10c: {  	v58 =	vld [tilespmem:s0+$0xFFFFFEF0];
	v59 =	vmul.f32 v8, v1;
	v60 =	vmul.f32 v8, v5;
	v11 =	vadd.f32 v11, v53  }
0x10d: {  	v8 =	vmul.f32 v8, v6;
	v9 =	vadd.f32 v9, v57;
	v10 =	vmax.f32 v10, $0.0e+00  }
0x10e: {  	s19 =	simm.s32 $0x2;
	v12 =	vadd.f32 v49, v55;
	v62 =	vadd.f32 v54, v56;
	[tilespmem:s0+$0xFFFFFED0] =	vst v10;
	v10 =	vmax.f32 v11, $0.0e+00  }
0x10f: {  	v13 =	vadd.f32 v50, v59;
	v9 =	vmax.f32 v9, $0.0e+00;
	[tilespmem:s0+$0xFFFFFF00] =	vst v10;
	v10 =	vmov s19  }
0x110: {  	v61 =	vadd.f32 v52, v60;
	v63 =	vmax.f32 v62, $0.0e+00;
	[tilespmem:s0+$0xFFFFFEB0] =	vst v9;
	v10 =	vand.u32 $0x7E, v10  }
0x111: {  	v8 =	vadd.f32 v58, v8;
	v11 =	vmax.f32 v12, $0.0e+00;
	[tilespmem:s0+$0xFFFFFE90] =	vst v63;
	v9 =	vor.u32 $0x80, v10  }
0x112: {  	[tilespmem:s0+$0xFFFFFEC0] =	vst v11;
	v11 =	vmax.f32 v61, $0.0e+00;
	v9 =	vbroadcast v9, $0x0  }
0x113: {  	s3 =	simm.s32 $0x4;
	v8 =	vmax.f32 v8, $0.0e+00;
	s19 =	simm.s32 $0x44F0;
	[tilespmem:s0+$0xFFFFFEE0] =	vst v11;
	v10 =	vmax.f32 v13, $0.0e+00  }
.LBB2_5:
0x114: {  	p0 =	slt.u32 s3, $0x7C  }
0x115: {  	[tilespmem:s0+$0xFFFFFEA0] =	vst v10;
	s19 =	sadd.s32 $0x200, s19;
	s9 =	smov.u32 s3;
	s3 =	sadd.s32 $0x4, s3  }
0x116: {  	[tilespmem:s0+$0xFFFFFEF0] =	vst v8  }
0x117: {  	v8 =	vld [tilespmem:s0+$0xFFFFFF50]  }
0x118: {  	v9 =	vld.idx.msk [tilespmem:v9+s21+$0x0], $0xffff  }
0x119: {  	v10 =	vld [tilespmem:s0+$0xFFFFFF80]  }
0x11a: {  	v11 =	vld [tilespmem:s0+$0xFFFFFF30]  }
0x11b: {  	v12 =	vld [tilespmem:s0+$0xFFFFFF40]  }
0x11c: {  	v13 =	vld [tilespmem:s0+$0xFFFFFF70]  }
0x11d: {  	v14 =	vld [tilespmem:s0+$0xFFFFFF60]  }
0x11e: {  	v15 =	vmul.f32 v9, v2;
	v16 =	vmul.f32 v9, v3  }
0x11f: {  	v18 =	vmul.f32 v9, v5;
	v19 =	vmul.f32 v9, v6;
	v17 =	vld [tilespmem:s0+$0xFFFFFF10]  }
0x120: {  	v21 =	vmul.f32 v9, v7;
	v20 =	vld [tilespmem:s0+$0xFFFFFF20];
	v12 =	vadd.f32 v12, v16;
	v16 =	vmul.f32 v9, v4  }
0x121: {  	v22 =	vmul.f32 v9, v1;
	v11 =	vadd.f32 v11, v15;
	v13 =	vadd.f32 v13, v19  }
0x122: {  	s12 =	sadd.s32 $0x3, s1;
	s1 =	smov.u32 s9;
	v10 =	vadd.f32 v10, v21;
	v9 =	vmul.f32 v9, v0;
	v12 =	vmax.f32 v12, $0.0e+00  }
0x123: {  	v8 =	vadd.f32 v8, v16;
	[tilespmem:s0+$0xFFFFFF40] =	vst v12;
	v12 =	vadd.f32 v14, v18;
	v13 =	vmax.f32 v13, $0.0e+00  }
0x124: {  	v9 =	vadd.f32 v9, v17;
	[tilespmem:s0+$0xFFFFFF70] =	vst v13;
	v13 =	vmov s12  }
0x125: {  	v10 =	vmax.f32 v10, $0.0e+00;
	v14 =	vadd.f32 v20, v22;
	v13 =	vand.u32 $0x7F, v13  }
0x126: {  	v8 =	vmax.f32 v8, $0.0e+00;
	v9 =	vmax.f32 v9, $0.0e+00;
	[tilespmem:s0+$0xFFFFFF80] =	vst v10;
	v10 =	vor.u32 $0x80, v13  }
0x127: {  	v12 =	vmax.f32 v12, $0.0e+00;
	[tilespmem:s0+$0xFFFFFF10] =	vst v9;
	v9 =	vmax.f32 v14, $0.0e+00;
	v10 =	vbroadcast v10, $0x0  }
0x128: {  	[tilespmem:s0+$0xFFFFFF60] =	vst v12  }
0x129: {  	[tilespmem:s0+$0xFFFFFF20] =	vst v9  }
0x12a: {  	v9 =	vmax.f32 v11, $0.0e+00;
	[tilespmem:s0+$0xFFFFFF50] =	vst v8  }
0x12b: {  	[tilespmem:s0+$0xFFFFFF30] =	vst v9;
	_ =	sdelay $0x1  }
0x12c: {  	v8 =	vld.idx.msk [tilespmem:v10+s21+$0x0], $0xffff  }
0x12d: {  	v9 =	vld [tilespmem:s0+$0xFFFFFFC0]  }
0x12e: {  	v10 =	vld [tilespmem:s0+$0xFFFFFFB0]  }
0x12f: {  	v11 =	vld [tilespmem:s0+$0xFFFFFFD0]  }
0x130: {  	v12 =	vld [tilespmem:s0+$0xFFFFFFF0]  }
0x131: {  	v13 =	vld [tilespmem:s0+$0xFFFFFFA0]  }
0x132: {  	v14 =	vmov s1;
	v16 =	vmul.f32 v8, v2;
	v17 =	vmul.f32 v8, v6;
	v15 =	vld [tilespmem:s0+$0xFFFFFF90]  }
0x133: {  	v14 =	vand.u32 $0x7C, v14;
	v18 =	vmul.f32 v8, v4;
	v19 =	vmul.f32 v8, v5;
	v20 =	vld [tilespmem:s0+$0x0]  }
0x134: {  	v14 =	vor.u32 $0x80, v14;
	v21 =	vmul.f32 v8, v1;
	v22 =	vmul.f32 v8, v3  }
0x135: {  	v14 =	vbroadcast v14, $0x0;
	v23 =	vmul.f32 v8, v0;
	v11 =	vadd.f32 v11, v18;
	v18 =	vld [tilespmem:s0+$0xFFFFFFE0]  }
0x136: {  	v8 =	vmul.f32 v8, v7;
	v10 =	vadd.f32 v10, v16;
	v13 =	vadd.f32 v13, v21  }
0x137: {  	v12 =	vadd.f32 v12, v17;
	v11 =	vmax.f32 v11, $0.0e+00;
	v15 =	vadd.f32 v23, v15  }
0x138: {  	v10 =	vmax.f32 v10, $0.0e+00;
	v13 =	vmax.f32 v13, $0.0e+00;
	[tilespmem:s0+$0xFFFFFFD0] =	vst v11;
	v8 =	vadd.f32 v20, v8  }
0x139: {  	v9 =	vadd.f32 v9, v22;
	v12 =	vmax.f32 v12, $0.0e+00;
	v11 =	vmax.f32 v15, $0.0e+00;
	[tilespmem:s0+$0xFFFFFFA0] =	vst v13  }
0x13a: {  	[tilespmem:s0+$0xFFFFFF90] =	vst v11;
	v11 =	vadd.f32 v18, v19;
	v8 =	vmax.f32 v8, $0.0e+00  }
0x13b: {  	v9 =	vmax.f32 v9, $0.0e+00;
	[tilespmem:s0+$0x0] =	vst v8  }
0x13c: {  	[tilespmem:s0+$0xFFFFFFB0] =	vst v10;
	v8 =	vmax.f32 v11, $0.0e+00  }
0x13d: {  	[tilespmem:s0+$0xFFFFFFF0] =	vst v12  }
0x13e: {  	[tilespmem:s0+$0xFFFFFFC0] =	vst v9  }
0x13f: {  	[tilespmem:s0+$0xFFFFFFE0] =	vst v8;
	s0 =	smov.u32 s19;
	_ =	sdelay $0x1  }
0x140: {  	v8 =	vld [tilespmem:s19+$0xFFFFFE80]  }
0x141: {  	v9 =	vld [tilespmem:s19+$0xFFFFFE50]  }
0x142: {  	v10 =	vld.idx.msk [tilespmem:v14+s21+$0x0], $0xffff  }
0x143: {  	v11 =	vld [tilespmem:s19+$0xFFFFFE60]  }
0x144: {  	v12 =	vld [tilespmem:s19+$0xFFFFFE30]  }
0x145: {  	v13 =	vld [tilespmem:s19+$0xFFFFFE10]  }
0x146: {  	v14 =	vld [tilespmem:s19+$0xFFFFFE20]  }
0x147: {  	v15 =	vld [tilespmem:s19+$0xFFFFFE70]  }
0x148: {  	v16 =	vmul.f32 v10, v1;
	v17 =	vmul.f32 v10, v3  }
0x149: {  	v18 =	vmul.f32 v10, v0;
	v19 =	vmul.f32 v10, v4  }
0x14a: {  	v20 =	vmul.f32 v10, v2;
	v22 =	vmul.f32 v10, v7;
	v21 =	vld [tilespmem:s19+$0xFFFFFE40]  }
0x14b: {  	s9 =	sadd.s32 $0x1, s1;
	v9 =	vadd.f32 v9, v19;
	v14 =	vadd.f32 v14, v16;
	v16 =	vmul.f32 v10, v6  }
0x14c: {  	v12 =	vadd.f32 v12, v20;
	v8 =	vadd.f32 v8, v22;
	v10 =	vmul.f32 v10, v5  }
0x14d: {  	v9 =	vmax.f32 v9, $0.0e+00;
	v15 =	vadd.f32 v15, v16;
	v16 =	vmov s9  }
0x14e: {  	v8 =	vmax.f32 v8, $0.0e+00;
	v14 =	vmax.f32 v14, $0.0e+00;
	[tilespmem:s19+$0xFFFFFE50] =	vst v9;
	v9 =	vadd.f32 v11, v10  }
0x14f: {  	v10 =	vmax.f32 v12, $0.0e+00;
	v12 =	vand.u32 $0x7D, v16;
	v11 =	vadd.f32 v21, v17  }
0x150: {  	v15 =	vmax.f32 v15, $0.0e+00;
	v9 =	vmax.f32 v9, $0.0e+00;
	[tilespmem:s19+$0xFFFFFE80] =	vst v8;
	v8 =	vor.u32 $0x80, v12  }
0x151: {  	v12 =	vadd.f32 v18, v13;
	v11 =	vmax.f32 v11, $0.0e+00;
	[tilespmem:s19+$0xFFFFFE70] =	vst v15;
	v8 =	vbroadcast v8, $0x0  }
0x152: {  	[tilespmem:s19+$0xFFFFFE40] =	vst v11  }
0x153: {  	v11 =	vmax.f32 v12, $0.0e+00;
	[tilespmem:s19+$0xFFFFFE30] =	vst v10  }
0x154: {  	[tilespmem:s19+$0xFFFFFE20] =	vst v14  }
0x155: {  	[tilespmem:s19+$0xFFFFFE60] =	vst v9  }
0x156: {  	[tilespmem:s19+$0xFFFFFE10] =	vst v11  }
0x157: {  	v8 =	vld.idx.msk [tilespmem:v8+s21+$0x0], $0xffff  }
0x158: {  	v9 =	vld [tilespmem:s19+$0xFFFFFEB0]  }
0x159: {  	v10 =	vld [tilespmem:s19+$0xFFFFFEC0]  }
0x15a: {  	v11 =	vld [tilespmem:s19+$0xFFFFFED0]  }
0x15b: {  	v12 =	vld [tilespmem:s19+$0xFFFFFEA0]  }
0x15c: {  	v13 =	vld [tilespmem:s19+$0xFFFFFF00]  }
0x15d: {  	v14 =	vmul.f32 v8, v0;
	v15 =	vmul.f32 v8, v2;
	v16 =	vld [tilespmem:s19+$0xFFFFFEE0]  }
0x15e: {  	v17 =	vmul.f32 v8, v3;
	v18 =	vmul.f32 v8, v4;
	v19 =	vld [tilespmem:s19+$0xFFFFFEF0]  }
0x15f: {  	v21 =	vmul.f32 v8, v1;
	v9 =	vadd.f32 v9, v15;
	v15 =	vmul.f32 v8, v7;
	v20 =	vld [tilespmem:s19+$0xFFFFFE90]  }
0x160: {  	v10 =	vadd.f32 v10, v17;
	v17 =	vmul.f32 v8, v5;
	v11 =	vadd.f32 v11, v18  }
0x161: {  	s9 =	sadd.s32 $0x2, s1;
	v8 =	vmul.f32 v8, v6;
	v12 =	vadd.f32 v12, v21;
	v13 =	vadd.f32 v13, v15  }
0x162: {  	v10 =	vmax.f32 v10, $0.0e+00;
	v11 =	vmax.f32 v11, $0.0e+00;
	v15 =	vadd.f32 v16, v17  }
0x163: {  	[tilespmem:s19+$0xFFFFFED0] =	vst v11;
	v8 =	vadd.f32 v19, v8;
	v11 =	vmax.f32 v13, $0.0e+00;
	v13 =	vmov s9  }
.Ltmp1:
0x164: {  	v14 =	vadd.f32 v14, v20;
	v15 =	vmax.f32 v15, $0.0e+00;
	[tilespmem:s19+$0xFFFFFF00] =	vst v11;
	v11 =	vand.u32 $0x7E, v13;
	(pc) =	sbr.rel @p0 .LBB2_5-.Ltmp1, $4  }
0x165: {  	v9 =	vmax.f32 v9, $0.0e+00;
	[tilespmem:s19+$0xFFFFFEC0] =	vst v10;
	v8 =	vmax.f32 v8, $0.0e+00;
	v11 =	vor.u32 $0x80, v11  }
0x166: {  	v10 =	vmax.f32 v12, $0.0e+00;
	v13 =	vmax.f32 v14, $0.0e+00;
	[tilespmem:s19+$0xFFFFFEB0] =	vst v9;
	v9 =	vbroadcast v11, $0x0  }
0x167: {  	[tilespmem:s19+$0xFFFFFEE0] =	vst v15  }
0x168: {  	[tilespmem:s19+$0xFFFFFE90] =	vst v13  }
0x169: {  	_ =	sdelay $0x1  }
0x16a: {  	[tilespmem:s0+$0xFFFFFEA0] =	vst v10  }
0x16b: {  	[tilespmem:s0+$0xFFFFFEF0] =	vst v8  }
0x16c: {  	v8 =	vld.idx.msk [tilespmem:v9+s21+$0x0], $0xffff;
	_ =	sdelay $0x1  }
0x16d: {  	v31 =	vld [tilespmem:s0+$0xFFFFFF40]  }
0x16e: {  	v32 =	vld [tilespmem:s0+$0xFFFFFF70]  }
0x16f: {  	v11 =	vld [tilespmem:s0+$0xFFFFFF80]  }
0x170: {  	v14 =	vld [tilespmem:s0+$0xFFFFFF10];
	v12 =	vmul.f32 v8, v2;
	v13 =	vmul.f32 v8, v3  }
0x171: {  	v18 =	vld [tilespmem:s0+$0xFFFFFF20];
	v16 =	vmul.f32 v8, v5;
	v17 =	vmul.f32 v8, v6  }
0x172: {  	v34 =	vld [tilespmem:s0+$0xFFFFFF30];
	v33 =	vmul.f32 v8, v4;
	v19 =	vmul.f32 v8, v7;
	v9 =	vadd.f32 v31, v13  }
0x173: {  	v15 =	vld [tilespmem:s0+$0xFFFFFF60];
	s1 =	sadd.s32 $0x3, s1;
	v21 =	vmul.f32 v8, v1;
	v8 =	vmul.f32 v8, v0;
	v10 =	vadd.f32 v32, v17  }
0x174: {  	v20 =	vld [tilespmem:s0+$0xFFFFFF50];
	v35 =	vmov s1;
	v11 =	vadd.f32 v11, v19;
	v9 =	vmax.f32 v9, $0.0e+00  }
0x175: {  	v37 =	vand.u32 $0x7F, v35;
	v8 =	vadd.f32 v8, v14;
	v36 =	vmax.f32 v10, $0.0e+00;
	[tilespmem:s0+$0xFFFFFF40] =	vst v9  }
0x176: {  	v40 =	vadd.f32 v18, v21;
	v39 =	vmax.f32 v11, $0.0e+00;
	v10 =	vor.u32 $0x80, v37;
	[tilespmem:s0+$0xFFFFFF70] =	vst v36  }
0x177: {  	v12 =	vadd.f32 v34, v12;
	v8 =	vmax.f32 v8, $0.0e+00;
	[tilespmem:s0+$0xFFFFFF80] =	vst v39;
	v41 =	vbroadcast v10, $0x0  }
0x178: {  	v38 =	vadd.f32 v15, v16;
	v11 =	vmax.f32 v40, $0.0e+00;
	[tilespmem:s0+$0xFFFFFF10] =	vst v8  }
0x179: {  	v42 =	vadd.f32 v20, v33;
	v43 =	vmax.f32 v12, $0.0e+00;
	[tilespmem:s0+$0xFFFFFF20] =	vst v11  }
0x17a: {  	v8 =	vmax.f32 v38, $0.0e+00;
	[tilespmem:s0+$0xFFFFFF30] =	vst v43  }
0x17b: {  	[tilespmem:s0+$0xFFFFFF60] =	vst v8;
	v8 =	vmax.f32 v42, $0.0e+00  }
0x17c: {  	[tilespmem:s0+$0xFFFFFF50] =	vst v8  }
0x17d: {  	v8 =	vld.idx.msk [tilespmem:v41+s21+$0x0], $0xffff;
	_ =	sdelay $0x1  }
0x17e: {  	v44 =	vld [tilespmem:s0+$0xFFFFFFD0]  }
0x17f: {  	v45 =	vld [tilespmem:s0+$0xFFFFFFA0]  }
0x180: {  	v46 =	vld [tilespmem:s0+$0xFFFFFF90]  }
0x181: {  	v49 =	vld [tilespmem:s0+$0xFFFFFFB0];
	v47 =	vmul.f32 v8, v4  }
0x182: {  	v51 =	vld [tilespmem:s0+$0xFFFFFFF0];
	v50 =	vmul.f32 v8, v1  }
0x183: {  	v53 =	vld [tilespmem:s0+$0xFFFFFFC0];
	v52 =	vmul.f32 v8, v0;
	v9 =	vadd.f32 v44, v47  }
0x184: {  	v56 =	vld [tilespmem:s0+$0xFFFFFFE0];
	v54 =	vmul.f32 v8, v7;
	v55 =	vmul.f32 v8, v2;
	v10 =	vadd.f32 v45, v50  }
0x185: {  	v48 =	vld [tilespmem:s0+$0x0];
	v57 =	vmul.f32 v8, v6;
	v11 =	vadd.f32 v52, v46;
	v9 =	vmax.f32 v9, $0.0e+00  }
0x186: {  	v59 =	vmul.f32 v8, v3;
	v14 =	vadd.f32 v49, v55;
	v10 =	vmax.f32 v10, $0.0e+00;
	[tilespmem:s0+$0xFFFFFFD0] =	vst v9  }
0x187: {  	v8 =	vmul.f32 v8, v5;
	v60 =	vadd.f32 v51, v57;
	v11 =	vmax.f32 v11, $0.0e+00;
	[tilespmem:s0+$0xFFFFFFA0] =	vst v10  }
0x188: {  	v12 =	vadd.f32 v53, v59;
	v61 =	vmax.f32 v14, $0.0e+00;
	[tilespmem:s0+$0xFFFFFF90] =	vst v11  }
0x189: {  	v8 =	vadd.f32 v56, v8;
	v62 =	vmax.f32 v60, $0.0e+00;
	[tilespmem:s0+$0xFFFFFFB0] =	vst v61  }
0x18a: {  	v58 =	vadd.f32 v48, v54;
	v63 =	vmax.f32 v12, $0.0e+00;
	[tilespmem:s0+$0xFFFFFFF0] =	vst v62  }
0x18b: {  	s31 =	sadd.s32 $0x1, s31;
	v8 =	vmax.f32 v8, $0.0e+00;
	[tilespmem:s0+$0xFFFFFFC0] =	vst v63  }
0x18c: {  	p0 =	sne.s32 s31, $0x14;
	v9 =	vmax.f32 v58, $0.0e+00;
	[tilespmem:s0+$0xFFFFFFE0] =	vst v8  }
.Ltmp2:
0x18d: {  	[tilespmem:s0+$0x0] =	vst v9;
	(pc) =	sbr.rel @p0 .LBB2_2-.Ltmp2, $4  }
0x18e: {  	[spmem:s2] =	stream.indirect.scatter.add.f32 [tilespmem:s26], [sflag:$0x3], $0x80, s24, s22, $0xb8;
	[tilespmem:$0x1C380] =	vst v63  }
0x18f: {  	_ =	swait.ge [sflag:s18], $0x4000  }
0x190: {  	[sflag:s18] =	ssyncset.done $0x0  }
0x191: {  	[sflag:s18] =	ssyncadd.s32 $0xFFFFC000  }
0x192: {  	s30 =	sadd.s32 $0x1, s30  }
0x193: {  	p0 =	sne.s32 s30, s16  }
.Ltmp3:
0x194: {  	[bflag:$0x0] =	sbarrier.arrive $0xFFFF;
	(pc) =	sbr.rel @p0 .LBB2_1-.Ltmp3, $4  }
0x195: {  	[hbm:s15], [sflag:s10] =	dma.local [spmem:s17], $0x2800  }
0x196: {  	_ =	swait.ge [sflag:s18], $0x2800  }
0x197: {  	[sflag:s18] =	ssyncset.done $0x0  }
0x198: {  	[sflag:s18] =	ssyncadd.s32 $0xFFFFD800  }
0x199: {  	_ =	sfence.sel $0x180000  }
0x19a: {  	[bflag:$0x0] =	sbarrier.arrive $0xFFFF  }
0x19b: {  	_ =	strace $0x90000047  }
0x19c: {  	s0 =	stileid.u32;
	[bflag:$0x2] =	sbarrier.arrive $0xFFFF  }
0x19d: {  	p0 =	sne.s32 s0, $0x0;
	s0 =	rddreg [dreg:$0x3]  }
0x19e: {  	s0 =	sadd.s32 @!p0 $0x100000, s0  }
0x19f: {  	[sflag:s0] =	ssyncadd.tile.s32 @!p0 $0x1;
	_ =	shalt  }
.Lfunc_end2:
_tile_overlayer_lowered:
.L_overlay_start_2:
0x1a0: {  	(tag) =	ssettag $0x2  }
0x1a1: {  	s0 =	rddreg [dreg:$0x0];
	s2 =	stileid.u32  }
0x1a2: {  	s1 =	rddreg [dreg:$0x1];
	p0 =	sne.s32 s2, $0x0  }
0x1a3: {  	s3 =	rddreg [dreg:$0x2];
	[bflag:$0x3] =	sbarrier.arrive $0xFFFF;
	s2 =	simm.s32 @!p0 $0x1C03  }
0x1a4: {  	[timem:s3], [sflag:s2] =	dma.local @!p0 [hbm:s0], s1  }
0x1a5: {  	s0 =	simm.s32 @!p0 $0x3  }
0x1a6: {  	_ =	swait.ge @!p0 [sflag:s0], s1  }
0x1a7: {  	s1 =	ssub.s32 @!p0 $0x0, s1;
	[sflag:s0] =	ssyncset.done @!p0 $0x0  }
0x1a8: {  	[sflag:s0] =	ssyncadd.s32 @!p0 s1  }
0x1a9: {  	[bflag:$0x3] =	sbarrier.arrive $0xFFFF  }
0x1aa: {  	_ =	shalt  }

</sc_bundles>
